<compile_context>
chip_gen: v7x
topology: tpu7x:2x2x1
jax: 0.10.2.dev20260603
libtpu: 0.0.44.dev20260713+nightly
codegen_flags: <defaults>
</compile_context>

<pallas_src>
import functools

import jax
import jax.numpy as jnp
from jax import lax
from jax.experimental import pallas as pl
from jax.experimental.pallas import tpu as pltpu
from jax.experimental.pallas import tpu_sc as plsc

N_NODES = 10000
N_EDGES = 320000
IN_FEATS = 128
N_HIDDEN = 128
OUT_FEATS = 64
F = 64

NC = 2
NS = 16
NW = NC * NS
EW = N_EDGES // NW
K = 125
NCHUNK = EW // K
NBUF = 8
G = 5
N_PAD = 10240
ROWS_PER_SUB = N_PAD // NS
ZROWS = 64

_MESH = dict(core_axis_name="c", subcore_axis_name="s", num_cores=NC,
             num_subcores=NS)
_SC_PARAMS = pltpu.CompilerParams(needs_layout_passes=False,
                                  use_tc_tiling_on_sc=False)


def _degrees(edge_index):
    mesh = plsc.VectorSubcoreMesh(**_MESH)

    @functools.partial(
        pl.kernel,
        out_type=[jax.ShapeDtypeStruct((NW, N_PAD), jnp.float32),
                  jax.ShapeDtypeStruct((NW, N_PAD), jnp.float32)],
        mesh=mesh,
        scratch_types=[pltpu.VMEM((EW,), jnp.int32),
                       pltpu.VMEM((N_PAD,), jnp.float32)],
        compiler_params=_SC_PARAMS,
    )
    def k(e_hbm, out_o, out_i, idx_v, hist_v):
        c = lax.axis_index("c")
        s = lax.axis_index("s")
        wid = s * NC + c
        base = wid * EW
        zeros16 = jnp.zeros((16,), jnp.float32)
        ones16 = jnp.full((16,), 1.0, jnp.float32)

        for d, out_hbm in ((0, out_o), (1, out_i)):
            def zero_body(i, _):
                hist_v[pl.ds(i * 16, 16)] = zeros16
                return 0

            lax.fori_loop(0, N_PAD // 16, zero_body, 0)
            pltpu.sync_copy(e_hbm.at[d, pl.ds(base, EW)], idx_v)

            def add_body(i, _):
                idx = idx_v[pl.ds(i * 16, 16)]
                plsc.addupdate_scatter(hist_v, [idx], ones16)
                return 0

            lax.fori_loop(0, EW // 16, add_body, 0)
            pltpu.sync_copy(hist_v, out_hbm.at[wid])

    return k(edge_index)


_SPMM_SCRATCH = [pltpu.VMEM((NCHUNK, K), jnp.int32),
                 pltpu.VMEM((NCHUNK, K), jnp.int32),
                 [pltpu.VMEM((K, F), jnp.float32)] * NBUF,
                 pltpu.VMEM((ZROWS, F), jnp.float32),
                 pltpu.VMEM_SHARED((N_PAD, F), jnp.float32),
                 [pltpu.SemaphoreType.DMA] * NBUF,
                 [pltpu.SemaphoreType.DMA] * NBUF,
                 pltpu.SemaphoreType.DMA,
                 pltpu.SemaphoreType.DMA]


def _fill_zbuf(zbuf):
    zeros16 = jnp.zeros((16,), jnp.float32)

    def zrow(r, _):
        def zcol(j, _):
            zbuf[r, pl.ds(j * 16, 16)] = zeros16
            return 0
        lax.fori_loop(0, F // 16, zcol, 0)
        return 0

    lax.fori_loop(0, ZROWS, zrow, 0)


def _zero_acc_slice(zbuf, acc, s, zsem):
    for t in range(ROWS_PER_SUB // ZROWS):
        pltpu.async_copy(
            zbuf, acc.at[pl.ds(s * ROWS_PER_SUB + t * ZROWS, ZROWS)], zsem)
    for t in range(ROWS_PER_SUB // ZROWS):
        pltpu.make_async_copy(
            zbuf, acc.at[pl.ds(s * ROWS_PER_SUB + t * ZROWS, ZROWS)],
            zsem).wait()


def _dump_acc(acc, out_hbm, c, s):
    pltpu.sync_copy(acc.at[pl.ds(s * ROWS_PER_SUB, ROWS_PER_SUB)],
                    out_hbm.at[c, pl.ds(s * ROWS_PER_SUB, ROWS_PER_SUB)])


def _fire_first_gathers(hs_hbm, src_v, rows, gsem):
    for j in range(G):
        pltpu.async_copy(hs_hbm.at[src_v.at[j]], rows[j], gsem[j])


def _ring(hs_hbm, src_v, dst_v, rows, acc, gsem, ssem):
    def fire_gather(j, b):
        pltpu.async_copy(hs_hbm.at[src_v.at[j]], rows[b], gsem[b])

    def wait_gather(j, b):
        pltpu.make_async_copy(hs_hbm.at[src_v.at[j]], rows[b],
                              gsem[b]).wait()

    def fire_scatter(j, b):
        pltpu.async_copy(rows[b], acc.at[dst_v.at[j]], ssem[b], add=True)

    def wait_scatter(j, b):
        pltpu.make_async_copy(rows[b], acc.at[dst_v.at[j]], ssem[b]).wait()

    def step(j, b, *, do_wait_s=True, do_fire_g=True):
        bg = (b + G) % NBUF
        if do_wait_s:
            wait_scatter(j + G - NBUF, bg)
        if do_fire_g:
            fire_gather(j + G, bg)
        wait_gather(j, b)
        fire_scatter(j, b)

    for b in range(NBUF):
        step(b, b, do_wait_s=(b + G - NBUF >= 0))

    def body(i, _):
        j0 = NBUF * i
        for b in range(NBUF):
            step(j0 + b, b)
        return 0

    lax.fori_loop(1, NCHUNK // NBUF - 1, body, 0)

    jl = NCHUNK - NBUF
    for b in range(NBUF):
        step(jl + b, b, do_fire_g=(jl + b + G < NCHUNK))
    for j in range(NCHUNK - (NBUF - G), NCHUNK):
        wait_scatter(j, j % NBUF)


_SPMM_KERNELS = {}


def _spmm_layer1(hs_a, hs_b, ei4):
    if 1 not in _SPMM_KERNELS:
        mesh = plsc.VectorSubcoreMesh(**_MESH)

        @functools.partial(
            pl.kernel,
            out_type=[jax.ShapeDtypeStruct((NC, N_PAD, F), jnp.float32),
                      jax.ShapeDtypeStruct((NC, N_PAD, F), jnp.float32)],
            mesh=mesh,
            scratch_types=_SPMM_SCRATCH,
            compiler_params=_SC_PARAMS,
        )
        def k(hsa_hbm, hsb_hbm, ei_hbm, outa_hbm, outb_hbm,
              src_v, dst_v, rows, zbuf, acc, gsem, ssem, isem_s, isem_d):
            c = lax.axis_index("c")
            s = lax.axis_index("s")
            wid = s * NC + c

            pltpu.async_copy(ei_hbm.at[0, wid], src_v, isem_s)
            pltpu.async_copy(ei_hbm.at[1, wid], dst_v, isem_d)
            _fill_zbuf(zbuf)
            pltpu.make_async_copy(ei_hbm.at[0, wid], src_v, isem_s).wait()
            pltpu.make_async_copy(ei_hbm.at[1, wid], dst_v, isem_d).wait()

            _fire_first_gathers(hsa_hbm, src_v, rows, gsem)
            _zero_acc_slice(zbuf, acc, s, isem_s)
            plsc.subcore_barrier()
            _ring(hsa_hbm, src_v, dst_v, rows, acc, gsem, ssem)
            plsc.subcore_barrier()
            _dump_acc(acc, outa_hbm, c, s)

            _fire_first_gathers(hsb_hbm, src_v, rows, gsem)
            _zero_acc_slice(zbuf, acc, s, isem_s)
            plsc.subcore_barrier()
            _ring(hsb_hbm, src_v, dst_v, rows, acc, gsem, ssem)
            plsc.subcore_barrier()
            _dump_acc(acc, outb_hbm, c, s)

        _SPMM_KERNELS[1] = k
    return _SPMM_KERNELS[1](hs_a, hs_b, ei4)


def _spmm_layer2(hs, ei4):
    if 2 not in _SPMM_KERNELS:
        mesh = plsc.VectorSubcoreMesh(**_MESH)

        @functools.partial(
            pl.kernel,
            out_type=jax.ShapeDtypeStruct((NC, N_PAD, F), jnp.float32),
            mesh=mesh,
            scratch_types=_SPMM_SCRATCH,
            compiler_params=_SC_PARAMS,
        )
        def k(hs_hbm, ei_hbm, out_hbm,
              src_v, dst_v, rows, zbuf, acc, gsem, ssem, isem_s, isem_d):
            c = lax.axis_index("c")
            s = lax.axis_index("s")
            wid = s * NC + c

            pltpu.async_copy(ei_hbm.at[0, wid], src_v, isem_s)
            pltpu.async_copy(ei_hbm.at[1, wid], dst_v, isem_d)
            _fill_zbuf(zbuf)
            pltpu.make_async_copy(ei_hbm.at[0, wid], src_v, isem_s).wait()
            pltpu.make_async_copy(ei_hbm.at[1, wid], dst_v, isem_d).wait()

            _fire_first_gathers(hs_hbm, src_v, rows, gsem)
            _zero_acc_slice(zbuf, acc, s, isem_s)
            plsc.subcore_barrier()
            _ring(hs_hbm, src_v, dst_v, rows, acc, gsem, ssem)
            plsc.subcore_barrier()
            _dump_acc(acc, out_hbm, c, s)

        _SPMM_KERNELS[2] = k
    return _SPMM_KERNELS[2](hs, ei4)


_R = 1024
_GRID = (N_PAD // _R,)


def _rsqrt_deg(parts_ref):
    i = pl.program_id(0)
    deg = jnp.sum(parts_ref[:, pl.ds(i * _R, _R)], axis=0)
    return lax.rsqrt(jnp.maximum(deg, 1.0))


def _hist_spec():
    return pl.BlockSpec((NW, N_PAD), lambda i: (0, 0))


def _mm_scale_body(x_ref, w_ref, ho_ref, out_a_ref, out_b_ref):
    r_out = _rsqrt_deg(ho_ref)
    h = jnp.dot(x_ref[...], w_ref[...], preferred_element_type=jnp.float32)
    hs = h * r_out[:, None]
    out_a_ref[...] = hs[:, :F]
    out_b_ref[...] = hs[:, F:]


def _first_stage(x, W0, ho_parts):
    return pl.pallas_call(
        _mm_scale_body,
        grid=_GRID,
        in_specs=[pl.BlockSpec((_R, IN_FEATS), lambda i: (i, 0)),
                  pl.BlockSpec((IN_FEATS, N_HIDDEN), lambda i: (0, 0)),
                  _hist_spec()],
        out_specs=[pl.BlockSpec((_R, F), lambda i: (i, 0)),
                   pl.BlockSpec((_R, F), lambda i: (i, 0))],
        out_shape=[jax.ShapeDtypeStruct((N_PAD, F), jnp.float32),
                   jax.ShapeDtypeStruct((N_PAD, F), jnp.float32)],
    )(x, W0, ho_parts)


def _mid_body(pa_ref, pb_ref, hi_ref, ho_ref, b0_ref, w1_ref, out_ref):
    r_in = _rsqrt_deg(hi_ref)
    r_out = _rsqrt_deg(ho_ref)
    ssum = jnp.concatenate([pa_ref[0] + pa_ref[1], pb_ref[0] + pb_ref[1]],
                           axis=1)
    h1 = jnp.maximum(ssum * r_in[:, None] + b0_ref[...][None, :], 0.0)
    h = jnp.dot(h1, w1_ref[...], preferred_element_type=jnp.float32)
    out_ref[...] = h * r_out[:, None]


def _mid_stage(parts_a, parts_b, hi_parts, ho_parts, b0, W1):
    return pl.pallas_call(
        _mid_body,
        grid=_GRID,
        in_specs=[pl.BlockSpec((NC, _R, F), lambda i: (0, i, 0)),
                  pl.BlockSpec((NC, _R, F), lambda i: (0, i, 0)),
                  _hist_spec(),
                  _hist_spec(),
                  pl.BlockSpec((N_HIDDEN,), lambda i: (0,)),
                  pl.BlockSpec((N_HIDDEN, OUT_FEATS), lambda i: (0, 0))],
        out_specs=pl.BlockSpec((_R, OUT_FEATS), lambda i: (i, 0)),
        out_shape=jax.ShapeDtypeStruct((N_PAD, OUT_FEATS), jnp.float32),
    )(parts_a, parts_b, hi_parts, ho_parts, b0, W1)


def _final_body(parts_ref, hi_ref, b1_ref, out_ref):
    r_in = _rsqrt_deg(hi_ref)
    t = ((parts_ref[0] + parts_ref[1]) * r_in[:, None]
         + b1_ref[...][None, :])
    m = jnp.max(t, axis=1, keepdims=True)
    e = jnp.exp(t - m)
    out_ref[...] = (t - m) - jnp.log(jnp.sum(e, axis=1, keepdims=True))


def _final_stage(parts2, hi_parts, b1):
    return pl.pallas_call(
        _final_body,
        grid=_GRID,
        in_specs=[pl.BlockSpec((NC, _R, OUT_FEATS), lambda i: (0, i, 0)),
                  _hist_spec(),
                  pl.BlockSpec((OUT_FEATS,), lambda i: (0,))],
        out_specs=pl.BlockSpec((_R, OUT_FEATS), lambda i: (i, 0)),
        out_shape=jax.ShapeDtypeStruct((N_NODES, OUT_FEATS), jnp.float32),
    )(parts2, hi_parts, b1)


def kernel(input_feature, edge_index, W0, b0, W1, b1):
    ei4 = edge_index.reshape(2, NW, NCHUNK, K)

    ho_parts, hi_parts = _degrees(edge_index)

    hs0_a, hs0_b = _first_stage(input_feature, W0, ho_parts)
    parts_a, parts_b = _spmm_layer1(hs0_a, hs0_b, ei4)
    hs1 = _mid_stage(parts_a, parts_b, hi_parts, ho_parts, b0, W1)
    parts2 = _spmm_layer2(hs1, ei4)
    return _final_stage(parts2, hi_parts, b1)

# --- scband reference (transcript-rebuilt; emitter-appended) ---
"""Pipeline reference for scband-gnna-gcn-50697793962357 (READ-ONLY COPY).

The authoritative reference and input builder live on the scoring server;
editing this copy changes nothing except your own understanding.
"""

import jax, jax.numpy as jnp
import numpy as np

N_NODES = 10000
N_EDGES = 320000
IN_FEATS = 128
N_HIDDEN = 128
OUT_FEATS = 64


def setup_inputs(seed: int = 0) -> dict:
    key = jax.random.key(seed)
    ks = jax.random.split(key, 7)
    x = jax.random.normal(ks[0], (N_NODES, IN_FEATS), dtype=jnp.float32)
    edge_index = jax.random.randint(ks[1], (2, N_EDGES), 0, N_NODES, dtype=jnp.int32)
    W0 = jax.random.normal(ks[2], (IN_FEATS, N_HIDDEN), dtype=jnp.float32) * (1.0 / np.sqrt(IN_FEATS))
    b0 = jnp.zeros((N_HIDDEN,), dtype=jnp.float32)
    W1 = jax.random.normal(ks[3], (N_HIDDEN, OUT_FEATS), dtype=jnp.float32) * (1.0 / np.sqrt(N_HIDDEN))
    b1 = jnp.zeros((OUT_FEATS,), dtype=jnp.float32)
    return {"input_feature": x, "edge_index": edge_index, "W0": W0, "b0": b0, "W1": W1, "b1": b1}


def _gcn_layer(x, W, b, src, dst, n_nodes):
    # dense transform
    h = x @ W
    # symmetric degree normalization: 1/sqrt(deg_out[src] * deg_in[dst])
    deg_in = jnp.zeros((n_nodes,), dtype=x.dtype).at[dst].add(1.0)
    deg_out = jnp.zeros((n_nodes,), dtype=x.dtype).at[src].add(1.0)
    deg_in = jnp.maximum(deg_in, 1.0)
    deg_out = jnp.maximum(deg_out, 1.0)
    norm = jax.lax.rsqrt(deg_out[src] * deg_in[dst])
    # gather messages from source nodes, scale, scatter-add to destination (SpMM)
    msg = h[src] * norm[:, None]
    out = jnp.zeros_like(h).at[dst].add(msg)
    return out + b


def reference(input_feature, edge_index, W0, b0, W1, b1):
    src = edge_index[0]
    dst = edge_index[1]
    n_nodes = input_feature.shape[0]
    h = _gcn_layer(input_feature, W0, b0, src, dst, n_nodes)
    h = jax.nn.relu(h)
    out = _gcn_layer(h, W1, b1, src, dst, n_nodes)
    return jax.nn.log_softmax(out, axis=1)

if __name__ == "__main__":
    import jax
    _d = setup_inputs()
    print(jax.jit(kernel)(*tuple(_d.values())))

</pallas_src>

<mosaic_0001>
#map = affine_map<(d0, d1) -> (0, 0)>
#map1 = affine_map<(d0, d1) -> (0, 0, 0, 0)>
#map2 = affine_map<(d0, d1) -> (0, 0, 0)>
module attributes {stable_mosaic.version = 14 : i64} {
  func.func @k(%arg0: i32, %arg1: i32, %arg2: memref<10240x64xf32, #tpu.memory_space<hbm>>, %arg3: memref<10240x64xf32, #tpu.memory_space<hbm>>, %arg4: memref<2x32x80x125xi32, #tpu.memory_space<hbm>>, %arg5: memref<2x10240x64xf32, #tpu.memory_space<hbm>>, %arg6: memref<2x10240x64xf32, #tpu.memory_space<hbm>>, %arg7: memref<80x125xi32, #tpu.memory_space<vmem>>, %arg8: memref<80x125xi32, #tpu.memory_space<vmem>>, %arg9: memref<125x64xf32, #tpu.memory_space<vmem>>, %arg10: memref<125x64xf32, #tpu.memory_space<vmem>>, %arg11: memref<125x64xf32, #tpu.memory_space<vmem>>, %arg12: memref<125x64xf32, #tpu.memory_space<vmem>>, %arg13: memref<125x64xf32, #tpu.memory_space<vmem>>, %arg14: memref<125x64xf32, #tpu.memory_space<vmem>>, %arg15: memref<125x64xf32, #tpu.memory_space<vmem>>, %arg16: memref<125x64xf32, #tpu.memory_space<vmem>>, %arg17: memref<64x64xf32, #tpu.memory_space<vmem>>, %arg18: memref<10240x64xf32, #tpu.memory_space<vmem_shared>>, %arg19: memref<!tpu.dma_semaphore, #tpu.memory_space<semaphore_mem>>, %arg20: memref<!tpu.dma_semaphore, #tpu.memory_space<semaphore_mem>>, %arg21: memref<!tpu.dma_semaphore, #tpu.memory_space<semaphore_mem>>, %arg22: memref<!tpu.dma_semaphore, #tpu.memory_space<semaphore_mem>>, %arg23: memref<!tpu.dma_semaphore, #tpu.memory_space<semaphore_mem>>, %arg24: memref<!tpu.dma_semaphore, #tpu.memory_space<semaphore_mem>>, %arg25: memref<!tpu.dma_semaphore, #tpu.memory_space<semaphore_mem>>, %arg26: memref<!tpu.dma_semaphore, #tpu.memory_space<semaphore_mem>>, %arg27: memref<!tpu.dma_semaphore, #tpu.memory_space<semaphore_mem>>, %arg28: memref<!tpu.dma_semaphore, #tpu.memory_space<semaphore_mem>>, %arg29: memref<!tpu.dma_semaphore, #tpu.memory_space<semaphore_mem>>, %arg30: memref<!tpu.dma_semaphore, #tpu.memory_space<semaphore_mem>>, %arg31: memref<!tpu.dma_semaphore, #tpu.memory_space<semaphore_mem>>, %arg32: memref<!tpu.dma_semaphore, #tpu.memory_space<semaphore_mem>>, %arg33: memref<!tpu.dma_semaphore, #tpu.memory_space<semaphore_mem>>, %arg34: memref<!tpu.dma_semaphore, #tpu.memory_space<semaphore_mem>>, %arg35: memref<!tpu.dma_semaphore, #tpu.memory_space<semaphore_mem>>, %arg36: memref<!tpu.dma_semaphore, #tpu.memory_space<semaphore_mem>>) attributes {dimension_semantics = [#tpu.dimension_semantics<core_parallel>, #tpu.dimension_semantics<subcore_parallel>], iteration_bounds = array<i64: 2, 16>, scalar_prefetch = 0 : i64, scratch_operands = 30 : i64, tpu.core_type = #tpu.core_type<sc_vector_subcore>, window_params = [{transform_indices = #map}, {transform_indices = #map}, {transform_indices = #map1}, {transform_indices = #map2}, {transform_indices = #map2}]} {
    %mul3A = arith.constant 2 : i32
    %mul3A_0 = arith.muli %arg1, %mul3A : i32
    %add3A = arith.addi %mul3A_0, %arg0 : i32
    %dma_start3A = arith.constant 0 : i32
    %dma_start3A_1 = arith.constant 0 : i32
    %dma_start3A_2 = arith.constant 0 : i32
    %dma_start3A_3 = tpu.memref_slice %arg4[%dma_start3A, %add3A, %dma_start3A_1, %dma_start3A_2] : memref<2x32x80x125xi32, #tpu.memory_space<hbm>> -> memref<1x1x80x125xi32, #tpu.memory_space<hbm>>
    %dma_start3A_4 = tpu.memref_squeeze %dma_start3A_3 : memref<1x1x80x125xi32, #tpu.memory_space<hbm>> -> memref<80x125xi32, #tpu.memory_space<hbm>>
    %dma_start3A_5 = arith.constant 0 : i32
    %dma_start3A_6 = arith.constant 0 : i32
    %dma_start3A_7 = tpu.memref_slice %arg4[%dma_start3A, %add3A, %dma_start3A_5, %dma_start3A_6] : memref<2x32x80x125xi32, #tpu.memory_space<hbm>> -> memref<1x1x80x125xi32, #tpu.memory_space<hbm>>
    %dma_start3A_8 = tpu.memref_squeeze %dma_start3A_7 : memref<1x1x80x125xi32, #tpu.memory_space<hbm>> -> memref<80x125xi32, #tpu.memory_space<hbm>>
    tpu.enqueue_dma source(%dma_start3A_8 : memref<80x125xi32, #tpu.memory_space<hbm>>) target(%arg7 : memref<80x125xi32, #tpu.memory_space<vmem>>) target_semaphore(%arg35 : memref<!tpu.dma_semaphore, #tpu.memory_space<semaphore_mem>>)
    %dma_start3A_9 = arith.constant 1 : i32
    %dma_start3A_10 = arith.constant 0 : i32
    %dma_start3A_11 = arith.constant 0 : i32
    %dma_start3A_12 = tpu.memref_slice %arg4[%dma_start3A_9, %add3A, %dma_start3A_10, %dma_start3A_11] : memref<2x32x80x125xi32, #tpu.memory_space<hbm>> -> memref<1x1x80x125xi32, #tpu.memory_space<hbm>>
    %dma_start3A_13 = tpu.memref_squeeze %dma_start3A_12 : memref<1x1x80x125xi32, #tpu.memory_space<hbm>> -> memref<80x125xi32, #tpu.memory_space<hbm>>
    %dma_start3A_14 = arith.constant 0 : i32
    %dma_start3A_15 = arith.constant 0 : i32
    %dma_start3A_16 = tpu.memref_slice %arg4[%dma_start3A_9, %add3A, %dma_start3A_14, %dma_start3A_15] : memref<2x32x80x125xi32, #tpu.memory_space<hbm>> -> memref<1x1x80x125xi32, #tpu.memory_space<hbm>>
    %dma_start3A_17 = tpu.memref_squeeze %dma_start3A_16 : memref<1x1x80x125xi32, #tpu.memory_space<hbm>> -> memref<80x125xi32, #tpu.memory_space<hbm>>
    tpu.enqueue_dma source(%dma_start3A_17 : memref<80x125xi32, #tpu.memory_space<hbm>>) target(%arg8 : memref<80x125xi32, #tpu.memory_space<vmem>>) target_semaphore(%arg36 : memref<!tpu.dma_semaphore, #tpu.memory_space<semaphore_mem>>)
    %broadcast_in_dim3A = arith.constant 0.000000e+00 : f32
    %broadcast_in_dim3A_18 = vector.broadcast %broadcast_in_dim3A : f32 to vector<16xf32>
    %scan3A = arith.constant 0 : i32
    %scan3A_19 = arith.constant 0 : i32
    %scan3A_20 = arith.constant 64 : i32
    %scan3A_21 = arith.addi %scan3A_19, %scan3A_20 : i32
    %scan3A_22 = arith.constant 1 : i32
    %scan3A_23 = scf.for %scan3A_1283 = %scan3A_19 to %scan3A_21 step %scan3A_22 iter_args(%scan3A_1284 = %scan3A) -> (i32)  : i32 {
      %scan3A_1285 = arith.constant 0 : i32
      %scan3A_1286 = arith.constant 0 : i32
      %scan3A_1287 = arith.constant 4 : i32
      %scan3A_1288 = arith.addi %scan3A_1286, %scan3A_1287 : i32
      %scan3A_1289 = arith.constant 1 : i32
      %scan3A_1290 = scf.for %scan3A_1293 = %scan3A_1286 to %scan3A_1288 step %scan3A_1289 iter_args(%scan3A_1294 = %scan3A_1285) -> (i32)  : i32 {
        %mul3A_1295 = arith.constant 16 : i32
        %mul3A_1296 = arith.muli %scan3A_1293, %mul3A_1295 : i32
        %swap3A = arith.index_cast %scan3A_1283 : i32 to index
        %swap3A_1297 = arith.index_cast %mul3A_1296 : i32 to index
        %swap3A_1298 = tpu.vector_load %arg17[%swap3A, %swap3A_1297] {strides = array<i32>} : memref<64x64xf32, #tpu.memory_space<vmem>>, vector<16xf32>,
        tpu.vector_store %arg17[%swap3A, %swap3A_1297], %broadcast_in_dim3A_18 {strides = array<i32>} : memref<64x64xf32, #tpu.memory_space<vmem>>, vector<16xf32>,
        %scan3A_1299 = arith.constant 0 : i32
        scf.yield %scan3A_1299 : i32
      }
      %scan3A_1291 = arith.constant 4 : i32
      %scan3A_1292 = arith.constant 0 : i32
      scf.yield %scan3A_1292 : i32
    }
    %scan3A_24 = arith.constant 64 : i32
    %dma_wait3A = arith.constant 0 : i32
    %dma_wait3A_25 = arith.constant 0 : i32
    %dma_wait3A_26 = arith.constant 0 : i32
    %dma_wait3A_27 = tpu.memref_slice %arg4[%dma_wait3A, %add3A, %dma_wait3A_25, %dma_wait3A_26] : memref<2x32x80x125xi32, #tpu.memory_space<hbm>> -> memref<1x1x80x125xi32, #tpu.memory_space<hbm>>
    %dma_wait3A_28 = tpu.memref_squeeze %dma_wait3A_27 : memref<1x1x80x125xi32, #tpu.memory_space<hbm>> -> memref<80x125xi32, #tpu.memory_space<hbm>>
    %dma_wait3A_29 = arith.constant 0 : i32
    %dma_wait3A_30 = arith.constant 0 : i32
    %dma_wait3A_31 = tpu.memref_slice %arg4[%dma_wait3A, %add3A, %dma_wait3A_29, %dma_wait3A_30] : memref<2x32x80x125xi32, #tpu.memory_space<hbm>> -> memref<1x1x80x125xi32, #tpu.memory_space<hbm>>
    %dma_wait3A_32 = tpu.memref_squeeze %dma_wait3A_31 : memref<1x1x80x125xi32, #tpu.memory_space<hbm>> -> memref<80x125xi32, #tpu.memory_space<hbm>>
    tpu.wait_dma2 semaphore(%arg35 : memref<!tpu.dma_semaphore, #tpu.memory_space<semaphore_mem>>) src(%dma_wait3A_32 : memref<80x125xi32, #tpu.memory_space<hbm>>) dst(%arg7 : memref<80x125xi32, #tpu.memory_space<vmem>>)
    %dma_wait3A_33 = arith.constant 1 : i32
    %dma_wait3A_34 = arith.constant 0 : i32
    %dma_wait3A_35 = arith.constant 0 : i32
    %dma_wait3A_36 = tpu.memref_slice %arg4[%dma_wait3A_33, %add3A, %dma_wait3A_34, %dma_wait3A_35] : memref<2x32x80x125xi32, #tpu.memory_space<hbm>> -> memref<1x1x80x125xi32, #tpu.memory_space<hbm>>
    %dma_wait3A_37 = tpu.memref_squeeze %dma_wait3A_36 : memref<1x1x80x125xi32, #tpu.memory_space<hbm>> -> memref<80x125xi32, #tpu.memory_space<hbm>>
    %dma_wait3A_38 = arith.constant 0 : i32
    %dma_wait3A_39 = arith.constant 0 : i32
    %dma_wait3A_40 = tpu.memref_slice %arg4[%dma_wait3A_33, %add3A, %dma_wait3A_38, %dma_wait3A_39] : memref<2x32x80x125xi32, #tpu.memory_space<hbm>> -> memref<1x1x80x125xi32, #tpu.memory_space<hbm>>
    %dma_wait3A_41 = tpu.memref_squeeze %dma_wait3A_40 : memref<1x1x80x125xi32, #tpu.memory_space<hbm>> -> memref<80x125xi32, #tpu.memory_space<hbm>>
    tpu.wait_dma2 semaphore(%arg36 : memref<!tpu.dma_semaphore, #tpu.memory_space<semaphore_mem>>) src(%dma_wait3A_41 : memref<80x125xi32, #tpu.memory_space<hbm>>) dst(%arg8 : memref<80x125xi32, #tpu.memory_space<vmem>>)
    %dma_start3A_42 = arith.constant 0 : i32
    %dma_start3A_43 = arith.constant 0 : i32
    %dma_start3A_44 = tpu.memref_slice %arg7[%dma_start3A_42, %dma_start3A_43] : memref<80x125xi32, #tpu.memory_space<vmem>> -> memref<1x125xi32, #tpu.memory_space<vmem>>
    %dma_start3A_45 = tpu.memref_squeeze %dma_start3A_44 : memref<1x125xi32, #tpu.memory_space<vmem>> -> memref<125xi32, #tpu.memory_space<vmem>>
    %dma_start3A_46 = arith.constant 0 : i32
    %dma_start3A_47 = arith.constant 0 : i32
    %dma_start3A_48 = tpu.memref_slice %arg2[%dma_start3A_46, %dma_start3A_47] : memref<10240x64xf32, #tpu.memory_space<hbm>> -> memref<10240x64xf32, #tpu.memory_space<hbm>>
    tpu.enqueue_indirect_dma source(%dma_start3A_48 : memref<10240x64xf32, #tpu.memory_space<hbm>>) target(%arg9 : memref<125x64xf32, #tpu.memory_space<vmem>>) offsets(%dma_start3A_45 : memref<125xi32, #tpu.memory_space<vmem>>) semaphore(%arg19 : memref<!tpu.dma_semaphore, #tpu.memory_space<semaphore_mem>>)
    %dma_start3A_49 = arith.constant 1 : i32
    %dma_start3A_50 = arith.constant 0 : i32
    %dma_start3A_51 = tpu.memref_slice %arg7[%dma_start3A_49, %dma_start3A_50] : memref<80x125xi32, #tpu.memory_space<vmem>> -> memref<1x125xi32, #tpu.memory_space<vmem>>
    %dma_start3A_52 = tpu.memref_squeeze %dma_start3A_51 : memref<1x125xi32, #tpu.memory_space<vmem>> -> memref<125xi32, #tpu.memory_space<vmem>>
    %dma_start3A_53 = arith.constant 0 : i32
    %dma_start3A_54 = arith.constant 0 : i32
    %dma_start3A_55 = tpu.memref_slice %arg2[%dma_start3A_53, %dma_start3A_54] : memref<10240x64xf32, #tpu.memory_space<hbm>> -> memref<10240x64xf32, #tpu.memory_space<hbm>>
    tpu.enqueue_indirect_dma source(%dma_start3A_55 : memref<10240x64xf32, #tpu.memory_space<hbm>>) target(%arg10 : memref<125x64xf32, #tpu.memory_space<vmem>>) offsets(%dma_start3A_52 : memref<125xi32, #tpu.memory_space<vmem>>) semaphore(%arg20 : memref<!tpu.dma_semaphore, #tpu.memory_space<semaphore_mem>>)
    %dma_start3A_56 = arith.constant 2 : i32
    %dma_start3A_57 = arith.constant 0 : i32
    %dma_start3A_58 = tpu.memref_slice %arg7[%dma_start3A_56, %dma_start3A_57] : memref<80x125xi32, #tpu.memory_space<vmem>> -> memref<1x125xi32, #tpu.memory_space<vmem>>
    %dma_start3A_59 = tpu.memref_squeeze %dma_start3A_58 : memref<1x125xi32, #tpu.memory_space<vmem>> -> memref<125xi32, #tpu.memory_space<vmem>>
    %dma_start3A_60 = arith.constant 0 : i32
    %dma_start3A_61 = arith.constant 0 : i32
    %dma_start3A_62 = tpu.memref_slice %arg2[%dma_start3A_60, %dma_start3A_61] : memref<10240x64xf32, #tpu.memory_space<hbm>> -> memref<10240x64xf32, #tpu.memory_space<hbm>>
    tpu.enqueue_indirect_dma source(%dma_start3A_62 : memref<10240x64xf32, #tpu.memory_space<hbm>>) target(%arg11 : memref<125x64xf32, #tpu.memory_space<vmem>>) offsets(%dma_start3A_59 : memref<125xi32, #tpu.memory_space<vmem>>) semaphore(%arg21 : memref<!tpu.dma_semaphore, #tpu.memory_space<semaphore_mem>>)
    %dma_start3A_63 = arith.constant 3 : i32
    %dma_start3A_64 = arith.constant 0 : i32
    %dma_start3A_65 = tpu.memref_slice %arg7[%dma_start3A_63, %dma_start3A_64] : memref<80x125xi32, #tpu.memory_space<vmem>> -> memref<1x125xi32, #tpu.memory_space<vmem>>
    %dma_start3A_66 = tpu.memref_squeeze %dma_start3A_65 : memref<1x125xi32, #tpu.memory_space<vmem>> -> memref<125xi32, #tpu.memory_space<vmem>>
    %dma_start3A_67 = arith.constant 0 : i32
    %dma_start3A_68 = arith.constant 0 : i32
    %dma_start3A_69 = tpu.memref_slice %arg2[%dma_start3A_67, %dma_start3A_68] : memref<10240x64xf32, #tpu.memory_space<hbm>> -> memref<10240x64xf32, #tpu.memory_space<hbm>>
    tpu.enqueue_indirect_dma source(%dma_start3A_69 : memref<10240x64xf32, #tpu.memory_space<hbm>>) target(%arg12 : memref<125x64xf32, #tpu.memory_space<vmem>>) offsets(%dma_start3A_66 : memref<125xi32, #tpu.memory_space<vmem>>) semaphore(%arg22 : memref<!tpu.dma_semaphore, #tpu.memory_space<semaphore_mem>>)
    %dma_start3A_70 = arith.constant 4 : i32
    %dma_start3A_71 = arith.constant 0 : i32
    %dma_start3A_72 = tpu.memref_slice %arg7[%dma_start3A_70, %dma_start3A_71] : memref<80x125xi32, #tpu.memory_space<vmem>> -> memref<1x125xi32, #tpu.memory_space<vmem>>
    %dma_start3A_73 = tpu.memref_squeeze %dma_start3A_72 : memref<1x125xi32, #tpu.memory_space<vmem>> -> memref<125xi32, #tpu.memory_space<vmem>>
    %dma_start3A_74 = arith.constant 0 : i32
    %dma_start3A_75 = arith.constant 0 : i32
    %dma_start3A_76 = tpu.memref_slice %arg2[%dma_start3A_74, %dma_start3A_75] : memref<10240x64xf32, #tpu.memory_space<hbm>> -> memref<10240x64xf32, #tpu.memory_space<hbm>>
    tpu.enqueue_indirect_dma source(%dma_start3A_76 : memref<10240x64xf32, #tpu.memory_space<hbm>>) target(%arg13 : memref<125x64xf32, #tpu.memory_space<vmem>>) offsets(%dma_start3A_73 : memref<125xi32, #tpu.memory_space<vmem>>) semaphore(%arg23 : memref<!tpu.dma_semaphore, #tpu.memory_space<semaphore_mem>>)
    %mul3A_77 = arith.constant 640 : i32
    %mul3A_78 = arith.muli %arg1, %mul3A_77 : i32
    %add3A_79 = arith.constant 0 : i32
    %add3A_80 = arith.addi %mul3A_78, %add3A_79 : i32
    %dma_start3A_81 = arith.constant 0 : i32
    %dma_start3A_82 = tpu.memref_slice %arg18[%add3A_80, %dma_start3A_81] : memref<10240x64xf32, #tpu.memory_space<vmem_shared>> -> memref<64x64xf32, #tpu.memory_space<vmem_shared>>
    %dma_start3A_83 = arith.constant 0 : i32
    %dma_start3A_84 = tpu.memref_slice %arg18[%add3A_80, %dma_start3A_83] : memref<10240x64xf32, #tpu.memory_space<vmem_shared>> -> memref<64x64xf32, #tpu.memory_space<vmem_shared>>
    tpu.enqueue_dma source(%arg17 : memref<64x64xf32, #tpu.memory_space<vmem>>) target(%dma_start3A_84 : memref<64x64xf32, #tpu.memory_space<vmem_shared>>) target_semaphore(%arg35 : memref<!tpu.dma_semaphore, #tpu.memory_space<semaphore_mem>>)
    %mul3A_85 = arith.constant 640 : i32
    %mul3A_86 = arith.muli %arg1, %mul3A_85 : i32
    %add3A_87 = arith.constant 64 : i32
    %add3A_88 = arith.addi %mul3A_86, %add3A_87 : i32
    %dma_start3A_89 = arith.constant 0 : i32
    %dma_start3A_90 = tpu.memref_slice %arg18[%add3A_88, %dma_start3A_89] : memref<10240x64xf32, #tpu.memory_space<vmem_shared>> -> memref<64x64xf32, #tpu.memory_space<vmem_shared>>
    %dma_start3A_91 = arith.constant 0 : i32
    %dma_start3A_92 = tpu.memref_slice %arg18[%add3A_88, %dma_start3A_91] : memref<10240x64xf32, #tpu.memory_space<vmem_shared>> -> memref<64x64xf32, #tpu.memory_space<vmem_shared>>
    tpu.enqueue_dma source(%arg17 : memref<64x64xf32, #tpu.memory_space<vmem>>) target(%dma_start3A_92 : memref<64x64xf32, #tpu.memory_space<vmem_shared>>) target_semaphore(%arg35 : memref<!tpu.dma_semaphore, #tpu.memory_space<semaphore_mem>>)
    %mul3A_93 = arith.constant 640 : i32
    %mul3A_94 = arith.muli %arg1, %mul3A_93 : i32
    %add3A_95 = arith.constant 128 : i32
    %add3A_96 = arith.addi %mul3A_94, %add3A_95 : i32
    %dma_start3A_97 = arith.constant 0 : i32
    %dma_start3A_98 = tpu.memref_slice %arg18[%add3A_96, %dma_start3A_97] : memref<10240x64xf32, #tpu.memory_space<vmem_shared>> -> memref<64x64xf32, #tpu.memory_space<vmem_shared>>
    %dma_start3A_99 = arith.constant 0 : i32
    %dma_start3A_100 = tpu.memref_slice %arg18[%add3A_96, %dma_start3A_99] : memref<10240x64xf32, #tpu.memory_space<vmem_shared>> -> memref<64x64xf32, #tpu.memory_space<vmem_shared>>
    tpu.enqueue_dma source(%arg17 : memref<64x64xf32, #tpu.memory_space<vmem>>) target(%dma_start3A_100 : memref<64x64xf32, #tpu.memory_space<vmem_shared>>) target_semaphore(%arg35 : memref<!tpu.dma_semaphore, #tpu.memory_space<semaphore_mem>>)
    %mul3A_101 = arith.constant 640 : i32
    %mul3A_102 = arith.muli %arg1, %mul3A_101 : i32
    %add3A_103 = arith.constant 192 : i32
    %add3A_104 = arith.addi %mul3A_102, %add3A_103 : i32
    %dma_start3A_105 = arith.constant 0 : i32
    %dma_start3A_106 = tpu.memref_slice %arg18[%add3A_104, %dma_start3A_105] : memref<10240x64xf32, #tpu.memory_space<vmem_shared>> -> memref<64x64xf32, #tpu.memory_space<vmem_shared>>
    %dma_start3A_107 = arith.constant 0 : i32
    %dma_start3A_108 = tpu.memref_slice %arg18[%add3A_104, %dma_start3A_107] : memref<10240x64xf32, #tpu.memory_space<vmem_shared>> -> memref<64x64xf32, #tpu.memory_space<vmem_shared>>
    tpu.enqueue_dma source(%arg17 : memref<64x64xf32, #tpu.memory_space<vmem>>) target(%dma_start3A_108 : memref<64x64xf32, #tpu.memory_space<vmem_shared>>) target_semaphore(%arg35 : memref<!tpu.dma_semaphore, #tpu.memory_space<semaphore_mem>>)
    %mul3A_109 = arith.constant 640 : i32
    %mul3A_110 = arith.muli %arg1, %mul3A_109 : i32
    %add3A_111 = arith.constant 256 : i32
    %add3A_112 = arith.addi %mul3A_110, %add3A_111 : i32
    %dma_start3A_113 = arith.constant 0 : i32
    %dma_start3A_114 = tpu.memref_slice %arg18[%add3A_112, %dma_start3A_113] : memref<10240x64xf32, #tpu.memory_space<vmem_shared>> -> memref<64x64xf32, #tpu.memory_space<vmem_shared>>
    %dma_start3A_115 = arith.constant 0 : i32
    %dma_start3A_116 = tpu.memref_slice %arg18[%add3A_112, %dma_start3A_115] : memref<10240x64xf32, #tpu.memory_space<vmem_shared>> -> memref<64x64xf32, #tpu.memory_space<vmem_shared>>
    tpu.enqueue_dma source(%arg17 : memref<64x64xf32, #tpu.memory_space<vmem>>) target(%dma_start3A_116 : memref<64x64xf32, #tpu.memory_space<vmem_shared>>) target_semaphore(%arg35 : memref<!tpu.dma_semaphore, #tpu.memory_space<semaphore_mem>>)
    %mul3A_117 = arith.constant 640 : i32
    %mul3A_118 = arith.muli %arg1, %mul3A_117 : i32
    %add3A_119 = arith.constant 320 : i32
    %add3A_120 = arith.addi %mul3A_118, %add3A_119 : i32
    %dma_start3A_121 = arith.constant 0 : i32
    %dma_start3A_122 = tpu.memref_slice %arg18[%add3A_120, %dma_start3A_121] : memref<10240x64xf32, #tpu.memory_space<vmem_shared>> -> memref<64x64xf32, #tpu.memory_space<vmem_shared>>
    %dma_start3A_123 = arith.constant 0 : i32
    %dma_start3A_124 = tpu.memref_slice %arg18[%add3A_120, %dma_start3A_123] : memref<10240x64xf32, #tpu.memory_space<vmem_shared>> -> memref<64x64xf32, #tpu.memory_space<vmem_shared>>
    tpu.enqueue_dma source(%arg17 : memref<64x64xf32, #tpu.memory_space<vmem>>) target(%dma_start3A_124 : memref<64x64xf32, #tpu.memory_space<vmem_shared>>) target_semaphore(%arg35 : memref<!tpu.dma_semaphore, #tpu.memory_space<semaphore_mem>>)
    %mul3A_125 = arith.constant 640 : i32
    %mul3A_126 = arith.muli %arg1, %mul3A_125 : i32
    %add3A_127 = arith.constant 384 : i32
    %add3A_128 = arith.addi %mul3A_126, %add3A_127 : i32
    %dma_start3A_129 = arith.constant 0 : i32
    %dma_start3A_130 = tpu.memref_slice %arg18[%add3A_128, %dma_start3A_129] : memref<10240x64xf32, #tpu.memory_space<vmem_shared>> -> memref<64x64xf32, #tpu.memory_space<vmem_shared>>
    %dma_start3A_131 = arith.constant 0 : i32
    %dma_start3A_132 = tpu.memref_slice %arg18[%add3A_128, %dma_start3A_131] : memref<10240x64xf32, #tpu.memory_space<vmem_shared>> -> memref<64x64xf32, #tpu.memory_space<vmem_shared>>
    tpu.enqueue_dma source(%arg17 : memref<64x64xf32, #tpu.memory_space<vmem>>) target(%dma_start3A_132 : memref<64x64xf32, #tpu.memory_space<vmem_shared>>) target_semaphore(%arg35 : memref<!tpu.dma_semaphore, #tpu.memory_space<semaphore_mem>>)
    %mul3A_133 = arith.constant 640 : i32
    %mul3A_134 = arith.muli %arg1, %mul3A_133 : i32
    %add3A_135 = arith.constant 448 : i32
    %add3A_136 = arith.addi %mul3A_134, %add3A_135 : i32
    %dma_start3A_137 = arith.constant 0 : i32
    %dma_start3A_138 = tpu.memref_slice %arg18[%add3A_136, %dma_start3A_137] : memref<10240x64xf32, #tpu.memory_space<vmem_shared>> -> memref<64x64xf32, #tpu.memory_space<vmem_shared>>
    %dma_start3A_139 = arith.constant 0 : i32
    %dma_start3A_140 = tpu.memref_slice %arg18[%add3A_136, %dma_start3A_139] : memref<10240x64xf32, #tpu.memory_space<vmem_shared>> -> memref<64x64xf32, #tpu.memory_space<vmem_shared>>
    tpu.enqueue_dma source(%arg17 : memref<64x64xf32, #tpu.memory_space<vmem>>) target(%dma_start3A_140 : memref<64x64xf32, #tpu.memory_space<vmem_shared>>) target_semaphore(%arg35 : memref<!tpu.dma_semaphore, #tpu.memory_space<semaphore_mem>>)
    %mul3A_141 = arith.constant 640 : i32
    %mul3A_142 = arith.muli %arg1, %mul3A_141 : i32
    %add3A_143 = arith.constant 512 : i32
    %add3A_144 = arith.addi %mul3A_142, %add3A_143 : i32
    %dma_start3A_145 = arith.constant 0 : i32
    %dma_start3A_146 = tpu.memref_slice %arg18[%add3A_144, %dma_start3A_145] : memref<10240x64xf32, #tpu.memory_space<vmem_shared>> -> memref<64x64xf32, #tpu.memory_space<vmem_shared>>
    %dma_start3A_147 = arith.constant 0 : i32
    %dma_start3A_148 = tpu.memref_slice %arg18[%add3A_144, %dma_start3A_147] : memref<10240x64xf32, #tpu.memory_space<vmem_shared>> -> memref<64x64xf32, #tpu.memory_space<vmem_shared>>
    tpu.enqueue_dma source(%arg17 : memref<64x64xf32, #tpu.memory_space<vmem>>) target(%dma_start3A_148 : memref<64x64xf32, #tpu.memory_space<vmem_shared>>) target_semaphore(%arg35 : memref<!tpu.dma_semaphore, #tpu.memory_space<semaphore_mem>>)
    %mul3A_149 = arith.constant 640 : i32
    %mul3A_150 = arith.muli %arg1, %mul3A_149 : i32
    %add3A_151 = arith.constant 576 : i32
    %add3A_152 = arith.addi %mul3A_150, %add3A_151 : i32
    %dma_start3A_153 = arith.constant 0 : i32
    %dma_start3A_154 = tpu.memref_slice %arg18[%add3A_152, %dma_start3A_153] : memref<10240x64xf32, #tpu.memory_space<vmem_shared>> -> memref<64x64xf32, #tpu.memory_space<vmem_shared>>
    %dma_start3A_155 = arith.constant 0 : i32
    %dma_start3A_156 = tpu.memref_slice %arg18[%add3A_152, %dma_start3A_155] : memref<10240x64xf32, #tpu.memory_space<vmem_shared>> -> memref<64x64xf32, #tpu.memory_space<vmem_shared>>
    tpu.enqueue_dma source(%arg17 : memref<64x64xf32, #tpu.memory_space<vmem>>) target(%dma_start3A_156 : memref<64x64xf32, #tpu.memory_space<vmem_shared>>) target_semaphore(%arg35 : memref<!tpu.dma_semaphore, #tpu.memory_space<semaphore_mem>>)
    %mul3A_157 = arith.constant 640 : i32
    %mul3A_158 = arith.muli %arg1, %mul3A_157 : i32
    %add3A_159 = arith.constant 0 : i32
    %add3A_160 = arith.addi %mul3A_158, %add3A_159 : i32
    %dma_wait3A_161 = arith.constant 0 : i32
    %dma_wait3A_162 = tpu.memref_slice %arg18[%add3A_160, %dma_wait3A_161] : memref<10240x64xf32, #tpu.memory_space<vmem_shared>> -> memref<64x64xf32, #tpu.memory_space<vmem_shared>>
    %dma_wait3A_163 = arith.constant 0 : i32
    %dma_wait3A_164 = tpu.memref_slice %arg18[%add3A_160, %dma_wait3A_163] : memref<10240x64xf32, #tpu.memory_space<vmem_shared>> -> memref<64x64xf32, #tpu.memory_space<vmem_shared>>
    tpu.wait_dma2 semaphore(%arg35 : memref<!tpu.dma_semaphore, #tpu.memory_space<semaphore_mem>>) src(%arg17 : memref<64x64xf32, #tpu.memory_space<vmem>>) dst(%dma_wait3A_164 : memref<64x64xf32, #tpu.memory_space<vmem_shared>>)
    %mul3A_165 = arith.constant 640 : i32
    %mul3A_166 = arith.muli %arg1, %mul3A_165 : i32
    %add3A_167 = arith.constant 64 : i32
    %add3A_168 = arith.addi %mul3A_166, %add3A_167 : i32
    %dma_wait3A_169 = arith.constant 0 : i32
    %dma_wait3A_170 = tpu.memref_slice %arg18[%add3A_168, %dma_wait3A_169] : memref<10240x64xf32, #tpu.memory_space<vmem_shared>> -> memref<64x64xf32, #tpu.memory_space<vmem_shared>>
    %dma_wait3A_171 = arith.constant 0 : i32
    %dma_wait3A_172 = tpu.memref_slice %arg18[%add3A_168, %dma_wait3A_171] : memref<10240x64xf32, #tpu.memory_space<vmem_shared>> -> memref<64x64xf32, #tpu.memory_space<vmem_shared>>
    tpu.wait_dma2 semaphore(%arg35 : memref<!tpu.dma_semaphore, #tpu.memory_space<semaphore_mem>>) src(%arg17 : memref<64x64xf32, #tpu.memory_space<vmem>>) dst(%dma_wait3A_172 : memref<64x64xf32, #tpu.memory_space<vmem_shared>>)
    %mul3A_173 = arith.constant 640 : i32
    %mul3A_174 = arith.muli %arg1, %mul3A_173 : i32
    %add3A_175 = arith.constant 128 : i32
    %add3A_176 = arith.addi %mul3A_174, %add3A_175 : i32
    %dma_wait3A_177 = arith.constant 0 : i32
    %dma_wait3A_178 = tpu.memref_slice %arg18[%add3A_176, %dma_wait3A_177] : memref<10240x64xf32, #tpu.memory_space<vmem_shared>> -> memref<64x64xf32, #tpu.memory_space<vmem_shared>>
    %dma_wait3A_179 = arith.constant 0 : i32
    %dma_wait3A_180 = tpu.memref_slice %arg18[%add3A_176, %dma_wait3A_179] : memref<10240x64xf32, #tpu.memory_space<vmem_shared>> -> memref<64x64xf32, #tpu.memory_space<vmem_shared>>
    tpu.wait_dma2 semaphore(%arg35 : memref<!tpu.dma_semaphore, #tpu.memory_space<semaphore_mem>>) src(%arg17 : memref<64x64xf32, #tpu.memory_space<vmem>>) dst(%dma_wait3A_180 : memref<64x64xf32, #tpu.memory_space<vmem_shared>>)
    %mul3A_181 = arith.constant 640 : i32
    %mul3A_182 = arith.muli %arg1, %mul3A_181 : i32
    %add3A_183 = arith.constant 192 : i32
    %add3A_184 = arith.addi %mul3A_182, %add3A_183 : i32
    %dma_wait3A_185 = arith.constant 0 : i32
    %dma_wait3A_186 = tpu.memref_slice %arg18[%add3A_184, %dma_wait3A_185] : memref<10240x64xf32, #tpu.memory_space<vmem_shared>> -> memref<64x64xf32, #tpu.memory_space<vmem_shared>>
    %dma_wait3A_187 = arith.constant 0 : i32
    %dma_wait3A_188 = tpu.memref_slice %arg18[%add3A_184, %dma_wait3A_187] : memref<10240x64xf32, #tpu.memory_space<vmem_shared>> -> memref<64x64xf32, #tpu.memory_space<vmem_shared>>
    tpu.wait_dma2 semaphore(%arg35 : memref<!tpu.dma_semaphore, #tpu.memory_space<semaphore_mem>>) src(%arg17 : memref<64x64xf32, #tpu.memory_space<vmem>>) dst(%dma_wait3A_188 : memref<64x64xf32, #tpu.memory_space<vmem_shared>>)
    %mul3A_189 = arith.constant 640 : i32
    %mul3A_190 = arith.muli %arg1, %mul3A_189 : i32
    %add3A_191 = arith.constant 256 : i32
    %add3A_192 = arith.addi %mul3A_190, %add3A_191 : i32
    %dma_wait3A_193 = arith.constant 0 : i32
    %dma_wait3A_194 = tpu.memref_slice %arg18[%add3A_192, %dma_wait3A_193] : memref<10240x64xf32, #tpu.memory_space<vmem_shared>> -> memref<64x64xf32, #tpu.memory_space<vmem_shared>>
    %dma_wait3A_195 = arith.constant 0 : i32
    %dma_wait3A_196 = tpu.memref_slice %arg18[%add3A_192, %dma_wait3A_195] : memref<10240x64xf32, #tpu.memory_space<vmem_shared>> -> memref<64x64xf32, #tpu.memory_space<vmem_shared>>
    tpu.wait_dma2 semaphore(%arg35 : memref<!tpu.dma_semaphore, #tpu.memory_space<semaphore_mem>>) src(%arg17 : memref<64x64xf32, #tpu.memory_space<vmem>>) dst(%dma_wait3A_196 : memref<64x64xf32, #tpu.memory_space<vmem_shared>>)
    %mul3A_197 = arith.constant 640 : i32
    %mul3A_198 = arith.muli %arg1, %mul3A_197 : i32
    %add3A_199 = arith.constant 320 : i32
    %add3A_200 = arith.addi %mul3A_198, %add3A_199 : i32
    %dma_wait3A_201 = arith.constant 0 : i32
    %dma_wait3A_202 = tpu.memref_slice %arg18[%add3A_200, %dma_wait3A_201] : memref<10240x64xf32, #tpu.memory_space<vmem_shared>> -> memref<64x64xf32, #tpu.memory_space<vmem_shared>>
    %dma_wait3A_203 = arith.constant 0 : i32
    %dma_wait3A_204 = tpu.memref_slice %arg18[%add3A_200, %dma_wait3A_203] : memref<10240x64xf32, #tpu.memory_space<vmem_shared>> -> memref<64x64xf32, #tpu.memory_space<vmem_shared>>
    tpu.wait_dma2 semaphore(%arg35 : memref<!tpu.dma_semaphore, #tpu.memory_space<semaphore_mem>>) src(%arg17 : memref<64x64xf32, #tpu.memory_space<vmem>>) dst(%dma_wait3A_204 : memref<64x64xf32, #tpu.memory_space<vmem_shared>>)
    %mul3A_205 = arith.constant 640 : i32
    %mul3A_206 = arith.muli %arg1, %mul3A_205 : i32
    %add3A_207 = arith.constant 384 : i32
    %add3A_208 = arith.addi %mul3A_206, %add3A_207 : i32
    %dma_wait3A_209 = arith.constant 0 : i32
    %dma_wait3A_210 = tpu.memref_slice %arg18[%add3A_208, %dma_wait3A_209] : memref<10240x64xf32, #tpu.memory_space<vmem_shared>> -> memref<64x64xf32, #tpu.memory_space<vmem_shared>>
    %dma_wait3A_211 = arith.constant 0 : i32
    %dma_wait3A_212 = tpu.memref_slice %arg18[%add3A_208, %dma_wait3A_211] : memref<10240x64xf32, #tpu.memory_space<vmem_shared>> -> memref<64x64xf32, #tpu.memory_space<vmem_shared>>
    tpu.wait_dma2 semaphore(%arg35 : memref<!tpu.dma_semaphore, #tpu.memory_space<semaphore_mem>>) src(%arg17 : memref<64x64xf32, #tpu.memory_space<vmem>>) dst(%dma_wait3A_212 : memref<64x64xf32, #tpu.memory_space<vmem_shared>>)
    %mul3A_213 = arith.constant 640 : i32
    %mul3A_214 = arith.muli %arg1, %mul3A_213 : i32
    %add3A_215 = arith.constant 448 : i32
    %add3A_216 = arith.addi %mul3A_214, %add3A_215 : i32
    %dma_wait3A_217 = arith.constant 0 : i32
    %dma_wait3A_218 = tpu.memref_slice %arg18[%add3A_216, %dma_wait3A_217] : memref<10240x64xf32, #tpu.memory_space<vmem_shared>> -> memref<64x64xf32, #tpu.memory_space<vmem_shared>>
    %dma_wait3A_219 = arith.constant 0 : i32
    %dma_wait3A_220 = tpu.memref_slice %arg18[%add3A_216, %dma_wait3A_219] : memref<10240x64xf32, #tpu.memory_space<vmem_shared>> -> memref<64x64xf32, #tpu.memory_space<vmem_shared>>
    tpu.wait_dma2 semaphore(%arg35 : memref<!tpu.dma_semaphore, #tpu.memory_space<semaphore_mem>>) src(%arg17 : memref<64x64xf32, #tpu.memory_space<vmem>>) dst(%dma_wait3A_220 : memref<64x64xf32, #tpu.memory_space<vmem_shared>>)
    %mul3A_221 = arith.constant 640 : i32
    %mul3A_222 = arith.muli %arg1, %mul3A_221 : i32
    %add3A_223 = arith.constant 512 : i32
    %add3A_224 = arith.addi %mul3A_222, %add3A_223 : i32
    %dma_wait3A_225 = arith.constant 0 : i32
    %dma_wait3A_226 = tpu.memref_slice %arg18[%add3A_224, %dma_wait3A_225] : memref<10240x64xf32, #tpu.memory_space<vmem_shared>> -> memref<64x64xf32, #tpu.memory_space<vmem_shared>>
    %dma_wait3A_227 = arith.constant 0 : i32
    %dma_wait3A_228 = tpu.memref_slice %arg18[%add3A_224, %dma_wait3A_227] : memref<10240x64xf32, #tpu.memory_space<vmem_shared>> -> memref<64x64xf32, #tpu.memory_space<vmem_shared>>
    tpu.wait_dma2 semaphore(%arg35 : memref<!tpu.dma_semaphore, #tpu.memory_space<semaphore_mem>>) src(%arg17 : memref<64x64xf32, #tpu.memory_space<vmem>>) dst(%dma_wait3A_228 : memref<64x64xf32, #tpu.memory_space<vmem_shared>>)
    %mul3A_229 = arith.constant 640 : i32
    %mul3A_230 = arith.muli %arg1, %mul3A_229 : i32
    %add3A_231 = arith.constant 576 : i32
    %add3A_232 = arith.addi %mul3A_230, %add3A_231 : i32
    %dma_wait3A_233 = arith.constant 0 : i32
    %dma_wait3A_234 = tpu.memref_slice %arg18[%add3A_232, %dma_wait3A_233] : memref<10240x64xf32, #tpu.memory_space<vmem_shared>> -> memref<64x64xf32, #tpu.memory_space<vmem_shared>>
    %dma_wait3A_235 = arith.constant 0 : i32
    %dma_wait3A_236 = tpu.memref_slice %arg18[%add3A_232, %dma_wait3A_235] : memref<10240x64xf32, #tpu.memory_space<vmem_shared>> -> memref<64x64xf32, #tpu.memory_space<vmem_shared>>
    tpu.wait_dma2 semaphore(%arg35 : memref<!tpu.dma_semaphore, #tpu.memory_space<semaphore_mem>>) src(%arg17 : memref<64x64xf32, #tpu.memory_space<vmem>>) dst(%dma_wait3A_236 : memref<64x64xf32, #tpu.memory_space<vmem_shared>>)
    %barrier3A = arith.constant 0 : index
    tpu.barrier barrier_id(%barrier3A)
    %dma_start3A_237 = arith.constant 5 : i32
    %dma_start3A_238 = arith.constant 0 : i32
    %dma_start3A_239 = tpu.memref_slice %arg7[%dma_start3A_237, %dma_start3A_238] : memref<80x125xi32, #tpu.memory_space<vmem>> -> memref<1x125xi32, #tpu.memory_space<vmem>>
    %dma_start3A_240 = tpu.memref_squeeze %dma_start3A_239 : memref<1x125xi32, #tpu.memory_space<vmem>> -> memref<125xi32, #tpu.memory_space<vmem>>
    %dma_start3A_241 = arith.constant 0 : i32
    %dma_start3A_242 = arith.constant 0 : i32
    %dma_start3A_243 = tpu.memref_slice %arg2[%dma_start3A_241, %dma_start3A_242] : memref<10240x64xf32, #tpu.memory_space<hbm>> -> memref<10240x64xf32, #tpu.memory_space<hbm>>
    tpu.enqueue_indirect_dma source(%dma_start3A_243 : memref<10240x64xf32, #tpu.memory_space<hbm>>) target(%arg14 : memref<125x64xf32, #tpu.memory_space<vmem>>) offsets(%dma_start3A_240 : memref<125xi32, #tpu.memory_space<vmem>>) semaphore(%arg24 : memref<!tpu.dma_semaphore, #tpu.memory_space<semaphore_mem>>)
    %dma_wait3A_244 = arith.constant 0 : i32
    %dma_wait3A_245 = arith.constant 0 : i32
    %dma_wait3A_246 = tpu.memref_slice %arg7[%dma_wait3A_244, %dma_wait3A_245] : memref<80x125xi32, #tpu.memory_space<vmem>> -> memref<1x125xi32, #tpu.memory_space<vmem>>
    %dma_wait3A_247 = tpu.memref_squeeze %dma_wait3A_246 : memref<1x125xi32, #tpu.memory_space<vmem>> -> memref<125xi32, #tpu.memory_space<vmem>>
    %dma_wait3A_248 = arith.constant 0 : i32
    %dma_wait3A_249 = arith.constant 0 : i32
    %dma_wait3A_250 = tpu.memref_slice %arg2[%dma_wait3A_248, %dma_wait3A_249] : memref<10240x64xf32, #tpu.memory_space<hbm>> -> memref<10240x64xf32, #tpu.memory_space<hbm>>
    tpu.wait_indirect_dma semaphore(%arg19 : memref<!tpu.dma_semaphore, #tpu.memory_space<semaphore_mem>>) src(%dma_wait3A_250 : memref<10240x64xf32, #tpu.memory_space<hbm>>) dst(%arg9 : memref<125x64xf32, #tpu.memory_space<vmem>>)
    %dma_start3A_251 = arith.constant 0 : i32
    %dma_start3A_252 = arith.constant 0 : i32
    %dma_start3A_253 = tpu.memref_slice %arg8[%dma_start3A_251, %dma_start3A_252] : memref<80x125xi32, #tpu.memory_space<vmem>> -> memref<1x125xi32, #tpu.memory_space<vmem>>
    %dma_start3A_254 = tpu.memref_squeeze %dma_start3A_253 : memref<1x125xi32, #tpu.memory_space<vmem>> -> memref<125xi32, #tpu.memory_space<vmem>>
    %dma_start3A_255 = arith.constant 0 : i32
    %dma_start3A_256 = arith.constant 0 : i32
    %dma_start3A_257 = tpu.memref_slice %arg18[%dma_start3A_255, %dma_start3A_256] : memref<10240x64xf32, #tpu.memory_space<vmem_shared>> -> memref<10240x64xf32, #tpu.memory_space<vmem_shared>>
    tpu.enqueue_indirect_dma source(%arg9 : memref<125x64xf32, #tpu.memory_space<vmem>>) target(%dma_start3A_257 : memref<10240x64xf32, #tpu.memory_space<vmem_shared>>) offsets(%dma_start3A_254 : memref<125xi32, #tpu.memory_space<vmem>>) semaphore(%arg27 : memref<!tpu.dma_semaphore, #tpu.memory_space<semaphore_mem>>) {add = true}
    %dma_start3A_258 = arith.constant 6 : i32
    %dma_start3A_259 = arith.constant 0 : i32
    %dma_start3A_260 = tpu.memref_slice %arg7[%dma_start3A_258, %dma_start3A_259] : memref<80x125xi32, #tpu.memory_space<vmem>> -> memref<1x125xi32, #tpu.memory_space<vmem>>
    %dma_start3A_261 = tpu.memref_squeeze %dma_start3A_260 : memref<1x125xi32, #tpu.memory_space<vmem>> -> memref<125xi32, #tpu.memory_space<vmem>>
    %dma_start3A_262 = arith.constant 0 : i32
    %dma_start3A_263 = arith.constant 0 : i32
    %dma_start3A_264 = tpu.memref_slice %arg2[%dma_start3A_262, %dma_start3A_263] : memref<10240x64xf32, #tpu.memory_space<hbm>> -> memref<10240x64xf32, #tpu.memory_space<hbm>>
    tpu.enqueue_indirect_dma source(%dma_start3A_264 : memref<10240x64xf32, #tpu.memory_space<hbm>>) target(%arg15 : memref<125x64xf32, #tpu.memory_space<vmem>>) offsets(%dma_start3A_261 : memref<125xi32, #tpu.memory_space<vmem>>) semaphore(%arg25 : memref<!tpu.dma_semaphore, #tpu.memory_space<semaphore_mem>>)
    %dma_wait3A_265 = arith.constant 1 : i32
    %dma_wait3A_266 = arith.constant 0 : i32
    %dma_wait3A_267 = tpu.memref_slice %arg7[%dma_wait3A_265, %dma_wait3A_266] : memref<80x125xi32, #tpu.memory_space<vmem>> -> memref<1x125xi32, #tpu.memory_space<vmem>>
    %dma_wait3A_268 = tpu.memref_squeeze %dma_wait3A_267 : memref<1x125xi32, #tpu.memory_space<vmem>> -> memref<125xi32, #tpu.memory_space<vmem>>
    %dma_wait3A_269 = arith.constant 0 : i32
    %dma_wait3A_270 = arith.constant 0 : i32
    %dma_wait3A_271 = tpu.memref_slice %arg2[%dma_wait3A_269, %dma_wait3A_270] : memref<10240x64xf32, #tpu.memory_space<hbm>> -> memref<10240x64xf32, #tpu.memory_space<hbm>>
    tpu.wait_indirect_dma semaphore(%arg20 : memref<!tpu.dma_semaphore, #tpu.memory_space<semaphore_mem>>) src(%dma_wait3A_271 : memref<10240x64xf32, #tpu.memory_space<hbm>>) dst(%arg10 : memref<125x64xf32, #tpu.memory_space<vmem>>)
    %dma_start3A_272 = arith.constant 1 : i32
    %dma_start3A_273 = arith.constant 0 : i32
    %dma_start3A_274 = tpu.memref_slice %arg8[%dma_start3A_272, %dma_start3A_273] : memref<80x125xi32, #tpu.memory_space<vmem>> -> memref<1x125xi32, #tpu.memory_space<vmem>>
    %dma_start3A_275 = tpu.memref_squeeze %dma_start3A_274 : memref<1x125xi32, #tpu.memory_space<vmem>> -> memref<125xi32, #tpu.memory_space<vmem>>
    %dma_start3A_276 = arith.constant 0 : i32
    %dma_start3A_277 = arith.constant 0 : i32
    %dma_start3A_278 = tpu.memref_slice %arg18[%dma_start3A_276, %dma_start3A_277] : memref<10240x64xf32, #tpu.memory_space<vmem_shared>> -> memref<10240x64xf32, #tpu.memory_space<vmem_shared>>
    tpu.enqueue_indirect_dma source(%arg10 : memref<125x64xf32, #tpu.memory_space<vmem>>) target(%dma_start3A_278 : memref<10240x64xf32, #tpu.memory_space<vmem_shared>>) offsets(%dma_start3A_275 : memref<125xi32, #tpu.memory_space<vmem>>) semaphore(%arg28 : memref<!tpu.dma_semaphore, #tpu.memory_space<semaphore_mem>>) {add = true}
    %dma_start3A_279 = arith.constant 7 : i32
    %dma_start3A_280 = arith.constant 0 : i32
    %dma_start3A_281 = tpu.memref_slice %arg7[%dma_start3A_279, %dma_start3A_280] : memref<80x125xi32, #tpu.memory_space<vmem>> -> memref<1x125xi32, #tpu.memory_space<vmem>>
    %dma_start3A_282 = tpu.memref_squeeze %dma_start3A_281 : memref<1x125xi32, #tpu.memory_space<vmem>> -> memref<125xi32, #tpu.memory_space<vmem>>
    %dma_start3A_283 = arith.constant 0 : i32
    %dma_start3A_284 = arith.constant 0 : i32
    %dma_start3A_285 = tpu.memref_slice %arg2[%dma_start3A_283, %dma_start3A_284] : memref<10240x64xf32, #tpu.memory_space<hbm>> -> memref<10240x64xf32, #tpu.memory_space<hbm>>
    tpu.enqueue_indirect_dma source(%dma_start3A_285 : memref<10240x64xf32, #tpu.memory_space<hbm>>) target(%arg16 : memref<125x64xf32, #tpu.memory_space<vmem>>) offsets(%dma_start3A_282 : memref<125xi32, #tpu.memory_space<vmem>>) semaphore(%arg26 : memref<!tpu.dma_semaphore, #tpu.memory_space<semaphore_mem>>)
    %dma_wait3A_286 = arith.constant 2 : i32
    %dma_wait3A_287 = arith.constant 0 : i32
    %dma_wait3A_288 = tpu.memref_slice %arg7[%dma_wait3A_286, %dma_wait3A_287] : memref<80x125xi32, #tpu.memory_space<vmem>> -> memref<1x125xi32, #tpu.memory_space<vmem>>
    %dma_wait3A_289 = tpu.memref_squeeze %dma_wait3A_288 : memref<1x125xi32, #tpu.memory_space<vmem>> -> memref<125xi32, #tpu.memory_space<vmem>>
    %dma_wait3A_290 = arith.constant 0 : i32
    %dma_wait3A_291 = arith.constant 0 : i32
    %dma_wait3A_292 = tpu.memref_slice %arg2[%dma_wait3A_290, %dma_wait3A_291] : memref<10240x64xf32, #tpu.memory_space<hbm>> -> memref<10240x64xf32, #tpu.memory_space<hbm>>
    tpu.wait_indirect_dma semaphore(%arg21 : memref<!tpu.dma_semaphore, #tpu.memory_space<semaphore_mem>>) src(%dma_wait3A_292 : memref<10240x64xf32, #tpu.memory_space<hbm>>) dst(%arg11 : memref<125x64xf32, #tpu.memory_space<vmem>>)
    %dma_start3A_293 = arith.constant 2 : i32
    %dma_start3A_294 = arith.constant 0 : i32
    %dma_start3A_295 = tpu.memref_slice %arg8[%dma_start3A_293, %dma_start3A_294] : memref<80x125xi32, #tpu.memory_space<vmem>> -> memref<1x125xi32, #tpu.memory_space<vmem>>
    %dma_start3A_296 = tpu.memref_squeeze %dma_start3A_295 : memref<1x125xi32, #tpu.memory_space<vmem>> -> memref<125xi32, #tpu.memory_space<vmem>>
    %dma_start3A_297 = arith.constant 0 : i32
    %dma_start3A_298 = arith.constant 0 : i32
    %dma_start3A_299 = tpu.memref_slice %arg18[%dma_start3A_297, %dma_start3A_298] : memref<10240x64xf32, #tpu.memory_space<vmem_shared>> -> memref<10240x64xf32, #tpu.memory_space<vmem_shared>>
    tpu.enqueue_indirect_dma source(%arg11 : memref<125x64xf32, #tpu.memory_space<vmem>>) target(%dma_start3A_299 : memref<10240x64xf32, #tpu.memory_space<vmem_shared>>) offsets(%dma_start3A_296 : memref<125xi32, #tpu.memory_space<vmem>>) semaphore(%arg29 : memref<!tpu.dma_semaphore, #tpu.memory_space<semaphore_mem>>) {add = true}
    %dma_wait3A_300 = arith.constant 0 : i32
    %dma_wait3A_301 = arith.constant 0 : i32
    %dma_wait3A_302 = tpu.memref_slice %arg8[%dma_wait3A_300, %dma_wait3A_301] : memref<80x125xi32, #tpu.memory_space<vmem>> -> memref<1x125xi32, #tpu.memory_space<vmem>>
    %dma_wait3A_303 = tpu.memref_squeeze %dma_wait3A_302 : memref<1x125xi32, #tpu.memory_space<vmem>> -> memref<125xi32, #tpu.memory_space<vmem>>
    %dma_wait3A_304 = arith.constant 0 : i32
    %dma_wait3A_305 = arith.constant 0 : i32
    %dma_wait3A_306 = tpu.memref_slice %arg18[%dma_wait3A_304, %dma_wait3A_305] : memref<10240x64xf32, #tpu.memory_space<vmem_shared>> -> memref<10240x64xf32, #tpu.memory_space<vmem_shared>>
    tpu.wait_indirect_dma semaphore(%arg27 : memref<!tpu.dma_semaphore, #tpu.memory_space<semaphore_mem>>) src(%arg9 : memref<125x64xf32, #tpu.memory_space<vmem>>) dst(%dma_wait3A_306 : memref<10240x64xf32, #tpu.memory_space<vmem_shared>>)
    %dma_start3A_307 = arith.constant 8 : i32
    %dma_start3A_308 = arith.constant 0 : i32
    %dma_start3A_309 = tpu.memref_slice %arg7[%dma_start3A_307, %dma_start3A_308] : memref<80x125xi32, #tpu.memory_space<vmem>> -> memref<1x125xi32, #tpu.memory_space<vmem>>
    %dma_start3A_310 = tpu.memref_squeeze %dma_start3A_309 : memref<1x125xi32, #tpu.memory_space<vmem>> -> memref<125xi32, #tpu.memory_space<vmem>>
    %dma_start3A_311 = arith.constant 0 : i32
    %dma_start3A_312 = arith.constant 0 : i32
    %dma_start3A_313 = tpu.memref_slice %arg2[%dma_start3A_311, %dma_start3A_312] : memref<10240x64xf32, #tpu.memory_space<hbm>> -> memref<10240x64xf32, #tpu.memory_space<hbm>>
    tpu.enqueue_indirect_dma source(%dma_start3A_313 : memref<10240x64xf32, #tpu.memory_space<hbm>>) target(%arg9 : memref<125x64xf32, #tpu.memory_space<vmem>>) offsets(%dma_start3A_310 : memref<125xi32, #tpu.memory_space<vmem>>) semaphore(%arg19 : memref<!tpu.dma_semaphore, #tpu.memory_space<semaphore_mem>>)
    %dma_wait3A_314 = arith.constant 3 : i32
    %dma_wait3A_315 = arith.constant 0 : i32
    %dma_wait3A_316 = tpu.memref_slice %arg7[%dma_wait3A_314, %dma_wait3A_315] : memref<80x125xi32, #tpu.memory_space<vmem>> -> memref<1x125xi32, #tpu.memory_space<vmem>>
    %dma_wait3A_317 = tpu.memref_squeeze %dma_wait3A_316 : memref<1x125xi32, #tpu.memory_space<vmem>> -> memref<125xi32, #tpu.memory_space<vmem>>
    %dma_wait3A_318 = arith.constant 0 : i32
    %dma_wait3A_319 = arith.constant 0 : i32
    %dma_wait3A_320 = tpu.memref_slice %arg2[%dma_wait3A_318, %dma_wait3A_319] : memref<10240x64xf32, #tpu.memory_space<hbm>> -> memref<10240x64xf32, #tpu.memory_space<hbm>>
    tpu.wait_indirect_dma semaphore(%arg22 : memref<!tpu.dma_semaphore, #tpu.memory_space<semaphore_mem>>) src(%dma_wait3A_320 : memref<10240x64xf32, #tpu.memory_space<hbm>>) dst(%arg12 : memref<125x64xf32, #tpu.memory_space<vmem>>)
    %dma_start3A_321 = arith.constant 3 : i32
    %dma_start3A_322 = arith.constant 0 : i32
    %dma_start3A_323 = tpu.memref_slice %arg8[%dma_start3A_321, %dma_start3A_322] : memref<80x125xi32, #tpu.memory_space<vmem>> -> memref<1x125xi32, #tpu.memory_space<vmem>>
    %dma_start3A_324 = tpu.memref_squeeze %dma_start3A_323 : memref<1x125xi32, #tpu.memory_space<vmem>> -> memref<125xi32, #tpu.memory_space<vmem>>
    %dma_start3A_325 = arith.constant 0 : i32
    %dma_start3A_326 = arith.constant 0 : i32
    %dma_start3A_327 = tpu.memref_slice %arg18[%dma_start3A_325, %dma_start3A_326] : memref<10240x64xf32, #tpu.memory_space<vmem_shared>> -> memref<10240x64xf32, #tpu.memory_space<vmem_shared>>
    tpu.enqueue_indirect_dma source(%arg12 : memref<125x64xf32, #tpu.memory_space<vmem>>) target(%dma_start3A_327 : memref<10240x64xf32, #tpu.memory_space<vmem_shared>>) offsets(%dma_start3A_324 : memref<125xi32, #tpu.memory_space<vmem>>) semaphore(%arg30 : memref<!tpu.dma_semaphore, #tpu.memory_space<semaphore_mem>>) {add = true}
    %dma_wait3A_328 = arith.constant 1 : i32
    %dma_wait3A_329 = arith.constant 0 : i32
    %dma_wait3A_330 = tpu.memref_slice %arg8[%dma_wait3A_328, %dma_wait3A_329] : memref<80x125xi32, #tpu.memory_space<vmem>> -> memref<1x125xi32, #tpu.memory_space<vmem>>
    %dma_wait3A_331 = tpu.memref_squeeze %dma_wait3A_330 : memref<1x125xi32, #tpu.memory_space<vmem>> -> memref<125xi32, #tpu.memory_space<vmem>>
    %dma_wait3A_332 = arith.constant 0 : i32
    %dma_wait3A_333 = arith.constant 0 : i32
    %dma_wait3A_334 = tpu.memref_slice %arg18[%dma_wait3A_332, %dma_wait3A_333] : memref<10240x64xf32, #tpu.memory_space<vmem_shared>> -> memref<10240x64xf32, #tpu.memory_space<vmem_shared>>
    tpu.wait_indirect_dma semaphore(%arg28 : memref<!tpu.dma_semaphore, #tpu.memory_space<semaphore_mem>>) src(%arg10 : memref<125x64xf32, #tpu.memory_space<vmem>>) dst(%dma_wait3A_334 : memref<10240x64xf32, #tpu.memory_space<vmem_shared>>)
    %dma_start3A_335 = arith.constant 9 : i32
    %dma_start3A_336 = arith.constant 0 : i32
    %dma_start3A_337 = tpu.memref_slice %arg7[%dma_start3A_335, %dma_start3A_336] : memref<80x125xi32, #tpu.memory_space<vmem>> -> memref<1x125xi32, #tpu.memory_space<vmem>>
    %dma_start3A_338 = tpu.memref_squeeze %dma_start3A_337 : memref<1x125xi32, #tpu.memory_space<vmem>> -> memref<125xi32, #tpu.memory_space<vmem>>
    %dma_start3A_339 = arith.constant 0 : i32
    %dma_start3A_340 = arith.constant 0 : i32
    %dma_start3A_341 = tpu.memref_slice %arg2[%dma_start3A_339, %dma_start3A_340] : memref<10240x64xf32, #tpu.memory_space<hbm>> -> memref<10240x64xf32, #tpu.memory_space<hbm>>
    tpu.enqueue_indirect_dma source(%dma_start3A_341 : memref<10240x64xf32, #tpu.memory_space<hbm>>) target(%arg10 : memref<125x64xf32, #tpu.memory_space<vmem>>) offsets(%dma_start3A_338 : memref<125xi32, #tpu.memory_space<vmem>>) semaphore(%arg20 : memref<!tpu.dma_semaphore, #tpu.memory_space<semaphore_mem>>)
    %dma_wait3A_342 = arith.constant 4 : i32
    %dma_wait3A_343 = arith.constant 0 : i32
    %dma_wait3A_344 = tpu.memref_slice %arg7[%dma_wait3A_342, %dma_wait3A_343] : memref<80x125xi32, #tpu.memory_space<vmem>> -> memref<1x125xi32, #tpu.memory_space<vmem>>
    %dma_wait3A_345 = tpu.memref_squeeze %dma_wait3A_344 : memref<1x125xi32, #tpu.memory_space<vmem>> -> memref<125xi32, #tpu.memory_space<vmem>>
    %dma_wait3A_346 = arith.constant 0 : i32
    %dma_wait3A_347 = arith.constant 0 : i32
    %dma_wait3A_348 = tpu.memref_slice %arg2[%dma_wait3A_346, %dma_wait3A_347] : memref<10240x64xf32, #tpu.memory_space<hbm>> -> memref<10240x64xf32, #tpu.memory_space<hbm>>
    tpu.wait_indirect_dma semaphore(%arg23 : memref<!tpu.dma_semaphore, #tpu.memory_space<semaphore_mem>>) src(%dma_wait3A_348 : memref<10240x64xf32, #tpu.memory_space<hbm>>) dst(%arg13 : memref<125x64xf32, #tpu.memory_space<vmem>>)
    %dma_start3A_349 = arith.constant 4 : i32
    %dma_start3A_350 = arith.constant 0 : i32
    %dma_start3A_351 = tpu.memref_slice %arg8[%dma_start3A_349, %dma_start3A_350] : memref<80x125xi32, #tpu.memory_space<vmem>> -> memref<1x125xi32, #tpu.memory_space<vmem>>
    %dma_start3A_352 = tpu.memref_squeeze %dma_start3A_351 : memref<1x125xi32, #tpu.memory_space<vmem>> -> memref<125xi32, #tpu.memory_space<vmem>>
    %dma_start3A_353 = arith.constant 0 : i32
    %dma_start3A_354 = arith.constant 0 : i32
    %dma_start3A_355 = tpu.memref_slice %arg18[%dma_start3A_353, %dma_start3A_354] : memref<10240x64xf32, #tpu.memory_space<vmem_shared>> -> memref<10240x64xf32, #tpu.memory_space<vmem_shared>>
    tpu.enqueue_indirect_dma source(%arg13 : memref<125x64xf32, #tpu.memory_space<vmem>>) target(%dma_start3A_355 : memref<10240x64xf32, #tpu.memory_space<vmem_shared>>) offsets(%dma_start3A_352 : memref<125xi32, #tpu.memory_space<vmem>>) semaphore(%arg31 : memref<!tpu.dma_semaphore, #tpu.memory_space<semaphore_mem>>) {add = true}
    %dma_wait3A_356 = arith.constant 2 : i32
    %dma_wait3A_357 = arith.constant 0 : i32
    %dma_wait3A_358 = tpu.memref_slice %arg8[%dma_wait3A_356, %dma_wait3A_357] : memref<80x125xi32, #tpu.memory_space<vmem>> -> memref<1x125xi32, #tpu.memory_space<vmem>>
    %dma_wait3A_359 = tpu.memref_squeeze %dma_wait3A_358 : memref<1x125xi32, #tpu.memory_space<vmem>> -> memref<125xi32, #tpu.memory_space<vmem>>
    %dma_wait3A_360 = arith.constant 0 : i32
    %dma_wait3A_361 = arith.constant 0 : i32
    %dma_wait3A_362 = tpu.memref_slice %arg18[%dma_wait3A_360, %dma_wait3A_361] : memref<10240x64xf32, #tpu.memory_space<vmem_shared>> -> memref<10240x64xf32, #tpu.memory_space<vmem_shared>>
    tpu.wait_indirect_dma semaphore(%arg29 : memref<!tpu.dma_semaphore, #tpu.memory_space<semaphore_mem>>) src(%arg11 : memref<125x64xf32, #tpu.memory_space<vmem>>) dst(%dma_wait3A_362 : memref<10240x64xf32, #tpu.memory_space<vmem_shared>>)
    %dma_start3A_363 = arith.constant 10 : i32
    %dma_start3A_364 = arith.constant 0 : i32
    %dma_start3A_365 = tpu.memref_slice %arg7[%dma_start3A_363, %dma_start3A_364] : memref<80x125xi32, #tpu.memory_space<vmem>> -> memref<1x125xi32, #tpu.memory_space<vmem>>
    %dma_start3A_366 = tpu.memref_squeeze %dma_start3A_365 : memref<1x125xi32, #tpu.memory_space<vmem>> -> memref<125xi32, #tpu.memory_space<vmem>>
    %dma_start3A_367 = arith.constant 0 : i32
    %dma_start3A_368 = arith.constant 0 : i32
    %dma_start3A_369 = tpu.memref_slice %arg2[%dma_start3A_367, %dma_start3A_368] : memref<10240x64xf32, #tpu.memory_space<hbm>> -> memref<10240x64xf32, #tpu.memory_space<hbm>>
    tpu.enqueue_indirect_dma source(%dma_start3A_369 : memref<10240x64xf32, #tpu.memory_space<hbm>>) target(%arg11 : memref<125x64xf32, #tpu.memory_space<vmem>>) offsets(%dma_start3A_366 : memref<125xi32, #tpu.memory_space<vmem>>) semaphore(%arg21 : memref<!tpu.dma_semaphore, #tpu.memory_space<semaphore_mem>>)
    %dma_wait3A_370 = arith.constant 5 : i32
    %dma_wait3A_371 = arith.constant 0 : i32
    %dma_wait3A_372 = tpu.memref_slice %arg7[%dma_wait3A_370, %dma_wait3A_371] : memref<80x125xi32, #tpu.memory_space<vmem>> -> memref<1x125xi32, #tpu.memory_space<vmem>>
    %dma_wait3A_373 = tpu.memref_squeeze %dma_wait3A_372 : memref<1x125xi32, #tpu.memory_space<vmem>> -> memref<125xi32, #tpu.memory_space<vmem>>
    %dma_wait3A_374 = arith.constant 0 : i32
    %dma_wait3A_375 = arith.constant 0 : i32
    %dma_wait3A_376 = tpu.memref_slice %arg2[%dma_wait3A_374, %dma_wait3A_375] : memref<10240x64xf32, #tpu.memory_space<hbm>> -> memref<10240x64xf32, #tpu.memory_space<hbm>>
    tpu.wait_indirect_dma semaphore(%arg24 : memref<!tpu.dma_semaphore, #tpu.memory_space<semaphore_mem>>) src(%dma_wait3A_376 : memref<10240x64xf32, #tpu.memory_space<hbm>>) dst(%arg14 : memref<125x64xf32, #tpu.memory_space<vmem>>)
    %dma_start3A_377 = arith.constant 5 : i32
    %dma_start3A_378 = arith.constant 0 : i32
    %dma_start3A_379 = tpu.memref_slice %arg8[%dma_start3A_377, %dma_start3A_378] : memref<80x125xi32, #tpu.memory_space<vmem>> -> memref<1x125xi32, #tpu.memory_space<vmem>>
    %dma_start3A_380 = tpu.memref_squeeze %dma_start3A_379 : memref<1x125xi32, #tpu.memory_space<vmem>> -> memref<125xi32, #tpu.memory_space<vmem>>
    %dma_start3A_381 = arith.constant 0 : i32
    %dma_start3A_382 = arith.constant 0 : i32
    %dma_start3A_383 = tpu.memref_slice %arg18[%dma_start3A_381, %dma_start3A_382] : memref<10240x64xf32, #tpu.memory_space<vmem_shared>> -> memref<10240x64xf32, #tpu.memory_space<vmem_shared>>
    tpu.enqueue_indirect_dma source(%arg14 : memref<125x64xf32, #tpu.memory_space<vmem>>) target(%dma_start3A_383 : memref<10240x64xf32, #tpu.memory_space<vmem_shared>>) offsets(%dma_start3A_380 : memref<125xi32, #tpu.memory_space<vmem>>) semaphore(%arg32 : memref<!tpu.dma_semaphore, #tpu.memory_space<semaphore_mem>>) {add = true}
    %dma_wait3A_384 = arith.constant 3 : i32
    %dma_wait3A_385 = arith.constant 0 : i32
    %dma_wait3A_386 = tpu.memref_slice %arg8[%dma_wait3A_384, %dma_wait3A_385] : memref<80x125xi32, #tpu.memory_space<vmem>> -> memref<1x125xi32, #tpu.memory_space<vmem>>
    %dma_wait3A_387 = tpu.memref_squeeze %dma_wait3A_386 : memref<1x125xi32, #tpu.memory_space<vmem>> -> memref<125xi32, #tpu.memory_space<vmem>>
    %dma_wait3A_388 = arith.constant 0 : i32
    %dma_wait3A_389 = arith.constant 0 : i32
    %dma_wait3A_390 = tpu.memref_slice %arg18[%dma_wait3A_388, %dma_wait3A_389] : memref<10240x64xf32, #tpu.memory_space<vmem_shared>> -> memref<10240x64xf32, #tpu.memory_space<vmem_shared>>
    tpu.wait_indirect_dma semaphore(%arg30 : memref<!tpu.dma_semaphore, #tpu.memory_space<semaphore_mem>>) src(%arg12 : memref<125x64xf32, #tpu.memory_space<vmem>>) dst(%dma_wait3A_390 : memref<10240x64xf32, #tpu.memory_space<vmem_shared>>)
    %dma_start3A_391 = arith.constant 11 : i32
    %dma_start3A_392 = arith.constant 0 : i32
    %dma_start3A_393 = tpu.memref_slice %arg7[%dma_start3A_391, %dma_start3A_392] : memref<80x125xi32, #tpu.memory_space<vmem>> -> memref<1x125xi32, #tpu.memory_space<vmem>>
    %dma_start3A_394 = tpu.memref_squeeze %dma_start3A_393 : memref<1x125xi32, #tpu.memory_space<vmem>> -> memref<125xi32, #tpu.memory_space<vmem>>
    %dma_start3A_395 = arith.constant 0 : i32
    %dma_start3A_396 = arith.constant 0 : i32
    %dma_start3A_397 = tpu.memref_slice %arg2[%dma_start3A_395, %dma_start3A_396] : memref<10240x64xf32, #tpu.memory_space<hbm>> -> memref<10240x64xf32, #tpu.memory_space<hbm>>
    tpu.enqueue_indirect_dma source(%dma_start3A_397 : memref<10240x64xf32, #tpu.memory_space<hbm>>) target(%arg12 : memref<125x64xf32, #tpu.memory_space<vmem>>) offsets(%dma_start3A_394 : memref<125xi32, #tpu.memory_space<vmem>>) semaphore(%arg22 : memref<!tpu.dma_semaphore, #tpu.memory_space<semaphore_mem>>)
    %dma_wait3A_398 = arith.constant 6 : i32
    %dma_wait3A_399 = arith.constant 0 : i32
    %dma_wait3A_400 = tpu.memref_slice %arg7[%dma_wait3A_398, %dma_wait3A_399] : memref<80x125xi32, #tpu.memory_space<vmem>> -> memref<1x125xi32, #tpu.memory_space<vmem>>
    %dma_wait3A_401 = tpu.memref_squeeze %dma_wait3A_400 : memref<1x125xi32, #tpu.memory_space<vmem>> -> memref<125xi32, #tpu.memory_space<vmem>>
    %dma_wait3A_402 = arith.constant 0 : i32
    %dma_wait3A_403 = arith.constant 0 : i32
    %dma_wait3A_404 = tpu.memref_slice %arg2[%dma_wait3A_402, %dma_wait3A_403] : memref<10240x64xf32, #tpu.memory_space<hbm>> -> memref<10240x64xf32, #tpu.memory_space<hbm>>
    tpu.wait_indirect_dma semaphore(%arg25 : memref<!tpu.dma_semaphore, #tpu.memory_space<semaphore_mem>>) src(%dma_wait3A_404 : memref<10240x64xf32, #tpu.memory_space<hbm>>) dst(%arg15 : memref<125x64xf32, #tpu.memory_space<vmem>>)
    %dma_start3A_405 = arith.constant 6 : i32
    %dma_start3A_406 = arith.constant 0 : i32
    %dma_start3A_407 = tpu.memref_slice %arg8[%dma_start3A_405, %dma_start3A_406] : memref<80x125xi32, #tpu.memory_space<vmem>> -> memref<1x125xi32, #tpu.memory_space<vmem>>
    %dma_start3A_408 = tpu.memref_squeeze %dma_start3A_407 : memref<1x125xi32, #tpu.memory_space<vmem>> -> memref<125xi32, #tpu.memory_space<vmem>>
    %dma_start3A_409 = arith.constant 0 : i32
    %dma_start3A_410 = arith.constant 0 : i32
    %dma_start3A_411 = tpu.memref_slice %arg18[%dma_start3A_409, %dma_start3A_410] : memref<10240x64xf32, #tpu.memory_space<vmem_shared>> -> memref<10240x64xf32, #tpu.memory_space<vmem_shared>>
    tpu.enqueue_indirect_dma source(%arg15 : memref<125x64xf32, #tpu.memory_space<vmem>>) target(%dma_start3A_411 : memref<10240x64xf32, #tpu.memory_space<vmem_shared>>) offsets(%dma_start3A_408 : memref<125xi32, #tpu.memory_space<vmem>>) semaphore(%arg33 : memref<!tpu.dma_semaphore, #tpu.memory_space<semaphore_mem>>) {add = true}
    %dma_wait3A_412 = arith.constant 4 : i32
    %dma_wait3A_413 = arith.constant 0 : i32
    %dma_wait3A_414 = tpu.memref_slice %arg8[%dma_wait3A_412, %dma_wait3A_413] : memref<80x125xi32, #tpu.memory_space<vmem>> -> memref<1x125xi32, #tpu.memory_space<vmem>>
    %dma_wait3A_415 = tpu.memref_squeeze %dma_wait3A_414 : memref<1x125xi32, #tpu.memory_space<vmem>> -> memref<125xi32, #tpu.memory_space<vmem>>
    %dma_wait3A_416 = arith.constant 0 : i32
    %dma_wait3A_417 = arith.constant 0 : i32
    %dma_wait3A_418 = tpu.memref_slice %arg18[%dma_wait3A_416, %dma_wait3A_417] : memref<10240x64xf32, #tpu.memory_space<vmem_shared>> -> memref<10240x64xf32, #tpu.memory_space<vmem_shared>>
    tpu.wait_indirect_dma semaphore(%arg31 : memref<!tpu.dma_semaphore, #tpu.memory_space<semaphore_mem>>) src(%arg13 : memref<125x64xf32, #tpu.memory_space<vmem>>) dst(%dma_wait3A_418 : memref<10240x64xf32, #tpu.memory_space<vmem_shared>>)
    %dma_start3A_419 = arith.constant 12 : i32
    %dma_start3A_420 = arith.constant 0 : i32
    %dma_start3A_421 = tpu.memref_slice %arg7[%dma_start3A_419, %dma_start3A_420] : memref<80x125xi32, #tpu.memory_space<vmem>> -> memref<1x125xi32, #tpu.memory_space<vmem>>
    %dma_start3A_422 = tpu.memref_squeeze %dma_start3A_421 : memref<1x125xi32, #tpu.memory_space<vmem>> -> memref<125xi32, #tpu.memory_space<vmem>>
    %dma_start3A_423 = arith.constant 0 : i32
    %dma_start3A_424 = arith.constant 0 : i32
    %dma_start3A_425 = tpu.memref_slice %arg2[%dma_start3A_423, %dma_start3A_424] : memref<10240x64xf32, #tpu.memory_space<hbm>> -> memref<10240x64xf32, #tpu.memory_space<hbm>>
    tpu.enqueue_indirect_dma source(%dma_start3A_425 : memref<10240x64xf32, #tpu.memory_space<hbm>>) target(%arg13 : memref<125x64xf32, #tpu.memory_space<vmem>>) offsets(%dma_start3A_422 : memref<125xi32, #tpu.memory_space<vmem>>) semaphore(%arg23 : memref<!tpu.dma_semaphore, #tpu.memory_space<semaphore_mem>>)
    %dma_wait3A_426 = arith.constant 7 : i32
    %dma_wait3A_427 = arith.constant 0 : i32
    %dma_wait3A_428 = tpu.memref_slice %arg7[%dma_wait3A_426, %dma_wait3A_427] : memref<80x125xi32, #tpu.memory_space<vmem>> -> memref<1x125xi32, #tpu.memory_space<vmem>>
    %dma_wait3A_429 = tpu.memref_squeeze %dma_wait3A_428 : memref<1x125xi32, #tpu.memory_space<vmem>> -> memref<125xi32, #tpu.memory_space<vmem>>
    %dma_wait3A_430 = arith.constant 0 : i32
    %dma_wait3A_431 = arith.constant 0 : i32
    %dma_wait3A_432 = tpu.memref_slice %arg2[%dma_wait3A_430, %dma_wait3A_431] : memref<10240x64xf32, #tpu.memory_space<hbm>> -> memref<10240x64xf32, #tpu.memory_space<hbm>>
    tpu.wait_indirect_dma semaphore(%arg26 : memref<!tpu.dma_semaphore, #tpu.memory_space<semaphore_mem>>) src(%dma_wait3A_432 : memref<10240x64xf32, #tpu.memory_space<hbm>>) dst(%arg16 : memref<125x64xf32, #tpu.memory_space<vmem>>)
    %dma_start3A_433 = arith.constant 7 : i32
    %dma_start3A_434 = arith.constant 0 : i32
    %dma_start3A_435 = tpu.memref_slice %arg8[%dma_start3A_433, %dma_start3A_434] : memref<80x125xi32, #tpu.memory_space<vmem>> -> memref<1x125xi32, #tpu.memory_space<vmem>>
    %dma_start3A_436 = tpu.memref_squeeze %dma_start3A_435 : memref<1x125xi32, #tpu.memory_space<vmem>> -> memref<125xi32, #tpu.memory_space<vmem>>
    %dma_start3A_437 = arith.constant 0 : i32
    %dma_start3A_438 = arith.constant 0 : i32
    %dma_start3A_439 = tpu.memref_slice %arg18[%dma_start3A_437, %dma_start3A_438] : memref<10240x64xf32, #tpu.memory_space<vmem_shared>> -> memref<10240x64xf32, #tpu.memory_space<vmem_shared>>
    tpu.enqueue_indirect_dma source(%arg16 : memref<125x64xf32, #tpu.memory_space<vmem>>) target(%dma_start3A_439 : memref<10240x64xf32, #tpu.memory_space<vmem_shared>>) offsets(%dma_start3A_436 : memref<125xi32, #tpu.memory_space<vmem>>) semaphore(%arg34 : memref<!tpu.dma_semaphore, #tpu.memory_space<semaphore_mem>>) {add = true}
    %scan3A_440 = arith.constant 0 : i32
    %scan3A_441 = arith.constant 1 : i32
    %scan3A_442 = arith.constant 8 : i32
    %scan3A_443 = arith.addi %scan3A_441, %scan3A_442 : i32
    %scan3A_444 = arith.constant 1 : i32
    %scan3A_445 = scf.for %scan3A_1283 = %scan3A_441 to %scan3A_443 step %scan3A_444 iter_args(%scan3A_1284 = %scan3A_440) -> (i32)  : i32 {
      %mul3A_1285 = arith.constant 8 : i32
      %mul3A_1286 = arith.muli %mul3A_1285, %scan3A_1283 : i32
      %add3A_1287 = arith.constant 0 : i32
      %add3A_1288 = arith.addi %mul3A_1286, %add3A_1287 : i32
      %add3A_1289 = arith.constant 5 : i32
      %add3A_1290 = arith.addi %add3A_1288, %add3A_1289 : i32
      %sub3A = arith.constant 8 : i32
      %sub3A_1291 = arith.subi %add3A_1290, %sub3A : i32
      %dma_wait3A_1292 = arith.constant 0 : i32
      %dma_wait3A_1293 = tpu.memref_slice %arg8[%sub3A_1291, %dma_wait3A_1292] : memref<80x125xi32, #tpu.memory_space<vmem>> -> memref<1x125xi32, #tpu.memory_space<vmem>>
      %dma_wait3A_1294 = tpu.memref_squeeze %dma_wait3A_1293 : memref<1x125xi32, #tpu.memory_space<vmem>> -> memref<125xi32, #tpu.memory_space<vmem>>
      %dma_wait3A_1295 = arith.constant 0 : i32
      %dma_wait3A_1296 = arith.constant 0 : i32
      %dma_wait3A_1297 = tpu.memref_slice %arg18[%dma_wait3A_1295, %dma_wait3A_1296] : memref<10240x64xf32, #tpu.memory_space<vmem_shared>> -> memref<10240x64xf32, #tpu.memory_space<vmem_shared>>
      tpu.wait_indirect_dma semaphore(%arg32 : memref<!tpu.dma_semaphore, #tpu.memory_space<semaphore_mem>>) src(%arg14 : memref<125x64xf32, #tpu.memory_space<vmem>>) dst(%dma_wait3A_1297 : memref<10240x64xf32, #tpu.memory_space<vmem_shared>>)
      %add3A_1298 = arith.constant 5 : i32
      %add3A_1299 = arith.addi %add3A_1288, %add3A_1298 : i32
      %dma_start3A_1300 = arith.constant 0 : i32
      %dma_start3A_1301 = tpu.memref_slice %arg7[%add3A_1299, %dma_start3A_1300] : memref<80x125xi32, #tpu.memory_space<vmem>> -> memref<1x125xi32, #tpu.memory_space<vmem>>
      %dma_start3A_1302 = tpu.memref_squeeze %dma_start3A_1301 : memref<1x125xi32, #tpu.memory_space<vmem>> -> memref<125xi32, #tpu.memory_space<vmem>>
      %dma_start3A_1303 = arith.constant 0 : i32
      %dma_start3A_1304 = arith.constant 0 : i32
      %dma_start3A_1305 = tpu.memref_slice %arg2[%dma_start3A_1303, %dma_start3A_1304] : memref<10240x64xf32, #tpu.memory_space<hbm>> -> memref<10240x64xf32, #tpu.memory_space<hbm>>
      tpu.enqueue_indirect_dma source(%dma_start3A_1305 : memref<10240x64xf32, #tpu.memory_space<hbm>>) target(%arg14 : memref<125x64xf32, #tpu.memory_space<vmem>>) offsets(%dma_start3A_1302 : memref<125xi32, #tpu.memory_space<vmem>>) semaphore(%arg24 : memref<!tpu.dma_semaphore, #tpu.memory_space<semaphore_mem>>)
      %dma_wait3A_1306 = arith.constant 0 : i32
      %dma_wait3A_1307 = tpu.memref_slice %arg7[%add3A_1288, %dma_wait3A_1306] : memref<80x125xi32, #tpu.memory_space<vmem>> -> memref<1x125xi32, #tpu.memory_space<vmem>>
      %dma_wait3A_1308 = tpu.memref_squeeze %dma_wait3A_1307 : memref<1x125xi32, #tpu.memory_space<vmem>> -> memref<125xi32, #tpu.memory_space<vmem>>
      %dma_wait3A_1309 = arith.constant 0 : i32
      %dma_wait3A_1310 = arith.constant 0 : i32
      %dma_wait3A_1311 = tpu.memref_slice %arg2[%dma_wait3A_1309, %dma_wait3A_1310] : memref<10240x64xf32, #tpu.memory_space<hbm>> -> memref<10240x64xf32, #tpu.memory_space<hbm>>
      tpu.wait_indirect_dma semaphore(%arg19 : memref<!tpu.dma_semaphore, #tpu.memory_space<semaphore_mem>>) src(%dma_wait3A_1311 : memref<10240x64xf32, #tpu.memory_space<hbm>>) dst(%arg9 : memref<125x64xf32, #tpu.memory_space<vmem>>)
      %dma_start3A_1312 = arith.constant 0 : i32
      %dma_start3A_1313 = tpu.memref_slice %arg8[%add3A_1288, %dma_start3A_1312] : memref<80x125xi32, #tpu.memory_space<vmem>> -> memref<1x125xi32, #tpu.memory_space<vmem>>
      %dma_start3A_1314 = tpu.memref_squeeze %dma_start3A_1313 : memref<1x125xi32, #tpu.memory_space<vmem>> -> memref<125xi32, #tpu.memory_space<vmem>>
      %dma_start3A_1315 = arith.constant 0 : i32
      %dma_start3A_1316 = arith.constant 0 : i32
      %dma_start3A_1317 = tpu.memref_slice %arg18[%dma_start3A_1315, %dma_start3A_1316] : memref<10240x64xf32, #tpu.memory_space<vmem_shared>> -> memref<10240x64xf32, #tpu.memory_space<vmem_shared>>
      tpu.enqueue_indirect_dma source(%arg9 : memref<125x64xf32, #tpu.memory_space<vmem>>) target(%dma_start3A_1317 : memref<10240x64xf32, #tpu.memory_space<vmem_shared>>) offsets(%dma_start3A_1314 : memref<125xi32, #tpu.memory_space<vmem>>) semaphore(%arg27 : memref<!tpu.dma_semaphore, #tpu.memory_space<semaphore_mem>>) {add = true}
      %add3A_1318 = arith.constant 1 : i32
      %add3A_1319 = arith.addi %mul3A_1286, %add3A_1318 : i32
      %add3A_1320 = arith.constant 5 : i32
      %add3A_1321 = arith.addi %add3A_1319, %add3A_1320 : i32
      %sub3A_1322 = arith.constant 8 : i32
      %sub3A_1323 = arith.subi %add3A_1321, %sub3A_1322 : i32
      %dma_wait3A_1324 = arith.constant 0 : i32
      %dma_wait3A_1325 = tpu.memref_slice %arg8[%sub3A_1323, %dma_wait3A_1324] : memref<80x125xi32, #tpu.memory_space<vmem>> -> memref<1x125xi32, #tpu.memory_space<vmem>>
      %dma_wait3A_1326 = tpu.memref_squeeze %dma_wait3A_1325 : memref<1x125xi32, #tpu.memory_space<vmem>> -> memref<125xi32, #tpu.memory_space<vmem>>
      %dma_wait3A_1327 = arith.constant 0 : i32
      %dma_wait3A_1328 = arith.constant 0 : i32
      %dma_wait3A_1329 = tpu.memref_slice %arg18[%dma_wait3A_1327, %dma_wait3A_1328] : memref<10240x64xf32, #tpu.memory_space<vmem_shared>> -> memref<10240x64xf32, #tpu.memory_space<vmem_shared>>
      tpu.wait_indirect_dma semaphore(%arg33 : memref<!tpu.dma_semaphore, #tpu.memory_space<semaphore_mem>>) src(%arg15 : memref<125x64xf32, #tpu.memory_space<vmem>>) dst(%dma_wait3A_1329 : memref<10240x64xf32, #tpu.memory_space<vmem_shared>>)
      %add3A_1330 = arith.constant 5 : i32
      %add3A_1331 = arith.addi %add3A_1319, %add3A_1330 : i32
      %dma_start3A_1332 = arith.constant 0 : i32
      %dma_start3A_1333 = tpu.memref_slice %arg7[%add3A_1331, %dma_start3A_1332] : memref<80x125xi32, #tpu.memory_space<vmem>> -> memref<1x125xi32, #tpu.memory_space<vmem>>
      %dma_start3A_1334 = tpu.memref_squeeze %dma_start3A_1333 : memref<1x125xi32, #tpu.memory_space<vmem>> -> memref<125xi32, #tpu.memory_space<vmem>>
      %dma_start3A_1335 = arith.constant 0 : i32
      %dma_start3A_1336 = arith.constant 0 : i32
      %dma_start3A_1337 = tpu.memref_slice %arg2[%dma_start3A_1335, %dma_start3A_1336] : memref<10240x64xf32, #tpu.memory_space<hbm>> -> memref<10240x64xf32, #tpu.memory_space<hbm>>
      tpu.enqueue_indirect_dma source(%dma_start3A_1337 : memref<10240x64xf32, #tpu.memory_space<hbm>>) target(%arg15 : memref<125x64xf32, #tpu.memory_space<vmem>>) offsets(%dma_start3A_1334 : memref<125xi32, #tpu.memory_space<vmem>>) semaphore(%arg25 : memref<!tpu.dma_semaphore, #tpu.memory_space<semaphore_mem>>)
      %dma_wait3A_1338 = arith.constant 0 : i32
      %dma_wait3A_1339 = tpu.memref_slice %arg7[%add3A_1319, %dma_wait3A_1338] : memref<80x125xi32, #tpu.memory_space<vmem>> -> memref<1x125xi32, #tpu.memory_space<vmem>>
      %dma_wait3A_1340 = tpu.memref_squeeze %dma_wait3A_1339 : memref<1x125xi32, #tpu.memory_space<vmem>> -> memref<125xi32, #tpu.memory_space<vmem>>
      %dma_wait3A_1341 = arith.constant 0 : i32
      %dma_wait3A_1342 = arith.constant 0 : i32
      %dma_wait3A_1343 = tpu.memref_slice %arg2[%dma_wait3A_1341, %dma_wait3A_1342] : memref<10240x64xf32, #tpu.memory_space<hbm>> -> memref<10240x64xf32, #tpu.memory_space<hbm>>
      tpu.wait_indirect_dma semaphore(%arg20 : memref<!tpu.dma_semaphore, #tpu.memory_space<semaphore_mem>>) src(%dma_wait3A_1343 : memref<10240x64xf32, #tpu.memory_space<hbm>>) dst(%arg10 : memref<125x64xf32, #tpu.memory_space<vmem>>)
      %dma_start3A_1344 = arith.constant 0 : i32
      %dma_start3A_1345 = tpu.memref_slice %arg8[%add3A_1319, %dma_start3A_1344] : memref<80x125xi32, #tpu.memory_space<vmem>> -> memref<1x125xi32, #tpu.memory_space<vmem>>
      %dma_start3A_1346 = tpu.memref_squeeze %dma_start3A_1345 : memref<1x125xi32, #tpu.memory_space<vmem>> -> memref<125xi32, #tpu.memory_space<vmem>>
      %dma_start3A_1347 = arith.constant 0 : i32
      %dma_start3A_1348 = arith.constant 0 : i32
      %dma_start3A_1349 = tpu.memref_slice %arg18[%dma_start3A_1347, %dma_start3A_1348] : memref<10240x64xf32, #tpu.memory_space<vmem_shared>> -> memref<10240x64xf32, #tpu.memory_space<vmem_shared>>
      tpu.enqueue_indirect_dma source(%arg10 : memref<125x64xf32, #tpu.memory_space<vmem>>) target(%dma_start3A_1349 : memref<10240x64xf32, #tpu.memory_space<vmem_shared>>) offsets(%dma_start3A_1346 : memref<125xi32, #tpu.memory_space<vmem>>) semaphore(%arg28 : memref<!tpu.dma_semaphore, #tpu.memory_space<semaphore_mem>>) {add = true}
      %add3A_1350 = arith.constant 2 : i32
      %add3A_1351 = arith.addi %mul3A_1286, %add3A_1350 : i32
      %add3A_1352 = arith.constant 5 : i32
      %add3A_1353 = arith.addi %add3A_1351, %add3A_1352 : i32
      %sub3A_1354 = arith.constant 8 : i32
      %sub3A_1355 = arith.subi %add3A_1353, %sub3A_1354 : i32
      %dma_wait3A_1356 = arith.constant 0 : i32
      %dma_wait3A_1357 = tpu.memref_slice %arg8[%sub3A_1355, %dma_wait3A_1356] : memref<80x125xi32, #tpu.memory_space<vmem>> -> memref<1x125xi32, #tpu.memory_space<vmem>>
      %dma_wait3A_1358 = tpu.memref_squeeze %dma_wait3A_1357 : memref<1x125xi32, #tpu.memory_space<vmem>> -> memref<125xi32, #tpu.memory_space<vmem>>
      %dma_wait3A_1359 = arith.constant 0 : i32
      %dma_wait3A_1360 = arith.constant 0 : i32
      %dma_wait3A_1361 = tpu.memref_slice %arg18[%dma_wait3A_1359, %dma_wait3A_1360] : memref<10240x64xf32, #tpu.memory_space<vmem_shared>> -> memref<10240x64xf32, #tpu.memory_space<vmem_shared>>
      tpu.wait_indirect_dma semaphore(%arg34 : memref<!tpu.dma_semaphore, #tpu.memory_space<semaphore_mem>>) src(%arg16 : memref<125x64xf32, #tpu.memory_space<vmem>>) dst(%dma_wait3A_1361 : memref<10240x64xf32, #tpu.memory_space<vmem_shared>>)
      %add3A_1362 = arith.constant 5 : i32
      %add3A_1363 = arith.addi %add3A_1351, %add3A_1362 : i32
      %dma_start3A_1364 = arith.constant 0 : i32
      %dma_start3A_1365 = tpu.memref_slice %arg7[%add3A_1363, %dma_start3A_1364] : memref<80x125xi32, #tpu.memory_space<vmem>> -> memref<1x125xi32, #tpu.memory_space<vmem>>
      %dma_start3A_1366 = tpu.memref_squeeze %dma_start3A_1365 : memref<1x125xi32, #tpu.memory_space<vmem>> -> memref<125xi32, #tpu.memory_space<vmem>>
      %dma_start3A_1367 = arith.constant 0 : i32
      %dma_start3A_1368 = arith.constant 0 : i32
      %dma_start3A_1369 = tpu.memref_slice %arg2[%dma_start3A_1367, %dma_start3A_1368] : memref<10240x64xf32, #tpu.memory_space<hbm>> -> memref<10240x64xf32, #tpu.memory_space<hbm>>
      tpu.enqueue_indirect_dma source(%dma_start3A_1369 : memref<10240x64xf32, #tpu.memory_space<hbm>>) target(%arg16 : memref<125x64xf32, #tpu.memory_space<vmem>>) offsets(%dma_start3A_1366 : memref<125xi32, #tpu.memory_space<vmem>>) semaphore(%arg26 : memref<!tpu.dma_semaphore, #tpu.memory_space<semaphore_mem>>)
      %dma_wait3A_1370 = arith.constant 0 : i32
      %dma_wait3A_1371 = tpu.memref_slice %arg7[%add3A_1351, %dma_wait3A_1370] : memref<80x125xi32, #tpu.memory_space<vmem>> -> memref<1x125xi32, #tpu.memory_space<vmem>>
      %dma_wait3A_1372 = tpu.memref_squeeze %dma_wait3A_1371 : memref<1x125xi32, #tpu.memory_space<vmem>> -> memref<125xi32, #tpu.memory_space<vmem>>
      %dma_wait3A_1373 = arith.constant 0 : i32
      %dma_wait3A_1374 = arith.constant 0 : i32
      %dma_wait3A_1375 = tpu.memref_slice %arg2[%dma_wait3A_1373, %dma_wait3A_1374] : memref<10240x64xf32, #tpu.memory_space<hbm>> -> memref<10240x64xf32, #tpu.memory_space<hbm>>
      tpu.wait_indirect_dma semaphore(%arg21 : memref<!tpu.dma_semaphore, #tpu.memory_space<semaphore_mem>>) src(%dma_wait3A_1375 : memref<10240x64xf32, #tpu.memory_space<hbm>>) dst(%arg11 : memref<125x64xf32, #tpu.memory_space<vmem>>)
      %dma_start3A_1376 = arith.constant 0 : i32
      %dma_start3A_1377 = tpu.memref_slice %arg8[%add3A_1351, %dma_start3A_1376] : memref<80x125xi32, #tpu.memory_space<vmem>> -> memref<1x125xi32, #tpu.memory_space<vmem>>
      %dma_start3A_1378 = tpu.memref_squeeze %dma_start3A_1377 : memref<1x125xi32, #tpu.memory_space<vmem>> -> memref<125xi32, #tpu.memory_space<vmem>>
      %dma_start3A_1379 = arith.constant 0 : i32
      %dma_start3A_1380 = arith.constant 0 : i32
      %dma_start3A_1381 = tpu.memref_slice %arg18[%dma_start3A_1379, %dma_start3A_1380] : memref<10240x64xf32, #tpu.memory_space<vmem_shared>> -> memref<10240x64xf32, #tpu.memory_space<vmem_shared>>
      tpu.enqueue_indirect_dma source(%arg11 : memref<125x64xf32, #tpu.memory_space<vmem>>) target(%dma_start3A_1381 : memref<10240x64xf32, #tpu.memory_space<vmem_shared>>) offsets(%dma_start3A_1378 : memref<125xi32, #tpu.memory_space<vmem>>) semaphore(%arg29 : memref<!tpu.dma_semaphore, #tpu.memory_space<semaphore_mem>>) {add = true}
      %add3A_1382 = arith.constant 3 : i32
      %add3A_1383 = arith.addi %mul3A_1286, %add3A_1382 : i32
      %add3A_1384 = arith.constant 5 : i32
      %add3A_1385 = arith.addi %add3A_1383, %add3A_1384 : i32
      %sub3A_1386 = arith.constant 8 : i32
      %sub3A_1387 = arith.subi %add3A_1385, %sub3A_1386 : i32
      %dma_wait3A_1388 = arith.constant 0 : i32
      %dma_wait3A_1389 = tpu.memref_slice %arg8[%sub3A_1387, %dma_wait3A_1388] : memref<80x125xi32, #tpu.memory_space<vmem>> -> memref<1x125xi32, #tpu.memory_space<vmem>>
      %dma_wait3A_1390 = tpu.memref_squeeze %dma_wait3A_1389 : memref<1x125xi32, #tpu.memory_space<vmem>> -> memref<125xi32, #tpu.memory_space<vmem>>
      %dma_wait3A_1391 = arith.constant 0 : i32
      %dma_wait3A_1392 = arith.constant 0 : i32
      %dma_wait3A_1393 = tpu.memref_slice %arg18[%dma_wait3A_1391, %dma_wait3A_1392] : memref<10240x64xf32, #tpu.memory_space<vmem_shared>> -> memref<10240x64xf32, #tpu.memory_space<vmem_shared>>
      tpu.wait_indirect_dma semaphore(%arg27 : memref<!tpu.dma_semaphore, #tpu.memory_space<semaphore_mem>>) src(%arg9 : memref<125x64xf32, #tpu.memory_space<vmem>>) dst(%dma_wait3A_1393 : memref<10240x64xf32, #tpu.memory_space<vmem_shared>>)
      %add3A_1394 = arith.constant 5 : i32
      %add3A_1395 = arith.addi %add3A_1383, %add3A_1394 : i32
      %dma_start3A_1396 = arith.constant 0 : i32
      %dma_start3A_1397 = tpu.memref_slice %arg7[%add3A_1395, %dma_start3A_1396] : memref<80x125xi32, #tpu.memory_space<vmem>> -> memref<1x125xi32, #tpu.memory_space<vmem>>
      %dma_start3A_1398 = tpu.memref_squeeze %dma_start3A_1397 : memref<1x125xi32, #tpu.memory_space<vmem>> -> memref<125xi32, #tpu.memory_space<vmem>>
      %dma_start3A_1399 = arith.constant 0 : i32
      %dma_start3A_1400 = arith.constant 0 : i32
      %dma_start3A_1401 = tpu.memref_slice %arg2[%dma_start3A_1399, %dma_start3A_1400] : memref<10240x64xf32, #tpu.memory_space<hbm>> -> memref<10240x64xf32, #tpu.memory_space<hbm>>
      tpu.enqueue_indirect_dma source(%dma_start3A_1401 : memref<10240x64xf32, #tpu.memory_space<hbm>>) target(%arg9 : memref<125x64xf32, #tpu.memory_space<vmem>>) offsets(%dma_start3A_1398 : memref<125xi32, #tpu.memory_space<vmem>>) semaphore(%arg19 : memref<!tpu.dma_semaphore, #tpu.memory_space<semaphore_mem>>)
      %dma_wait3A_1402 = arith.constant 0 : i32
      %dma_wait3A_1403 = tpu.memref_slice %arg7[%add3A_1383, %dma_wait3A_1402] : memref<80x125xi32, #tpu.memory_space<vmem>> -> memref<1x125xi32, #tpu.memory_space<vmem>>
      %dma_wait3A_1404 = tpu.memref_squeeze %dma_wait3A_1403 : memref<1x125xi32, #tpu.memory_space<vmem>> -> memref<125xi32, #tpu.memory_space<vmem>>
      %dma_wait3A_1405 = arith.constant 0 : i32
      %dma_wait3A_1406 = arith.constant 0 : i32
      %dma_wait3A_1407 = tpu.memref_slice %arg2[%dma_wait3A_1405, %dma_wait3A_1406] : memref<10240x64xf32, #tpu.memory_space<hbm>> -> memref<10240x64xf32, #tpu.memory_space<hbm>>
      tpu.wait_indirect_dma semaphore(%arg22 : memref<!tpu.dma_semaphore, #tpu.memory_space<semaphore_mem>>) src(%dma_wait3A_1407 : memref<10240x64xf32, #tpu.memory_space<hbm>>) dst(%arg12 : memref<125x64xf32, #tpu.memory_space<vmem>>)
      %dma_start3A_1408 = arith.constant 0 : i32
      %dma_start3A_1409 = tpu.memref_slice %arg8[%add3A_1383, %dma_start3A_1408] : memref<80x125xi32, #tpu.memory_space<vmem>> -> memref<1x125xi32, #tpu.memory_space<vmem>>
      %dma_start3A_1410 = tpu.memref_squeeze %dma_start3A_1409 : memref<1x125xi32, #tpu.memory_space<vmem>> -> memref<125xi32, #tpu.memory_space<vmem>>
      %dma_start3A_1411 = arith.constant 0 : i32
      %dma_start3A_1412 = arith.constant 0 : i32
      %dma_start3A_1413 = tpu.memref_slice %arg18[%dma_start3A_1411, %dma_start3A_1412] : memref<10240x64xf32, #tpu.memory_space<vmem_shared>> -> memref<10240x64xf32, #tpu.memory_space<vmem_shared>>
      tpu.enqueue_indirect_dma source(%arg12 : memref<125x64xf32, #tpu.memory_space<vmem>>) target(%dma_start3A_1413 : memref<10240x64xf32, #tpu.memory_space<vmem_shared>>) offsets(%dma_start3A_1410 : memref<125xi32, #tpu.memory_space<vmem>>) semaphore(%arg30 : memref<!tpu.dma_semaphore, #tpu.memory_space<semaphore_mem>>) {add = true}
      %add3A_1414 = arith.constant 4 : i32
      %add3A_1415 = arith.addi %mul3A_1286, %add3A_1414 : i32
      %add3A_1416 = arith.constant 5 : i32
      %add3A_1417 = arith.addi %add3A_1415, %add3A_1416 : i32
      %sub3A_1418 = arith.constant 8 : i32
      %sub3A_1419 = arith.subi %add3A_1417, %sub3A_1418 : i32
      %dma_wait3A_1420 = arith.constant 0 : i32
      %dma_wait3A_1421 = tpu.memref_slice %arg8[%sub3A_1419, %dma_wait3A_1420] : memref<80x125xi32, #tpu.memory_space<vmem>> -> memref<1x125xi32, #tpu.memory_space<vmem>>
      %dma_wait3A_1422 = tpu.memref_squeeze %dma_wait3A_1421 : memref<1x125xi32, #tpu.memory_space<vmem>> -> memref<125xi32, #tpu.memory_space<vmem>>
      %dma_wait3A_1423 = arith.constant 0 : i32
      %dma_wait3A_1424 = arith.constant 0 : i32
      %dma_wait3A_1425 = tpu.memref_slice %arg18[%dma_wait3A_1423, %dma_wait3A_1424] : memref<10240x64xf32, #tpu.memory_space<vmem_shared>> -> memref<10240x64xf32, #tpu.memory_space<vmem_shared>>
      tpu.wait_indirect_dma semaphore(%arg28 : memref<!tpu.dma_semaphore, #tpu.memory_space<semaphore_mem>>) src(%arg10 : memref<125x64xf32, #tpu.memory_space<vmem>>) dst(%dma_wait3A_1425 : memref<10240x64xf32, #tpu.memory_space<vmem_shared>>)
      %add3A_1426 = arith.constant 5 : i32
      %add3A_1427 = arith.addi %add3A_1415, %add3A_1426 : i32
      %dma_start3A_1428 = arith.constant 0 : i32
      %dma_start3A_1429 = tpu.memref_slice %arg7[%add3A_1427, %dma_start3A_1428] : memref<80x125xi32, #tpu.memory_space<vmem>> -> memref<1x125xi32, #tpu.memory_space<vmem>>
      %dma_start3A_1430 = tpu.memref_squeeze %dma_start3A_1429 : memref<1x125xi32, #tpu.memory_space<vmem>> -> memref<125xi32, #tpu.memory_space<vmem>>
      %dma_start3A_1431 = arith.constant 0 : i32
      %dma_start3A_1432 = arith.constant 0 : i32
      %dma_start3A_1433 = tpu.memref_slice %arg2[%dma_start3A_1431, %dma_start3A_1432] : memref<10240x64xf32, #tpu.memory_space<hbm>> -> memref<10240x64xf32, #tpu.memory_space<hbm>>
      tpu.enqueue_indirect_dma source(%dma_start3A_1433 : memref<10240x64xf32, #tpu.memory_space<hbm>>) target(%arg10 : memref<125x64xf32, #tpu.memory_space<vmem>>) offsets(%dma_start3A_1430 : memref<125xi32, #tpu.memory_space<vmem>>) semaphore(%arg20 : memref<!tpu.dma_semaphore, #tpu.memory_space<semaphore_mem>>)
      %dma_wait3A_1434 = arith.constant 0 : i32
      %dma_wait3A_1435 = tpu.memref_slice %arg7[%add3A_1415, %dma_wait3A_1434] : memref<80x125xi32, #tpu.memory_space<vmem>> -> memref<1x125xi32, #tpu.memory_space<vmem>>
      %dma_wait3A_1436 = tpu.memref_squeeze %dma_wait3A_1435 : memref<1x125xi32, #tpu.memory_space<vmem>> -> memref<125xi32, #tpu.memory_space<vmem>>
      %dma_wait3A_1437 = arith.constant 0 : i32
      %dma_wait3A_1438 = arith.constant 0 : i32
      %dma_wait3A_1439 = tpu.memref_slice %arg2[%dma_wait3A_1437, %dma_wait3A_1438] : memref<10240x64xf32, #tpu.memory_space<hbm>> -> memref<10240x64xf32, #tpu.memory_space<hbm>>
      tpu.wait_indirect_dma semaphore(%arg23 : memref<!tpu.dma_semaphore, #tpu.memory_space<semaphore_mem>>) src(%dma_wait3A_1439 : memref<10240x64xf32, #tpu.memory_space<hbm>>) dst(%arg13 : memref<125x64xf32, #tpu.memory_space<vmem>>)
      %dma_start3A_1440 = arith.constant 0 : i32
      %dma_start3A_1441 = tpu.memref_slice %arg8[%add3A_1415, %dma_start3A_1440] : memref<80x125xi32, #tpu.memory_space<vmem>> -> memref<1x125xi32, #tpu.memory_space<vmem>>
      %dma_start3A_1442 = tpu.memref_squeeze %dma_start3A_1441 : memref<1x125xi32, #tpu.memory_space<vmem>> -> memref<125xi32, #tpu.memory_space<vmem>>
      %dma_start3A_1443 = arith.constant 0 : i32
      %dma_start3A_1444 = arith.constant 0 : i32
      %dma_start3A_1445 = tpu.memref_slice %arg18[%dma_start3A_1443, %dma_start3A_1444] : memref<10240x64xf32, #tpu.memory_space<vmem_shared>> -> memref<10240x64xf32, #tpu.memory_space<vmem_shared>>
      tpu.enqueue_indirect_dma source(%arg13 : memref<125x64xf32, #tpu.memory_space<vmem>>) target(%dma_start3A_1445 : memref<10240x64xf32, #tpu.memory_space<vmem_shared>>) offsets(%dma_start3A_1442 : memref<125xi32, #tpu.memory_space<vmem>>) semaphore(%arg31 : memref<!tpu.dma_semaphore, #tpu.memory_space<semaphore_mem>>) {add = true}
      %add3A_1446 = arith.constant 5 : i32
      %add3A_1447 = arith.addi %mul3A_1286, %add3A_1446 : i32
      %add3A_1448 = arith.constant 5 : i32
      %add3A_1449 = arith.addi %add3A_1447, %add3A_1448 : i32
      %sub3A_1450 = arith.constant 8 : i32
      %sub3A_1451 = arith.subi %add3A_1449, %sub3A_1450 : i32
      %dma_wait3A_1452 = arith.constant 0 : i32
      %dma_wait3A_1453 = tpu.memref_slice %arg8[%sub3A_1451, %dma_wait3A_1452] : memref<80x125xi32, #tpu.memory_space<vmem>> -> memref<1x125xi32, #tpu.memory_space<vmem>>
      %dma_wait3A_1454 = tpu.memref_squeeze %dma_wait3A_1453 : memref<1x125xi32, #tpu.memory_space<vmem>> -> memref<125xi32, #tpu.memory_space<vmem>>
      %dma_wait3A_1455 = arith.constant 0 : i32
      %dma_wait3A_1456 = arith.constant 0 : i32
      %dma_wait3A_1457 = tpu.memref_slice %arg18[%dma_wait3A_1455, %dma_wait3A_1456] : memref<10240x64xf32, #tpu.memory_space<vmem_shared>> -> memref<10240x64xf32, #tpu.memory_space<vmem_shared>>
      tpu.wait_indirect_dma semaphore(%arg29 : memref<!tpu.dma_semaphore, #tpu.memory_space<semaphore_mem>>) src(%arg11 : memref<125x64xf32, #tpu.memory_space<vmem>>) dst(%dma_wait3A_1457 : memref<10240x64xf32, #tpu.memory_space<vmem_shared>>)
      %add3A_1458 = arith.constant 5 : i32
      %add3A_1459 = arith.addi %add3A_1447, %add3A_1458 : i32
      %dma_start3A_1460 = arith.constant 0 : i32
      %dma_start3A_1461 = tpu.memref_slice %arg7[%add3A_1459, %dma_start3A_1460] : memref<80x125xi32, #tpu.memory_space<vmem>> -> memref<1x125xi32, #tpu.memory_space<vmem>>
      %dma_start3A_1462 = tpu.memref_squeeze %dma_start3A_1461 : memref<1x125xi32, #tpu.memory_space<vmem>> -> memref<125xi32, #tpu.memory_space<vmem>>
      %dma_start3A_1463 = arith.constant 0 : i32
      %dma_start3A_1464 = arith.constant 0 : i32
      %dma_start3A_1465 = tpu.memref_slice %arg2[%dma_start3A_1463, %dma_start3A_1464] : memref<10240x64xf32, #tpu.memory_space<hbm>> -> memref<10240x64xf32, #tpu.memory_space<hbm>>
      tpu.enqueue_indirect_dma source(%dma_start3A_1465 : memref<10240x64xf32, #tpu.memory_space<hbm>>) target(%arg11 : memref<125x64xf32, #tpu.memory_space<vmem>>) offsets(%dma_start3A_1462 : memref<125xi32, #tpu.memory_space<vmem>>) semaphore(%arg21 : memref<!tpu.dma_semaphore, #tpu.memory_space<semaphore_mem>>)
      %dma_wait3A_1466 = arith.constant 0 : i32
      %dma_wait3A_1467 = tpu.memref_slice %arg7[%add3A_1447, %dma_wait3A_1466] : memref<80x125xi32, #tpu.memory_space<vmem>> -> memref<1x125xi32, #tpu.memory_space<vmem>>
      %dma_wait3A_1468 = tpu.memref_squeeze %dma_wait3A_1467 : memref<1x125xi32, #tpu.memory_space<vmem>> -> memref<125xi32, #tpu.memory_space<vmem>>
      %dma_wait3A_1469 = arith.constant 0 : i32
      %dma_wait3A_1470 = arith.constant 0 : i32
      %dma_wait3A_1471 = tpu.memref_slice %arg2[%dma_wait3A_1469, %dma_wait3A_1470] : memref<10240x64xf32, #tpu.memory_space<hbm>> -> memref<10240x64xf32, #tpu.memory_space<hbm>>
      tpu.wait_indirect_dma semaphore(%arg24 : memref<!tpu.dma_semaphore, #tpu.memory_space<semaphore_mem>>) src(%dma_wait3A_1471 : memref<10240x64xf32, #tpu.memory_space<hbm>>) dst(%arg14 : memref<125x64xf32, #tpu.memory_space<vmem>>)
      %dma_start3A_1472 = arith.constant 0 : i32
      %dma_start3A_1473 = tpu.memref_slice %arg8[%add3A_1447, %dma_start3A_1472] : memref<80x125xi32, #tpu.memory_space<vmem>> -> memref<1x125xi32, #tpu.memory_space<vmem>>
      %dma_start3A_1474 = tpu.memref_squeeze %dma_start3A_1473 : memref<1x125xi32, #tpu.memory_space<vmem>> -> memref<125xi32, #tpu.memory_space<vmem>>
      %dma_start3A_1475 = arith.constant 0 : i32
      %dma_start3A_1476 = arith.constant 0 : i32
      %dma_start3A_1477 = tpu.memref_slice %arg18[%dma_start3A_1475, %dma_start3A_1476] : memref<10240x64xf32, #tpu.memory_space<vmem_shared>> -> memref<10240x64xf32, #tpu.memory_space<vmem_shared>>
      tpu.enqueue_indirect_dma source(%arg14 : memref<125x64xf32, #tpu.memory_space<vmem>>) target(%dma_start3A_1477 : memref<10240x64xf32, #tpu.memory_space<vmem_shared>>) offsets(%dma_start3A_1474 : memref<125xi32, #tpu.memory_space<vmem>>) semaphore(%arg32 : memref<!tpu.dma_semaphore, #tpu.memory_space<semaphore_mem>>) {add = true}
      %add3A_1478 = arith.constant 6 : i32
      %add3A_1479 = arith.addi %mul3A_1286, %add3A_1478 : i32
      %add3A_1480 = arith.constant 5 : i32
      %add3A_1481 = arith.addi %add3A_1479, %add3A_1480 : i32
      %sub3A_1482 = arith.constant 8 : i32
      %sub3A_1483 = arith.subi %add3A_1481, %sub3A_1482 : i32
      %dma_wait3A_1484 = arith.constant 0 : i32
      %dma_wait3A_1485 = tpu.memref_slice %arg8[%sub3A_1483, %dma_wait3A_1484] : memref<80x125xi32, #tpu.memory_space<vmem>> -> memref<1x125xi32, #tpu.memory_space<vmem>>
      %dma_wait3A_1486 = tpu.memref_squeeze %dma_wait3A_1485 : memref<1x125xi32, #tpu.memory_space<vmem>> -> memref<125xi32, #tpu.memory_space<vmem>>
      %dma_wait3A_1487 = arith.constant 0 : i32
      %dma_wait3A_1488 = arith.constant 0 : i32
      %dma_wait3A_1489 = tpu.memref_slice %arg18[%dma_wait3A_1487, %dma_wait3A_1488] : memref<10240x64xf32, #tpu.memory_space<vmem_shared>> -> memref<10240x64xf32, #tpu.memory_space<vmem_shared>>
      tpu.wait_indirect_dma semaphore(%arg30 : memref<!tpu.dma_semaphore, #tpu.memory_space<semaphore_mem>>) src(%arg12 : memref<125x64xf32, #tpu.memory_space<vmem>>) dst(%dma_wait3A_1489 : memref<10240x64xf32, #tpu.memory_space<vmem_shared>>)
      %add3A_1490 = arith.constant 5 : i32
      %add3A_1491 = arith.addi %add3A_1479, %add3A_1490 : i32
      %dma_start3A_1492 = arith.constant 0 : i32
      %dma_start3A_1493 = tpu.memref_slice %arg7[%add3A_1491, %dma_start3A_1492] : memref<80x125xi32, #tpu.memory_space<vmem>> -> memref<1x125xi32, #tpu.memory_space<vmem>>
      %dma_start3A_1494 = tpu.memref_squeeze %dma_start3A_1493 : memref<1x125xi32, #tpu.memory_space<vmem>> -> memref<125xi32, #tpu.memory_space<vmem>>
      %dma_start3A_1495 = arith.constant 0 : i32
      %dma_start3A_1496 = arith.constant 0 : i32
      %dma_start3A_1497 = tpu.memref_slice %arg2[%dma_start3A_1495, %dma_start3A_1496] : memref<10240x64xf32, #tpu.memory_space<hbm>> -> memref<10240x64xf32, #tpu.memory_space<hbm>>
      tpu.enqueue_indirect_dma source(%dma_start3A_1497 : memref<10240x64xf32, #tpu.memory_space<hbm>>) target(%arg12 : memref<125x64xf32, #tpu.memory_space<vmem>>) offsets(%dma_start3A_1494 : memref<125xi32, #tpu.memory_space<vmem>>) semaphore(%arg22 : memref<!tpu.dma_semaphore, #tpu.memory_space<semaphore_mem>>)
      %dma_wait3A_1498 = arith.constant 0 : i32
      %dma_wait3A_1499 = tpu.memref_slice %arg7[%add3A_1479, %dma_wait3A_1498] : memref<80x125xi32, #tpu.memory_space<vmem>> -> memref<1x125xi32, #tpu.memory_space<vmem>>
      %dma_wait3A_1500 = tpu.memref_squeeze %dma_wait3A_1499 : memref<1x125xi32, #tpu.memory_space<vmem>> -> memref<125xi32, #tpu.memory_space<vmem>>
      %dma_wait3A_1501 = arith.constant 0 : i32
      %dma_wait3A_1502 = arith.constant 0 : i32
      %dma_wait3A_1503 = tpu.memref_slice %arg2[%dma_wait3A_1501, %dma_wait3A_1502] : memref<10240x64xf32, #tpu.memory_space<hbm>> -> memref<10240x64xf32, #tpu.memory_space<hbm>>
      tpu.wait_indirect_dma semaphore(%arg25 : memref<!tpu.dma_semaphore, #tpu.memory_space<semaphore_mem>>) src(%dma_wait3A_1503 : memref<10240x64xf32, #tpu.memory_space<hbm>>) dst(%arg15 : memref<125x64xf32, #tpu.memory_space<vmem>>)
      %dma_start3A_1504 = arith.constant 0 : i32
      %dma_start3A_1505 = tpu.memref_slice %arg8[%add3A_1479, %dma_start3A_1504] : memref<80x125xi32, #tpu.memory_space<vmem>> -> memref<1x125xi32, #tpu.memory_space<vmem>>
      %dma_start3A_1506 = tpu.memref_squeeze %dma_start3A_1505 : memref<1x125xi32, #tpu.memory_space<vmem>> -> memref<125xi32, #tpu.memory_space<vmem>>
      %dma_start3A_1507 = arith.constant 0 : i32
      %dma_start3A_1508 = arith.constant 0 : i32
      %dma_start3A_1509 = tpu.memref_slice %arg18[%dma_start3A_1507, %dma_start3A_1508] : memref<10240x64xf32, #tpu.memory_space<vmem_shared>> -> memref<10240x64xf32, #tpu.memory_space<vmem_shared>>
      tpu.enqueue_indirect_dma source(%arg15 : memref<125x64xf32, #tpu.memory_space<vmem>>) target(%dma_start3A_1509 : memref<10240x64xf32, #tpu.memory_space<vmem_shared>>) offsets(%dma_start3A_1506 : memref<125xi32, #tpu.memory_space<vmem>>) semaphore(%arg33 : memref<!tpu.dma_semaphore, #tpu.memory_space<semaphore_mem>>) {add = true}
      %add3A_1510 = arith.constant 7 : i32
      %add3A_1511 = arith.addi %mul3A_1286, %add3A_1510 : i32
      %add3A_1512 = arith.constant 5 : i32
      %add3A_1513 = arith.addi %add3A_1511, %add3A_1512 : i32
      %sub3A_1514 = arith.constant 8 : i32
      %sub3A_1515 = arith.subi %add3A_1513, %sub3A_1514 : i32
      %dma_wait3A_1516 = arith.constant 0 : i32
      %dma_wait3A_1517 = tpu.memref_slice %arg8[%sub3A_1515, %dma_wait3A_1516] : memref<80x125xi32, #tpu.memory_space<vmem>> -> memref<1x125xi32, #tpu.memory_space<vmem>>
      %dma_wait3A_1518 = tpu.memref_squeeze %dma_wait3A_1517 : memref<1x125xi32, #tpu.memory_space<vmem>> -> memref<125xi32, #tpu.memory_space<vmem>>
      %dma_wait3A_1519 = arith.constant 0 : i32
      %dma_wait3A_1520 = arith.constant 0 : i32
      %dma_wait3A_1521 = tpu.memref_slice %arg18[%dma_wait3A_1519, %dma_wait3A_1520] : memref<10240x64xf32, #tpu.memory_space<vmem_shared>> -> memref<10240x64xf32, #tpu.memory_space<vmem_shared>>
      tpu.wait_indirect_dma semaphore(%arg31 : memref<!tpu.dma_semaphore, #tpu.memory_space<semaphore_mem>>) src(%arg13 : memref<125x64xf32, #tpu.memory_space<vmem>>) dst(%dma_wait3A_1521 : memref<10240x64xf32, #tpu.memory_space<vmem_shared>>)
      %add3A_1522 = arith.constant 5 : i32
      %add3A_1523 = arith.addi %add3A_1511, %add3A_1522 : i32
      %dma_start3A_1524 = arith.constant 0 : i32
      %dma_start3A_1525 = tpu.memref_slice %arg7[%add3A_1523, %dma_start3A_1524] : memref<80x125xi32, #tpu.memory_space<vmem>> -> memref<1x125xi32, #tpu.memory_space<vmem>>
      %dma_start3A_1526 = tpu.memref_squeeze %dma_start3A_1525 : memref<1x125xi32, #tpu.memory_space<vmem>> -> memref<125xi32, #tpu.memory_space<vmem>>
      %dma_start3A_1527 = arith.constant 0 : i32
      %dma_start3A_1528 = arith.constant 0 : i32
      %dma_start3A_1529 = tpu.memref_slice %arg2[%dma_start3A_1527, %dma_start3A_1528] : memref<10240x64xf32, #tpu.memory_space<hbm>> -> memref<10240x64xf32, #tpu.memory_space<hbm>>
      tpu.enqueue_indirect_dma source(%dma_start3A_1529 : memref<10240x64xf32, #tpu.memory_space<hbm>>) target(%arg13 : memref<125x64xf32, #tpu.memory_space<vmem>>) offsets(%dma_start3A_1526 : memref<125xi32, #tpu.memory_space<vmem>>) semaphore(%arg23 : memref<!tpu.dma_semaphore, #tpu.memory_space<semaphore_mem>>)
      %dma_wait3A_1530 = arith.constant 0 : i32
      %dma_wait3A_1531 = tpu.memref_slice %arg7[%add3A_1511, %dma_wait3A_1530] : memref<80x125xi32, #tpu.memory_space<vmem>> -> memref<1x125xi32, #tpu.memory_space<vmem>>
      %dma_wait3A_1532 = tpu.memref_squeeze %dma_wait3A_1531 : memref<1x125xi32, #tpu.memory_space<vmem>> -> memref<125xi32, #tpu.memory_space<vmem>>
      %dma_wait3A_1533 = arith.constant 0 : i32
      %dma_wait3A_1534 = arith.constant 0 : i32
      %dma_wait3A_1535 = tpu.memref_slice %arg2[%dma_wait3A_1533, %dma_wait3A_1534] : memref<10240x64xf32, #tpu.memory_space<hbm>> -> memref<10240x64xf32, #tpu.memory_space<hbm>>
      tpu.wait_indirect_dma semaphore(%arg26 : memref<!tpu.dma_semaphore, #tpu.memory_space<semaphore_mem>>) src(%dma_wait3A_1535 : memref<10240x64xf32, #tpu.memory_space<hbm>>) dst(%arg16 : memref<125x64xf32, #tpu.memory_space<vmem>>)
      %dma_start3A_1536 = arith.constant 0 : i32
      %dma_start3A_1537 = tpu.memref_slice %arg8[%add3A_1511, %dma_start3A_1536] : memref<80x125xi32, #tpu.memory_space<vmem>> -> memref<1x125xi32, #tpu.memory_space<vmem>>
      %dma_start3A_1538 = tpu.memref_squeeze %dma_start3A_1537 : memref<1x125xi32, #tpu.memory_space<vmem>> -> memref<125xi32, #tpu.memory_space<vmem>>
      %dma_start3A_1539 = arith.constant 0 : i32
      %dma_start3A_1540 = arith.constant 0 : i32
      %dma_start3A_1541 = tpu.memref_slice %arg18[%dma_start3A_1539, %dma_start3A_1540] : memref<10240x64xf32, #tpu.memory_space<vmem_shared>> -> memref<10240x64xf32, #tpu.memory_space<vmem_shared>>
      tpu.enqueue_indirect_dma source(%arg16 : memref<125x64xf32, #tpu.memory_space<vmem>>) target(%dma_start3A_1541 : memref<10240x64xf32, #tpu.memory_space<vmem_shared>>) offsets(%dma_start3A_1538 : memref<125xi32, #tpu.memory_space<vmem>>) semaphore(%arg34 : memref<!tpu.dma_semaphore, #tpu.memory_space<semaphore_mem>>) {add = true}
      %scan3A_1542 = arith.constant 0 : i32
      scf.yield %scan3A_1542 : i32
    }
    %scan3A_446 = arith.constant 8 : i32
    %dma_wait3A_447 = arith.constant 69 : i32
    %dma_wait3A_448 = arith.constant 0 : i32
    %dma_wait3A_449 = tpu.memref_slice %arg8[%dma_wait3A_447, %dma_wait3A_448] : memref<80x125xi32, #tpu.memory_space<vmem>> -> memref<1x125xi32, #tpu.memory_space<vmem>>
    %dma_wait3A_450 = tpu.memref_squeeze %dma_wait3A_449 : memref<1x125xi32, #tpu.memory_space<vmem>> -> memref<125xi32, #tpu.memory_space<vmem>>
    %dma_wait3A_451 = arith.constant 0 : i32
    %dma_wait3A_452 = arith.constant 0 : i32
    %dma_wait3A_453 = tpu.memref_slice %arg18[%dma_wait3A_451, %dma_wait3A_452] : memref<10240x64xf32, #tpu.memory_space<vmem_shared>> -> memref<10240x64xf32, #tpu.memory_space<vmem_shared>>
    tpu.wait_indirect_dma semaphore(%arg32 : memref<!tpu.dma_semaphore, #tpu.memory_space<semaphore_mem>>) src(%arg14 : memref<125x64xf32, #tpu.memory_space<vmem>>) dst(%dma_wait3A_453 : memref<10240x64xf32, #tpu.memory_space<vmem_shared>>)
    %dma_start3A_454 = arith.constant 77 : i32
    %dma_start3A_455 = arith.constant 0 : i32
    %dma_start3A_456 = tpu.memref_slice %arg7[%dma_start3A_454, %dma_start3A_455] : memref<80x125xi32, #tpu.memory_space<vmem>> -> memref<1x125xi32, #tpu.memory_space<vmem>>
    %dma_start3A_457 = tpu.memref_squeeze %dma_start3A_456 : memref<1x125xi32, #tpu.memory_space<vmem>> -> memref<125xi32, #tpu.memory_space<vmem>>
    %dma_start3A_458 = arith.constant 0 : i32
    %dma_start3A_459 = arith.constant 0 : i32
    %dma_start3A_460 = tpu.memref_slice %arg2[%dma_start3A_458, %dma_start3A_459] : memref<10240x64xf32, #tpu.memory_space<hbm>> -> memref<10240x64xf32, #tpu.memory_space<hbm>>
    tpu.enqueue_indirect_dma source(%dma_start3A_460 : memref<10240x64xf32, #tpu.memory_space<hbm>>) target(%arg14 : memref<125x64xf32, #tpu.memory_space<vmem>>) offsets(%dma_start3A_457 : memref<125xi32, #tpu.memory_space<vmem>>) semaphore(%arg24 : memref<!tpu.dma_semaphore, #tpu.memory_space<semaphore_mem>>)
    %dma_wait3A_461 = arith.constant 72 : i32
    %dma_wait3A_462 = arith.constant 0 : i32
    %dma_wait3A_463 = tpu.memref_slice %arg7[%dma_wait3A_461, %dma_wait3A_462] : memref<80x125xi32, #tpu.memory_space<vmem>> -> memref<1x125xi32, #tpu.memory_space<vmem>>
    %dma_wait3A_464 = tpu.memref_squeeze %dma_wait3A_463 : memref<1x125xi32, #tpu.memory_space<vmem>> -> memref<125xi32, #tpu.memory_space<vmem>>
    %dma_wait3A_465 = arith.constant 0 : i32
    %dma_wait3A_466 = arith.constant 0 : i32
    %dma_wait3A_467 = tpu.memref_slice %arg2[%dma_wait3A_465, %dma_wait3A_466] : memref<10240x64xf32, #tpu.memory_space<hbm>> -> memref<10240x64xf32, #tpu.memory_space<hbm>>
    tpu.wait_indirect_dma semaphore(%arg19 : memref<!tpu.dma_semaphore, #tpu.memory_space<semaphore_mem>>) src(%dma_wait3A_467 : memref<10240x64xf32, #tpu.memory_space<hbm>>) dst(%arg9 : memref<125x64xf32, #tpu.memory_space<vmem>>)
    %dma_start3A_468 = arith.constant 72 : i32
    %dma_start3A_469 = arith.constant 0 : i32
    %dma_start3A_470 = tpu.memref_slice %arg8[%dma_start3A_468, %dma_start3A_469] : memref<80x125xi32, #tpu.memory_space<vmem>> -> memref<1x125xi32, #tpu.memory_space<vmem>>
    %dma_start3A_471 = tpu.memref_squeeze %dma_start3A_470 : memref<1x125xi32, #tpu.memory_space<vmem>> -> memref<125xi32, #tpu.memory_space<vmem>>
    %dma_start3A_472 = arith.constant 0 : i32
    %dma_start3A_473 = arith.constant 0 : i32
    %dma_start3A_474 = tpu.memref_slice %arg18[%dma_start3A_472, %dma_start3A_473] : memref<10240x64xf32, #tpu.memory_space<vmem_shared>> -> memref<10240x64xf32, #tpu.memory_space<vmem_shared>>
    tpu.enqueue_indirect_dma source(%arg9 : memref<125x64xf32, #tpu.memory_space<vmem>>) target(%dma_start3A_474 : memref<10240x64xf32, #tpu.memory_space<vmem_shared>>) offsets(%dma_start3A_471 : memref<125xi32, #tpu.memory_space<vmem>>) semaphore(%arg27 : memref<!tpu.dma_semaphore, #tpu.memory_space<semaphore_mem>>) {add = true}
    %dma_wait3A_475 = arith.constant 70 : i32
    %dma_wait3A_476 = arith.constant 0 : i32
    %dma_wait3A_477 = tpu.memref_slice %arg8[%dma_wait3A_475, %dma_wait3A_476] : memref<80x125xi32, #tpu.memory_space<vmem>> -> memref<1x125xi32, #tpu.memory_space<vmem>>
    %dma_wait3A_478 = tpu.memref_squeeze %dma_wait3A_477 : memref<1x125xi32, #tpu.memory_space<vmem>> -> memref<125xi32, #tpu.memory_space<vmem>>
    %dma_wait3A_479 = arith.constant 0 : i32
    %dma_wait3A_480 = arith.constant 0 : i32
    %dma_wait3A_481 = tpu.memref_slice %arg18[%dma_wait3A_479, %dma_wait3A_480] : memref<10240x64xf32, #tpu.memory_space<vmem_shared>> -> memref<10240x64xf32, #tpu.memory_space<vmem_shared>>
    tpu.wait_indirect_dma semaphore(%arg33 : memref<!tpu.dma_semaphore, #tpu.memory_space<semaphore_mem>>) src(%arg15 : memref<125x64xf32, #tpu.memory_space<vmem>>) dst(%dma_wait3A_481 : memref<10240x64xf32, #tpu.memory_space<vmem_shared>>)
    %dma_start3A_482 = arith.constant 78 : i32
    %dma_start3A_483 = arith.constant 0 : i32
    %dma_start3A_484 = tpu.memref_slice %arg7[%dma_start3A_482, %dma_start3A_483] : memref<80x125xi32, #tpu.memory_space<vmem>> -> memref<1x125xi32, #tpu.memory_space<vmem>>
    %dma_start3A_485 = tpu.memref_squeeze %dma_start3A_484 : memref<1x125xi32, #tpu.memory_space<vmem>> -> memref<125xi32, #tpu.memory_space<vmem>>
    %dma_start3A_486 = arith.constant 0 : i32
    %dma_start3A_487 = arith.constant 0 : i32
    %dma_start3A_488 = tpu.memref_slice %arg2[%dma_start3A_486, %dma_start3A_487] : memref<10240x64xf32, #tpu.memory_space<hbm>> -> memref<10240x64xf32, #tpu.memory_space<hbm>>
    tpu.enqueue_indirect_dma source(%dma_start3A_488 : memref<10240x64xf32, #tpu.memory_space<hbm>>) target(%arg15 : memref<125x64xf32, #tpu.memory_space<vmem>>) offsets(%dma_start3A_485 : memref<125xi32, #tpu.memory_space<vmem>>) semaphore(%arg25 : memref<!tpu.dma_semaphore, #tpu.memory_space<semaphore_mem>>)
    %dma_wait3A_489 = arith.constant 73 : i32
    %dma_wait3A_490 = arith.constant 0 : i32
    %dma_wait3A_491 = tpu.memref_slice %arg7[%dma_wait3A_489, %dma_wait3A_490] : memref<80x125xi32, #tpu.memory_space<vmem>> -> memref<1x125xi32, #tpu.memory_space<vmem>>
    %dma_wait3A_492 = tpu.memref_squeeze %dma_wait3A_491 : memref<1x125xi32, #tpu.memory_space<vmem>> -> memref<125xi32, #tpu.memory_space<vmem>>
    %dma_wait3A_493 = arith.constant 0 : i32
    %dma_wait3A_494 = arith.constant 0 : i32
    %dma_wait3A_495 = tpu.memref_slice %arg2[%dma_wait3A_493, %dma_wait3A_494] : memref<10240x64xf32, #tpu.memory_space<hbm>> -> memref<10240x64xf32, #tpu.memory_space<hbm>>
    tpu.wait_indirect_dma semaphore(%arg20 : memref<!tpu.dma_semaphore, #tpu.memory_space<semaphore_mem>>) src(%dma_wait3A_495 : memref<10240x64xf32, #tpu.memory_space<hbm>>) dst(%arg10 : memref<125x64xf32, #tpu.memory_space<vmem>>)
    %dma_start3A_496 = arith.constant 73 : i32
    %dma_start3A_497 = arith.constant 0 : i32
    %dma_start3A_498 = tpu.memref_slice %arg8[%dma_start3A_496, %dma_start3A_497] : memref<80x125xi32, #tpu.memory_space<vmem>> -> memref<1x125xi32, #tpu.memory_space<vmem>>
    %dma_start3A_499 = tpu.memref_squeeze %dma_start3A_498 : memref<1x125xi32, #tpu.memory_space<vmem>> -> memref<125xi32, #tpu.memory_space<vmem>>
    %dma_start3A_500 = arith.constant 0 : i32
    %dma_start3A_501 = arith.constant 0 : i32
    %dma_start3A_502 = tpu.memref_slice %arg18[%dma_start3A_500, %dma_start3A_501] : memref<10240x64xf32, #tpu.memory_space<vmem_shared>> -> memref<10240x64xf32, #tpu.memory_space<vmem_shared>>
    tpu.enqueue_indirect_dma source(%arg10 : memref<125x64xf32, #tpu.memory_space<vmem>>) target(%dma_start3A_502 : memref<10240x64xf32, #tpu.memory_space<vmem_shared>>) offsets(%dma_start3A_499 : memref<125xi32, #tpu.memory_space<vmem>>) semaphore(%arg28 : memref<!tpu.dma_semaphore, #tpu.memory_space<semaphore_mem>>) {add = true}
    %dma_wait3A_503 = arith.constant 71 : i32
    %dma_wait3A_504 = arith.constant 0 : i32
    %dma_wait3A_505 = tpu.memref_slice %arg8[%dma_wait3A_503, %dma_wait3A_504] : memref<80x125xi32, #tpu.memory_space<vmem>> -> memref<1x125xi32, #tpu.memory_space<vmem>>
    %dma_wait3A_506 = tpu.memref_squeeze %dma_wait3A_505 : memref<1x125xi32, #tpu.memory_space<vmem>> -> memref<125xi32, #tpu.memory_space<vmem>>
    %dma_wait3A_507 = arith.constant 0 : i32
    %dma_wait3A_508 = arith.constant 0 : i32
    %dma_wait3A_509 = tpu.memref_slice %arg18[%dma_wait3A_507, %dma_wait3A_508] : memref<10240x64xf32, #tpu.memory_space<vmem_shared>> -> memref<10240x64xf32, #tpu.memory_space<vmem_shared>>
    tpu.wait_indirect_dma semaphore(%arg34 : memref<!tpu.dma_semaphore, #tpu.memory_space<semaphore_mem>>) src(%arg16 : memref<125x64xf32, #tpu.memory_space<vmem>>) dst(%dma_wait3A_509 : memref<10240x64xf32, #tpu.memory_space<vmem_shared>>)
    %dma_start3A_510 = arith.constant 79 : i32
    %dma_start3A_511 = arith.constant 0 : i32
    %dma_start3A_512 = tpu.memref_slice %arg7[%dma_start3A_510, %dma_start3A_511] : memref<80x125xi32, #tpu.memory_space<vmem>> -> memref<1x125xi32, #tpu.memory_space<vmem>>
    %dma_start3A_513 = tpu.memref_squeeze %dma_start3A_512 : memref<1x125xi32, #tpu.memory_space<vmem>> -> memref<125xi32, #tpu.memory_space<vmem>>
    %dma_start3A_514 = arith.constant 0 : i32
    %dma_start3A_515 = arith.constant 0 : i32
    %dma_start3A_516 = tpu.memref_slice %arg2[%dma_start3A_514, %dma_start3A_515] : memref<10240x64xf32, #tpu.memory_space<hbm>> -> memref<10240x64xf32, #tpu.memory_space<hbm>>
    tpu.enqueue_indirect_dma source(%dma_start3A_516 : memref<10240x64xf32, #tpu.memory_space<hbm>>) target(%arg16 : memref<125x64xf32, #tpu.memory_space<vmem>>) offsets(%dma_start3A_513 : memref<125xi32, #tpu.memory_space<vmem>>) semaphore(%arg26 : memref<!tpu.dma_semaphore, #tpu.memory_space<semaphore_mem>>)
    %dma_wait3A_517 = arith.constant 74 : i32
    %dma_wait3A_518 = arith.constant 0 : i32
    %dma_wait3A_519 = tpu.memref_slice %arg7[%dma_wait3A_517, %dma_wait3A_518] : memref<80x125xi32, #tpu.memory_space<vmem>> -> memref<1x125xi32, #tpu.memory_space<vmem>>
    %dma_wait3A_520 = tpu.memref_squeeze %dma_wait3A_519 : memref<1x125xi32, #tpu.memory_space<vmem>> -> memref<125xi32, #tpu.memory_space<vmem>>
    %dma_wait3A_521 = arith.constant 0 : i32
    %dma_wait3A_522 = arith.constant 0 : i32
    %dma_wait3A_523 = tpu.memref_slice %arg2[%dma_wait3A_521, %dma_wait3A_522] : memref<10240x64xf32, #tpu.memory_space<hbm>> -> memref<10240x64xf32, #tpu.memory_space<hbm>>
    tpu.wait_indirect_dma semaphore(%arg21 : memref<!tpu.dma_semaphore, #tpu.memory_space<semaphore_mem>>) src(%dma_wait3A_523 : memref<10240x64xf32, #tpu.memory_space<hbm>>) dst(%arg11 : memref<125x64xf32, #tpu.memory_space<vmem>>)
    %dma_start3A_524 = arith.constant 74 : i32
    %dma_start3A_525 = arith.constant 0 : i32
    %dma_start3A_526 = tpu.memref_slice %arg8[%dma_start3A_524, %dma_start3A_525] : memref<80x125xi32, #tpu.memory_space<vmem>> -> memref<1x125xi32, #tpu.memory_space<vmem>>
    %dma_start3A_527 = tpu.memref_squeeze %dma_start3A_526 : memref<1x125xi32, #tpu.memory_space<vmem>> -> memref<125xi32, #tpu.memory_space<vmem>>
    %dma_start3A_528 = arith.constant 0 : i32
    %dma_start3A_529 = arith.constant 0 : i32
    %dma_start3A_530 = tpu.memref_slice %arg18[%dma_start3A_528, %dma_start3A_529] : memref<10240x64xf32, #tpu.memory_space<vmem_shared>> -> memref<10240x64xf32, #tpu.memory_space<vmem_shared>>
    tpu.enqueue_indirect_dma source(%arg11 : memref<125x64xf32, #tpu.memory_space<vmem>>) target(%dma_start3A_530 : memref<10240x64xf32, #tpu.memory_space<vmem_shared>>) offsets(%dma_start3A_527 : memref<125xi32, #tpu.memory_space<vmem>>) semaphore(%arg29 : memref<!tpu.dma_semaphore, #tpu.memory_space<semaphore_mem>>) {add = true}
    %dma_wait3A_531 = arith.constant 72 : i32
    %dma_wait3A_532 = arith.constant 0 : i32
    %dma_wait3A_533 = tpu.memref_slice %arg8[%dma_wait3A_531, %dma_wait3A_532] : memref<80x125xi32, #tpu.memory_space<vmem>> -> memref<1x125xi32, #tpu.memory_space<vmem>>
    %dma_wait3A_534 = tpu.memref_squeeze %dma_wait3A_533 : memref<1x125xi32, #tpu.memory_space<vmem>> -> memref<125xi32, #tpu.memory_space<vmem>>
    %dma_wait3A_535 = arith.constant 0 : i32
    %dma_wait3A_536 = arith.constant 0 : i32
    %dma_wait3A_537 = tpu.memref_slice %arg18[%dma_wait3A_535, %dma_wait3A_536] : memref<10240x64xf32, #tpu.memory_space<vmem_shared>> -> memref<10240x64xf32, #tpu.memory_space<vmem_shared>>
    tpu.wait_indirect_dma semaphore(%arg27 : memref<!tpu.dma_semaphore, #tpu.memory_space<semaphore_mem>>) src(%arg9 : memref<125x64xf32, #tpu.memory_space<vmem>>) dst(%dma_wait3A_537 : memref<10240x64xf32, #tpu.memory_space<vmem_shared>>)
    %dma_wait3A_538 = arith.constant 75 : i32
    %dma_wait3A_539 = arith.constant 0 : i32
    %dma_wait3A_540 = tpu.memref_slice %arg7[%dma_wait3A_538, %dma_wait3A_539] : memref<80x125xi32, #tpu.memory_space<vmem>> -> memref<1x125xi32, #tpu.memory_space<vmem>>
    %dma_wait3A_541 = tpu.memref_squeeze %dma_wait3A_540 : memref<1x125xi32, #tpu.memory_space<vmem>> -> memref<125xi32, #tpu.memory_space<vmem>>
    %dma_wait3A_542 = arith.constant 0 : i32
    %dma_wait3A_543 = arith.constant 0 : i32
    %dma_wait3A_544 = tpu.memref_slice %arg2[%dma_wait3A_542, %dma_wait3A_543] : memref<10240x64xf32, #tpu.memory_space<hbm>> -> memref<10240x64xf32, #tpu.memory_space<hbm>>
    tpu.wait_indirect_dma semaphore(%arg22 : memref<!tpu.dma_semaphore, #tpu.memory_space<semaphore_mem>>) src(%dma_wait3A_544 : memref<10240x64xf32, #tpu.memory_space<hbm>>) dst(%arg12 : memref<125x64xf32, #tpu.memory_space<vmem>>)
    %dma_start3A_545 = arith.constant 75 : i32
    %dma_start3A_546 = arith.constant 0 : i32
    %dma_start3A_547 = tpu.memref_slice %arg8[%dma_start3A_545, %dma_start3A_546] : memref<80x125xi32, #tpu.memory_space<vmem>> -> memref<1x125xi32, #tpu.memory_space<vmem>>
    %dma_start3A_548 = tpu.memref_squeeze %dma_start3A_547 : memref<1x125xi32, #tpu.memory_space<vmem>> -> memref<125xi32, #tpu.memory_space<vmem>>
    %dma_start3A_549 = arith.constant 0 : i32
    %dma_start3A_550 = arith.constant 0 : i32
    %dma_start3A_551 = tpu.memref_slice %arg18[%dma_start3A_549, %dma_start3A_550] : memref<10240x64xf32, #tpu.memory_space<vmem_shared>> -> memref<10240x64xf32, #tpu.memory_space<vmem_shared>>
    tpu.enqueue_indirect_dma source(%arg12 : memref<125x64xf32, #tpu.memory_space<vmem>>) target(%dma_start3A_551 : memref<10240x64xf32, #tpu.memory_space<vmem_shared>>) offsets(%dma_start3A_548 : memref<125xi32, #tpu.memory_space<vmem>>) semaphore(%arg30 : memref<!tpu.dma_semaphore, #tpu.memory_space<semaphore_mem>>) {add = true}
    %dma_wait3A_552 = arith.constant 73 : i32
    %dma_wait3A_553 = arith.constant 0 : i32
    %dma_wait3A_554 = tpu.memref_slice %arg8[%dma_wait3A_552, %dma_wait3A_553] : memref<80x125xi32, #tpu.memory_space<vmem>> -> memref<1x125xi32, #tpu.memory_space<vmem>>
    %dma_wait3A_555 = tpu.memref_squeeze %dma_wait3A_554 : memref<1x125xi32, #tpu.memory_space<vmem>> -> memref<125xi32, #tpu.memory_space<vmem>>
    %dma_wait3A_556 = arith.constant 0 : i32
    %dma_wait3A_557 = arith.constant 0 : i32
    %dma_wait3A_558 = tpu.memref_slice %arg18[%dma_wait3A_556, %dma_wait3A_557] : memref<10240x64xf32, #tpu.memory_space<vmem_shared>> -> memref<10240x64xf32, #tpu.memory_space<vmem_shared>>
    tpu.wait_indirect_dma semaphore(%arg28 : memref<!tpu.dma_semaphore, #tpu.memory_space<semaphore_mem>>) src(%arg10 : memref<125x64xf32, #tpu.memory_space<vmem>>) dst(%dma_wait3A_558 : memref<10240x64xf32, #tpu.memory_space<vmem_shared>>)
    %dma_wait3A_559 = arith.constant 76 : i32
    %dma_wait3A_560 = arith.constant 0 : i32
    %dma_wait3A_561 = tpu.memref_slice %arg7[%dma_wait3A_559, %dma_wait3A_560] : memref<80x125xi32, #tpu.memory_space<vmem>> -> memref<1x125xi32, #tpu.memory_space<vmem>>
    %dma_wait3A_562 = tpu.memref_squeeze %dma_wait3A_561 : memref<1x125xi32, #tpu.memory_space<vmem>> -> memref<125xi32, #tpu.memory_space<vmem>>
    %dma_wait3A_563 = arith.constant 0 : i32
    %dma_wait3A_564 = arith.constant 0 : i32
    %dma_wait3A_565 = tpu.memref_slice %arg2[%dma_wait3A_563, %dma_wait3A_564] : memref<10240x64xf32, #tpu.memory_space<hbm>> -> memref<10240x64xf32, #tpu.memory_space<hbm>>
    tpu.wait_indirect_dma semaphore(%arg23 : memref<!tpu.dma_semaphore, #tpu.memory_space<semaphore_mem>>) src(%dma_wait3A_565 : memref<10240x64xf32, #tpu.memory_space<hbm>>) dst(%arg13 : memref<125x64xf32, #tpu.memory_space<vmem>>)
    %dma_start3A_566 = arith.constant 76 : i32
    %dma_start3A_567 = arith.constant 0 : i32
    %dma_start3A_568 = tpu.memref_slice %arg8[%dma_start3A_566, %dma_start3A_567] : memref<80x125xi32, #tpu.memory_space<vmem>> -> memref<1x125xi32, #tpu.memory_space<vmem>>
    %dma_start3A_569 = tpu.memref_squeeze %dma_start3A_568 : memref<1x125xi32, #tpu.memory_space<vmem>> -> memref<125xi32, #tpu.memory_space<vmem>>
    %dma_start3A_570 = arith.constant 0 : i32
    %dma_start3A_571 = arith.constant 0 : i32
    %dma_start3A_572 = tpu.memref_slice %arg18[%dma_start3A_570, %dma_start3A_571] : memref<10240x64xf32, #tpu.memory_space<vmem_shared>> -> memref<10240x64xf32, #tpu.memory_space<vmem_shared>>
    tpu.enqueue_indirect_dma source(%arg13 : memref<125x64xf32, #tpu.memory_space<vmem>>) target(%dma_start3A_572 : memref<10240x64xf32, #tpu.memory_space<vmem_shared>>) offsets(%dma_start3A_569 : memref<125xi32, #tpu.memory_space<vmem>>) semaphore(%arg31 : memref<!tpu.dma_semaphore, #tpu.memory_space<semaphore_mem>>) {add = true}
    %dma_wait3A_573 = arith.constant 74 : i32
    %dma_wait3A_574 = arith.constant 0 : i32
    %dma_wait3A_575 = tpu.memref_slice %arg8[%dma_wait3A_573, %dma_wait3A_574] : memref<80x125xi32, #tpu.memory_space<vmem>> -> memref<1x125xi32, #tpu.memory_space<vmem>>
    %dma_wait3A_576 = tpu.memref_squeeze %dma_wait3A_575 : memref<1x125xi32, #tpu.memory_space<vmem>> -> memref<125xi32, #tpu.memory_space<vmem>>
    %dma_wait3A_577 = arith.constant 0 : i32
    %dma_wait3A_578 = arith.constant 0 : i32
    %dma_wait3A_579 = tpu.memref_slice %arg18[%dma_wait3A_577, %dma_wait3A_578] : memref<10240x64xf32, #tpu.memory_space<vmem_shared>> -> memref<10240x64xf32, #tpu.memory_space<vmem_shared>>
    tpu.wait_indirect_dma semaphore(%arg29 : memref<!tpu.dma_semaphore, #tpu.memory_space<semaphore_mem>>) src(%arg11 : memref<125x64xf32, #tpu.memory_space<vmem>>) dst(%dma_wait3A_579 : memref<10240x64xf32, #tpu.memory_space<vmem_shared>>)
    %dma_wait3A_580 = arith.constant 77 : i32
    %dma_wait3A_581 = arith.constant 0 : i32
    %dma_wait3A_582 = tpu.memref_slice %arg7[%dma_wait3A_580, %dma_wait3A_581] : memref<80x125xi32, #tpu.memory_space<vmem>> -> memref<1x125xi32, #tpu.memory_space<vmem>>
    %dma_wait3A_583 = tpu.memref_squeeze %dma_wait3A_582 : memref<1x125xi32, #tpu.memory_space<vmem>> -> memref<125xi32, #tpu.memory_space<vmem>>
    %dma_wait3A_584 = arith.constant 0 : i32
    %dma_wait3A_585 = arith.constant 0 : i32
    %dma_wait3A_586 = tpu.memref_slice %arg2[%dma_wait3A_584, %dma_wait3A_585] : memref<10240x64xf32, #tpu.memory_space<hbm>> -> memref<10240x64xf32, #tpu.memory_space<hbm>>
    tpu.wait_indirect_dma semaphore(%arg24 : memref<!tpu.dma_semaphore, #tpu.memory_space<semaphore_mem>>) src(%dma_wait3A_586 : memref<10240x64xf32, #tpu.memory_space<hbm>>) dst(%arg14 : memref<125x64xf32, #tpu.memory_space<vmem>>)
    %dma_start3A_587 = arith.constant 77 : i32
    %dma_start3A_588 = arith.constant 0 : i32
    %dma_start3A_589 = tpu.memref_slice %arg8[%dma_start3A_587, %dma_start3A_588] : memref<80x125xi32, #tpu.memory_space<vmem>> -> memref<1x125xi32, #tpu.memory_space<vmem>>
    %dma_start3A_590 = tpu.memref_squeeze %dma_start3A_589 : memref<1x125xi32, #tpu.memory_space<vmem>> -> memref<125xi32, #tpu.memory_space<vmem>>
    %dma_start3A_591 = arith.constant 0 : i32
    %dma_start3A_592 = arith.constant 0 : i32
    %dma_start3A_593 = tpu.memref_slice %arg18[%dma_start3A_591, %dma_start3A_592] : memref<10240x64xf32, #tpu.memory_space<vmem_shared>> -> memref<10240x64xf32, #tpu.memory_space<vmem_shared>>
    tpu.enqueue_indirect_dma source(%arg14 : memref<125x64xf32, #tpu.memory_space<vmem>>) target(%dma_start3A_593 : memref<10240x64xf32, #tpu.memory_space<vmem_shared>>) offsets(%dma_start3A_590 : memref<125xi32, #tpu.memory_space<vmem>>) semaphore(%arg32 : memref<!tpu.dma_semaphore, #tpu.memory_space<semaphore_mem>>) {add = true}
    %dma_wait3A_594 = arith.constant 75 : i32
    %dma_wait3A_595 = arith.constant 0 : i32
    %dma_wait3A_596 = tpu.memref_slice %arg8[%dma_wait3A_594, %dma_wait3A_595] : memref<80x125xi32, #tpu.memory_space<vmem>> -> memref<1x125xi32, #tpu.memory_space<vmem>>
    %dma_wait3A_597 = tpu.memref_squeeze %dma_wait3A_596 : memref<1x125xi32, #tpu.memory_space<vmem>> -> memref<125xi32, #tpu.memory_space<vmem>>
    %dma_wait3A_598 = arith.constant 0 : i32
    %dma_wait3A_599 = arith.constant 0 : i32
    %dma_wait3A_600 = tpu.memref_slice %arg18[%dma_wait3A_598, %dma_wait3A_599] : memref<10240x64xf32, #tpu.memory_space<vmem_shared>> -> memref<10240x64xf32, #tpu.memory_space<vmem_shared>>
    tpu.wait_indirect_dma semaphore(%arg30 : memref<!tpu.dma_semaphore, #tpu.memory_space<semaphore_mem>>) src(%arg12 : memref<125x64xf32, #tpu.memory_space<vmem>>) dst(%dma_wait3A_600 : memref<10240x64xf32, #tpu.memory_space<vmem_shared>>)
    %dma_wait3A_601 = arith.constant 78 : i32
    %dma_wait3A_602 = arith.constant 0 : i32
    %dma_wait3A_603 = tpu.memref_slice %arg7[%dma_wait3A_601, %dma_wait3A_602] : memref<80x125xi32, #tpu.memory_space<vmem>> -> memref<1x125xi32, #tpu.memory_space<vmem>>
    %dma_wait3A_604 = tpu.memref_squeeze %dma_wait3A_603 : memref<1x125xi32, #tpu.memory_space<vmem>> -> memref<125xi32, #tpu.memory_space<vmem>>
    %dma_wait3A_605 = arith.constant 0 : i32
    %dma_wait3A_606 = arith.constant 0 : i32
    %dma_wait3A_607 = tpu.memref_slice %arg2[%dma_wait3A_605, %dma_wait3A_606] : memref<10240x64xf32, #tpu.memory_space<hbm>> -> memref<10240x64xf32, #tpu.memory_space<hbm>>
    tpu.wait_indirect_dma semaphore(%arg25 : memref<!tpu.dma_semaphore, #tpu.memory_space<semaphore_mem>>) src(%dma_wait3A_607 : memref<10240x64xf32, #tpu.memory_space<hbm>>) dst(%arg15 : memref<125x64xf32, #tpu.memory_space<vmem>>)
    %dma_start3A_608 = arith.constant 78 : i32
    %dma_start3A_609 = arith.constant 0 : i32
    %dma_start3A_610 = tpu.memref_slice %arg8[%dma_start3A_608, %dma_start3A_609] : memref<80x125xi32, #tpu.memory_space<vmem>> -> memref<1x125xi32, #tpu.memory_space<vmem>>
    %dma_start3A_611 = tpu.memref_squeeze %dma_start3A_610 : memref<1x125xi32, #tpu.memory_space<vmem>> -> memref<125xi32, #tpu.memory_space<vmem>>
    %dma_start3A_612 = arith.constant 0 : i32
    %dma_start3A_613 = arith.constant 0 : i32
    %dma_start3A_614 = tpu.memref_slice %arg18[%dma_start3A_612, %dma_start3A_613] : memref<10240x64xf32, #tpu.memory_space<vmem_shared>> -> memref<10240x64xf32, #tpu.memory_space<vmem_shared>>
    tpu.enqueue_indirect_dma source(%arg15 : memref<125x64xf32, #tpu.memory_space<vmem>>) target(%dma_start3A_614 : memref<10240x64xf32, #tpu.memory_space<vmem_shared>>) offsets(%dma_start3A_611 : memref<125xi32, #tpu.memory_space<vmem>>) semaphore(%arg33 : memref<!tpu.dma_semaphore, #tpu.memory_space<semaphore_mem>>) {add = true}
    %dma_wait3A_615 = arith.constant 76 : i32
    %dma_wait3A_616 = arith.constant 0 : i32
    %dma_wait3A_617 = tpu.memref_slice %arg8[%dma_wait3A_615, %dma_wait3A_616] : memref<80x125xi32, #tpu.memory_space<vmem>> -> memref<1x125xi32, #tpu.memory_space<vmem>>
    %dma_wait3A_618 = tpu.memref_squeeze %dma_wait3A_617 : memref<1x125xi32, #tpu.memory_space<vmem>> -> memref<125xi32, #tpu.memory_space<vmem>>
    %dma_wait3A_619 = arith.constant 0 : i32
    %dma_wait3A_620 = arith.constant 0 : i32
    %dma_wait3A_621 = tpu.memref_slice %arg18[%dma_wait3A_619, %dma_wait3A_620] : memref<10240x64xf32, #tpu.memory_space<vmem_shared>> -> memref<10240x64xf32, #tpu.memory_space<vmem_shared>>
    tpu.wait_indirect_dma semaphore(%arg31 : memref<!tpu.dma_semaphore, #tpu.memory_space<semaphore_mem>>) src(%arg13 : memref<125x64xf32, #tpu.memory_space<vmem>>) dst(%dma_wait3A_621 : memref<10240x64xf32, #tpu.memory_space<vmem_shared>>)
    %dma_wait3A_622 = arith.constant 79 : i32
    %dma_wait3A_623 = arith.constant 0 : i32
    %dma_wait3A_624 = tpu.memref_slice %arg7[%dma_wait3A_622, %dma_wait3A_623] : memref<80x125xi32, #tpu.memory_space<vmem>> -> memref<1x125xi32, #tpu.memory_space<vmem>>
    %dma_wait3A_625 = tpu.memref_squeeze %dma_wait3A_624 : memref<1x125xi32, #tpu.memory_space<vmem>> -> memref<125xi32, #tpu.memory_space<vmem>>
    %dma_wait3A_626 = arith.constant 0 : i32
    %dma_wait3A_627 = arith.constant 0 : i32
    %dma_wait3A_628 = tpu.memref_slice %arg2[%dma_wait3A_626, %dma_wait3A_627] : memref<10240x64xf32, #tpu.memory_space<hbm>> -> memref<10240x64xf32, #tpu.memory_space<hbm>>
    tpu.wait_indirect_dma semaphore(%arg26 : memref<!tpu.dma_semaphore, #tpu.memory_space<semaphore_mem>>) src(%dma_wait3A_628 : memref<10240x64xf32, #tpu.memory_space<hbm>>) dst(%arg16 : memref<125x64xf32, #tpu.memory_space<vmem>>)
    %dma_start3A_629 = arith.constant 79 : i32
    %dma_start3A_630 = arith.constant 0 : i32
    %dma_start3A_631 = tpu.memref_slice %arg8[%dma_start3A_629, %dma_start3A_630] : memref<80x125xi32, #tpu.memory_space<vmem>> -> memref<1x125xi32, #tpu.memory_space<vmem>>
    %dma_start3A_632 = tpu.memref_squeeze %dma_start3A_631 : memref<1x125xi32, #tpu.memory_space<vmem>> -> memref<125xi32, #tpu.memory_space<vmem>>
    %dma_start3A_633 = arith.constant 0 : i32
    %dma_start3A_634 = arith.constant 0 : i32
    %dma_start3A_635 = tpu.memref_slice %arg18[%dma_start3A_633, %dma_start3A_634] : memref<10240x64xf32, #tpu.memory_space<vmem_shared>> -> memref<10240x64xf32, #tpu.memory_space<vmem_shared>>
    tpu.enqueue_indirect_dma source(%arg16 : memref<125x64xf32, #tpu.memory_space<vmem>>) target(%dma_start3A_635 : memref<10240x64xf32, #tpu.memory_space<vmem_shared>>) offsets(%dma_start3A_632 : memref<125xi32, #tpu.memory_space<vmem>>) semaphore(%arg34 : memref<!tpu.dma_semaphore, #tpu.memory_space<semaphore_mem>>) {add = true}
    %dma_wait3A_636 = arith.constant 77 : i32
    %dma_wait3A_637 = arith.constant 0 : i32
    %dma_wait3A_638 = tpu.memref_slice %arg8[%dma_wait3A_636, %dma_wait3A_637] : memref<80x125xi32, #tpu.memory_space<vmem>> -> memref<1x125xi32, #tpu.memory_space<vmem>>
    %dma_wait3A_639 = tpu.memref_squeeze %dma_wait3A_638 : memref<1x125xi32, #tpu.memory_space<vmem>> -> memref<125xi32, #tpu.memory_space<vmem>>
    %dma_wait3A_640 = arith.constant 0 : i32
    %dma_wait3A_641 = arith.constant 0 : i32
    %dma_wait3A_642 = tpu.memref_slice %arg18[%dma_wait3A_640, %dma_wait3A_641] : memref<10240x64xf32, #tpu.memory_space<vmem_shared>> -> memref<10240x64xf32, #tpu.memory_space<vmem_shared>>
    tpu.wait_indirect_dma semaphore(%arg32 : memref<!tpu.dma_semaphore, #tpu.memory_space<semaphore_mem>>) src(%arg14 : memref<125x64xf32, #tpu.memory_space<vmem>>) dst(%dma_wait3A_642 : memref<10240x64xf32, #tpu.memory_space<vmem_shared>>)
    %dma_wait3A_643 = arith.constant 78 : i32
    %dma_wait3A_644 = arith.constant 0 : i32
    %dma_wait3A_645 = tpu.memref_slice %arg8[%dma_wait3A_643, %dma_wait3A_644] : memref<80x125xi32, #tpu.memory_space<vmem>> -> memref<1x125xi32, #tpu.memory_space<vmem>>
    %dma_wait3A_646 = tpu.memref_squeeze %dma_wait3A_645 : memref<1x125xi32, #tpu.memory_space<vmem>> -> memref<125xi32, #tpu.memory_space<vmem>>
    %dma_wait3A_647 = arith.constant 0 : i32
    %dma_wait3A_648 = arith.constant 0 : i32
    %dma_wait3A_649 = tpu.memref_slice %arg18[%dma_wait3A_647, %dma_wait3A_648] : memref<10240x64xf32, #tpu.memory_space<vmem_shared>> -> memref<10240x64xf32, #tpu.memory_space<vmem_shared>>
    tpu.wait_indirect_dma semaphore(%arg33 : memref<!tpu.dma_semaphore, #tpu.memory_space<semaphore_mem>>) src(%arg15 : memref<125x64xf32, #tpu.memory_space<vmem>>) dst(%dma_wait3A_649 : memref<10240x64xf32, #tpu.memory_space<vmem_shared>>)
    %dma_wait3A_650 = arith.constant 79 : i32
    %dma_wait3A_651 = arith.constant 0 : i32
    %dma_wait3A_652 = tpu.memref_slice %arg8[%dma_wait3A_650, %dma_wait3A_651] : memref<80x125xi32, #tpu.memory_space<vmem>> -> memref<1x125xi32, #tpu.memory_space<vmem>>
    %dma_wait3A_653 = tpu.memref_squeeze %dma_wait3A_652 : memref<1x125xi32, #tpu.memory_space<vmem>> -> memref<125xi32, #tpu.memory_space<vmem>>
    %dma_wait3A_654 = arith.constant 0 : i32
    %dma_wait3A_655 = arith.constant 0 : i32
    %dma_wait3A_656 = tpu.memref_slice %arg18[%dma_wait3A_654, %dma_wait3A_655] : memref<10240x64xf32, #tpu.memory_space<vmem_shared>> -> memref<10240x64xf32, #tpu.memory_space<vmem_shared>>
    tpu.wait_indirect_dma semaphore(%arg34 : memref<!tpu.dma_semaphore, #tpu.memory_space<semaphore_mem>>) src(%arg16 : memref<125x64xf32, #tpu.memory_space<vmem>>) dst(%dma_wait3A_656 : memref<10240x64xf32, #tpu.memory_space<vmem_shared>>)
    %barrier3A_657 = arith.constant 0 : index
    tpu.barrier barrier_id(%barrier3A_657)
    %mul3A_658 = arith.constant 640 : i32
    %mul3A_659 = arith.muli %arg1, %mul3A_658 : i32
    %mul3A_660 = arith.constant 640 : i32
    %mul3A_661 = arith.muli %arg1, %mul3A_660 : i32
    "tpu.region"() ({
      %run_scoped3A = tpu.sem_alloc : memref<!tpu.dma_semaphore, #tpu.memory_space<semaphore_mem>>
      %dma_start3A_1283 = arith.constant 0 : i32
      %dma_start3A_1284 = tpu.memref_slice %arg5[%arg0, %mul3A_661, %dma_start3A_1283] : memref<2x10240x64xf32, #tpu.memory_space<hbm>> -> memref<1x640x64xf32, #tpu.memory_space<hbm>>
      %dma_start3A_1285 = tpu.memref_squeeze %dma_start3A_1284 : memref<1x640x64xf32, #tpu.memory_space<hbm>> -> memref<640x64xf32, #tpu.memory_space<hbm>>
      %dma_start3A_1286 = arith.constant 0 : i32
      %dma_start3A_1287 = tpu.memref_slice %arg18[%mul3A_659, %dma_start3A_1286] : memref<10240x64xf32, #tpu.memory_space<vmem_shared>> -> memref<640x64xf32, #tpu.memory_space<vmem_shared>>
      tpu.enqueue_dma source(%dma_start3A_1287 : memref<640x64xf32, #tpu.memory_space<vmem_shared>>) target(%dma_start3A_1285 : memref<640x64xf32, #tpu.memory_space<hbm>>) target_semaphore(%run_scoped3A : memref<!tpu.dma_semaphore, #tpu.memory_space<semaphore_mem>>)
      %dma_wait3A_1288 = arith.constant 0 : i32
      %dma_wait3A_1289 = tpu.memref_slice %arg5[%arg0, %mul3A_661, %dma_wait3A_1288] : memref<2x10240x64xf32, #tpu.memory_space<hbm>> -> memref<1x640x64xf32, #tpu.memory_space<hbm>>
      %dma_wait3A_1290 = tpu.memref_squeeze %dma_wait3A_1289 : memref<1x640x64xf32, #tpu.memory_space<hbm>> -> memref<640x64xf32, #tpu.memory_space<hbm>>
      %dma_wait3A_1291 = arith.constant 0 : i32
      %dma_wait3A_1292 = tpu.memref_slice %arg18[%mul3A_659, %dma_wait3A_1291] : memref<10240x64xf32, #tpu.memory_space<vmem_shared>> -> memref<640x64xf32, #tpu.memory_space<vmem_shared>>
      tpu.wait_dma2 semaphore(%run_scoped3A : memref<!tpu.dma_semaphore, #tpu.memory_space<semaphore_mem>>) src(%dma_wait3A_1292 : memref<640x64xf32, #tpu.memory_space<vmem_shared>>) dst(%dma_wait3A_1290 : memref<640x64xf32, #tpu.memory_space<hbm>>)
      tpu.yield
    }) : () -> ()
    %dma_start3A_662 = arith.constant 0 : i32
    %dma_start3A_663 = arith.constant 0 : i32
    %dma_start3A_664 = tpu.memref_slice %arg7[%dma_start3A_662, %dma_start3A_663] : memref<80x125xi32, #tpu.memory_space<vmem>> -> memref<1x125xi32, #tpu.memory_space<vmem>>
    %dma_start3A_665 = tpu.memref_squeeze %dma_start3A_664 : memref<1x125xi32, #tpu.memory_space<vmem>> -> memref<125xi32, #tpu.memory_space<vmem>>
    %dma_start3A_666 = arith.constant 0 : i32
    %dma_start3A_667 = arith.constant 0 : i32
    %dma_start3A_668 = tpu.memref_slice %arg3[%dma_start3A_666, %dma_start3A_667] : memref<10240x64xf32, #tpu.memory_space<hbm>> -> memref<10240x64xf32, #tpu.memory_space<hbm>>
    tpu.enqueue_indirect_dma source(%dma_start3A_668 : memref<10240x64xf32, #tpu.memory_space<hbm>>) target(%arg9 : memref<125x64xf32, #tpu.memory_space<vmem>>) offsets(%dma_start3A_665 : memref<125xi32, #tpu.memory_space<vmem>>) semaphore(%arg19 : memref<!tpu.dma_semaphore, #tpu.memory_space<semaphore_mem>>)
    %dma_start3A_669 = arith.constant 1 : i32
    %dma_start3A_670 = arith.constant 0 : i32
    %dma_start3A_671 = tpu.memref_slice %arg7[%dma_start3A_669, %dma_start3A_670] : memref<80x125xi32, #tpu.memory_space<vmem>> -> memref<1x125xi32, #tpu.memory_space<vmem>>
    %dma_start3A_672 = tpu.memref_squeeze %dma_start3A_671 : memref<1x125xi32, #tpu.memory_space<vmem>> -> memref<125xi32, #tpu.memory_space<vmem>>
    %dma_start3A_673 = arith.constant 0 : i32
    %dma_start3A_674 = arith.constant 0 : i32
    %dma_start3A_675 = tpu.memref_slice %arg3[%dma_start3A_673, %dma_start3A_674] : memref<10240x64xf32, #tpu.memory_space<hbm>> -> memref<10240x64xf32, #tpu.memory_space<hbm>>
    tpu.enqueue_indirect_dma source(%dma_start3A_675 : memref<10240x64xf32, #tpu.memory_space<hbm>>) target(%arg10 : memref<125x64xf32, #tpu.memory_space<vmem>>) offsets(%dma_start3A_672 : memref<125xi32, #tpu.memory_space<vmem>>) semaphore(%arg20 : memref<!tpu.dma_semaphore, #tpu.memory_space<semaphore_mem>>)
    %dma_start3A_676 = arith.constant 2 : i32
    %dma_start3A_677 = arith.constant 0 : i32
    %dma_start3A_678 = tpu.memref_slice %arg7[%dma_start3A_676, %dma_start3A_677] : memref<80x125xi32, #tpu.memory_space<vmem>> -> memref<1x125xi32, #tpu.memory_space<vmem>>
    %dma_start3A_679 = tpu.memref_squeeze %dma_start3A_678 : memref<1x125xi32, #tpu.memory_space<vmem>> -> memref<125xi32, #tpu.memory_space<vmem>>
    %dma_start3A_680 = arith.constant 0 : i32
    %dma_start3A_681 = arith.constant 0 : i32
    %dma_start3A_682 = tpu.memref_slice %arg3[%dma_start3A_680, %dma_start3A_681] : memref<10240x64xf32, #tpu.memory_space<hbm>> -> memref<10240x64xf32, #tpu.memory_space<hbm>>
    tpu.enqueue_indirect_dma source(%dma_start3A_682 : memref<10240x64xf32, #tpu.memory_space<hbm>>) target(%arg11 : memref<125x64xf32, #tpu.memory_space<vmem>>) offsets(%dma_start3A_679 : memref<125xi32, #tpu.memory_space<vmem>>) semaphore(%arg21 : memref<!tpu.dma_semaphore, #tpu.memory_space<semaphore_mem>>)
    %dma_start3A_683 = arith.constant 3 : i32
    %dma_start3A_684 = arith.constant 0 : i32
    %dma_start3A_685 = tpu.memref_slice %arg7[%dma_start3A_683, %dma_start3A_684] : memref<80x125xi32, #tpu.memory_space<vmem>> -> memref<1x125xi32, #tpu.memory_space<vmem>>
    %dma_start3A_686 = tpu.memref_squeeze %dma_start3A_685 : memref<1x125xi32, #tpu.memory_space<vmem>> -> memref<125xi32, #tpu.memory_space<vmem>>
    %dma_start3A_687 = arith.constant 0 : i32
    %dma_start3A_688 = arith.constant 0 : i32
    %dma_start3A_689 = tpu.memref_slice %arg3[%dma_start3A_687, %dma_start3A_688] : memref<10240x64xf32, #tpu.memory_space<hbm>> -> memref<10240x64xf32, #tpu.memory_space<hbm>>
    tpu.enqueue_indirect_dma source(%dma_start3A_689 : memref<10240x64xf32, #tpu.memory_space<hbm>>) target(%arg12 : memref<125x64xf32, #tpu.memory_space<vmem>>) offsets(%dma_start3A_686 : memref<125xi32, #tpu.memory_space<vmem>>) semaphore(%arg22 : memref<!tpu.dma_semaphore, #tpu.memory_space<semaphore_mem>>)
    %dma_start3A_690 = arith.constant 4 : i32
    %dma_start3A_691 = arith.constant 0 : i32
    %dma_start3A_692 = tpu.memref_slice %arg7[%dma_start3A_690, %dma_start3A_691] : memref<80x125xi32, #tpu.memory_space<vmem>> -> memref<1x125xi32, #tpu.memory_space<vmem>>
    %dma_start3A_693 = tpu.memref_squeeze %dma_start3A_692 : memref<1x125xi32, #tpu.memory_space<vmem>> -> memref<125xi32, #tpu.memory_space<vmem>>
    %dma_start3A_694 = arith.constant 0 : i32
    %dma_start3A_695 = arith.constant 0 : i32
    %dma_start3A_696 = tpu.memref_slice %arg3[%dma_start3A_694, %dma_start3A_695] : memref<10240x64xf32, #tpu.memory_space<hbm>> -> memref<10240x64xf32, #tpu.memory_space<hbm>>
    tpu.enqueue_indirect_dma source(%dma_start3A_696 : memref<10240x64xf32, #tpu.memory_space<hbm>>) target(%arg13 : memref<125x64xf32, #tpu.memory_space<vmem>>) offsets(%dma_start3A_693 : memref<125xi32, #tpu.memory_space<vmem>>) semaphore(%arg23 : memref<!tpu.dma_semaphore, #tpu.memory_space<semaphore_mem>>)
    %mul3A_697 = arith.constant 640 : i32
    %mul3A_698 = arith.muli %arg1, %mul3A_697 : i32
    %add3A_699 = arith.constant 0 : i32
    %add3A_700 = arith.addi %mul3A_698, %add3A_699 : i32
    %dma_start3A_701 = arith.constant 0 : i32
    %dma_start3A_702 = tpu.memref_slice %arg18[%add3A_700, %dma_start3A_701] : memref<10240x64xf32, #tpu.memory_space<vmem_shared>> -> memref<64x64xf32, #tpu.memory_space<vmem_shared>>
    %dma_start3A_703 = arith.constant 0 : i32
    %dma_start3A_704 = tpu.memref_slice %arg18[%add3A_700, %dma_start3A_703] : memref<10240x64xf32, #tpu.memory_space<vmem_shared>> -> memref<64x64xf32, #tpu.memory_space<vmem_shared>>
    tpu.enqueue_dma source(%arg17 : memref<64x64xf32, #tpu.memory_space<vmem>>) target(%dma_start3A_704 : memref<64x64xf32, #tpu.memory_space<vmem_shared>>) target_semaphore(%arg35 : memref<!tpu.dma_semaphore, #tpu.memory_space<semaphore_mem>>)
    %mul3A_705 = arith.constant 640 : i32
    %mul3A_706 = arith.muli %arg1, %mul3A_705 : i32
    %add3A_707 = arith.constant 64 : i32
    %add3A_708 = arith.addi %mul3A_706, %add3A_707 : i32
    %dma_start3A_709 = arith.constant 0 : i32
    %dma_start3A_710 = tpu.memref_slice %arg18[%add3A_708, %dma_start3A_709] : memref<10240x64xf32, #tpu.memory_space<vmem_shared>> -> memref<64x64xf32, #tpu.memory_space<vmem_shared>>
    %dma_start3A_711 = arith.constant 0 : i32
    %dma_start3A_712 = tpu.memref_slice %arg18[%add3A_708, %dma_start3A_711] : memref<10240x64xf32, #tpu.memory_space<vmem_shared>> -> memref<64x64xf32, #tpu.memory_space<vmem_shared>>
    tpu.enqueue_dma source(%arg17 : memref<64x64xf32, #tpu.memory_space<vmem>>) target(%dma_start3A_712 : memref<64x64xf32, #tpu.memory_space<vmem_shared>>) target_semaphore(%arg35 : memref<!tpu.dma_semaphore, #tpu.memory_space<semaphore_mem>>)
    %mul3A_713 = arith.constant 640 : i32
    %mul3A_714 = arith.muli %arg1, %mul3A_713 : i32
    %add3A_715 = arith.constant 128 : i32
    %add3A_716 = arith.addi %mul3A_714, %add3A_715 : i32
    %dma_start3A_717 = arith.constant 0 : i32
    %dma_start3A_718 = tpu.memref_slice %arg18[%add3A_716, %dma_start3A_717] : memref<10240x64xf32, #tpu.memory_space<vmem_shared>> -> memref<64x64xf32, #tpu.memory_space<vmem_shared>>
    %dma_start3A_719 = arith.constant 0 : i32
    %dma_start3A_720 = tpu.memref_slice %arg18[%add3A_716, %dma_start3A_719] : memref<10240x64xf32, #tpu.memory_space<vmem_shared>> -> memref<64x64xf32, #tpu.memory_space<vmem_shared>>
    tpu.enqueue_dma source(%arg17 : memref<64x64xf32, #tpu.memory_space<vmem>>) target(%dma_start3A_720 : memref<64x64xf32, #tpu.memory_space<vmem_shared>>) target_semaphore(%arg35 : memref<!tpu.dma_semaphore, #tpu.memory_space<semaphore_mem>>)
    %mul3A_721 = arith.constant 640 : i32
    %mul3A_722 = arith.muli %arg1, %mul3A_721 : i32
    %add3A_723 = arith.constant 192 : i32
    %add3A_724 = arith.addi %mul3A_722, %add3A_723 : i32
    %dma_start3A_725 = arith.constant 0 : i32
    %dma_start3A_726 = tpu.memref_slice %arg18[%add3A_724, %dma_start3A_725] : memref<10240x64xf32, #tpu.memory_space<vmem_shared>> -> memref<64x64xf32, #tpu.memory_space<vmem_shared>>
    %dma_start3A_727 = arith.constant 0 : i32
    %dma_start3A_728 = tpu.memref_slice %arg18[%add3A_724, %dma_start3A_727] : memref<10240x64xf32, #tpu.memory_space<vmem_shared>> -> memref<64x64xf32, #tpu.memory_space<vmem_shared>>
    tpu.enqueue_dma source(%arg17 : memref<64x64xf32, #tpu.memory_space<vmem>>) target(%dma_start3A_728 : memref<64x64xf32, #tpu.memory_space<vmem_shared>>) target_semaphore(%arg35 : memref<!tpu.dma_semaphore, #tpu.memory_space<semaphore_mem>>)
    %mul3A_729 = arith.constant 640 : i32
    %mul3A_730 = arith.muli %arg1, %mul3A_729 : i32
    %add3A_731 = arith.constant 256 : i32
    %add3A_732 = arith.addi %mul3A_730, %add3A_731 : i32
    %dma_start3A_733 = arith.constant 0 : i32
    %dma_start3A_734 = tpu.memref_slice %arg18[%add3A_732, %dma_start3A_733] : memref<10240x64xf32, #tpu.memory_space<vmem_shared>> -> memref<64x64xf32, #tpu.memory_space<vmem_shared>>
    %dma_start3A_735 = arith.constant 0 : i32
    %dma_start3A_736 = tpu.memref_slice %arg18[%add3A_732, %dma_start3A_735] : memref<10240x64xf32, #tpu.memory_space<vmem_shared>> -> memref<64x64xf32, #tpu.memory_space<vmem_shared>>
    tpu.enqueue_dma source(%arg17 : memref<64x64xf32, #tpu.memory_space<vmem>>) target(%dma_start3A_736 : memref<64x64xf32, #tpu.memory_space<vmem_shared>>) target_semaphore(%arg35 : memref<!tpu.dma_semaphore, #tpu.memory_space<semaphore_mem>>)
    %mul3A_737 = arith.constant 640 : i32
    %mul3A_738 = arith.muli %arg1, %mul3A_737 : i32
    %add3A_739 = arith.constant 320 : i32
    %add3A_740 = arith.addi %mul3A_738, %add3A_739 : i32
    %dma_start3A_741 = arith.constant 0 : i32
    %dma_start3A_742 = tpu.memref_slice %arg18[%add3A_740, %dma_start3A_741] : memref<10240x64xf32, #tpu.memory_space<vmem_shared>> -> memref<64x64xf32, #tpu.memory_space<vmem_shared>>
    %dma_start3A_743 = arith.constant 0 : i32
    %dma_start3A_744 = tpu.memref_slice %arg18[%add3A_740, %dma_start3A_743] : memref<10240x64xf32, #tpu.memory_space<vmem_shared>> -> memref<64x64xf32, #tpu.memory_space<vmem_shared>>
    tpu.enqueue_dma source(%arg17 : memref<64x64xf32, #tpu.memory_space<vmem>>) target(%dma_start3A_744 : memref<64x64xf32, #tpu.memory_space<vmem_shared>>) target_semaphore(%arg35 : memref<!tpu.dma_semaphore, #tpu.memory_space<semaphore_mem>>)
    %mul3A_745 = arith.constant 640 : i32
    %mul3A_746 = arith.muli %arg1, %mul3A_745 : i32
    %add3A_747 = arith.constant 384 : i32
    %add3A_748 = arith.addi %mul3A_746, %add3A_747 : i32
    %dma_start3A_749 = arith.constant 0 : i32
    %dma_start3A_750 = tpu.memref_slice %arg18[%add3A_748, %dma_start3A_749] : memref<10240x64xf32, #tpu.memory_space<vmem_shared>> -> memref<64x64xf32, #tpu.memory_space<vmem_shared>>
    %dma_start3A_751 = arith.constant 0 : i32
    %dma_start3A_752 = tpu.memref_slice %arg18[%add3A_748, %dma_start3A_751] : memref<10240x64xf32, #tpu.memory_space<vmem_shared>> -> memref<64x64xf32, #tpu.memory_space<vmem_shared>>
    tpu.enqueue_dma source(%arg17 : memref<64x64xf32, #tpu.memory_space<vmem>>) target(%dma_start3A_752 : memref<64x64xf32, #tpu.memory_space<vmem_shared>>) target_semaphore(%arg35 : memref<!tpu.dma_semaphore, #tpu.memory_space<semaphore_mem>>)
    %mul3A_753 = arith.constant 640 : i32
    %mul3A_754 = arith.muli %arg1, %mul3A_753 : i32
    %add3A_755 = arith.constant 448 : i32
    %add3A_756 = arith.addi %mul3A_754, %add3A_755 : i32
    %dma_start3A_757 = arith.constant 0 : i32
    %dma_start3A_758 = tpu.memref_slice %arg18[%add3A_756, %dma_start3A_757] : memref<10240x64xf32, #tpu.memory_space<vmem_shared>> -> memref<64x64xf32, #tpu.memory_space<vmem_shared>>
    %dma_start3A_759 = arith.constant 0 : i32
    %dma_start3A_760 = tpu.memref_slice %arg18[%add3A_756, %dma_start3A_759] : memref<10240x64xf32, #tpu.memory_space<vmem_shared>> -> memref<64x64xf32, #tpu.memory_space<vmem_shared>>
    tpu.enqueue_dma source(%arg17 : memref<64x64xf32, #tpu.memory_space<vmem>>) target(%dma_start3A_760 : memref<64x64xf32, #tpu.memory_space<vmem_shared>>) target_semaphore(%arg35 : memref<!tpu.dma_semaphore, #tpu.memory_space<semaphore_mem>>)
    %mul3A_761 = arith.constant 640 : i32
    %mul3A_762 = arith.muli %arg1, %mul3A_761 : i32
    %add3A_763 = arith.constant 512 : i32
    %add3A_764 = arith.addi %mul3A_762, %add3A_763 : i32
    %dma_start3A_765 = arith.constant 0 : i32
    %dma_start3A_766 = tpu.memref_slice %arg18[%add3A_764, %dma_start3A_765] : memref<10240x64xf32, #tpu.memory_space<vmem_shared>> -> memref<64x64xf32, #tpu.memory_space<vmem_shared>>
    %dma_start3A_767 = arith.constant 0 : i32
    %dma_start3A_768 = tpu.memref_slice %arg18[%add3A_764, %dma_start3A_767] : memref<10240x64xf32, #tpu.memory_space<vmem_shared>> -> memref<64x64xf32, #tpu.memory_space<vmem_shared>>
    tpu.enqueue_dma source(%arg17 : memref<64x64xf32, #tpu.memory_space<vmem>>) target(%dma_start3A_768 : memref<64x64xf32, #tpu.memory_space<vmem_shared>>) target_semaphore(%arg35 : memref<!tpu.dma_semaphore, #tpu.memory_space<semaphore_mem>>)
    %mul3A_769 = arith.constant 640 : i32
    %mul3A_770 = arith.muli %arg1, %mul3A_769 : i32
    %add3A_771 = arith.constant 576 : i32
    %add3A_772 = arith.addi %mul3A_770, %add3A_771 : i32
    %dma_start3A_773 = arith.constant 0 : i32
    %dma_start3A_774 = tpu.memref_slice %arg18[%add3A_772, %dma_start3A_773] : memref<10240x64xf32, #tpu.memory_space<vmem_shared>> -> memref<64x64xf32, #tpu.memory_space<vmem_shared>>
    %dma_start3A_775 = arith.constant 0 : i32
    %dma_start3A_776 = tpu.memref_slice %arg18[%add3A_772, %dma_start3A_775] : memref<10240x64xf32, #tpu.memory_space<vmem_shared>> -> memref<64x64xf32, #tpu.memory_space<vmem_shared>>
    tpu.enqueue_dma source(%arg17 : memref<64x64xf32, #tpu.memory_space<vmem>>) target(%dma_start3A_776 : memref<64x64xf32, #tpu.memory_space<vmem_shared>>) target_semaphore(%arg35 : memref<!tpu.dma_semaphore, #tpu.memory_space<semaphore_mem>>)
    %mul3A_777 = arith.constant 640 : i32
    %mul3A_778 = arith.muli %arg1, %mul3A_777 : i32
    %add3A_779 = arith.constant 0 : i32
    %add3A_780 = arith.addi %mul3A_778, %add3A_779 : i32
    %dma_wait3A_781 = arith.constant 0 : i32
    %dma_wait3A_782 = tpu.memref_slice %arg18[%add3A_780, %dma_wait3A_781] : memref<10240x64xf32, #tpu.memory_space<vmem_shared>> -> memref<64x64xf32, #tpu.memory_space<vmem_shared>>
    %dma_wait3A_783 = arith.constant 0 : i32
    %dma_wait3A_784 = tpu.memref_slice %arg18[%add3A_780, %dma_wait3A_783] : memref<10240x64xf32, #tpu.memory_space<vmem_shared>> -> memref<64x64xf32, #tpu.memory_space<vmem_shared>>
    tpu.wait_dma2 semaphore(%arg35 : memref<!tpu.dma_semaphore, #tpu.memory_space<semaphore_mem>>) src(%arg17 : memref<64x64xf32, #tpu.memory_space<vmem>>) dst(%dma_wait3A_784 : memref<64x64xf32, #tpu.memory_space<vmem_shared>>)
    %mul3A_785 = arith.constant 640 : i32
    %mul3A_786 = arith.muli %arg1, %mul3A_785 : i32
    %add3A_787 = arith.constant 64 : i32
    %add3A_788 = arith.addi %mul3A_786, %add3A_787 : i32
    %dma_wait3A_789 = arith.constant 0 : i32
    %dma_wait3A_790 = tpu.memref_slice %arg18[%add3A_788, %dma_wait3A_789] : memref<10240x64xf32, #tpu.memory_space<vmem_shared>> -> memref<64x64xf32, #tpu.memory_space<vmem_shared>>
    %dma_wait3A_791 = arith.constant 0 : i32
    %dma_wait3A_792 = tpu.memref_slice %arg18[%add3A_788, %dma_wait3A_791] : memref<10240x64xf32, #tpu.memory_space<vmem_shared>> -> memref<64x64xf32, #tpu.memory_space<vmem_shared>>
    tpu.wait_dma2 semaphore(%arg35 : memref<!tpu.dma_semaphore, #tpu.memory_space<semaphore_mem>>) src(%arg17 : memref<64x64xf32, #tpu.memory_space<vmem>>) dst(%dma_wait3A_792 : memref<64x64xf32, #tpu.memory_space<vmem_shared>>)
    %mul3A_793 = arith.constant 640 : i32
    %mul3A_794 = arith.muli %arg1, %mul3A_793 : i32
    %add3A_795 = arith.constant 128 : i32
    %add3A_796 = arith.addi %mul3A_794, %add3A_795 : i32
    %dma_wait3A_797 = arith.constant 0 : i32
    %dma_wait3A_798 = tpu.memref_slice %arg18[%add3A_796, %dma_wait3A_797] : memref<10240x64xf32, #tpu.memory_space<vmem_shared>> -> memref<64x64xf32, #tpu.memory_space<vmem_shared>>
    %dma_wait3A_799 = arith.constant 0 : i32
    %dma_wait3A_800 = tpu.memref_slice %arg18[%add3A_796, %dma_wait3A_799] : memref<10240x64xf32, #tpu.memory_space<vmem_shared>> -> memref<64x64xf32, #tpu.memory_space<vmem_shared>>
    tpu.wait_dma2 semaphore(%arg35 : memref<!tpu.dma_semaphore, #tpu.memory_space<semaphore_mem>>) src(%arg17 : memref<64x64xf32, #tpu.memory_space<vmem>>) dst(%dma_wait3A_800 : memref<64x64xf32, #tpu.memory_space<vmem_shared>>)
    %mul3A_801 = arith.constant 640 : i32
    %mul3A_802 = arith.muli %arg1, %mul3A_801 : i32
    %add3A_803 = arith.constant 192 : i32
    %add3A_804 = arith.addi %mul3A_802, %add3A_803 : i32
    %dma_wait3A_805 = arith.constant 0 : i32
    %dma_wait3A_806 = tpu.memref_slice %arg18[%add3A_804, %dma_wait3A_805] : memref<10240x64xf32, #tpu.memory_space<vmem_shared>> -> memref<64x64xf32, #tpu.memory_space<vmem_shared>>
    %dma_wait3A_807 = arith.constant 0 : i32
    %dma_wait3A_808 = tpu.memref_slice %arg18[%add3A_804, %dma_wait3A_807] : memref<10240x64xf32, #tpu.memory_space<vmem_shared>> -> memref<64x64xf32, #tpu.memory_space<vmem_shared>>
    tpu.wait_dma2 semaphore(%arg35 : memref<!tpu.dma_semaphore, #tpu.memory_space<semaphore_mem>>) src(%arg17 : memref<64x64xf32, #tpu.memory_space<vmem>>) dst(%dma_wait3A_808 : memref<64x64xf32, #tpu.memory_space<vmem_shared>>)
    %mul3A_809 = arith.constant 640 : i32
    %mul3A_810 = arith.muli %arg1, %mul3A_809 : i32
    %add3A_811 = arith.constant 256 : i32
    %add3A_812 = arith.addi %mul3A_810, %add3A_811 : i32
    %dma_wait3A_813 = arith.constant 0 : i32
    %dma_wait3A_814 = tpu.memref_slice %arg18[%add3A_812, %dma_wait3A_813] : memref<10240x64xf32, #tpu.memory_space<vmem_shared>> -> memref<64x64xf32, #tpu.memory_space<vmem_shared>>
    %dma_wait3A_815 = arith.constant 0 : i32
    %dma_wait3A_816 = tpu.memref_slice %arg18[%add3A_812, %dma_wait3A_815] : memref<10240x64xf32, #tpu.memory_space<vmem_shared>> -> memref<64x64xf32, #tpu.memory_space<vmem_shared>>
    tpu.wait_dma2 semaphore(%arg35 : memref<!tpu.dma_semaphore, #tpu.memory_space<semaphore_mem>>) src(%arg17 : memref<64x64xf32, #tpu.memory_space<vmem>>) dst(%dma_wait3A_816 : memref<64x64xf32, #tpu.memory_space<vmem_shared>>)
    %mul3A_817 = arith.constant 640 : i32
    %mul3A_818 = arith.muli %arg1, %mul3A_817 : i32
    %add3A_819 = arith.constant 320 : i32
    %add3A_820 = arith.addi %mul3A_818, %add3A_819 : i32
    %dma_wait3A_821 = arith.constant 0 : i32
    %dma_wait3A_822 = tpu.memref_slice %arg18[%add3A_820, %dma_wait3A_821] : memref<10240x64xf32, #tpu.memory_space<vmem_shared>> -> memref<64x64xf32, #tpu.memory_space<vmem_shared>>
    %dma_wait3A_823 = arith.constant 0 : i32
    %dma_wait3A_824 = tpu.memref_slice %arg18[%add3A_820, %dma_wait3A_823] : memref<10240x64xf32, #tpu.memory_space<vmem_shared>> -> memref<64x64xf32, #tpu.memory_space<vmem_shared>>
    tpu.wait_dma2 semaphore(%arg35 : memref<!tpu.dma_semaphore, #tpu.memory_space<semaphore_mem>>) src(%arg17 : memref<64x64xf32, #tpu.memory_space<vmem>>) dst(%dma_wait3A_824 : memref<64x64xf32, #tpu.memory_space<vmem_shared>>)
    %mul3A_825 = arith.constant 640 : i32
    %mul3A_826 = arith.muli %arg1, %mul3A_825 : i32
    %add3A_827 = arith.constant 384 : i32
    %add3A_828 = arith.addi %mul3A_826, %add3A_827 : i32
    %dma_wait3A_829 = arith.constant 0 : i32
    %dma_wait3A_830 = tpu.memref_slice %arg18[%add3A_828, %dma_wait3A_829] : memref<10240x64xf32, #tpu.memory_space<vmem_shared>> -> memref<64x64xf32, #tpu.memory_space<vmem_shared>>
    %dma_wait3A_831 = arith.constant 0 : i32
    %dma_wait3A_832 = tpu.memref_slice %arg18[%add3A_828, %dma_wait3A_831] : memref<10240x64xf32, #tpu.memory_space<vmem_shared>> -> memref<64x64xf32, #tpu.memory_space<vmem_shared>>
    tpu.wait_dma2 semaphore(%arg35 : memref<!tpu.dma_semaphore, #tpu.memory_space<semaphore_mem>>) src(%arg17 : memref<64x64xf32, #tpu.memory_space<vmem>>) dst(%dma_wait3A_832 : memref<64x64xf32, #tpu.memory_space<vmem_shared>>)
    %mul3A_833 = arith.constant 640 : i32
    %mul3A_834 = arith.muli %arg1, %mul3A_833 : i32
    %add3A_835 = arith.constant 448 : i32
    %add3A_836 = arith.addi %mul3A_834, %add3A_835 : i32
    %dma_wait3A_837 = arith.constant 0 : i32
    %dma_wait3A_838 = tpu.memref_slice %arg18[%add3A_836, %dma_wait3A_837] : memref<10240x64xf32, #tpu.memory_space<vmem_shared>> -> memref<64x64xf32, #tpu.memory_space<vmem_shared>>
    %dma_wait3A_839 = arith.constant 0 : i32
    %dma_wait3A_840 = tpu.memref_slice %arg18[%add3A_836, %dma_wait3A_839] : memref<10240x64xf32, #tpu.memory_space<vmem_shared>> -> memref<64x64xf32, #tpu.memory_space<vmem_shared>>
    tpu.wait_dma2 semaphore(%arg35 : memref<!tpu.dma_semaphore, #tpu.memory_space<semaphore_mem>>) src(%arg17 : memref<64x64xf32, #tpu.memory_space<vmem>>) dst(%dma_wait3A_840 : memref<64x64xf32, #tpu.memory_space<vmem_shared>>)
    %mul3A_841 = arith.constant 640 : i32
    %mul3A_842 = arith.muli %arg1, %mul3A_841 : i32
    %add3A_843 = arith.constant 512 : i32
    %add3A_844 = arith.addi %mul3A_842, %add3A_843 : i32
    %dma_wait3A_845 = arith.constant 0 : i32
    %dma_wait3A_846 = tpu.memref_slice %arg18[%add3A_844, %dma_wait3A_845] : memref<10240x64xf32, #tpu.memory_space<vmem_shared>> -> memref<64x64xf32, #tpu.memory_space<vmem_shared>>
    %dma_wait3A_847 = arith.constant 0 : i32
    %dma_wait3A_848 = tpu.memref_slice %arg18[%add3A_844, %dma_wait3A_847] : memref<10240x64xf32, #tpu.memory_space<vmem_shared>> -> memref<64x64xf32, #tpu.memory_space<vmem_shared>>
    tpu.wait_dma2 semaphore(%arg35 : memref<!tpu.dma_semaphore, #tpu.memory_space<semaphore_mem>>) src(%arg17 : memref<64x64xf32, #tpu.memory_space<vmem>>) dst(%dma_wait3A_848 : memref<64x64xf32, #tpu.memory_space<vmem_shared>>)
    %mul3A_849 = arith.constant 640 : i32
    %mul3A_850 = arith.muli %arg1, %mul3A_849 : i32
    %add3A_851 = arith.constant 576 : i32
    %add3A_852 = arith.addi %mul3A_850, %add3A_851 : i32
    %dma_wait3A_853 = arith.constant 0 : i32
    %dma_wait3A_854 = tpu.memref_slice %arg18[%add3A_852, %dma_wait3A_853] : memref<10240x64xf32, #tpu.memory_space<vmem_shared>> -> memref<64x64xf32, #tpu.memory_space<vmem_shared>>
    %dma_wait3A_855 = arith.constant 0 : i32
    %dma_wait3A_856 = tpu.memref_slice %arg18[%add3A_852, %dma_wait3A_855] : memref<10240x64xf32, #tpu.memory_space<vmem_shared>> -> memref<64x64xf32, #tpu.memory_space<vmem_shared>>
    tpu.wait_dma2 semaphore(%arg35 : memref<!tpu.dma_semaphore, #tpu.memory_space<semaphore_mem>>) src(%arg17 : memref<64x64xf32, #tpu.memory_space<vmem>>) dst(%dma_wait3A_856 : memref<64x64xf32, #tpu.memory_space<vmem_shared>>)
    %barrier3A_857 = arith.constant 0 : index
    tpu.barrier barrier_id(%barrier3A_857)
    %dma_start3A_858 = arith.constant 5 : i32
    %dma_start3A_859 = arith.constant 0 : i32
    %dma_start3A_860 = tpu.memref_slice %arg7[%dma_start3A_858, %dma_start3A_859] : memref<80x125xi32, #tpu.memory_space<vmem>> -> memref<1x125xi32, #tpu.memory_space<vmem>>
    %dma_start3A_861 = tpu.memref_squeeze %dma_start3A_860 : memref<1x125xi32, #tpu.memory_space<vmem>> -> memref<125xi32, #tpu.memory_space<vmem>>
    %dma_start3A_862 = arith.constant 0 : i32
    %dma_start3A_863 = arith.constant 0 : i32
    %dma_start3A_864 = tpu.memref_slice %arg3[%dma_start3A_862, %dma_start3A_863] : memref<10240x64xf32, #tpu.memory_space<hbm>> -> memref<10240x64xf32, #tpu.memory_space<hbm>>
    tpu.enqueue_indirect_dma source(%dma_start3A_864 : memref<10240x64xf32, #tpu.memory_space<hbm>>) target(%arg14 : memref<125x64xf32, #tpu.memory_space<vmem>>) offsets(%dma_start3A_861 : memref<125xi32, #tpu.memory_space<vmem>>) semaphore(%arg24 : memref<!tpu.dma_semaphore, #tpu.memory_space<semaphore_mem>>)
    %dma_wait3A_865 = arith.constant 0 : i32
    %dma_wait3A_866 = arith.constant 0 : i32
    %dma_wait3A_867 = tpu.memref_slice %arg7[%dma_wait3A_865, %dma_wait3A_866] : memref<80x125xi32, #tpu.memory_space<vmem>> -> memref<1x125xi32, #tpu.memory_space<vmem>>
    %dma_wait3A_868 = tpu.memref_squeeze %dma_wait3A_867 : memref<1x125xi32, #tpu.memory_space<vmem>> -> memref<125xi32, #tpu.memory_space<vmem>>
    %dma_wait3A_869 = arith.constant 0 : i32
    %dma_wait3A_870 = arith.constant 0 : i32
    %dma_wait3A_871 = tpu.memref_slice %arg3[%dma_wait3A_869, %dma_wait3A_870] : memref<10240x64xf32, #tpu.memory_space<hbm>> -> memref<10240x64xf32, #tpu.memory_space<hbm>>
    tpu.wait_indirect_dma semaphore(%arg19 : memref<!tpu.dma_semaphore, #tpu.memory_space<semaphore_mem>>) src(%dma_wait3A_871 : memref<10240x64xf32, #tpu.memory_space<hbm>>) dst(%arg9 : memref<125x64xf32, #tpu.memory_space<vmem>>)
    %dma_start3A_872 = arith.constant 0 : i32
    %dma_start3A_873 = arith.constant 0 : i32
    %dma_start3A_874 = tpu.memref_slice %arg8[%dma_start3A_872, %dma_start3A_873] : memref<80x125xi32, #tpu.memory_space<vmem>> -> memref<1x125xi32, #tpu.memory_space<vmem>>
    %dma_start3A_875 = tpu.memref_squeeze %dma_start3A_874 : memref<1x125xi32, #tpu.memory_space<vmem>> -> memref<125xi32, #tpu.memory_space<vmem>>
    %dma_start3A_876 = arith.constant 0 : i32
    %dma_start3A_877 = arith.constant 0 : i32
    %dma_start3A_878 = tpu.memref_slice %arg18[%dma_start3A_876, %dma_start3A_877] : memref<10240x64xf32, #tpu.memory_space<vmem_shared>> -> memref<10240x64xf32, #tpu.memory_space<vmem_shared>>
    tpu.enqueue_indirect_dma source(%arg9 : memref<125x64xf32, #tpu.memory_space<vmem>>) target(%dma_start3A_878 : memref<10240x64xf32, #tpu.memory_space<vmem_shared>>) offsets(%dma_start3A_875 : memref<125xi32, #tpu.memory_space<vmem>>) semaphore(%arg27 : memref<!tpu.dma_semaphore, #tpu.memory_space<semaphore_mem>>) {add = true}
    %dma_start3A_879 = arith.constant 6 : i32
    %dma_start3A_880 = arith.constant 0 : i32
    %dma_start3A_881 = tpu.memref_slice %arg7[%dma_start3A_879, %dma_start3A_880] : memref<80x125xi32, #tpu.memory_space<vmem>> -> memref<1x125xi32, #tpu.memory_space<vmem>>
    %dma_start3A_882 = tpu.memref_squeeze %dma_start3A_881 : memref<1x125xi32, #tpu.memory_space<vmem>> -> memref<125xi32, #tpu.memory_space<vmem>>
    %dma_start3A_883 = arith.constant 0 : i32
    %dma_start3A_884 = arith.constant 0 : i32
    %dma_start3A_885 = tpu.memref_slice %arg3[%dma_start3A_883, %dma_start3A_884] : memref<10240x64xf32, #tpu.memory_space<hbm>> -> memref<10240x64xf32, #tpu.memory_space<hbm>>
    tpu.enqueue_indirect_dma source(%dma_start3A_885 : memref<10240x64xf32, #tpu.memory_space<hbm>>) target(%arg15 : memref<125x64xf32, #tpu.memory_space<vmem>>) offsets(%dma_start3A_882 : memref<125xi32, #tpu.memory_space<vmem>>) semaphore(%arg25 : memref<!tpu.dma_semaphore, #tpu.memory_space<semaphore_mem>>)
    %dma_wait3A_886 = arith.constant 1 : i32
    %dma_wait3A_887 = arith.constant 0 : i32
    %dma_wait3A_888 = tpu.memref_slice %arg7[%dma_wait3A_886, %dma_wait3A_887] : memref<80x125xi32, #tpu.memory_space<vmem>> -> memref<1x125xi32, #tpu.memory_space<vmem>>
    %dma_wait3A_889 = tpu.memref_squeeze %dma_wait3A_888 : memref<1x125xi32, #tpu.memory_space<vmem>> -> memref<125xi32, #tpu.memory_space<vmem>>
    %dma_wait3A_890 = arith.constant 0 : i32
    %dma_wait3A_891 = arith.constant 0 : i32
    %dma_wait3A_892 = tpu.memref_slice %arg3[%dma_wait3A_890, %dma_wait3A_891] : memref<10240x64xf32, #tpu.memory_space<hbm>> -> memref<10240x64xf32, #tpu.memory_space<hbm>>
    tpu.wait_indirect_dma semaphore(%arg20 : memref<!tpu.dma_semaphore, #tpu.memory_space<semaphore_mem>>) src(%dma_wait3A_892 : memref<10240x64xf32, #tpu.memory_space<hbm>>) dst(%arg10 : memref<125x64xf32, #tpu.memory_space<vmem>>)
    %dma_start3A_893 = arith.constant 1 : i32
    %dma_start3A_894 = arith.constant 0 : i32
    %dma_start3A_895 = tpu.memref_slice %arg8[%dma_start3A_893, %dma_start3A_894] : memref<80x125xi32, #tpu.memory_space<vmem>> -> memref<1x125xi32, #tpu.memory_space<vmem>>
    %dma_start3A_896 = tpu.memref_squeeze %dma_start3A_895 : memref<1x125xi32, #tpu.memory_space<vmem>> -> memref<125xi32, #tpu.memory_space<vmem>>
    %dma_start3A_897 = arith.constant 0 : i32
    %dma_start3A_898 = arith.constant 0 : i32
    %dma_start3A_899 = tpu.memref_slice %arg18[%dma_start3A_897, %dma_start3A_898] : memref<10240x64xf32, #tpu.memory_space<vmem_shared>> -> memref<10240x64xf32, #tpu.memory_space<vmem_shared>>
    tpu.enqueue_indirect_dma source(%arg10 : memref<125x64xf32, #tpu.memory_space<vmem>>) target(%dma_start3A_899 : memref<10240x64xf32, #tpu.memory_space<vmem_shared>>) offsets(%dma_start3A_896 : memref<125xi32, #tpu.memory_space<vmem>>) semaphore(%arg28 : memref<!tpu.dma_semaphore, #tpu.memory_space<semaphore_mem>>) {add = true}
    %dma_start3A_900 = arith.constant 7 : i32
    %dma_start3A_901 = arith.constant 0 : i32
    %dma_start3A_902 = tpu.memref_slice %arg7[%dma_start3A_900, %dma_start3A_901] : memref<80x125xi32, #tpu.memory_space<vmem>> -> memref<1x125xi32, #tpu.memory_space<vmem>>
    %dma_start3A_903 = tpu.memref_squeeze %dma_start3A_902 : memref<1x125xi32, #tpu.memory_space<vmem>> -> memref<125xi32, #tpu.memory_space<vmem>>
    %dma_start3A_904 = arith.constant 0 : i32
    %dma_start3A_905 = arith.constant 0 : i32
    %dma_start3A_906 = tpu.memref_slice %arg3[%dma_start3A_904, %dma_start3A_905] : memref<10240x64xf32, #tpu.memory_space<hbm>> -> memref<10240x64xf32, #tpu.memory_space<hbm>>
    tpu.enqueue_indirect_dma source(%dma_start3A_906 : memref<10240x64xf32, #tpu.memory_space<hbm>>) target(%arg16 : memref<125x64xf32, #tpu.memory_space<vmem>>) offsets(%dma_start3A_903 : memref<125xi32, #tpu.memory_space<vmem>>) semaphore(%arg26 : memref<!tpu.dma_semaphore, #tpu.memory_space<semaphore_mem>>)
    %dma_wait3A_907 = arith.constant 2 : i32
    %dma_wait3A_908 = arith.constant 0 : i32
    %dma_wait3A_909 = tpu.memref_slice %arg7[%dma_wait3A_907, %dma_wait3A_908] : memref<80x125xi32, #tpu.memory_space<vmem>> -> memref<1x125xi32, #tpu.memory_space<vmem>>
    %dma_wait3A_910 = tpu.memref_squeeze %dma_wait3A_909 : memref<1x125xi32, #tpu.memory_space<vmem>> -> memref<125xi32, #tpu.memory_space<vmem>>
    %dma_wait3A_911 = arith.constant 0 : i32
    %dma_wait3A_912 = arith.constant 0 : i32
    %dma_wait3A_913 = tpu.memref_slice %arg3[%dma_wait3A_911, %dma_wait3A_912] : memref<10240x64xf32, #tpu.memory_space<hbm>> -> memref<10240x64xf32, #tpu.memory_space<hbm>>
    tpu.wait_indirect_dma semaphore(%arg21 : memref<!tpu.dma_semaphore, #tpu.memory_space<semaphore_mem>>) src(%dma_wait3A_913 : memref<10240x64xf32, #tpu.memory_space<hbm>>) dst(%arg11 : memref<125x64xf32, #tpu.memory_space<vmem>>)
    %dma_start3A_914 = arith.constant 2 : i32
    %dma_start3A_915 = arith.constant 0 : i32
    %dma_start3A_916 = tpu.memref_slice %arg8[%dma_start3A_914, %dma_start3A_915] : memref<80x125xi32, #tpu.memory_space<vmem>> -> memref<1x125xi32, #tpu.memory_space<vmem>>
    %dma_start3A_917 = tpu.memref_squeeze %dma_start3A_916 : memref<1x125xi32, #tpu.memory_space<vmem>> -> memref<125xi32, #tpu.memory_space<vmem>>
    %dma_start3A_918 = arith.constant 0 : i32
    %dma_start3A_919 = arith.constant 0 : i32
    %dma_start3A_920 = tpu.memref_slice %arg18[%dma_start3A_918, %dma_start3A_919] : memref<10240x64xf32, #tpu.memory_space<vmem_shared>> -> memref<10240x64xf32, #tpu.memory_space<vmem_shared>>
    tpu.enqueue_indirect_dma source(%arg11 : memref<125x64xf32, #tpu.memory_space<vmem>>) target(%dma_start3A_920 : memref<10240x64xf32, #tpu.memory_space<vmem_shared>>) offsets(%dma_start3A_917 : memref<125xi32, #tpu.memory_space<vmem>>) semaphore(%arg29 : memref<!tpu.dma_semaphore, #tpu.memory_space<semaphore_mem>>) {add = true}
    %dma_wait3A_921 = arith.constant 0 : i32
    %dma_wait3A_922 = arith.constant 0 : i32
    %dma_wait3A_923 = tpu.memref_slice %arg8[%dma_wait3A_921, %dma_wait3A_922] : memref<80x125xi32, #tpu.memory_space<vmem>> -> memref<1x125xi32, #tpu.memory_space<vmem>>
    %dma_wait3A_924 = tpu.memref_squeeze %dma_wait3A_923 : memref<1x125xi32, #tpu.memory_space<vmem>> -> memref<125xi32, #tpu.memory_space<vmem>>
    %dma_wait3A_925 = arith.constant 0 : i32
    %dma_wait3A_926 = arith.constant 0 : i32
    %dma_wait3A_927 = tpu.memref_slice %arg18[%dma_wait3A_925, %dma_wait3A_926] : memref<10240x64xf32, #tpu.memory_space<vmem_shared>> -> memref<10240x64xf32, #tpu.memory_space<vmem_shared>>
    tpu.wait_indirect_dma semaphore(%arg27 : memref<!tpu.dma_semaphore, #tpu.memory_space<semaphore_mem>>) src(%arg9 : memref<125x64xf32, #tpu.memory_space<vmem>>) dst(%dma_wait3A_927 : memref<10240x64xf32, #tpu.memory_space<vmem_shared>>)
    %dma_start3A_928 = arith.constant 8 : i32
    %dma_start3A_929 = arith.constant 0 : i32
    %dma_start3A_930 = tpu.memref_slice %arg7[%dma_start3A_928, %dma_start3A_929] : memref<80x125xi32, #tpu.memory_space<vmem>> -> memref<1x125xi32, #tpu.memory_space<vmem>>
    %dma_start3A_931 = tpu.memref_squeeze %dma_start3A_930 : memref<1x125xi32, #tpu.memory_space<vmem>> -> memref<125xi32, #tpu.memory_space<vmem>>
    %dma_start3A_932 = arith.constant 0 : i32
    %dma_start3A_933 = arith.constant 0 : i32
    %dma_start3A_934 = tpu.memref_slice %arg3[%dma_start3A_932, %dma_start3A_933] : memref<10240x64xf32, #tpu.memory_space<hbm>> -> memref<10240x64xf32, #tpu.memory_space<hbm>>
    tpu.enqueue_indirect_dma source(%dma_start3A_934 : memref<10240x64xf32, #tpu.memory_space<hbm>>) target(%arg9 : memref<125x64xf32, #tpu.memory_space<vmem>>) offsets(%dma_start3A_931 : memref<125xi32, #tpu.memory_space<vmem>>) semaphore(%arg19 : memref<!tpu.dma_semaphore, #tpu.memory_space<semaphore_mem>>)
    %dma_wait3A_935 = arith.constant 3 : i32
    %dma_wait3A_936 = arith.constant 0 : i32
    %dma_wait3A_937 = tpu.memref_slice %arg7[%dma_wait3A_935, %dma_wait3A_936] : memref<80x125xi32, #tpu.memory_space<vmem>> -> memref<1x125xi32, #tpu.memory_space<vmem>>
    %dma_wait3A_938 = tpu.memref_squeeze %dma_wait3A_937 : memref<1x125xi32, #tpu.memory_space<vmem>> -> memref<125xi32, #tpu.memory_space<vmem>>
    %dma_wait3A_939 = arith.constant 0 : i32
    %dma_wait3A_940 = arith.constant 0 : i32
    %dma_wait3A_941 = tpu.memref_slice %arg3[%dma_wait3A_939, %dma_wait3A_940] : memref<10240x64xf32, #tpu.memory_space<hbm>> -> memref<10240x64xf32, #tpu.memory_space<hbm>>
    tpu.wait_indirect_dma semaphore(%arg22 : memref<!tpu.dma_semaphore, #tpu.memory_space<semaphore_mem>>) src(%dma_wait3A_941 : memref<10240x64xf32, #tpu.memory_space<hbm>>) dst(%arg12 : memref<125x64xf32, #tpu.memory_space<vmem>>)
    %dma_start3A_942 = arith.constant 3 : i32
    %dma_start3A_943 = arith.constant 0 : i32
    %dma_start3A_944 = tpu.memref_slice %arg8[%dma_start3A_942, %dma_start3A_943] : memref<80x125xi32, #tpu.memory_space<vmem>> -> memref<1x125xi32, #tpu.memory_space<vmem>>
    %dma_start3A_945 = tpu.memref_squeeze %dma_start3A_944 : memref<1x125xi32, #tpu.memory_space<vmem>> -> memref<125xi32, #tpu.memory_space<vmem>>
    %dma_start3A_946 = arith.constant 0 : i32
    %dma_start3A_947 = arith.constant 0 : i32
    %dma_start3A_948 = tpu.memref_slice %arg18[%dma_start3A_946, %dma_start3A_947] : memref<10240x64xf32, #tpu.memory_space<vmem_shared>> -> memref<10240x64xf32, #tpu.memory_space<vmem_shared>>
    tpu.enqueue_indirect_dma source(%arg12 : memref<125x64xf32, #tpu.memory_space<vmem>>) target(%dma_start3A_948 : memref<10240x64xf32, #tpu.memory_space<vmem_shared>>) offsets(%dma_start3A_945 : memref<125xi32, #tpu.memory_space<vmem>>) semaphore(%arg30 : memref<!tpu.dma_semaphore, #tpu.memory_space<semaphore_mem>>) {add = true}
    %dma_wait3A_949 = arith.constant 1 : i32
    %dma_wait3A_950 = arith.constant 0 : i32
    %dma_wait3A_951 = tpu.memref_slice %arg8[%dma_wait3A_949, %dma_wait3A_950] : memref<80x125xi32, #tpu.memory_space<vmem>> -> memref<1x125xi32, #tpu.memory_space<vmem>>
    %dma_wait3A_952 = tpu.memref_squeeze %dma_wait3A_951 : memref<1x125xi32, #tpu.memory_space<vmem>> -> memref<125xi32, #tpu.memory_space<vmem>>
    %dma_wait3A_953 = arith.constant 0 : i32
    %dma_wait3A_954 = arith.constant 0 : i32
    %dma_wait3A_955 = tpu.memref_slice %arg18[%dma_wait3A_953, %dma_wait3A_954] : memref<10240x64xf32, #tpu.memory_space<vmem_shared>> -> memref<10240x64xf32, #tpu.memory_space<vmem_shared>>
    tpu.wait_indirect_dma semaphore(%arg28 : memref<!tpu.dma_semaphore, #tpu.memory_space<semaphore_mem>>) src(%arg10 : memref<125x64xf32, #tpu.memory_space<vmem>>) dst(%dma_wait3A_955 : memref<10240x64xf32, #tpu.memory_space<vmem_shared>>)
    %dma_start3A_956 = arith.constant 9 : i32
    %dma_start3A_957 = arith.constant 0 : i32
    %dma_start3A_958 = tpu.memref_slice %arg7[%dma_start3A_956, %dma_start3A_957] : memref<80x125xi32, #tpu.memory_space<vmem>> -> memref<1x125xi32, #tpu.memory_space<vmem>>
    %dma_start3A_959 = tpu.memref_squeeze %dma_start3A_958 : memref<1x125xi32, #tpu.memory_space<vmem>> -> memref<125xi32, #tpu.memory_space<vmem>>
    %dma_start3A_960 = arith.constant 0 : i32
    %dma_start3A_961 = arith.constant 0 : i32
    %dma_start3A_962 = tpu.memref_slice %arg3[%dma_start3A_960, %dma_start3A_961] : memref<10240x64xf32, #tpu.memory_space<hbm>> -> memref<10240x64xf32, #tpu.memory_space<hbm>>
    tpu.enqueue_indirect_dma source(%dma_start3A_962 : memref<10240x64xf32, #tpu.memory_space<hbm>>) target(%arg10 : memref<125x64xf32, #tpu.memory_space<vmem>>) offsets(%dma_start3A_959 : memref<125xi32, #tpu.memory_space<vmem>>) semaphore(%arg20 : memref<!tpu.dma_semaphore, #tpu.memory_space<semaphore_mem>>)
    %dma_wait3A_963 = arith.constant 4 : i32
    %dma_wait3A_964 = arith.constant 0 : i32
    %dma_wait3A_965 = tpu.memref_slice %arg7[%dma_wait3A_963, %dma_wait3A_964] : memref<80x125xi32, #tpu.memory_space<vmem>> -> memref<1x125xi32, #tpu.memory_space<vmem>>
    %dma_wait3A_966 = tpu.memref_squeeze %dma_wait3A_965 : memref<1x125xi32, #tpu.memory_space<vmem>> -> memref<125xi32, #tpu.memory_space<vmem>>
    %dma_wait3A_967 = arith.constant 0 : i32
    %dma_wait3A_968 = arith.constant 0 : i32
    %dma_wait3A_969 = tpu.memref_slice %arg3[%dma_wait3A_967, %dma_wait3A_968] : memref<10240x64xf32, #tpu.memory_space<hbm>> -> memref<10240x64xf32, #tpu.memory_space<hbm>>
    tpu.wait_indirect_dma semaphore(%arg23 : memref<!tpu.dma_semaphore, #tpu.memory_space<semaphore_mem>>) src(%dma_wait3A_969 : memref<10240x64xf32, #tpu.memory_space<hbm>>) dst(%arg13 : memref<125x64xf32, #tpu.memory_space<vmem>>)
    %dma_start3A_970 = arith.constant 4 : i32
    %dma_start3A_971 = arith.constant 0 : i32
    %dma_start3A_972 = tpu.memref_slice %arg8[%dma_start3A_970, %dma_start3A_971] : memref<80x125xi32, #tpu.memory_space<vmem>> -> memref<1x125xi32, #tpu.memory_space<vmem>>
    %dma_start3A_973 = tpu.memref_squeeze %dma_start3A_972 : memref<1x125xi32, #tpu.memory_space<vmem>> -> memref<125xi32, #tpu.memory_space<vmem>>
    %dma_start3A_974 = arith.constant 0 : i32
    %dma_start3A_975 = arith.constant 0 : i32
    %dma_start3A_976 = tpu.memref_slice %arg18[%dma_start3A_974, %dma_start3A_975] : memref<10240x64xf32, #tpu.memory_space<vmem_shared>> -> memref<10240x64xf32, #tpu.memory_space<vmem_shared>>
    tpu.enqueue_indirect_dma source(%arg13 : memref<125x64xf32, #tpu.memory_space<vmem>>) target(%dma_start3A_976 : memref<10240x64xf32, #tpu.memory_space<vmem_shared>>) offsets(%dma_start3A_973 : memref<125xi32, #tpu.memory_space<vmem>>) semaphore(%arg31 : memref<!tpu.dma_semaphore, #tpu.memory_space<semaphore_mem>>) {add = true}
    %dma_wait3A_977 = arith.constant 2 : i32
    %dma_wait3A_978 = arith.constant 0 : i32
    %dma_wait3A_979 = tpu.memref_slice %arg8[%dma_wait3A_977, %dma_wait3A_978] : memref<80x125xi32, #tpu.memory_space<vmem>> -> memref<1x125xi32, #tpu.memory_space<vmem>>
    %dma_wait3A_980 = tpu.memref_squeeze %dma_wait3A_979 : memref<1x125xi32, #tpu.memory_space<vmem>> -> memref<125xi32, #tpu.memory_space<vmem>>
    %dma_wait3A_981 = arith.constant 0 : i32
    %dma_wait3A_982 = arith.constant 0 : i32
    %dma_wait3A_983 = tpu.memref_slice %arg18[%dma_wait3A_981, %dma_wait3A_982] : memref<10240x64xf32, #tpu.memory_space<vmem_shared>> -> memref<10240x64xf32, #tpu.memory_space<vmem_shared>>
    tpu.wait_indirect_dma semaphore(%arg29 : memref<!tpu.dma_semaphore, #tpu.memory_space<semaphore_mem>>) src(%arg11 : memref<125x64xf32, #tpu.memory_space<vmem>>) dst(%dma_wait3A_983 : memref<10240x64xf32, #tpu.memory_space<vmem_shared>>)
    %dma_start3A_984 = arith.constant 10 : i32
    %dma_start3A_985 = arith.constant 0 : i32
    %dma_start3A_986 = tpu.memref_slice %arg7[%dma_start3A_984, %dma_start3A_985] : memref<80x125xi32, #tpu.memory_space<vmem>> -> memref<1x125xi32, #tpu.memory_space<vmem>>
    %dma_start3A_987 = tpu.memref_squeeze %dma_start3A_986 : memref<1x125xi32, #tpu.memory_space<vmem>> -> memref<125xi32, #tpu.memory_space<vmem>>
    %dma_start3A_988 = arith.constant 0 : i32
    %dma_start3A_989 = arith.constant 0 : i32
    %dma_start3A_990 = tpu.memref_slice %arg3[%dma_start3A_988, %dma_start3A_989] : memref<10240x64xf32, #tpu.memory_space<hbm>> -> memref<10240x64xf32, #tpu.memory_space<hbm>>
    tpu.enqueue_indirect_dma source(%dma_start3A_990 : memref<10240x64xf32, #tpu.memory_space<hbm>>) target(%arg11 : memref<125x64xf32, #tpu.memory_space<vmem>>) offsets(%dma_start3A_987 : memref<125xi32, #tpu.memory_space<vmem>>) semaphore(%arg21 : memref<!tpu.dma_semaphore, #tpu.memory_space<semaphore_mem>>)
    %dma_wait3A_991 = arith.constant 5 : i32
    %dma_wait3A_992 = arith.constant 0 : i32
    %dma_wait3A_993 = tpu.memref_slice %arg7[%dma_wait3A_991, %dma_wait3A_992] : memref<80x125xi32, #tpu.memory_space<vmem>> -> memref<1x125xi32, #tpu.memory_space<vmem>>
    %dma_wait3A_994 = tpu.memref_squeeze %dma_wait3A_993 : memref<1x125xi32, #tpu.memory_space<vmem>> -> memref<125xi32, #tpu.memory_space<vmem>>
    %dma_wait3A_995 = arith.constant 0 : i32
    %dma_wait3A_996 = arith.constant 0 : i32
    %dma_wait3A_997 = tpu.memref_slice %arg3[%dma_wait3A_995, %dma_wait3A_996] : memref<10240x64xf32, #tpu.memory_space<hbm>> -> memref<10240x64xf32, #tpu.memory_space<hbm>>
    tpu.wait_indirect_dma semaphore(%arg24 : memref<!tpu.dma_semaphore, #tpu.memory_space<semaphore_mem>>) src(%dma_wait3A_997 : memref<10240x64xf32, #tpu.memory_space<hbm>>) dst(%arg14 : memref<125x64xf32, #tpu.memory_space<vmem>>)
    %dma_start3A_998 = arith.constant 5 : i32
    %dma_start3A_999 = arith.constant 0 : i32
    %dma_start3A_1000 = tpu.memref_slice %arg8[%dma_start3A_998, %dma_start3A_999] : memref<80x125xi32, #tpu.memory_space<vmem>> -> memref<1x125xi32, #tpu.memory_space<vmem>>
    %dma_start3A_1001 = tpu.memref_squeeze %dma_start3A_1000 : memref<1x125xi32, #tpu.memory_space<vmem>> -> memref<125xi32, #tpu.memory_space<vmem>>
    %dma_start3A_1002 = arith.constant 0 : i32
    %dma_start3A_1003 = arith.constant 0 : i32
    %dma_start3A_1004 = tpu.memref_slice %arg18[%dma_start3A_1002, %dma_start3A_1003] : memref<10240x64xf32, #tpu.memory_space<vmem_shared>> -> memref<10240x64xf32, #tpu.memory_space<vmem_shared>>
    tpu.enqueue_indirect_dma source(%arg14 : memref<125x64xf32, #tpu.memory_space<vmem>>) target(%dma_start3A_1004 : memref<10240x64xf32, #tpu.memory_space<vmem_shared>>) offsets(%dma_start3A_1001 : memref<125xi32, #tpu.memory_space<vmem>>) semaphore(%arg32 : memref<!tpu.dma_semaphore, #tpu.memory_space<semaphore_mem>>) {add = true}
    %dma_wait3A_1005 = arith.constant 3 : i32
    %dma_wait3A_1006 = arith.constant 0 : i32
    %dma_wait3A_1007 = tpu.memref_slice %arg8[%dma_wait3A_1005, %dma_wait3A_1006] : memref<80x125xi32, #tpu.memory_space<vmem>> -> memref<1x125xi32, #tpu.memory_space<vmem>>
    %dma_wait3A_1008 = tpu.memref_squeeze %dma_wait3A_1007 : memref<1x125xi32, #tpu.memory_space<vmem>> -> memref<125xi32, #tpu.memory_space<vmem>>
    %dma_wait3A_1009 = arith.constant 0 : i32
    %dma_wait3A_1010 = arith.constant 0 : i32
    %dma_wait3A_1011 = tpu.memref_slice %arg18[%dma_wait3A_1009, %dma_wait3A_1010] : memref<10240x64xf32, #tpu.memory_space<vmem_shared>> -> memref<10240x64xf32, #tpu.memory_space<vmem_shared>>
    tpu.wait_indirect_dma semaphore(%arg30 : memref<!tpu.dma_semaphore, #tpu.memory_space<semaphore_mem>>) src(%arg12 : memref<125x64xf32, #tpu.memory_space<vmem>>) dst(%dma_wait3A_1011 : memref<10240x64xf32, #tpu.memory_space<vmem_shared>>)
    %dma_start3A_1012 = arith.constant 11 : i32
    %dma_start3A_1013 = arith.constant 0 : i32
    %dma_start3A_1014 = tpu.memref_slice %arg7[%dma_start3A_1012, %dma_start3A_1013] : memref<80x125xi32, #tpu.memory_space<vmem>> -> memref<1x125xi32, #tpu.memory_space<vmem>>
    %dma_start3A_1015 = tpu.memref_squeeze %dma_start3A_1014 : memref<1x125xi32, #tpu.memory_space<vmem>> -> memref<125xi32, #tpu.memory_space<vmem>>
    %dma_start3A_1016 = arith.constant 0 : i32
    %dma_start3A_1017 = arith.constant 0 : i32
    %dma_start3A_1018 = tpu.memref_slice %arg3[%dma_start3A_1016, %dma_start3A_1017] : memref<10240x64xf32, #tpu.memory_space<hbm>> -> memref<10240x64xf32, #tpu.memory_space<hbm>>
    tpu.enqueue_indirect_dma source(%dma_start3A_1018 : memref<10240x64xf32, #tpu.memory_space<hbm>>) target(%arg12 : memref<125x64xf32, #tpu.memory_space<vmem>>) offsets(%dma_start3A_1015 : memref<125xi32, #tpu.memory_space<vmem>>) semaphore(%arg22 : memref<!tpu.dma_semaphore, #tpu.memory_space<semaphore_mem>>)
    %dma_wait3A_1019 = arith.constant 6 : i32
    %dma_wait3A_1020 = arith.constant 0 : i32
    %dma_wait3A_1021 = tpu.memref_slice %arg7[%dma_wait3A_1019, %dma_wait3A_1020] : memref<80x125xi32, #tpu.memory_space<vmem>> -> memref<1x125xi32, #tpu.memory_space<vmem>>
    %dma_wait3A_1022 = tpu.memref_squeeze %dma_wait3A_1021 : memref<1x125xi32, #tpu.memory_space<vmem>> -> memref<125xi32, #tpu.memory_space<vmem>>
    %dma_wait3A_1023 = arith.constant 0 : i32
    %dma_wait3A_1024 = arith.constant 0 : i32
    %dma_wait3A_1025 = tpu.memref_slice %arg3[%dma_wait3A_1023, %dma_wait3A_1024] : memref<10240x64xf32, #tpu.memory_space<hbm>> -> memref<10240x64xf32, #tpu.memory_space<hbm>>
    tpu.wait_indirect_dma semaphore(%arg25 : memref<!tpu.dma_semaphore, #tpu.memory_space<semaphore_mem>>) src(%dma_wait3A_1025 : memref<10240x64xf32, #tpu.memory_space<hbm>>) dst(%arg15 : memref<125x64xf32, #tpu.memory_space<vmem>>)
    %dma_start3A_1026 = arith.constant 6 : i32
    %dma_start3A_1027 = arith.constant 0 : i32
    %dma_start3A_1028 = tpu.memref_slice %arg8[%dma_start3A_1026, %dma_start3A_1027] : memref<80x125xi32, #tpu.memory_space<vmem>> -> memref<1x125xi32, #tpu.memory_space<vmem>>
    %dma_start3A_1029 = tpu.memref_squeeze %dma_start3A_1028 : memref<1x125xi32, #tpu.memory_space<vmem>> -> memref<125xi32, #tpu.memory_space<vmem>>
    %dma_start3A_1030 = arith.constant 0 : i32
    %dma_start3A_1031 = arith.constant 0 : i32
    %dma_start3A_1032 = tpu.memref_slice %arg18[%dma_start3A_1030, %dma_start3A_1031] : memref<10240x64xf32, #tpu.memory_space<vmem_shared>> -> memref<10240x64xf32, #tpu.memory_space<vmem_shared>>
    tpu.enqueue_indirect_dma source(%arg15 : memref<125x64xf32, #tpu.memory_space<vmem>>) target(%dma_start3A_1032 : memref<10240x64xf32, #tpu.memory_space<vmem_shared>>) offsets(%dma_start3A_1029 : memref<125xi32, #tpu.memory_space<vmem>>) semaphore(%arg33 : memref<!tpu.dma_semaphore, #tpu.memory_space<semaphore_mem>>) {add = true}
    %dma_wait3A_1033 = arith.constant 4 : i32
    %dma_wait3A_1034 = arith.constant 0 : i32
    %dma_wait3A_1035 = tpu.memref_slice %arg8[%dma_wait3A_1033, %dma_wait3A_1034] : memref<80x125xi32, #tpu.memory_space<vmem>> -> memref<1x125xi32, #tpu.memory_space<vmem>>
    %dma_wait3A_1036 = tpu.memref_squeeze %dma_wait3A_1035 : memref<1x125xi32, #tpu.memory_space<vmem>> -> memref<125xi32, #tpu.memory_space<vmem>>
    %dma_wait3A_1037 = arith.constant 0 : i32
    %dma_wait3A_1038 = arith.constant 0 : i32
    %dma_wait3A_1039 = tpu.memref_slice %arg18[%dma_wait3A_1037, %dma_wait3A_1038] : memref<10240x64xf32, #tpu.memory_space<vmem_shared>> -> memref<10240x64xf32, #tpu.memory_space<vmem_shared>>
    tpu.wait_indirect_dma semaphore(%arg31 : memref<!tpu.dma_semaphore, #tpu.memory_space<semaphore_mem>>) src(%arg13 : memref<125x64xf32, #tpu.memory_space<vmem>>) dst(%dma_wait3A_1039 : memref<10240x64xf32, #tpu.memory_space<vmem_shared>>)
    %dma_start3A_1040 = arith.constant 12 : i32
    %dma_start3A_1041 = arith.constant 0 : i32
    %dma_start3A_1042 = tpu.memref_slice %arg7[%dma_start3A_1040, %dma_start3A_1041] : memref<80x125xi32, #tpu.memory_space<vmem>> -> memref<1x125xi32, #tpu.memory_space<vmem>>
    %dma_start3A_1043 = tpu.memref_squeeze %dma_start3A_1042 : memref<1x125xi32, #tpu.memory_space<vmem>> -> memref<125xi32, #tpu.memory_space<vmem>>
    %dma_start3A_1044 = arith.constant 0 : i32
    %dma_start3A_1045 = arith.constant 0 : i32
    %dma_start3A_1046 = tpu.memref_slice %arg3[%dma_start3A_1044, %dma_start3A_1045] : memref<10240x64xf32, #tpu.memory_space<hbm>> -> memref<10240x64xf32, #tpu.memory_space<hbm>>
    tpu.enqueue_indirect_dma source(%dma_start3A_1046 : memref<10240x64xf32, #tpu.memory_space<hbm>>) target(%arg13 : memref<125x64xf32, #tpu.memory_space<vmem>>) offsets(%dma_start3A_1043 : memref<125xi32, #tpu.memory_space<vmem>>) semaphore(%arg23 : memref<!tpu.dma_semaphore, #tpu.memory_space<semaphore_mem>>)
    %dma_wait3A_1047 = arith.constant 7 : i32
    %dma_wait3A_1048 = arith.constant 0 : i32
    %dma_wait3A_1049 = tpu.memref_slice %arg7[%dma_wait3A_1047, %dma_wait3A_1048] : memref<80x125xi32, #tpu.memory_space<vmem>> -> memref<1x125xi32, #tpu.memory_space<vmem>>
    %dma_wait3A_1050 = tpu.memref_squeeze %dma_wait3A_1049 : memref<1x125xi32, #tpu.memory_space<vmem>> -> memref<125xi32, #tpu.memory_space<vmem>>
    %dma_wait3A_1051 = arith.constant 0 : i32
    %dma_wait3A_1052 = arith.constant 0 : i32
    %dma_wait3A_1053 = tpu.memref_slice %arg3[%dma_wait3A_1051, %dma_wait3A_1052] : memref<10240x64xf32, #tpu.memory_space<hbm>> -> memref<10240x64xf32, #tpu.memory_space<hbm>>
    tpu.wait_indirect_dma semaphore(%arg26 : memref<!tpu.dma_semaphore, #tpu.memory_space<semaphore_mem>>) src(%dma_wait3A_1053 : memref<10240x64xf32, #tpu.memory_space<hbm>>) dst(%arg16 : memref<125x64xf32, #tpu.memory_space<vmem>>)
    %dma_start3A_1054 = arith.constant 7 : i32
    %dma_start3A_1055 = arith.constant 0 : i32
    %dma_start3A_1056 = tpu.memref_slice %arg8[%dma_start3A_1054, %dma_start3A_1055] : memref<80x125xi32, #tpu.memory_space<vmem>> -> memref<1x125xi32, #tpu.memory_space<vmem>>
    %dma_start3A_1057 = tpu.memref_squeeze %dma_start3A_1056 : memref<1x125xi32, #tpu.memory_space<vmem>> -> memref<125xi32, #tpu.memory_space<vmem>>
    %dma_start3A_1058 = arith.constant 0 : i32
    %dma_start3A_1059 = arith.constant 0 : i32
    %dma_start3A_1060 = tpu.memref_slice %arg18[%dma_start3A_1058, %dma_start3A_1059] : memref<10240x64xf32, #tpu.memory_space<vmem_shared>> -> memref<10240x64xf32, #tpu.memory_space<vmem_shared>>
    tpu.enqueue_indirect_dma source(%arg16 : memref<125x64xf32, #tpu.memory_space<vmem>>) target(%dma_start3A_1060 : memref<10240x64xf32, #tpu.memory_space<vmem_shared>>) offsets(%dma_start3A_1057 : memref<125xi32, #tpu.memory_space<vmem>>) semaphore(%arg34 : memref<!tpu.dma_semaphore, #tpu.memory_space<semaphore_mem>>) {add = true}
    %scan3A_1061 = arith.constant 0 : i32
    %scan3A_1062 = arith.constant 1 : i32
    %scan3A_1063 = arith.constant 8 : i32
    %scan3A_1064 = arith.addi %scan3A_1062, %scan3A_1063 : i32
    %scan3A_1065 = arith.constant 1 : i32
    %scan3A_1066 = scf.for %scan3A_1283 = %scan3A_1062 to %scan3A_1064 step %scan3A_1065 iter_args(%scan3A_1284 = %scan3A_1061) -> (i32)  : i32 {
      %mul3A_1285 = arith.constant 8 : i32
      %mul3A_1286 = arith.muli %mul3A_1285, %scan3A_1283 : i32
      %add3A_1287 = arith.constant 0 : i32
      %add3A_1288 = arith.addi %mul3A_1286, %add3A_1287 : i32
      %add3A_1289 = arith.constant 5 : i32
      %add3A_1290 = arith.addi %add3A_1288, %add3A_1289 : i32
      %sub3A = arith.constant 8 : i32
      %sub3A_1291 = arith.subi %add3A_1290, %sub3A : i32
      %dma_wait3A_1292 = arith.constant 0 : i32
      %dma_wait3A_1293 = tpu.memref_slice %arg8[%sub3A_1291, %dma_wait3A_1292] : memref<80x125xi32, #tpu.memory_space<vmem>> -> memref<1x125xi32, #tpu.memory_space<vmem>>
      %dma_wait3A_1294 = tpu.memref_squeeze %dma_wait3A_1293 : memref<1x125xi32, #tpu.memory_space<vmem>> -> memref<125xi32, #tpu.memory_space<vmem>>
      %dma_wait3A_1295 = arith.constant 0 : i32
      %dma_wait3A_1296 = arith.constant 0 : i32
      %dma_wait3A_1297 = tpu.memref_slice %arg18[%dma_wait3A_1295, %dma_wait3A_1296] : memref<10240x64xf32, #tpu.memory_space<vmem_shared>> -> memref<10240x64xf32, #tpu.memory_space<vmem_shared>>
      tpu.wait_indirect_dma semaphore(%arg32 : memref<!tpu.dma_semaphore, #tpu.memory_space<semaphore_mem>>) src(%arg14 : memref<125x64xf32, #tpu.memory_space<vmem>>) dst(%dma_wait3A_1297 : memref<10240x64xf32, #tpu.memory_space<vmem_shared>>)
      %add3A_1298 = arith.constant 5 : i32
      %add3A_1299 = arith.addi %add3A_1288, %add3A_1298 : i32
      %dma_start3A_1300 = arith.constant 0 : i32
      %dma_start3A_1301 = tpu.memref_slice %arg7[%add3A_1299, %dma_start3A_1300] : memref<80x125xi32, #tpu.memory_space<vmem>> -> memref<1x125xi32, #tpu.memory_space<vmem>>
      %dma_start3A_1302 = tpu.memref_squeeze %dma_start3A_1301 : memref<1x125xi32, #tpu.memory_space<vmem>> -> memref<125xi32, #tpu.memory_space<vmem>>
      %dma_start3A_1303 = arith.constant 0 : i32
      %dma_start3A_1304 = arith.constant 0 : i32
      %dma_start3A_1305 = tpu.memref_slice %arg3[%dma_start3A_1303, %dma_start3A_1304] : memref<10240x64xf32, #tpu.memory_space<hbm>> -> memref<10240x64xf32, #tpu.memory_space<hbm>>
      tpu.enqueue_indirect_dma source(%dma_start3A_1305 : memref<10240x64xf32, #tpu.memory_space<hbm>>) target(%arg14 : memref<125x64xf32, #tpu.memory_space<vmem>>) offsets(%dma_start3A_1302 : memref<125xi32, #tpu.memory_space<vmem>>) semaphore(%arg24 : memref<!tpu.dma_semaphore, #tpu.memory_space<semaphore_mem>>)
      %dma_wait3A_1306 = arith.constant 0 : i32
      %dma_wait3A_1307 = tpu.memref_slice %arg7[%add3A_1288, %dma_wait3A_1306] : memref<80x125xi32, #tpu.memory_space<vmem>> -> memref<1x125xi32, #tpu.memory_space<vmem>>
      %dma_wait3A_1308 = tpu.memref_squeeze %dma_wait3A_1307 : memref<1x125xi32, #tpu.memory_space<vmem>> -> memref<125xi32, #tpu.memory_space<vmem>>
      %dma_wait3A_1309 = arith.constant 0 : i32
      %dma_wait3A_1310 = arith.constant 0 : i32
      %dma_wait3A_1311 = tpu.memref_slice %arg3[%dma_wait3A_1309, %dma_wait3A_1310] : memref<10240x64xf32, #tpu.memory_space<hbm>> -> memref<10240x64xf32, #tpu.memory_space<hbm>>
      tpu.wait_indirect_dma semaphore(%arg19 : memref<!tpu.dma_semaphore, #tpu.memory_space<semaphore_mem>>) src(%dma_wait3A_1311 : memref<10240x64xf32, #tpu.memory_space<hbm>>) dst(%arg9 : memref<125x64xf32, #tpu.memory_space<vmem>>)
      %dma_start3A_1312 = arith.constant 0 : i32
      %dma_start3A_1313 = tpu.memref_slice %arg8[%add3A_1288, %dma_start3A_1312] : memref<80x125xi32, #tpu.memory_space<vmem>> -> memref<1x125xi32, #tpu.memory_space<vmem>>
      %dma_start3A_1314 = tpu.memref_squeeze %dma_start3A_1313 : memref<1x125xi32, #tpu.memory_space<vmem>> -> memref<125xi32, #tpu.memory_space<vmem>>
      %dma_start3A_1315 = arith.constant 0 : i32
      %dma_start3A_1316 = arith.constant 0 : i32
      %dma_start3A_1317 = tpu.memref_slice %arg18[%dma_start3A_1315, %dma_start3A_1316] : memref<10240x64xf32, #tpu.memory_space<vmem_shared>> -> memref<10240x64xf32, #tpu.memory_space<vmem_shared>>
      tpu.enqueue_indirect_dma source(%arg9 : memref<125x64xf32, #tpu.memory_space<vmem>>) target(%dma_start3A_1317 : memref<10240x64xf32, #tpu.memory_space<vmem_shared>>) offsets(%dma_start3A_1314 : memref<125xi32, #tpu.memory_space<vmem>>) semaphore(%arg27 : memref<!tpu.dma_semaphore, #tpu.memory_space<semaphore_mem>>) {add = true}
      %add3A_1318 = arith.constant 1 : i32
      %add3A_1319 = arith.addi %mul3A_1286, %add3A_1318 : i32
      %add3A_1320 = arith.constant 5 : i32
      %add3A_1321 = arith.addi %add3A_1319, %add3A_1320 : i32
      %sub3A_1322 = arith.constant 8 : i32
      %sub3A_1323 = arith.subi %add3A_1321, %sub3A_1322 : i32
      %dma_wait3A_1324 = arith.constant 0 : i32
      %dma_wait3A_1325 = tpu.memref_slice %arg8[%sub3A_1323, %dma_wait3A_1324] : memref<80x125xi32, #tpu.memory_space<vmem>> -> memref<1x125xi32, #tpu.memory_space<vmem>>
      %dma_wait3A_1326 = tpu.memref_squeeze %dma_wait3A_1325 : memref<1x125xi32, #tpu.memory_space<vmem>> -> memref<125xi32, #tpu.memory_space<vmem>>
      %dma_wait3A_1327 = arith.constant 0 : i32
      %dma_wait3A_1328 = arith.constant 0 : i32
      %dma_wait3A_1329 = tpu.memref_slice %arg18[%dma_wait3A_1327, %dma_wait3A_1328] : memref<10240x64xf32, #tpu.memory_space<vmem_shared>> -> memref<10240x64xf32, #tpu.memory_space<vmem_shared>>
      tpu.wait_indirect_dma semaphore(%arg33 : memref<!tpu.dma_semaphore, #tpu.memory_space<semaphore_mem>>) src(%arg15 : memref<125x64xf32, #tpu.memory_space<vmem>>) dst(%dma_wait3A_1329 : memref<10240x64xf32, #tpu.memory_space<vmem_shared>>)
      %add3A_1330 = arith.constant 5 : i32
      %add3A_1331 = arith.addi %add3A_1319, %add3A_1330 : i32
      %dma_start3A_1332 = arith.constant 0 : i32
      %dma_start3A_1333 = tpu.memref_slice %arg7[%add3A_1331, %dma_start3A_1332] : memref<80x125xi32, #tpu.memory_space<vmem>> -> memref<1x125xi32, #tpu.memory_space<vmem>>
      %dma_start3A_1334 = tpu.memref_squeeze %dma_start3A_1333 : memref<1x125xi32, #tpu.memory_space<vmem>> -> memref<125xi32, #tpu.memory_space<vmem>>
      %dma_start3A_1335 = arith.constant 0 : i32
      %dma_start3A_1336 = arith.constant 0 : i32
      %dma_start3A_1337 = tpu.memref_slice %arg3[%dma_start3A_1335, %dma_start3A_1336] : memref<10240x64xf32, #tpu.memory_space<hbm>> -> memref<10240x64xf32, #tpu.memory_space<hbm>>
      tpu.enqueue_indirect_dma source(%dma_start3A_1337 : memref<10240x64xf32, #tpu.memory_space<hbm>>) target(%arg15 : memref<125x64xf32, #tpu.memory_space<vmem>>) offsets(%dma_start3A_1334 : memref<125xi32, #tpu.memory_space<vmem>>) semaphore(%arg25 : memref<!tpu.dma_semaphore, #tpu.memory_space<semaphore_mem>>)
      %dma_wait3A_1338 = arith.constant 0 : i32
      %dma_wait3A_1339 = tpu.memref_slice %arg7[%add3A_1319, %dma_wait3A_1338] : memref<80x125xi32, #tpu.memory_space<vmem>> -> memref<1x125xi32, #tpu.memory_space<vmem>>
      %dma_wait3A_1340 = tpu.memref_squeeze %dma_wait3A_1339 : memref<1x125xi32, #tpu.memory_space<vmem>> -> memref<125xi32, #tpu.memory_space<vmem>>
      %dma_wait3A_1341 = arith.constant 0 : i32
      %dma_wait3A_1342 = arith.constant 0 : i32
      %dma_wait3A_1343 = tpu.memref_slice %arg3[%dma_wait3A_1341, %dma_wait3A_1342] : memref<10240x64xf32, #tpu.memory_space<hbm>> -> memref<10240x64xf32, #tpu.memory_space<hbm>>
      tpu.wait_indirect_dma semaphore(%arg20 : memref<!tpu.dma_semaphore, #tpu.memory_space<semaphore_mem>>) src(%dma_wait3A_1343 : memref<10240x64xf32, #tpu.memory_space<hbm>>) dst(%arg10 : memref<125x64xf32, #tpu.memory_space<vmem>>)
      %dma_start3A_1344 = arith.constant 0 : i32
      %dma_start3A_1345 = tpu.memref_slice %arg8[%add3A_1319, %dma_start3A_1344] : memref<80x125xi32, #tpu.memory_space<vmem>> -> memref<1x125xi32, #tpu.memory_space<vmem>>
      %dma_start3A_1346 = tpu.memref_squeeze %dma_start3A_1345 : memref<1x125xi32, #tpu.memory_space<vmem>> -> memref<125xi32, #tpu.memory_space<vmem>>
      %dma_start3A_1347 = arith.constant 0 : i32
      %dma_start3A_1348 = arith.constant 0 : i32
      %dma_start3A_1349 = tpu.memref_slice %arg18[%dma_start3A_1347, %dma_start3A_1348] : memref<10240x64xf32, #tpu.memory_space<vmem_shared>> -> memref<10240x64xf32, #tpu.memory_space<vmem_shared>>
      tpu.enqueue_indirect_dma source(%arg10 : memref<125x64xf32, #tpu.memory_space<vmem>>) target(%dma_start3A_1349 : memref<10240x64xf32, #tpu.memory_space<vmem_shared>>) offsets(%dma_start3A_1346 : memref<125xi32, #tpu.memory_space<vmem>>) semaphore(%arg28 : memref<!tpu.dma_semaphore, #tpu.memory_space<semaphore_mem>>) {add = true}
      %add3A_1350 = arith.constant 2 : i32
      %add3A_1351 = arith.addi %mul3A_1286, %add3A_1350 : i32
      %add3A_1352 = arith.constant 5 : i32
      %add3A_1353 = arith.addi %add3A_1351, %add3A_1352 : i32
      %sub3A_1354 = arith.constant 8 : i32
      %sub3A_1355 = arith.subi %add3A_1353, %sub3A_1354 : i32
      %dma_wait3A_1356 = arith.constant 0 : i32
      %dma_wait3A_1357 = tpu.memref_slice %arg8[%sub3A_1355, %dma_wait3A_1356] : memref<80x125xi32, #tpu.memory_space<vmem>> -> memref<1x125xi32, #tpu.memory_space<vmem>>
      %dma_wait3A_1358 = tpu.memref_squeeze %dma_wait3A_1357 : memref<1x125xi32, #tpu.memory_space<vmem>> -> memref<125xi32, #tpu.memory_space<vmem>>
      %dma_wait3A_1359 = arith.constant 0 : i32
      %dma_wait3A_1360 = arith.constant 0 : i32
      %dma_wait3A_1361 = tpu.memref_slice %arg18[%dma_wait3A_1359, %dma_wait3A_1360] : memref<10240x64xf32, #tpu.memory_space<vmem_shared>> -> memref<10240x64xf32, #tpu.memory_space<vmem_shared>>
      tpu.wait_indirect_dma semaphore(%arg34 : memref<!tpu.dma_semaphore, #tpu.memory_space<semaphore_mem>>) src(%arg16 : memref<125x64xf32, #tpu.memory_space<vmem>>) dst(%dma_wait3A_1361 : memref<10240x64xf32, #tpu.memory_space<vmem_shared>>)
      %add3A_1362 = arith.constant 5 : i32
      %add3A_1363 = arith.addi %add3A_1351, %add3A_1362 : i32
      %dma_start3A_1364 = arith.constant 0 : i32
      %dma_start3A_1365 = tpu.memref_slice %arg7[%add3A_1363, %dma_start3A_1364] : memref<80x125xi32, #tpu.memory_space<vmem>> -> memref<1x125xi32, #tpu.memory_space<vmem>>
      %dma_start3A_1366 = tpu.memref_squeeze %dma_start3A_1365 : memref<1x125xi32, #tpu.memory_space<vmem>> -> memref<125xi32, #tpu.memory_space<vmem>>
      %dma_start3A_1367 = arith.constant 0 : i32
      %dma_start3A_1368 = arith.constant 0 : i32
      %dma_start3A_1369 = tpu.memref_slice %arg3[%dma_start3A_1367, %dma_start3A_1368] : memref<10240x64xf32, #tpu.memory_space<hbm>> -> memref<10240x64xf32, #tpu.memory_space<hbm>>
      tpu.enqueue_indirect_dma source(%dma_start3A_1369 : memref<10240x64xf32, #tpu.memory_space<hbm>>) target(%arg16 : memref<125x64xf32, #tpu.memory_space<vmem>>) offsets(%dma_start3A_1366 : memref<125xi32, #tpu.memory_space<vmem>>) semaphore(%arg26 : memref<!tpu.dma_semaphore, #tpu.memory_space<semaphore_mem>>)
      %dma_wait3A_1370 = arith.constant 0 : i32
      %dma_wait3A_1371 = tpu.memref_slice %arg7[%add3A_1351, %dma_wait3A_1370] : memref<80x125xi32, #tpu.memory_space<vmem>> -> memref<1x125xi32, #tpu.memory_space<vmem>>
      %dma_wait3A_1372 = tpu.memref_squeeze %dma_wait3A_1371 : memref<1x125xi32, #tpu.memory_space<vmem>> -> memref<125xi32, #tpu.memory_space<vmem>>
      %dma_wait3A_1373 = arith.constant 0 : i32
      %dma_wait3A_1374 = arith.constant 0 : i32
      %dma_wait3A_1375 = tpu.memref_slice %arg3[%dma_wait3A_1373, %dma_wait3A_1374] : memref<10240x64xf32, #tpu.memory_space<hbm>> -> memref<10240x64xf32, #tpu.memory_space<hbm>>
      tpu.wait_indirect_dma semaphore(%arg21 : memref<!tpu.dma_semaphore, #tpu.memory_space<semaphore_mem>>) src(%dma_wait3A_1375 : memref<10240x64xf32, #tpu.memory_space<hbm>>) dst(%arg11 : memref<125x64xf32, #tpu.memory_space<vmem>>)
      %dma_start3A_1376 = arith.constant 0 : i32
      %dma_start3A_1377 = tpu.memref_slice %arg8[%add3A_1351, %dma_start3A_1376] : memref<80x125xi32, #tpu.memory_space<vmem>> -> memref<1x125xi32, #tpu.memory_space<vmem>>
      %dma_start3A_1378 = tpu.memref_squeeze %dma_start3A_1377 : memref<1x125xi32, #tpu.memory_space<vmem>> -> memref<125xi32, #tpu.memory_space<vmem>>
      %dma_start3A_1379 = arith.constant 0 : i32
      %dma_start3A_1380 = arith.constant 0 : i32
      %dma_start3A_1381 = tpu.memref_slice %arg18[%dma_start3A_1379, %dma_start3A_1380] : memref<10240x64xf32, #tpu.memory_space<vmem_shared>> -> memref<10240x64xf32, #tpu.memory_space<vmem_shared>>
      tpu.enqueue_indirect_dma source(%arg11 : memref<125x64xf32, #tpu.memory_space<vmem>>) target(%dma_start3A_1381 : memref<10240x64xf32, #tpu.memory_space<vmem_shared>>) offsets(%dma_start3A_1378 : memref<125xi32, #tpu.memory_space<vmem>>) semaphore(%arg29 : memref<!tpu.dma_semaphore, #tpu.memory_space<semaphore_mem>>) {add = true}
      %add3A_1382 = arith.constant 3 : i32
      %add3A_1383 = arith.addi %mul3A_1286, %add3A_1382 : i32
      %add3A_1384 = arith.constant 5 : i32
      %add3A_1385 = arith.addi %add3A_1383, %add3A_1384 : i32
      %sub3A_1386 = arith.constant 8 : i32
      %sub3A_1387 = arith.subi %add3A_1385, %sub3A_1386 : i32
      %dma_wait3A_1388 = arith.constant 0 : i32
      %dma_wait3A_1389 = tpu.memref_slice %arg8[%sub3A_1387, %dma_wait3A_1388] : memref<80x125xi32, #tpu.memory_space<vmem>> -> memref<1x125xi32, #tpu.memory_space<vmem>>
      %dma_wait3A_1390 = tpu.memref_squeeze %dma_wait3A_1389 : memref<1x125xi32, #tpu.memory_space<vmem>> -> memref<125xi32, #tpu.memory_space<vmem>>
      %dma_wait3A_1391 = arith.constant 0 : i32
      %dma_wait3A_1392 = arith.constant 0 : i32
      %dma_wait3A_1393 = tpu.memref_slice %arg18[%dma_wait3A_1391, %dma_wait3A_1392] : memref<10240x64xf32, #tpu.memory_space<vmem_shared>> -> memref<10240x64xf32, #tpu.memory_space<vmem_shared>>
      tpu.wait_indirect_dma semaphore(%arg27 : memref<!tpu.dma_semaphore, #tpu.memory_space<semaphore_mem>>) src(%arg9 : memref<125x64xf32, #tpu.memory_space<vmem>>) dst(%dma_wait3A_1393 : memref<10240x64xf32, #tpu.memory_space<vmem_shared>>)
      %add3A_1394 = arith.constant 5 : i32
      %add3A_1395 = arith.addi %add3A_1383, %add3A_1394 : i32
      %dma_start3A_1396 = arith.constant 0 : i32
      %dma_start3A_1397 = tpu.memref_slice %arg7[%add3A_1395, %dma_start3A_1396] : memref<80x125xi32, #tpu.memory_space<vmem>> -> memref<1x125xi32, #tpu.memory_space<vmem>>
      %dma_start3A_1398 = tpu.memref_squeeze %dma_start3A_1397 : memref<1x125xi32, #tpu.memory_space<vmem>> -> memref<125xi32, #tpu.memory_space<vmem>>
      %dma_start3A_1399 = arith.constant 0 : i32
      %dma_start3A_1400 = arith.constant 0 : i32
      %dma_start3A_1401 = tpu.memref_slice %arg3[%dma_start3A_1399, %dma_start3A_1400] : memref<10240x64xf32, #tpu.memory_space<hbm>> -> memref<10240x64xf32, #tpu.memory_space<hbm>>
      tpu.enqueue_indirect_dma source(%dma_start3A_1401 : memref<10240x64xf32, #tpu.memory_space<hbm>>) target(%arg9 : memref<125x64xf32, #tpu.memory_space<vmem>>) offsets(%dma_start3A_1398 : memref<125xi32, #tpu.memory_space<vmem>>) semaphore(%arg19 : memref<!tpu.dma_semaphore, #tpu.memory_space<semaphore_mem>>)
      %dma_wait3A_1402 = arith.constant 0 : i32
      %dma_wait3A_1403 = tpu.memref_slice %arg7[%add3A_1383, %dma_wait3A_1402] : memref<80x125xi32, #tpu.memory_space<vmem>> -> memref<1x125xi32, #tpu.memory_space<vmem>>
      %dma_wait3A_1404 = tpu.memref_squeeze %dma_wait3A_1403 : memref<1x125xi32, #tpu.memory_space<vmem>> -> memref<125xi32, #tpu.memory_space<vmem>>
      %dma_wait3A_1405 = arith.constant 0 : i32
      %dma_wait3A_1406 = arith.constant 0 : i32
      %dma_wait3A_1407 = tpu.memref_slice %arg3[%dma_wait3A_1405, %dma_wait3A_1406] : memref<10240x64xf32, #tpu.memory_space<hbm>> -> memref<10240x64xf32, #tpu.memory_space<hbm>>
      tpu.wait_indirect_dma semaphore(%arg22 : memref<!tpu.dma_semaphore, #tpu.memory_space<semaphore_mem>>) src(%dma_wait3A_1407 : memref<10240x64xf32, #tpu.memory_space<hbm>>) dst(%arg12 : memref<125x64xf32, #tpu.memory_space<vmem>>)
      %dma_start3A_1408 = arith.constant 0 : i32
      %dma_start3A_1409 = tpu.memref_slice %arg8[%add3A_1383, %dma_start3A_1408] : memref<80x125xi32, #tpu.memory_space<vmem>> -> memref<1x125xi32, #tpu.memory_space<vmem>>
      %dma_start3A_1410 = tpu.memref_squeeze %dma_start3A_1409 : memref<1x125xi32, #tpu.memory_space<vmem>> -> memref<125xi32, #tpu.memory_space<vmem>>
      %dma_start3A_1411 = arith.constant 0 : i32
      %dma_start3A_1412 = arith.constant 0 : i32
      %dma_start3A_1413 = tpu.memref_slice %arg18[%dma_start3A_1411, %dma_start3A_1412] : memref<10240x64xf32, #tpu.memory_space<vmem_shared>> -> memref<10240x64xf32, #tpu.memory_space<vmem_shared>>
      tpu.enqueue_indirect_dma source(%arg12 : memref<125x64xf32, #tpu.memory_space<vmem>>) target(%dma_start3A_1413 : memref<10240x64xf32, #tpu.memory_space<vmem_shared>>) offsets(%dma_start3A_1410 : memref<125xi32, #tpu.memory_space<vmem>>) semaphore(%arg30 : memref<!tpu.dma_semaphore, #tpu.memory_space<semaphore_mem>>) {add = true}
      %add3A_1414 = arith.constant 4 : i32
      %add3A_1415 = arith.addi %mul3A_1286, %add3A_1414 : i32
      %add3A_1416 = arith.constant 5 : i32
      %add3A_1417 = arith.addi %add3A_1415, %add3A_1416 : i32
      %sub3A_1418 = arith.constant 8 : i32
      %sub3A_1419 = arith.subi %add3A_1417, %sub3A_1418 : i32
      %dma_wait3A_1420 = arith.constant 0 : i32
      %dma_wait3A_1421 = tpu.memref_slice %arg8[%sub3A_1419, %dma_wait3A_1420] : memref<80x125xi32, #tpu.memory_space<vmem>> -> memref<1x125xi32, #tpu.memory_space<vmem>>
      %dma_wait3A_1422 = tpu.memref_squeeze %dma_wait3A_1421 : memref<1x125xi32, #tpu.memory_space<vmem>> -> memref<125xi32, #tpu.memory_space<vmem>>
      %dma_wait3A_1423 = arith.constant 0 : i32
      %dma_wait3A_1424 = arith.constant 0 : i32
      %dma_wait3A_1425 = tpu.memref_slice %arg18[%dma_wait3A_1423, %dma_wait3A_1424] : memref<10240x64xf32, #tpu.memory_space<vmem_shared>> -> memref<10240x64xf32, #tpu.memory_space<vmem_shared>>
      tpu.wait_indirect_dma semaphore(%arg28 : memref<!tpu.dma_semaphore, #tpu.memory_space<semaphore_mem>>) src(%arg10 : memref<125x64xf32, #tpu.memory_space<vmem>>) dst(%dma_wait3A_1425 : memref<10240x64xf32, #tpu.memory_space<vmem_shared>>)
      %add3A_1426 = arith.constant 5 : i32
      %add3A_1427 = arith.addi %add3A_1415, %add3A_1426 : i32
      %dma_start3A_1428 = arith.constant 0 : i32
      %dma_start3A_1429 = tpu.memref_slice %arg7[%add3A_1427, %dma_start3A_1428] : memref<80x125xi32, #tpu.memory_space<vmem>> -> memref<1x125xi32, #tpu.memory_space<vmem>>
      %dma_start3A_1430 = tpu.memref_squeeze %dma_start3A_1429 : memref<1x125xi32, #tpu.memory_space<vmem>> -> memref<125xi32, #tpu.memory_space<vmem>>
      %dma_start3A_1431 = arith.constant 0 : i32
      %dma_start3A_1432 = arith.constant 0 : i32
      %dma_start3A_1433 = tpu.memref_slice %arg3[%dma_start3A_1431, %dma_start3A_1432] : memref<10240x64xf32, #tpu.memory_space<hbm>> -> memref<10240x64xf32, #tpu.memory_space<hbm>>
      tpu.enqueue_indirect_dma source(%dma_start3A_1433 : memref<10240x64xf32, #tpu.memory_space<hbm>>) target(%arg10 : memref<125x64xf32, #tpu.memory_space<vmem>>) offsets(%dma_start3A_1430 : memref<125xi32, #tpu.memory_space<vmem>>) semaphore(%arg20 : memref<!tpu.dma_semaphore, #tpu.memory_space<semaphore_mem>>)
      %dma_wait3A_1434 = arith.constant 0 : i32
      %dma_wait3A_1435 = tpu.memref_slice %arg7[%add3A_1415, %dma_wait3A_1434] : memref<80x125xi32, #tpu.memory_space<vmem>> -> memref<1x125xi32, #tpu.memory_space<vmem>>
      %dma_wait3A_1436 = tpu.memref_squeeze %dma_wait3A_1435 : memref<1x125xi32, #tpu.memory_space<vmem>> -> memref<125xi32, #tpu.memory_space<vmem>>
      %dma_wait3A_1437 = arith.constant 0 : i32
      %dma_wait3A_1438 = arith.constant 0 : i32
      %dma_wait3A_1439 = tpu.memref_slice %arg3[%dma_wait3A_1437, %dma_wait3A_1438] : memref<10240x64xf32, #tpu.memory_space<hbm>> -> memref<10240x64xf32, #tpu.memory_space<hbm>>
      tpu.wait_indirect_dma semaphore(%arg23 : memref<!tpu.dma_semaphore, #tpu.memory_space<semaphore_mem>>) src(%dma_wait3A_1439 : memref<10240x64xf32, #tpu.memory_space<hbm>>) dst(%arg13 : memref<125x64xf32, #tpu.memory_space<vmem>>)
      %dma_start3A_1440 = arith.constant 0 : i32
      %dma_start3A_1441 = tpu.memref_slice %arg8[%add3A_1415, %dma_start3A_1440] : memref<80x125xi32, #tpu.memory_space<vmem>> -> memref<1x125xi32, #tpu.memory_space<vmem>>
      %dma_start3A_1442 = tpu.memref_squeeze %dma_start3A_1441 : memref<1x125xi32, #tpu.memory_space<vmem>> -> memref<125xi32, #tpu.memory_space<vmem>>
      %dma_start3A_1443 = arith.constant 0 : i32
      %dma_start3A_1444 = arith.constant 0 : i32
      %dma_start3A_1445 = tpu.memref_slice %arg18[%dma_start3A_1443, %dma_start3A_1444] : memref<10240x64xf32, #tpu.memory_space<vmem_shared>> -> memref<10240x64xf32, #tpu.memory_space<vmem_shared>>
      tpu.enqueue_indirect_dma source(%arg13 : memref<125x64xf32, #tpu.memory_space<vmem>>) target(%dma_start3A_1445 : memref<10240x64xf32, #tpu.memory_space<vmem_shared>>) offsets(%dma_start3A_1442 : memref<125xi32, #tpu.memory_space<vmem>>) semaphore(%arg31 : memref<!tpu.dma_semaphore, #tpu.memory_space<semaphore_mem>>) {add = true}
      %add3A_1446 = arith.constant 5 : i32
      %add3A_1447 = arith.addi %mul3A_1286, %add3A_1446 : i32
      %add3A_1448 = arith.constant 5 : i32
      %add3A_1449 = arith.addi %add3A_1447, %add3A_1448 : i32
      %sub3A_1450 = arith.constant 8 : i32
      %sub3A_1451 = arith.subi %add3A_1449, %sub3A_1450 : i32
      %dma_wait3A_1452 = arith.constant 0 : i32
      %dma_wait3A_1453 = tpu.memref_slice %arg8[%sub3A_1451, %dma_wait3A_1452] : memref<80x125xi32, #tpu.memory_space<vmem>> -> memref<1x125xi32, #tpu.memory_space<vmem>>
      %dma_wait3A_1454 = tpu.memref_squeeze %dma_wait3A_1453 : memref<1x125xi32, #tpu.memory_space<vmem>> -> memref<125xi32, #tpu.memory_space<vmem>>
      %dma_wait3A_1455 = arith.constant 0 : i32
      %dma_wait3A_1456 = arith.constant 0 : i32
      %dma_wait3A_1457 = tpu.memref_slice %arg18[%dma_wait3A_1455, %dma_wait3A_1456] : memref<10240x64xf32, #tpu.memory_space<vmem_shared>> -> memref<10240x64xf32, #tpu.memory_space<vmem_shared>>
      tpu.wait_indirect_dma semaphore(%arg29 : memref<!tpu.dma_semaphore, #tpu.memory_space<semaphore_mem>>) src(%arg11 : memref<125x64xf32, #tpu.memory_space<vmem>>) dst(%dma_wait3A_1457 : memref<10240x64xf32, #tpu.memory_space<vmem_shared>>)
      %add3A_1458 = arith.constant 5 : i32
      %add3A_1459 = arith.addi %add3A_1447, %add3A_1458 : i32
      %dma_start3A_1460 = arith.constant 0 : i32
      %dma_start3A_1461 = tpu.memref_slice %arg7[%add3A_1459, %dma_start3A_1460] : memref<80x125xi32, #tpu.memory_space<vmem>> -> memref<1x125xi32, #tpu.memory_space<vmem>>
      %dma_start3A_1462 = tpu.memref_squeeze %dma_start3A_1461 : memref<1x125xi32, #tpu.memory_space<vmem>> -> memref<125xi32, #tpu.memory_space<vmem>>
      %dma_start3A_1463 = arith.constant 0 : i32
      %dma_start3A_1464 = arith.constant 0 : i32
      %dma_start3A_1465 = tpu.memref_slice %arg3[%dma_start3A_1463, %dma_start3A_1464] : memref<10240x64xf32, #tpu.memory_space<hbm>> -> memref<10240x64xf32, #tpu.memory_space<hbm>>
      tpu.enqueue_indirect_dma source(%dma_start3A_1465 : memref<10240x64xf32, #tpu.memory_space<hbm>>) target(%arg11 : memref<125x64xf32, #tpu.memory_space<vmem>>) offsets(%dma_start3A_1462 : memref<125xi32, #tpu.memory_space<vmem>>) semaphore(%arg21 : memref<!tpu.dma_semaphore, #tpu.memory_space<semaphore_mem>>)
      %dma_wait3A_1466 = arith.constant 0 : i32
      %dma_wait3A_1467 = tpu.memref_slice %arg7[%add3A_1447, %dma_wait3A_1466] : memref<80x125xi32, #tpu.memory_space<vmem>> -> memref<1x125xi32, #tpu.memory_space<vmem>>
      %dma_wait3A_1468 = tpu.memref_squeeze %dma_wait3A_1467 : memref<1x125xi32, #tpu.memory_space<vmem>> -> memref<125xi32, #tpu.memory_space<vmem>>
      %dma_wait3A_1469 = arith.constant 0 : i32
      %dma_wait3A_1470 = arith.constant 0 : i32
      %dma_wait3A_1471 = tpu.memref_slice %arg3[%dma_wait3A_1469, %dma_wait3A_1470] : memref<10240x64xf32, #tpu.memory_space<hbm>> -> memref<10240x64xf32, #tpu.memory_space<hbm>>
      tpu.wait_indirect_dma semaphore(%arg24 : memref<!tpu.dma_semaphore, #tpu.memory_space<semaphore_mem>>) src(%dma_wait3A_1471 : memref<10240x64xf32, #tpu.memory_space<hbm>>) dst(%arg14 : memref<125x64xf32, #tpu.memory_space<vmem>>)
      %dma_start3A_1472 = arith.constant 0 : i32
      %dma_start3A_1473 = tpu.memref_slice %arg8[%add3A_1447, %dma_start3A_1472] : memref<80x125xi32, #tpu.memory_space<vmem>> -> memref<1x125xi32, #tpu.memory_space<vmem>>
      %dma_start3A_1474 = tpu.memref_squeeze %dma_start3A_1473 : memref<1x125xi32, #tpu.memory_space<vmem>> -> memref<125xi32, #tpu.memory_space<vmem>>
      %dma_start3A_1475 = arith.constant 0 : i32
      %dma_start3A_1476 = arith.constant 0 : i32
      %dma_start3A_1477 = tpu.memref_slice %arg18[%dma_start3A_1475, %dma_start3A_1476] : memref<10240x64xf32, #tpu.memory_space<vmem_shared>> -> memref<10240x64xf32, #tpu.memory_space<vmem_shared>>
      tpu.enqueue_indirect_dma source(%arg14 : memref<125x64xf32, #tpu.memory_space<vmem>>) target(%dma_start3A_1477 : memref<10240x64xf32, #tpu.memory_space<vmem_shared>>) offsets(%dma_start3A_1474 : memref<125xi32, #tpu.memory_space<vmem>>) semaphore(%arg32 : memref<!tpu.dma_semaphore, #tpu.memory_space<semaphore_mem>>) {add = true}
      %add3A_1478 = arith.constant 6 : i32
      %add3A_1479 = arith.addi %mul3A_1286, %add3A_1478 : i32
      %add3A_1480 = arith.constant 5 : i32
      %add3A_1481 = arith.addi %add3A_1479, %add3A_1480 : i32
      %sub3A_1482 = arith.constant 8 : i32
      %sub3A_1483 = arith.subi %add3A_1481, %sub3A_1482 : i32
      %dma_wait3A_1484 = arith.constant 0 : i32
      %dma_wait3A_1485 = tpu.memref_slice %arg8[%sub3A_1483, %dma_wait3A_1484] : memref<80x125xi32, #tpu.memory_space<vmem>> -> memref<1x125xi32, #tpu.memory_space<vmem>>
      %dma_wait3A_1486 = tpu.memref_squeeze %dma_wait3A_1485 : memref<1x125xi32, #tpu.memory_space<vmem>> -> memref<125xi32, #tpu.memory_space<vmem>>
      %dma_wait3A_1487 = arith.constant 0 : i32
      %dma_wait3A_1488 = arith.constant 0 : i32
      %dma_wait3A_1489 = tpu.memref_slice %arg18[%dma_wait3A_1487, %dma_wait3A_1488] : memref<10240x64xf32, #tpu.memory_space<vmem_shared>> -> memref<10240x64xf32, #tpu.memory_space<vmem_shared>>
      tpu.wait_indirect_dma semaphore(%arg30 : memref<!tpu.dma_semaphore, #tpu.memory_space<semaphore_mem>>) src(%arg12 : memref<125x64xf32, #tpu.memory_space<vmem>>) dst(%dma_wait3A_1489 : memref<10240x64xf32, #tpu.memory_space<vmem_shared>>)
      %add3A_1490 = arith.constant 5 : i32
      %add3A_1491 = arith.addi %add3A_1479, %add3A_1490 : i32
      %dma_start3A_1492 = arith.constant 0 : i32
      %dma_start3A_1493 = tpu.memref_slice %arg7[%add3A_1491, %dma_start3A_1492] : memref<80x125xi32, #tpu.memory_space<vmem>> -> memref<1x125xi32, #tpu.memory_space<vmem>>
      %dma_start3A_1494 = tpu.memref_squeeze %dma_start3A_1493 : memref<1x125xi32, #tpu.memory_space<vmem>> -> memref<125xi32, #tpu.memory_space<vmem>>
      %dma_start3A_1495 = arith.constant 0 : i32
      %dma_start3A_1496 = arith.constant 0 : i32
      %dma_start3A_1497 = tpu.memref_slice %arg3[%dma_start3A_1495, %dma_start3A_1496] : memref<10240x64xf32, #tpu.memory_space<hbm>> -> memref<10240x64xf32, #tpu.memory_space<hbm>>
      tpu.enqueue_indirect_dma source(%dma_start3A_1497 : memref<10240x64xf32, #tpu.memory_space<hbm>>) target(%arg12 : memref<125x64xf32, #tpu.memory_space<vmem>>) offsets(%dma_start3A_1494 : memref<125xi32, #tpu.memory_space<vmem>>) semaphore(%arg22 : memref<!tpu.dma_semaphore, #tpu.memory_space<semaphore_mem>>)
      %dma_wait3A_1498 = arith.constant 0 : i32
      %dma_wait3A_1499 = tpu.memref_slice %arg7[%add3A_1479, %dma_wait3A_1498] : memref<80x125xi32, #tpu.memory_space<vmem>> -> memref<1x125xi32, #tpu.memory_space<vmem>>
      %dma_wait3A_1500 = tpu.memref_squeeze %dma_wait3A_1499 : memref<1x125xi32, #tpu.memory_space<vmem>> -> memref<125xi32, #tpu.memory_space<vmem>>
      %dma_wait3A_1501 = arith.constant 0 : i32
      %dma_wait3A_1502 = arith.constant 0 : i32
      %dma_wait3A_1503 = tpu.memref_slice %arg3[%dma_wait3A_1501, %dma_wait3A_1502] : memref<10240x64xf32, #tpu.memory_space<hbm>> -> memref<10240x64xf32, #tpu.memory_space<hbm>>
      tpu.wait_indirect_dma semaphore(%arg25 : memref<!tpu.dma_semaphore, #tpu.memory_space<semaphore_mem>>) src(%dma_wait3A_1503 : memref<10240x64xf32, #tpu.memory_space<hbm>>) dst(%arg15 : memref<125x64xf32, #tpu.memory_space<vmem>>)
      %dma_start3A_1504 = arith.constant 0 : i32
      %dma_start3A_1505 = tpu.memref_slice %arg8[%add3A_1479, %dma_start3A_1504] : memref<80x125xi32, #tpu.memory_space<vmem>> -> memref<1x125xi32, #tpu.memory_space<vmem>>
      %dma_start3A_1506 = tpu.memref_squeeze %dma_start3A_1505 : memref<1x125xi32, #tpu.memory_space<vmem>> -> memref<125xi32, #tpu.memory_space<vmem>>
      %dma_start3A_1507 = arith.constant 0 : i32
      %dma_start3A_1508 = arith.constant 0 : i32
      %dma_start3A_1509 = tpu.memref_slice %arg18[%dma_start3A_1507, %dma_start3A_1508] : memref<10240x64xf32, #tpu.memory_space<vmem_shared>> -> memref<10240x64xf32, #tpu.memory_space<vmem_shared>>
      tpu.enqueue_indirect_dma source(%arg15 : memref<125x64xf32, #tpu.memory_space<vmem>>) target(%dma_start3A_1509 : memref<10240x64xf32, #tpu.memory_space<vmem_shared>>) offsets(%dma_start3A_1506 : memref<125xi32, #tpu.memory_space<vmem>>) semaphore(%arg33 : memref<!tpu.dma_semaphore, #tpu.memory_space<semaphore_mem>>) {add = true}
      %add3A_1510 = arith.constant 7 : i32
      %add3A_1511 = arith.addi %mul3A_1286, %add3A_1510 : i32
      %add3A_1512 = arith.constant 5 : i32
      %add3A_1513 = arith.addi %add3A_1511, %add3A_1512 : i32
      %sub3A_1514 = arith.constant 8 : i32
      %sub3A_1515 = arith.subi %add3A_1513, %sub3A_1514 : i32
      %dma_wait3A_1516 = arith.constant 0 : i32
      %dma_wait3A_1517 = tpu.memref_slice %arg8[%sub3A_1515, %dma_wait3A_1516] : memref<80x125xi32, #tpu.memory_space<vmem>> -> memref<1x125xi32, #tpu.memory_space<vmem>>
      %dma_wait3A_1518 = tpu.memref_squeeze %dma_wait3A_1517 : memref<1x125xi32, #tpu.memory_space<vmem>> -> memref<125xi32, #tpu.memory_space<vmem>>
      %dma_wait3A_1519 = arith.constant 0 : i32
      %dma_wait3A_1520 = arith.constant 0 : i32
      %dma_wait3A_1521 = tpu.memref_slice %arg18[%dma_wait3A_1519, %dma_wait3A_1520] : memref<10240x64xf32, #tpu.memory_space<vmem_shared>> -> memref<10240x64xf32, #tpu.memory_space<vmem_shared>>
      tpu.wait_indirect_dma semaphore(%arg31 : memref<!tpu.dma_semaphore, #tpu.memory_space<semaphore_mem>>) src(%arg13 : memref<125x64xf32, #tpu.memory_space<vmem>>) dst(%dma_wait3A_1521 : memref<10240x64xf32, #tpu.memory_space<vmem_shared>>)
      %add3A_1522 = arith.constant 5 : i32
      %add3A_1523 = arith.addi %add3A_1511, %add3A_1522 : i32
      %dma_start3A_1524 = arith.constant 0 : i32
      %dma_start3A_1525 = tpu.memref_slice %arg7[%add3A_1523, %dma_start3A_1524] : memref<80x125xi32, #tpu.memory_space<vmem>> -> memref<1x125xi32, #tpu.memory_space<vmem>>
      %dma_start3A_1526 = tpu.memref_squeeze %dma_start3A_1525 : memref<1x125xi32, #tpu.memory_space<vmem>> -> memref<125xi32, #tpu.memory_space<vmem>>
      %dma_start3A_1527 = arith.constant 0 : i32
      %dma_start3A_1528 = arith.constant 0 : i32
      %dma_start3A_1529 = tpu.memref_slice %arg3[%dma_start3A_1527, %dma_start3A_1528] : memref<10240x64xf32, #tpu.memory_space<hbm>> -> memref<10240x64xf32, #tpu.memory_space<hbm>>
      tpu.enqueue_indirect_dma source(%dma_start3A_1529 : memref<10240x64xf32, #tpu.memory_space<hbm>>) target(%arg13 : memref<125x64xf32, #tpu.memory_space<vmem>>) offsets(%dma_start3A_1526 : memref<125xi32, #tpu.memory_space<vmem>>) semaphore(%arg23 : memref<!tpu.dma_semaphore, #tpu.memory_space<semaphore_mem>>)
      %dma_wait3A_1530 = arith.constant 0 : i32
      %dma_wait3A_1531 = tpu.memref_slice %arg7[%add3A_1511, %dma_wait3A_1530] : memref<80x125xi32, #tpu.memory_space<vmem>> -> memref<1x125xi32, #tpu.memory_space<vmem>>
      %dma_wait3A_1532 = tpu.memref_squeeze %dma_wait3A_1531 : memref<1x125xi32, #tpu.memory_space<vmem>> -> memref<125xi32, #tpu.memory_space<vmem>>
      %dma_wait3A_1533 = arith.constant 0 : i32
      %dma_wait3A_1534 = arith.constant 0 : i32
      %dma_wait3A_1535 = tpu.memref_slice %arg3[%dma_wait3A_1533, %dma_wait3A_1534] : memref<10240x64xf32, #tpu.memory_space<hbm>> -> memref<10240x64xf32, #tpu.memory_space<hbm>>
      tpu.wait_indirect_dma semaphore(%arg26 : memref<!tpu.dma_semaphore, #tpu.memory_space<semaphore_mem>>) src(%dma_wait3A_1535 : memref<10240x64xf32, #tpu.memory_space<hbm>>) dst(%arg16 : memref<125x64xf32, #tpu.memory_space<vmem>>)
      %dma_start3A_1536 = arith.constant 0 : i32
      %dma_start3A_1537 = tpu.memref_slice %arg8[%add3A_1511, %dma_start3A_1536] : memref<80x125xi32, #tpu.memory_space<vmem>> -> memref<1x125xi32, #tpu.memory_space<vmem>>
      %dma_start3A_1538 = tpu.memref_squeeze %dma_start3A_1537 : memref<1x125xi32, #tpu.memory_space<vmem>> -> memref<125xi32, #tpu.memory_space<vmem>>
      %dma_start3A_1539 = arith.constant 0 : i32
      %dma_start3A_1540 = arith.constant 0 : i32
      %dma_start3A_1541 = tpu.memref_slice %arg18[%dma_start3A_1539, %dma_start3A_1540] : memref<10240x64xf32, #tpu.memory_space<vmem_shared>> -> memref<10240x64xf32, #tpu.memory_space<vmem_shared>>
      tpu.enqueue_indirect_dma source(%arg16 : memref<125x64xf32, #tpu.memory_space<vmem>>) target(%dma_start3A_1541 : memref<10240x64xf32, #tpu.memory_space<vmem_shared>>) offsets(%dma_start3A_1538 : memref<125xi32, #tpu.memory_space<vmem>>) semaphore(%arg34 : memref<!tpu.dma_semaphore, #tpu.memory_space<semaphore_mem>>) {add = true}
      %scan3A_1542 = arith.constant 0 : i32
      scf.yield %scan3A_1542 : i32
    }
    %scan3A_1067 = arith.constant 8 : i32
    %dma_wait3A_1068 = arith.constant 69 : i32
    %dma_wait3A_1069 = arith.constant 0 : i32
    %dma_wait3A_1070 = tpu.memref_slice %arg8[%dma_wait3A_1068, %dma_wait3A_1069] : memref<80x125xi32, #tpu.memory_space<vmem>> -> memref<1x125xi32, #tpu.memory_space<vmem>>
    %dma_wait3A_1071 = tpu.memref_squeeze %dma_wait3A_1070 : memref<1x125xi32, #tpu.memory_space<vmem>> -> memref<125xi32, #tpu.memory_space<vmem>>
    %dma_wait3A_1072 = arith.constant 0 : i32
    %dma_wait3A_1073 = arith.constant 0 : i32
    %dma_wait3A_1074 = tpu.memref_slice %arg18[%dma_wait3A_1072, %dma_wait3A_1073] : memref<10240x64xf32, #tpu.memory_space<vmem_shared>> -> memref<10240x64xf32, #tpu.memory_space<vmem_shared>>
    tpu.wait_indirect_dma semaphore(%arg32 : memref<!tpu.dma_semaphore, #tpu.memory_space<semaphore_mem>>) src(%arg14 : memref<125x64xf32, #tpu.memory_space<vmem>>) dst(%dma_wait3A_1074 : memref<10240x64xf32, #tpu.memory_space<vmem_shared>>)
    %dma_start3A_1075 = arith.constant 77 : i32
    %dma_start3A_1076 = arith.constant 0 : i32
    %dma_start3A_1077 = tpu.memref_slice %arg7[%dma_start3A_1075, %dma_start3A_1076] : memref<80x125xi32, #tpu.memory_space<vmem>> -> memref<1x125xi32, #tpu.memory_space<vmem>>
    %dma_start3A_1078 = tpu.memref_squeeze %dma_start3A_1077 : memref<1x125xi32, #tpu.memory_space<vmem>> -> memref<125xi32, #tpu.memory_space<vmem>>
    %dma_start3A_1079 = arith.constant 0 : i32
    %dma_start3A_1080 = arith.constant 0 : i32
    %dma_start3A_1081 = tpu.memref_slice %arg3[%dma_start3A_1079, %dma_start3A_1080] : memref<10240x64xf32, #tpu.memory_space<hbm>> -> memref<10240x64xf32, #tpu.memory_space<hbm>>
    tpu.enqueue_indirect_dma source(%dma_start3A_1081 : memref<10240x64xf32, #tpu.memory_space<hbm>>) target(%arg14 : memref<125x64xf32, #tpu.memory_space<vmem>>) offsets(%dma_start3A_1078 : memref<125xi32, #tpu.memory_space<vmem>>) semaphore(%arg24 : memref<!tpu.dma_semaphore, #tpu.memory_space<semaphore_mem>>)
    %dma_wait3A_1082 = arith.constant 72 : i32
    %dma_wait3A_1083 = arith.constant 0 : i32
    %dma_wait3A_1084 = tpu.memref_slice %arg7[%dma_wait3A_1082, %dma_wait3A_1083] : memref<80x125xi32, #tpu.memory_space<vmem>> -> memref<1x125xi32, #tpu.memory_space<vmem>>
    %dma_wait3A_1085 = tpu.memref_squeeze %dma_wait3A_1084 : memref<1x125xi32, #tpu.memory_space<vmem>> -> memref<125xi32, #tpu.memory_space<vmem>>
    %dma_wait3A_1086 = arith.constant 0 : i32
    %dma_wait3A_1087 = arith.constant 0 : i32
    %dma_wait3A_1088 = tpu.memref_slice %arg3[%dma_wait3A_1086, %dma_wait3A_1087] : memref<10240x64xf32, #tpu.memory_space<hbm>> -> memref<10240x64xf32, #tpu.memory_space<hbm>>
    tpu.wait_indirect_dma semaphore(%arg19 : memref<!tpu.dma_semaphore, #tpu.memory_space<semaphore_mem>>) src(%dma_wait3A_1088 : memref<10240x64xf32, #tpu.memory_space<hbm>>) dst(%arg9 : memref<125x64xf32, #tpu.memory_space<vmem>>)
    %dma_start3A_1089 = arith.constant 72 : i32
    %dma_start3A_1090 = arith.constant 0 : i32
    %dma_start3A_1091 = tpu.memref_slice %arg8[%dma_start3A_1089, %dma_start3A_1090] : memref<80x125xi32, #tpu.memory_space<vmem>> -> memref<1x125xi32, #tpu.memory_space<vmem>>
    %dma_start3A_1092 = tpu.memref_squeeze %dma_start3A_1091 : memref<1x125xi32, #tpu.memory_space<vmem>> -> memref<125xi32, #tpu.memory_space<vmem>>
    %dma_start3A_1093 = arith.constant 0 : i32
    %dma_start3A_1094 = arith.constant 0 : i32
    %dma_start3A_1095 = tpu.memref_slice %arg18[%dma_start3A_1093, %dma_start3A_1094] : memref<10240x64xf32, #tpu.memory_space<vmem_shared>> -> memref<10240x64xf32, #tpu.memory_space<vmem_shared>>
    tpu.enqueue_indirect_dma source(%arg9 : memref<125x64xf32, #tpu.memory_space<vmem>>) target(%dma_start3A_1095 : memref<10240x64xf32, #tpu.memory_space<vmem_shared>>) offsets(%dma_start3A_1092 : memref<125xi32, #tpu.memory_space<vmem>>) semaphore(%arg27 : memref<!tpu.dma_semaphore, #tpu.memory_space<semaphore_mem>>) {add = true}
    %dma_wait3A_1096 = arith.constant 70 : i32
    %dma_wait3A_1097 = arith.constant 0 : i32
    %dma_wait3A_1098 = tpu.memref_slice %arg8[%dma_wait3A_1096, %dma_wait3A_1097] : memref<80x125xi32, #tpu.memory_space<vmem>> -> memref<1x125xi32, #tpu.memory_space<vmem>>
    %dma_wait3A_1099 = tpu.memref_squeeze %dma_wait3A_1098 : memref<1x125xi32, #tpu.memory_space<vmem>> -> memref<125xi32, #tpu.memory_space<vmem>>
    %dma_wait3A_1100 = arith.constant 0 : i32
    %dma_wait3A_1101 = arith.constant 0 : i32
    %dma_wait3A_1102 = tpu.memref_slice %arg18[%dma_wait3A_1100, %dma_wait3A_1101] : memref<10240x64xf32, #tpu.memory_space<vmem_shared>> -> memref<10240x64xf32, #tpu.memory_space<vmem_shared>>
    tpu.wait_indirect_dma semaphore(%arg33 : memref<!tpu.dma_semaphore, #tpu.memory_space<semaphore_mem>>) src(%arg15 : memref<125x64xf32, #tpu.memory_space<vmem>>) dst(%dma_wait3A_1102 : memref<10240x64xf32, #tpu.memory_space<vmem_shared>>)
    %dma_start3A_1103 = arith.constant 78 : i32
    %dma_start3A_1104 = arith.constant 0 : i32
    %dma_start3A_1105 = tpu.memref_slice %arg7[%dma_start3A_1103, %dma_start3A_1104] : memref<80x125xi32, #tpu.memory_space<vmem>> -> memref<1x125xi32, #tpu.memory_space<vmem>>
    %dma_start3A_1106 = tpu.memref_squeeze %dma_start3A_1105 : memref<1x125xi32, #tpu.memory_space<vmem>> -> memref<125xi32, #tpu.memory_space<vmem>>
    %dma_start3A_1107 = arith.constant 0 : i32
    %dma_start3A_1108 = arith.constant 0 : i32
    %dma_start3A_1109 = tpu.memref_slice %arg3[%dma_start3A_1107, %dma_start3A_1108] : memref<10240x64xf32, #tpu.memory_space<hbm>> -> memref<10240x64xf32, #tpu.memory_space<hbm>>
    tpu.enqueue_indirect_dma source(%dma_start3A_1109 : memref<10240x64xf32, #tpu.memory_space<hbm>>) target(%arg15 : memref<125x64xf32, #tpu.memory_space<vmem>>) offsets(%dma_start3A_1106 : memref<125xi32, #tpu.memory_space<vmem>>) semaphore(%arg25 : memref<!tpu.dma_semaphore, #tpu.memory_space<semaphore_mem>>)
    %dma_wait3A_1110 = arith.constant 73 : i32
    %dma_wait3A_1111 = arith.constant 0 : i32
    %dma_wait3A_1112 = tpu.memref_slice %arg7[%dma_wait3A_1110, %dma_wait3A_1111] : memref<80x125xi32, #tpu.memory_space<vmem>> -> memref<1x125xi32, #tpu.memory_space<vmem>>
    %dma_wait3A_1113 = tpu.memref_squeeze %dma_wait3A_1112 : memref<1x125xi32, #tpu.memory_space<vmem>> -> memref<125xi32, #tpu.memory_space<vmem>>
    %dma_wait3A_1114 = arith.constant 0 : i32
    %dma_wait3A_1115 = arith.constant 0 : i32
    %dma_wait3A_1116 = tpu.memref_slice %arg3[%dma_wait3A_1114, %dma_wait3A_1115] : memref<10240x64xf32, #tpu.memory_space<hbm>> -> memref<10240x64xf32, #tpu.memory_space<hbm>>
    tpu.wait_indirect_dma semaphore(%arg20 : memref<!tpu.dma_semaphore, #tpu.memory_space<semaphore_mem>>) src(%dma_wait3A_1116 : memref<10240x64xf32, #tpu.memory_space<hbm>>) dst(%arg10 : memref<125x64xf32, #tpu.memory_space<vmem>>)
    %dma_start3A_1117 = arith.constant 73 : i32
    %dma_start3A_1118 = arith.constant 0 : i32
    %dma_start3A_1119 = tpu.memref_slice %arg8[%dma_start3A_1117, %dma_start3A_1118] : memref<80x125xi32, #tpu.memory_space<vmem>> -> memref<1x125xi32, #tpu.memory_space<vmem>>
    %dma_start3A_1120 = tpu.memref_squeeze %dma_start3A_1119 : memref<1x125xi32, #tpu.memory_space<vmem>> -> memref<125xi32, #tpu.memory_space<vmem>>
    %dma_start3A_1121 = arith.constant 0 : i32
    %dma_start3A_1122 = arith.constant 0 : i32
    %dma_start3A_1123 = tpu.memref_slice %arg18[%dma_start3A_1121, %dma_start3A_1122] : memref<10240x64xf32, #tpu.memory_space<vmem_shared>> -> memref<10240x64xf32, #tpu.memory_space<vmem_shared>>
    tpu.enqueue_indirect_dma source(%arg10 : memref<125x64xf32, #tpu.memory_space<vmem>>) target(%dma_start3A_1123 : memref<10240x64xf32, #tpu.memory_space<vmem_shared>>) offsets(%dma_start3A_1120 : memref<125xi32, #tpu.memory_space<vmem>>) semaphore(%arg28 : memref<!tpu.dma_semaphore, #tpu.memory_space<semaphore_mem>>) {add = true}
    %dma_wait3A_1124 = arith.constant 71 : i32
    %dma_wait3A_1125 = arith.constant 0 : i32
    %dma_wait3A_1126 = tpu.memref_slice %arg8[%dma_wait3A_1124, %dma_wait3A_1125] : memref<80x125xi32, #tpu.memory_space<vmem>> -> memref<1x125xi32, #tpu.memory_space<vmem>>
    %dma_wait3A_1127 = tpu.memref_squeeze %dma_wait3A_1126 : memref<1x125xi32, #tpu.memory_space<vmem>> -> memref<125xi32, #tpu.memory_space<vmem>>
    %dma_wait3A_1128 = arith.constant 0 : i32
    %dma_wait3A_1129 = arith.constant 0 : i32
    %dma_wait3A_1130 = tpu.memref_slice %arg18[%dma_wait3A_1128, %dma_wait3A_1129] : memref<10240x64xf32, #tpu.memory_space<vmem_shared>> -> memref<10240x64xf32, #tpu.memory_space<vmem_shared>>
    tpu.wait_indirect_dma semaphore(%arg34 : memref<!tpu.dma_semaphore, #tpu.memory_space<semaphore_mem>>) src(%arg16 : memref<125x64xf32, #tpu.memory_space<vmem>>) dst(%dma_wait3A_1130 : memref<10240x64xf32, #tpu.memory_space<vmem_shared>>)
    %dma_start3A_1131 = arith.constant 79 : i32
    %dma_start3A_1132 = arith.constant 0 : i32
    %dma_start3A_1133 = tpu.memref_slice %arg7[%dma_start3A_1131, %dma_start3A_1132] : memref<80x125xi32, #tpu.memory_space<vmem>> -> memref<1x125xi32, #tpu.memory_space<vmem>>
    %dma_start3A_1134 = tpu.memref_squeeze %dma_start3A_1133 : memref<1x125xi32, #tpu.memory_space<vmem>> -> memref<125xi32, #tpu.memory_space<vmem>>
    %dma_start3A_1135 = arith.constant 0 : i32
    %dma_start3A_1136 = arith.constant 0 : i32
    %dma_start3A_1137 = tpu.memref_slice %arg3[%dma_start3A_1135, %dma_start3A_1136] : memref<10240x64xf32, #tpu.memory_space<hbm>> -> memref<10240x64xf32, #tpu.memory_space<hbm>>
    tpu.enqueue_indirect_dma source(%dma_start3A_1137 : memref<10240x64xf32, #tpu.memory_space<hbm>>) target(%arg16 : memref<125x64xf32, #tpu.memory_space<vmem>>) offsets(%dma_start3A_1134 : memref<125xi32, #tpu.memory_space<vmem>>) semaphore(%arg26 : memref<!tpu.dma_semaphore, #tpu.memory_space<semaphore_mem>>)
    %dma_wait3A_1138 = arith.constant 74 : i32
    %dma_wait3A_1139 = arith.constant 0 : i32
    %dma_wait3A_1140 = tpu.memref_slice %arg7[%dma_wait3A_1138, %dma_wait3A_1139] : memref<80x125xi32, #tpu.memory_space<vmem>> -> memref<1x125xi32, #tpu.memory_space<vmem>>
    %dma_wait3A_1141 = tpu.memref_squeeze %dma_wait3A_1140 : memref<1x125xi32, #tpu.memory_space<vmem>> -> memref<125xi32, #tpu.memory_space<vmem>>
    %dma_wait3A_1142 = arith.constant 0 : i32
    %dma_wait3A_1143 = arith.constant 0 : i32
    %dma_wait3A_1144 = tpu.memref_slice %arg3[%dma_wait3A_1142, %dma_wait3A_1143] : memref<10240x64xf32, #tpu.memory_space<hbm>> -> memref<10240x64xf32, #tpu.memory_space<hbm>>
    tpu.wait_indirect_dma semaphore(%arg21 : memref<!tpu.dma_semaphore, #tpu.memory_space<semaphore_mem>>) src(%dma_wait3A_1144 : memref<10240x64xf32, #tpu.memory_space<hbm>>) dst(%arg11 : memref<125x64xf32, #tpu.memory_space<vmem>>)
    %dma_start3A_1145 = arith.constant 74 : i32
    %dma_start3A_1146 = arith.constant 0 : i32
    %dma_start3A_1147 = tpu.memref_slice %arg8[%dma_start3A_1145, %dma_start3A_1146] : memref<80x125xi32, #tpu.memory_space<vmem>> -> memref<1x125xi32, #tpu.memory_space<vmem>>
    %dma_start3A_1148 = tpu.memref_squeeze %dma_start3A_1147 : memref<1x125xi32, #tpu.memory_space<vmem>> -> memref<125xi32, #tpu.memory_space<vmem>>
    %dma_start3A_1149 = arith.constant 0 : i32
    %dma_start3A_1150 = arith.constant 0 : i32
    %dma_start3A_1151 = tpu.memref_slice %arg18[%dma_start3A_1149, %dma_start3A_1150] : memref<10240x64xf32, #tpu.memory_space<vmem_shared>> -> memref<10240x64xf32, #tpu.memory_space<vmem_shared>>
    tpu.enqueue_indirect_dma source(%arg11 : memref<125x64xf32, #tpu.memory_space<vmem>>) target(%dma_start3A_1151 : memref<10240x64xf32, #tpu.memory_space<vmem_shared>>) offsets(%dma_start3A_1148 : memref<125xi32, #tpu.memory_space<vmem>>) semaphore(%arg29 : memref<!tpu.dma_semaphore, #tpu.memory_space<semaphore_mem>>) {add = true}
    %dma_wait3A_1152 = arith.constant 72 : i32
    %dma_wait3A_1153 = arith.constant 0 : i32
    %dma_wait3A_1154 = tpu.memref_slice %arg8[%dma_wait3A_1152, %dma_wait3A_1153] : memref<80x125xi32, #tpu.memory_space<vmem>> -> memref<1x125xi32, #tpu.memory_space<vmem>>
    %dma_wait3A_1155 = tpu.memref_squeeze %dma_wait3A_1154 : memref<1x125xi32, #tpu.memory_space<vmem>> -> memref<125xi32, #tpu.memory_space<vmem>>
    %dma_wait3A_1156 = arith.constant 0 : i32
    %dma_wait3A_1157 = arith.constant 0 : i32
    %dma_wait3A_1158 = tpu.memref_slice %arg18[%dma_wait3A_1156, %dma_wait3A_1157] : memref<10240x64xf32, #tpu.memory_space<vmem_shared>> -> memref<10240x64xf32, #tpu.memory_space<vmem_shared>>
    tpu.wait_indirect_dma semaphore(%arg27 : memref<!tpu.dma_semaphore, #tpu.memory_space<semaphore_mem>>) src(%arg9 : memref<125x64xf32, #tpu.memory_space<vmem>>) dst(%dma_wait3A_1158 : memref<10240x64xf32, #tpu.memory_space<vmem_shared>>)
    %dma_wait3A_1159 = arith.constant 75 : i32
    %dma_wait3A_1160 = arith.constant 0 : i32
    %dma_wait3A_1161 = tpu.memref_slice %arg7[%dma_wait3A_1159, %dma_wait3A_1160] : memref<80x125xi32, #tpu.memory_space<vmem>> -> memref<1x125xi32, #tpu.memory_space<vmem>>
    %dma_wait3A_1162 = tpu.memref_squeeze %dma_wait3A_1161 : memref<1x125xi32, #tpu.memory_space<vmem>> -> memref<125xi32, #tpu.memory_space<vmem>>
    %dma_wait3A_1163 = arith.constant 0 : i32
    %dma_wait3A_1164 = arith.constant 0 : i32
    %dma_wait3A_1165 = tpu.memref_slice %arg3[%dma_wait3A_1163, %dma_wait3A_1164] : memref<10240x64xf32, #tpu.memory_space<hbm>> -> memref<10240x64xf32, #tpu.memory_space<hbm>>
    tpu.wait_indirect_dma semaphore(%arg22 : memref<!tpu.dma_semaphore, #tpu.memory_space<semaphore_mem>>) src(%dma_wait3A_1165 : memref<10240x64xf32, #tpu.memory_space<hbm>>) dst(%arg12 : memref<125x64xf32, #tpu.memory_space<vmem>>)
    %dma_start3A_1166 = arith.constant 75 : i32
    %dma_start3A_1167 = arith.constant 0 : i32
    %dma_start3A_1168 = tpu.memref_slice %arg8[%dma_start3A_1166, %dma_start3A_1167] : memref<80x125xi32, #tpu.memory_space<vmem>> -> memref<1x125xi32, #tpu.memory_space<vmem>>
    %dma_start3A_1169 = tpu.memref_squeeze %dma_start3A_1168 : memref<1x125xi32, #tpu.memory_space<vmem>> -> memref<125xi32, #tpu.memory_space<vmem>>
    %dma_start3A_1170 = arith.constant 0 : i32
    %dma_start3A_1171 = arith.constant 0 : i32
    %dma_start3A_1172 = tpu.memref_slice %arg18[%dma_start3A_1170, %dma_start3A_1171] : memref<10240x64xf32, #tpu.memory_space<vmem_shared>> -> memref<10240x64xf32, #tpu.memory_space<vmem_shared>>
    tpu.enqueue_indirect_dma source(%arg12 : memref<125x64xf32, #tpu.memory_space<vmem>>) target(%dma_start3A_1172 : memref<10240x64xf32, #tpu.memory_space<vmem_shared>>) offsets(%dma_start3A_1169 : memref<125xi32, #tpu.memory_space<vmem>>) semaphore(%arg30 : memref<!tpu.dma_semaphore, #tpu.memory_space<semaphore_mem>>) {add = true}
    %dma_wait3A_1173 = arith.constant 73 : i32
    %dma_wait3A_1174 = arith.constant 0 : i32
    %dma_wait3A_1175 = tpu.memref_slice %arg8[%dma_wait3A_1173, %dma_wait3A_1174] : memref<80x125xi32, #tpu.memory_space<vmem>> -> memref<1x125xi32, #tpu.memory_space<vmem>>
    %dma_wait3A_1176 = tpu.memref_squeeze %dma_wait3A_1175 : memref<1x125xi32, #tpu.memory_space<vmem>> -> memref<125xi32, #tpu.memory_space<vmem>>
    %dma_wait3A_1177 = arith.constant 0 : i32
    %dma_wait3A_1178 = arith.constant 0 : i32
    %dma_wait3A_1179 = tpu.memref_slice %arg18[%dma_wait3A_1177, %dma_wait3A_1178] : memref<10240x64xf32, #tpu.memory_space<vmem_shared>> -> memref<10240x64xf32, #tpu.memory_space<vmem_shared>>
    tpu.wait_indirect_dma semaphore(%arg28 : memref<!tpu.dma_semaphore, #tpu.memory_space<semaphore_mem>>) src(%arg10 : memref<125x64xf32, #tpu.memory_space<vmem>>) dst(%dma_wait3A_1179 : memref<10240x64xf32, #tpu.memory_space<vmem_shared>>)
    %dma_wait3A_1180 = arith.constant 76 : i32
    %dma_wait3A_1181 = arith.constant 0 : i32
    %dma_wait3A_1182 = tpu.memref_slice %arg7[%dma_wait3A_1180, %dma_wait3A_1181] : memref<80x125xi32, #tpu.memory_space<vmem>> -> memref<1x125xi32, #tpu.memory_space<vmem>>
    %dma_wait3A_1183 = tpu.memref_squeeze %dma_wait3A_1182 : memref<1x125xi32, #tpu.memory_space<vmem>> -> memref<125xi32, #tpu.memory_space<vmem>>
    %dma_wait3A_1184 = arith.constant 0 : i32
    %dma_wait3A_1185 = arith.constant 0 : i32
    %dma_wait3A_1186 = tpu.memref_slice %arg3[%dma_wait3A_1184, %dma_wait3A_1185] : memref<10240x64xf32, #tpu.memory_space<hbm>> -> memref<10240x64xf32, #tpu.memory_space<hbm>>
    tpu.wait_indirect_dma semaphore(%arg23 : memref<!tpu.dma_semaphore, #tpu.memory_space<semaphore_mem>>) src(%dma_wait3A_1186 : memref<10240x64xf32, #tpu.memory_space<hbm>>) dst(%arg13 : memref<125x64xf32, #tpu.memory_space<vmem>>)
    %dma_start3A_1187 = arith.constant 76 : i32
    %dma_start3A_1188 = arith.constant 0 : i32
    %dma_start3A_1189 = tpu.memref_slice %arg8[%dma_start3A_1187, %dma_start3A_1188] : memref<80x125xi32, #tpu.memory_space<vmem>> -> memref<1x125xi32, #tpu.memory_space<vmem>>
    %dma_start3A_1190 = tpu.memref_squeeze %dma_start3A_1189 : memref<1x125xi32, #tpu.memory_space<vmem>> -> memref<125xi32, #tpu.memory_space<vmem>>
    %dma_start3A_1191 = arith.constant 0 : i32
    %dma_start3A_1192 = arith.constant 0 : i32
    %dma_start3A_1193 = tpu.memref_slice %arg18[%dma_start3A_1191, %dma_start3A_1192] : memref<10240x64xf32, #tpu.memory_space<vmem_shared>> -> memref<10240x64xf32, #tpu.memory_space<vmem_shared>>
    tpu.enqueue_indirect_dma source(%arg13 : memref<125x64xf32, #tpu.memory_space<vmem>>) target(%dma_start3A_1193 : memref<10240x64xf32, #tpu.memory_space<vmem_shared>>) offsets(%dma_start3A_1190 : memref<125xi32, #tpu.memory_space<vmem>>) semaphore(%arg31 : memref<!tpu.dma_semaphore, #tpu.memory_space<semaphore_mem>>) {add = true}
    %dma_wait3A_1194 = arith.constant 74 : i32
    %dma_wait3A_1195 = arith.constant 0 : i32
    %dma_wait3A_1196 = tpu.memref_slice %arg8[%dma_wait3A_1194, %dma_wait3A_1195] : memref<80x125xi32, #tpu.memory_space<vmem>> -> memref<1x125xi32, #tpu.memory_space<vmem>>
    %dma_wait3A_1197 = tpu.memref_squeeze %dma_wait3A_1196 : memref<1x125xi32, #tpu.memory_space<vmem>> -> memref<125xi32, #tpu.memory_space<vmem>>
    %dma_wait3A_1198 = arith.constant 0 : i32
    %dma_wait3A_1199 = arith.constant 0 : i32
    %dma_wait3A_1200 = tpu.memref_slice %arg18[%dma_wait3A_1198, %dma_wait3A_1199] : memref<10240x64xf32, #tpu.memory_space<vmem_shared>> -> memref<10240x64xf32, #tpu.memory_space<vmem_shared>>
    tpu.wait_indirect_dma semaphore(%arg29 : memref<!tpu.dma_semaphore, #tpu.memory_space<semaphore_mem>>) src(%arg11 : memref<125x64xf32, #tpu.memory_space<vmem>>) dst(%dma_wait3A_1200 : memref<10240x64xf32, #tpu.memory_space<vmem_shared>>)
    %dma_wait3A_1201 = arith.constant 77 : i32
    %dma_wait3A_1202 = arith.constant 0 : i32
    %dma_wait3A_1203 = tpu.memref_slice %arg7[%dma_wait3A_1201, %dma_wait3A_1202] : memref<80x125xi32, #tpu.memory_space<vmem>> -> memref<1x125xi32, #tpu.memory_space<vmem>>
    %dma_wait3A_1204 = tpu.memref_squeeze %dma_wait3A_1203 : memref<1x125xi32, #tpu.memory_space<vmem>> -> memref<125xi32, #tpu.memory_space<vmem>>
    %dma_wait3A_1205 = arith.constant 0 : i32
    %dma_wait3A_1206 = arith.constant 0 : i32
    %dma_wait3A_1207 = tpu.memref_slice %arg3[%dma_wait3A_1205, %dma_wait3A_1206] : memref<10240x64xf32, #tpu.memory_space<hbm>> -> memref<10240x64xf32, #tpu.memory_space<hbm>>
    tpu.wait_indirect_dma semaphore(%arg24 : memref<!tpu.dma_semaphore, #tpu.memory_space<semaphore_mem>>) src(%dma_wait3A_1207 : memref<10240x64xf32, #tpu.memory_space<hbm>>) dst(%arg14 : memref<125x64xf32, #tpu.memory_space<vmem>>)
    %dma_start3A_1208 = arith.constant 77 : i32
    %dma_start3A_1209 = arith.constant 0 : i32
    %dma_start3A_1210 = tpu.memref_slice %arg8[%dma_start3A_1208, %dma_start3A_1209] : memref<80x125xi32, #tpu.memory_space<vmem>> -> memref<1x125xi32, #tpu.memory_space<vmem>>
    %dma_start3A_1211 = tpu.memref_squeeze %dma_start3A_1210 : memref<1x125xi32, #tpu.memory_space<vmem>> -> memref<125xi32, #tpu.memory_space<vmem>>
    %dma_start3A_1212 = arith.constant 0 : i32
    %dma_start3A_1213 = arith.constant 0 : i32
    %dma_start3A_1214 = tpu.memref_slice %arg18[%dma_start3A_1212, %dma_start3A_1213] : memref<10240x64xf32, #tpu.memory_space<vmem_shared>> -> memref<10240x64xf32, #tpu.memory_space<vmem_shared>>
    tpu.enqueue_indirect_dma source(%arg14 : memref<125x64xf32, #tpu.memory_space<vmem>>) target(%dma_start3A_1214 : memref<10240x64xf32, #tpu.memory_space<vmem_shared>>) offsets(%dma_start3A_1211 : memref<125xi32, #tpu.memory_space<vmem>>) semaphore(%arg32 : memref<!tpu.dma_semaphore, #tpu.memory_space<semaphore_mem>>) {add = true}
    %dma_wait3A_1215 = arith.constant 75 : i32
    %dma_wait3A_1216 = arith.constant 0 : i32
    %dma_wait3A_1217 = tpu.memref_slice %arg8[%dma_wait3A_1215, %dma_wait3A_1216] : memref<80x125xi32, #tpu.memory_space<vmem>> -> memref<1x125xi32, #tpu.memory_space<vmem>>
    %dma_wait3A_1218 = tpu.memref_squeeze %dma_wait3A_1217 : memref<1x125xi32, #tpu.memory_space<vmem>> -> memref<125xi32, #tpu.memory_space<vmem>>
    %dma_wait3A_1219 = arith.constant 0 : i32
    %dma_wait3A_1220 = arith.constant 0 : i32
    %dma_wait3A_1221 = tpu.memref_slice %arg18[%dma_wait3A_1219, %dma_wait3A_1220] : memref<10240x64xf32, #tpu.memory_space<vmem_shared>> -> memref<10240x64xf32, #tpu.memory_space<vmem_shared>>
    tpu.wait_indirect_dma semaphore(%arg30 : memref<!tpu.dma_semaphore, #tpu.memory_space<semaphore_mem>>) src(%arg12 : memref<125x64xf32, #tpu.memory_space<vmem>>) dst(%dma_wait3A_1221 : memref<10240x64xf32, #tpu.memory_space<vmem_shared>>)
    %dma_wait3A_1222 = arith.constant 78 : i32
    %dma_wait3A_1223 = arith.constant 0 : i32
    %dma_wait3A_1224 = tpu.memref_slice %arg7[%dma_wait3A_1222, %dma_wait3A_1223] : memref<80x125xi32, #tpu.memory_space<vmem>> -> memref<1x125xi32, #tpu.memory_space<vmem>>
    %dma_wait3A_1225 = tpu.memref_squeeze %dma_wait3A_1224 : memref<1x125xi32, #tpu.memory_space<vmem>> -> memref<125xi32, #tpu.memory_space<vmem>>
    %dma_wait3A_1226 = arith.constant 0 : i32
    %dma_wait3A_1227 = arith.constant 0 : i32
    %dma_wait3A_1228 = tpu.memref_slice %arg3[%dma_wait3A_1226, %dma_wait3A_1227] : memref<10240x64xf32, #tpu.memory_space<hbm>> -> memref<10240x64xf32, #tpu.memory_space<hbm>>
    tpu.wait_indirect_dma semaphore(%arg25 : memref<!tpu.dma_semaphore, #tpu.memory_space<semaphore_mem>>) src(%dma_wait3A_1228 : memref<10240x64xf32, #tpu.memory_space<hbm>>) dst(%arg15 : memref<125x64xf32, #tpu.memory_space<vmem>>)
    %dma_start3A_1229 = arith.constant 78 : i32
    %dma_start3A_1230 = arith.constant 0 : i32
    %dma_start3A_1231 = tpu.memref_slice %arg8[%dma_start3A_1229, %dma_start3A_1230] : memref<80x125xi32, #tpu.memory_space<vmem>> -> memref<1x125xi32, #tpu.memory_space<vmem>>
    %dma_start3A_1232 = tpu.memref_squeeze %dma_start3A_1231 : memref<1x125xi32, #tpu.memory_space<vmem>> -> memref<125xi32, #tpu.memory_space<vmem>>
    %dma_start3A_1233 = arith.constant 0 : i32
    %dma_start3A_1234 = arith.constant 0 : i32
    %dma_start3A_1235 = tpu.memref_slice %arg18[%dma_start3A_1233, %dma_start3A_1234] : memref<10240x64xf32, #tpu.memory_space<vmem_shared>> -> memref<10240x64xf32, #tpu.memory_space<vmem_shared>>
    tpu.enqueue_indirect_dma source(%arg15 : memref<125x64xf32, #tpu.memory_space<vmem>>) target(%dma_start3A_1235 : memref<10240x64xf32, #tpu.memory_space<vmem_shared>>) offsets(%dma_start3A_1232 : memref<125xi32, #tpu.memory_space<vmem>>) semaphore(%arg33 : memref<!tpu.dma_semaphore, #tpu.memory_space<semaphore_mem>>) {add = true}
    %dma_wait3A_1236 = arith.constant 76 : i32
    %dma_wait3A_1237 = arith.constant 0 : i32
    %dma_wait3A_1238 = tpu.memref_slice %arg8[%dma_wait3A_1236, %dma_wait3A_1237] : memref<80x125xi32, #tpu.memory_space<vmem>> -> memref<1x125xi32, #tpu.memory_space<vmem>>
    %dma_wait3A_1239 = tpu.memref_squeeze %dma_wait3A_1238 : memref<1x125xi32, #tpu.memory_space<vmem>> -> memref<125xi32, #tpu.memory_space<vmem>>
    %dma_wait3A_1240 = arith.constant 0 : i32
    %dma_wait3A_1241 = arith.constant 0 : i32
    %dma_wait3A_1242 = tpu.memref_slice %arg18[%dma_wait3A_1240, %dma_wait3A_1241] : memref<10240x64xf32, #tpu.memory_space<vmem_shared>> -> memref<10240x64xf32, #tpu.memory_space<vmem_shared>>
    tpu.wait_indirect_dma semaphore(%arg31 : memref<!tpu.dma_semaphore, #tpu.memory_space<semaphore_mem>>) src(%arg13 : memref<125x64xf32, #tpu.memory_space<vmem>>) dst(%dma_wait3A_1242 : memref<10240x64xf32, #tpu.memory_space<vmem_shared>>)
    %dma_wait3A_1243 = arith.constant 79 : i32
    %dma_wait3A_1244 = arith.constant 0 : i32
    %dma_wait3A_1245 = tpu.memref_slice %arg7[%dma_wait3A_1243, %dma_wait3A_1244] : memref<80x125xi32, #tpu.memory_space<vmem>> -> memref<1x125xi32, #tpu.memory_space<vmem>>
    %dma_wait3A_1246 = tpu.memref_squeeze %dma_wait3A_1245 : memref<1x125xi32, #tpu.memory_space<vmem>> -> memref<125xi32, #tpu.memory_space<vmem>>
    %dma_wait3A_1247 = arith.constant 0 : i32
    %dma_wait3A_1248 = arith.constant 0 : i32
    %dma_wait3A_1249 = tpu.memref_slice %arg3[%dma_wait3A_1247, %dma_wait3A_1248] : memref<10240x64xf32, #tpu.memory_space<hbm>> -> memref<10240x64xf32, #tpu.memory_space<hbm>>
    tpu.wait_indirect_dma semaphore(%arg26 : memref<!tpu.dma_semaphore, #tpu.memory_space<semaphore_mem>>) src(%dma_wait3A_1249 : memref<10240x64xf32, #tpu.memory_space<hbm>>) dst(%arg16 : memref<125x64xf32, #tpu.memory_space<vmem>>)
    %dma_start3A_1250 = arith.constant 79 : i32
    %dma_start3A_1251 = arith.constant 0 : i32
    %dma_start3A_1252 = tpu.memref_slice %arg8[%dma_start3A_1250, %dma_start3A_1251] : memref<80x125xi32, #tpu.memory_space<vmem>> -> memref<1x125xi32, #tpu.memory_space<vmem>>
    %dma_start3A_1253 = tpu.memref_squeeze %dma_start3A_1252 : memref<1x125xi32, #tpu.memory_space<vmem>> -> memref<125xi32, #tpu.memory_space<vmem>>
    %dma_start3A_1254 = arith.constant 0 : i32
    %dma_start3A_1255 = arith.constant 0 : i32
    %dma_start3A_1256 = tpu.memref_slice %arg18[%dma_start3A_1254, %dma_start3A_1255] : memref<10240x64xf32, #tpu.memory_space<vmem_shared>> -> memref<10240x64xf32, #tpu.memory_space<vmem_shared>>
    tpu.enqueue_indirect_dma source(%arg16 : memref<125x64xf32, #tpu.memory_space<vmem>>) target(%dma_start3A_1256 : memref<10240x64xf32, #tpu.memory_space<vmem_shared>>) offsets(%dma_start3A_1253 : memref<125xi32, #tpu.memory_space<vmem>>) semaphore(%arg34 : memref<!tpu.dma_semaphore, #tpu.memory_space<semaphore_mem>>) {add = true}
    %dma_wait3A_1257 = arith.constant 77 : i32
    %dma_wait3A_1258 = arith.constant 0 : i32
    %dma_wait3A_1259 = tpu.memref_slice %arg8[%dma_wait3A_1257, %dma_wait3A_1258] : memref<80x125xi32, #tpu.memory_space<vmem>> -> memref<1x125xi32, #tpu.memory_space<vmem>>
    %dma_wait3A_1260 = tpu.memref_squeeze %dma_wait3A_1259 : memref<1x125xi32, #tpu.memory_space<vmem>> -> memref<125xi32, #tpu.memory_space<vmem>>
    %dma_wait3A_1261 = arith.constant 0 : i32
    %dma_wait3A_1262 = arith.constant 0 : i32
    %dma_wait3A_1263 = tpu.memref_slice %arg18[%dma_wait3A_1261, %dma_wait3A_1262] : memref<10240x64xf32, #tpu.memory_space<vmem_shared>> -> memref<10240x64xf32, #tpu.memory_space<vmem_shared>>
    tpu.wait_indirect_dma semaphore(%arg32 : memref<!tpu.dma_semaphore, #tpu.memory_space<semaphore_mem>>) src(%arg14 : memref<125x64xf32, #tpu.memory_space<vmem>>) dst(%dma_wait3A_1263 : memref<10240x64xf32, #tpu.memory_space<vmem_shared>>)
    %dma_wait3A_1264 = arith.constant 78 : i32
    %dma_wait3A_1265 = arith.constant 0 : i32
    %dma_wait3A_1266 = tpu.memref_slice %arg8[%dma_wait3A_1264, %dma_wait3A_1265] : memref<80x125xi32, #tpu.memory_space<vmem>> -> memref<1x125xi32, #tpu.memory_space<vmem>>
    %dma_wait3A_1267 = tpu.memref_squeeze %dma_wait3A_1266 : memref<1x125xi32, #tpu.memory_space<vmem>> -> memref<125xi32, #tpu.memory_space<vmem>>
    %dma_wait3A_1268 = arith.constant 0 : i32
    %dma_wait3A_1269 = arith.constant 0 : i32
    %dma_wait3A_1270 = tpu.memref_slice %arg18[%dma_wait3A_1268, %dma_wait3A_1269] : memref<10240x64xf32, #tpu.memory_space<vmem_shared>> -> memref<10240x64xf32, #tpu.memory_space<vmem_shared>>
    tpu.wait_indirect_dma semaphore(%arg33 : memref<!tpu.dma_semaphore, #tpu.memory_space<semaphore_mem>>) src(%arg15 : memref<125x64xf32, #tpu.memory_space<vmem>>) dst(%dma_wait3A_1270 : memref<10240x64xf32, #tpu.memory_space<vmem_shared>>)
    %dma_wait3A_1271 = arith.constant 79 : i32
    %dma_wait3A_1272 = arith.constant 0 : i32
    %dma_wait3A_1273 = tpu.memref_slice %arg8[%dma_wait3A_1271, %dma_wait3A_1272] : memref<80x125xi32, #tpu.memory_space<vmem>> -> memref<1x125xi32, #tpu.memory_space<vmem>>
    %dma_wait3A_1274 = tpu.memref_squeeze %dma_wait3A_1273 : memref<1x125xi32, #tpu.memory_space<vmem>> -> memref<125xi32, #tpu.memory_space<vmem>>
    %dma_wait3A_1275 = arith.constant 0 : i32
    %dma_wait3A_1276 = arith.constant 0 : i32
    %dma_wait3A_1277 = tpu.memref_slice %arg18[%dma_wait3A_1275, %dma_wait3A_1276] : memref<10240x64xf32, #tpu.memory_space<vmem_shared>> -> memref<10240x64xf32, #tpu.memory_space<vmem_shared>>
    tpu.wait_indirect_dma semaphore(%arg34 : memref<!tpu.dma_semaphore, #tpu.memory_space<semaphore_mem>>) src(%arg16 : memref<125x64xf32, #tpu.memory_space<vmem>>) dst(%dma_wait3A_1277 : memref<10240x64xf32, #tpu.memory_space<vmem_shared>>)
    %barrier3A_1278 = arith.constant 0 : index
    tpu.barrier barrier_id(%barrier3A_1278)
    %mul3A_1279 = arith.constant 640 : i32
    %mul3A_1280 = arith.muli %arg1, %mul3A_1279 : i32
    %mul3A_1281 = arith.constant 640 : i32
    %mul3A_1282 = arith.muli %arg1, %mul3A_1281 : i32
    "tpu.region"() ({
      %run_scoped3A = tpu.sem_alloc : memref<!tpu.dma_semaphore, #tpu.memory_space<semaphore_mem>>
      %dma_start3A_1283 = arith.constant 0 : i32
      %dma_start3A_1284 = tpu.memref_slice %arg6[%arg0, %mul3A_1282, %dma_start3A_1283] : memref<2x10240x64xf32, #tpu.memory_space<hbm>> -> memref<1x640x64xf32, #tpu.memory_space<hbm>>
      %dma_start3A_1285 = tpu.memref_squeeze %dma_start3A_1284 : memref<1x640x64xf32, #tpu.memory_space<hbm>> -> memref<640x64xf32, #tpu.memory_space<hbm>>
      %dma_start3A_1286 = arith.constant 0 : i32
      %dma_start3A_1287 = tpu.memref_slice %arg18[%mul3A_1280, %dma_start3A_1286] : memref<10240x64xf32, #tpu.memory_space<vmem_shared>> -> memref<640x64xf32, #tpu.memory_space<vmem_shared>>
      tpu.enqueue_dma source(%dma_start3A_1287 : memref<640x64xf32, #tpu.memory_space<vmem_shared>>) target(%dma_start3A_1285 : memref<640x64xf32, #tpu.memory_space<hbm>>) target_semaphore(%run_scoped3A : memref<!tpu.dma_semaphore, #tpu.memory_space<semaphore_mem>>)
      %dma_wait3A_1288 = arith.constant 0 : i32
      %dma_wait3A_1289 = tpu.memref_slice %arg6[%arg0, %mul3A_1282, %dma_wait3A_1288] : memref<2x10240x64xf32, #tpu.memory_space<hbm>> -> memref<1x640x64xf32, #tpu.memory_space<hbm>>
      %dma_wait3A_1290 = tpu.memref_squeeze %dma_wait3A_1289 : memref<1x640x64xf32, #tpu.memory_space<hbm>> -> memref<640x64xf32, #tpu.memory_space<hbm>>
      %dma_wait3A_1291 = arith.constant 0 : i32
      %dma_wait3A_1292 = tpu.memref_slice %arg18[%mul3A_1280, %dma_wait3A_1291] : memref<10240x64xf32, #tpu.memory_space<vmem_shared>> -> memref<640x64xf32, #tpu.memory_space<vmem_shared>>
      tpu.wait_dma2 semaphore(%run_scoped3A : memref<!tpu.dma_semaphore, #tpu.memory_space<semaphore_mem>>) src(%dma_wait3A_1292 : memref<640x64xf32, #tpu.memory_space<vmem_shared>>) dst(%dma_wait3A_1290 : memref<640x64xf32, #tpu.memory_space<hbm>>)
      tpu.yield
    }) : () -> ()
    return
  }
}

#map = affine_map<(d0, d1) -> (0, 0)>
#map1 = affine_map<(d0, d1) -> (0, 0, 0, 0)>
#map2 = affine_map<(d0, d1) -> (0, 0, 0)>
module attributes {stable_mosaic.version = 14 : i64} {
  func.func @k(%arg0: i32, %arg1: i32, %arg2: memref<10240x64xf32, #tpu.memory_space<hbm>>, %arg3: memref<2x32x80x125xi32, #tpu.memory_space<hbm>>, %arg4: memref<2x10240x64xf32, #tpu.memory_space<hbm>>, %arg5: memref<80x125xi32, #tpu.memory_space<vmem>>, %arg6: memref<80x125xi32, #tpu.memory_space<vmem>>, %arg7: memref<125x64xf32, #tpu.memory_space<vmem>>, %arg8: memref<125x64xf32, #tpu.memory_space<vmem>>, %arg9: memref<125x64xf32, #tpu.memory_space<vmem>>, %arg10: memref<125x64xf32, #tpu.memory_space<vmem>>, %arg11: memref<125x64xf32, #tpu.memory_space<vmem>>, %arg12: memref<125x64xf32, #tpu.memory_space<vmem>>, %arg13: memref<125x64xf32, #tpu.memory_space<vmem>>, %arg14: memref<125x64xf32, #tpu.memory_space<vmem>>, %arg15: memref<64x64xf32, #tpu.memory_space<vmem>>, %arg16: memref<10240x64xf32, #tpu.memory_space<vmem_shared>>, %arg17: memref<!tpu.dma_semaphore, #tpu.memory_space<semaphore_mem>>, %arg18: memref<!tpu.dma_semaphore, #tpu.memory_space<semaphore_mem>>, %arg19: memref<!tpu.dma_semaphore, #tpu.memory_space<semaphore_mem>>, %arg20: memref<!tpu.dma_semaphore, #tpu.memory_space<semaphore_mem>>, %arg21: memref<!tpu.dma_semaphore, #tpu.memory_space<semaphore_mem>>, %arg22: memref<!tpu.dma_semaphore, #tpu.memory_space<semaphore_mem>>, %arg23: memref<!tpu.dma_semaphore, #tpu.memory_space<semaphore_mem>>, %arg24: memref<!tpu.dma_semaphore, #tpu.memory_space<semaphore_mem>>, %arg25: memref<!tpu.dma_semaphore, #tpu.memory_space<semaphore_mem>>, %arg26: memref<!tpu.dma_semaphore, #tpu.memory_space<semaphore_mem>>, %arg27: memref<!tpu.dma_semaphore, #tpu.memory_space<semaphore_mem>>, %arg28: memref<!tpu.dma_semaphore, #tpu.memory_space<semaphore_mem>>, %arg29: memref<!tpu.dma_semaphore, #tpu.memory_space<semaphore_mem>>, %arg30: memref<!tpu.dma_semaphore, #tpu.memory_space<semaphore_mem>>, %arg31: memref<!tpu.dma_semaphore, #tpu.memory_space<semaphore_mem>>, %arg32: memref<!tpu.dma_semaphore, #tpu.memory_space<semaphore_mem>>, %arg33: memref<!tpu.dma_semaphore, #tpu.memory_space<semaphore_mem>>, %arg34: memref<!tpu.dma_semaphore, #tpu.memory_space<semaphore_mem>>) attributes {dimension_semantics = [#tpu.dimension_semantics<core_parallel>, #tpu.dimension_semantics<subcore_parallel>], iteration_bounds = array<i64: 2, 16>, scalar_prefetch = 0 : i64, scratch_operands = 30 : i64, tpu.core_type = #tpu.core_type<sc_vector_subcore>, window_params = [{transform_indices = #map}, {transform_indices = #map1}, {transform_indices = #map2}]} {
    %mul3A = arith.constant 2 : i32
    %mul3A_0 = arith.muli %arg1, %mul3A : i32
    %add3A = arith.addi %mul3A_0, %arg0 : i32
    %dma_start3A = arith.constant 0 : i32
    %dma_start3A_1 = arith.constant 0 : i32
    %dma_start3A_2 = arith.constant 0 : i32
    %dma_start3A_3 = tpu.memref_slice %arg3[%dma_start3A, %add3A, %dma_start3A_1, %dma_start3A_2] : memref<2x32x80x125xi32, #tpu.memory_space<hbm>> -> memref<1x1x80x125xi32, #tpu.memory_space<hbm>>
    %dma_start3A_4 = tpu.memref_squeeze %dma_start3A_3 : memref<1x1x80x125xi32, #tpu.memory_space<hbm>> -> memref<80x125xi32, #tpu.memory_space<hbm>>
    %dma_start3A_5 = arith.constant 0 : i32
    %dma_start3A_6 = arith.constant 0 : i32
    %dma_start3A_7 = tpu.memref_slice %arg3[%dma_start3A, %add3A, %dma_start3A_5, %dma_start3A_6] : memref<2x32x80x125xi32, #tpu.memory_space<hbm>> -> memref<1x1x80x125xi32, #tpu.memory_space<hbm>>
    %dma_start3A_8 = tpu.memref_squeeze %dma_start3A_7 : memref<1x1x80x125xi32, #tpu.memory_space<hbm>> -> memref<80x125xi32, #tpu.memory_space<hbm>>
    tpu.enqueue_dma source(%dma_start3A_8 : memref<80x125xi32, #tpu.memory_space<hbm>>) target(%arg5 : memref<80x125xi32, #tpu.memory_space<vmem>>) target_semaphore(%arg33 : memref<!tpu.dma_semaphore, #tpu.memory_space<semaphore_mem>>)
    %dma_start3A_9 = arith.constant 1 : i32
    %dma_start3A_10 = arith.constant 0 : i32
    %dma_start3A_11 = arith.constant 0 : i32
    %dma_start3A_12 = tpu.memref_slice %arg3[%dma_start3A_9, %add3A, %dma_start3A_10, %dma_start3A_11] : memref<2x32x80x125xi32, #tpu.memory_space<hbm>> -> memref<1x1x80x125xi32, #tpu.memory_space<hbm>>
    %dma_start3A_13 = tpu.memref_squeeze %dma_start3A_12 : memref<1x1x80x125xi32, #tpu.memory_space<hbm>> -> memref<80x125xi32, #tpu.memory_space<hbm>>
    %dma_start3A_14 = arith.constant 0 : i32
    %dma_start3A_15 = arith.constant 0 : i32
    %dma_start3A_16 = tpu.memref_slice %arg3[%dma_start3A_9, %add3A, %dma_start3A_14, %dma_start3A_15] : memref<2x32x80x125xi32, #tpu.memory_space<hbm>> -> memref<1x1x80x125xi32, #tpu.memory_space<hbm>>
    %dma_start3A_17 = tpu.memref_squeeze %dma_start3A_16 : memref<1x1x80x125xi32, #tpu.memory_space<hbm>> -> memref<80x125xi32, #tpu.memory_space<hbm>>
    tpu.enqueue_dma source(%dma_start3A_17 : memref<80x125xi32, #tpu.memory_space<hbm>>) target(%arg6 : memref<80x125xi32, #tpu.memory_space<vmem>>) target_semaphore(%arg34 : memref<!tpu.dma_semaphore, #tpu.memory_space<semaphore_mem>>)
    %broadcast_in_dim3A = arith.constant 0.000000e+00 : f32
    %broadcast_in_dim3A_18 = vector.broadcast %broadcast_in_dim3A : f32 to vector<16xf32>
    %scan3A = arith.constant 0 : i32
    %scan3A_19 = arith.constant 0 : i32
    %scan3A_20 = arith.constant 64 : i32
    %scan3A_21 = arith.addi %scan3A_19, %scan3A_20 : i32
    %scan3A_22 = arith.constant 1 : i32
    %scan3A_23 = scf.for %scan3A_662 = %scan3A_19 to %scan3A_21 step %scan3A_22 iter_args(%scan3A_663 = %scan3A) -> (i32)  : i32 {
      %scan3A_664 = arith.constant 0 : i32
      %scan3A_665 = arith.constant 0 : i32
      %scan3A_666 = arith.constant 4 : i32
      %scan3A_667 = arith.addi %scan3A_665, %scan3A_666 : i32
      %scan3A_668 = arith.constant 1 : i32
      %scan3A_669 = scf.for %scan3A_672 = %scan3A_665 to %scan3A_667 step %scan3A_668 iter_args(%scan3A_673 = %scan3A_664) -> (i32)  : i32 {
        %mul3A_674 = arith.constant 16 : i32
        %mul3A_675 = arith.muli %scan3A_672, %mul3A_674 : i32
        %swap3A = arith.index_cast %scan3A_662 : i32 to index
        %swap3A_676 = arith.index_cast %mul3A_675 : i32 to index
        %swap3A_677 = tpu.vector_load %arg15[%swap3A, %swap3A_676] {strides = array<i32>} : memref<64x64xf32, #tpu.memory_space<vmem>>, vector<16xf32>,
        tpu.vector_store %arg15[%swap3A, %swap3A_676], %broadcast_in_dim3A_18 {strides = array<i32>} : memref<64x64xf32, #tpu.memory_space<vmem>>, vector<16xf32>,
        %scan3A_678 = arith.constant 0 : i32
        scf.yield %scan3A_678 : i32
      }
      %scan3A_670 = arith.constant 4 : i32
      %scan3A_671 = arith.constant 0 : i32
      scf.yield %scan3A_671 : i32
    }
    %scan3A_24 = arith.constant 64 : i32
    %dma_wait3A = arith.constant 0 : i32
    %dma_wait3A_25 = arith.constant 0 : i32
    %dma_wait3A_26 = arith.constant 0 : i32
    %dma_wait3A_27 = tpu.memref_slice %arg3[%dma_wait3A, %add3A, %dma_wait3A_25, %dma_wait3A_26] : memref<2x32x80x125xi32, #tpu.memory_space<hbm>> -> memref<1x1x80x125xi32, #tpu.memory_space<hbm>>
    %dma_wait3A_28 = tpu.memref_squeeze %dma_wait3A_27 : memref<1x1x80x125xi32, #tpu.memory_space<hbm>> -> memref<80x125xi32, #tpu.memory_space<hbm>>
    %dma_wait3A_29 = arith.constant 0 : i32
    %dma_wait3A_30 = arith.constant 0 : i32
    %dma_wait3A_31 = tpu.memref_slice %arg3[%dma_wait3A, %add3A, %dma_wait3A_29, %dma_wait3A_30] : memref<2x32x80x125xi32, #tpu.memory_space<hbm>> -> memref<1x1x80x125xi32, #tpu.memory_space<hbm>>
    %dma_wait3A_32 = tpu.memref_squeeze %dma_wait3A_31 : memref<1x1x80x125xi32, #tpu.memory_space<hbm>> -> memref<80x125xi32, #tpu.memory_space<hbm>>
    tpu.wait_dma2 semaphore(%arg33 : memref<!tpu.dma_semaphore, #tpu.memory_space<semaphore_mem>>) src(%dma_wait3A_32 : memref<80x125xi32, #tpu.memory_space<hbm>>) dst(%arg5 : memref<80x125xi32, #tpu.memory_space<vmem>>)
    %dma_wait3A_33 = arith.constant 1 : i32
    %dma_wait3A_34 = arith.constant 0 : i32
    %dma_wait3A_35 = arith.constant 0 : i32
    %dma_wait3A_36 = tpu.memref_slice %arg3[%dma_wait3A_33, %add3A, %dma_wait3A_34, %dma_wait3A_35] : memref<2x32x80x125xi32, #tpu.memory_space<hbm>> -> memref<1x1x80x125xi32, #tpu.memory_space<hbm>>
    %dma_wait3A_37 = tpu.memref_squeeze %dma_wait3A_36 : memref<1x1x80x125xi32, #tpu.memory_space<hbm>> -> memref<80x125xi32, #tpu.memory_space<hbm>>
    %dma_wait3A_38 = arith.constant 0 : i32
    %dma_wait3A_39 = arith.constant 0 : i32
    %dma_wait3A_40 = tpu.memref_slice %arg3[%dma_wait3A_33, %add3A, %dma_wait3A_38, %dma_wait3A_39] : memref<2x32x80x125xi32, #tpu.memory_space<hbm>> -> memref<1x1x80x125xi32, #tpu.memory_space<hbm>>
    %dma_wait3A_41 = tpu.memref_squeeze %dma_wait3A_40 : memref<1x1x80x125xi32, #tpu.memory_space<hbm>> -> memref<80x125xi32, #tpu.memory_space<hbm>>
    tpu.wait_dma2 semaphore(%arg34 : memref<!tpu.dma_semaphore, #tpu.memory_space<semaphore_mem>>) src(%dma_wait3A_41 : memref<80x125xi32, #tpu.memory_space<hbm>>) dst(%arg6 : memref<80x125xi32, #tpu.memory_space<vmem>>)
    %dma_start3A_42 = arith.constant 0 : i32
    %dma_start3A_43 = arith.constant 0 : i32
    %dma_start3A_44 = tpu.memref_slice %arg5[%dma_start3A_42, %dma_start3A_43] : memref<80x125xi32, #tpu.memory_space<vmem>> -> memref<1x125xi32, #tpu.memory_space<vmem>>
    %dma_start3A_45 = tpu.memref_squeeze %dma_start3A_44 : memref<1x125xi32, #tpu.memory_space<vmem>> -> memref<125xi32, #tpu.memory_space<vmem>>
    %dma_start3A_46 = arith.constant 0 : i32
    %dma_start3A_47 = arith.constant 0 : i32
    %dma_start3A_48 = tpu.memref_slice %arg2[%dma_start3A_46, %dma_start3A_47] : memref<10240x64xf32, #tpu.memory_space<hbm>> -> memref<10240x64xf32, #tpu.memory_space<hbm>>
    tpu.enqueue_indirect_dma source(%dma_start3A_48 : memref<10240x64xf32, #tpu.memory_space<hbm>>) target(%arg7 : memref<125x64xf32, #tpu.memory_space<vmem>>) offsets(%dma_start3A_45 : memref<125xi32, #tpu.memory_space<vmem>>) semaphore(%arg17 : memref<!tpu.dma_semaphore, #tpu.memory_space<semaphore_mem>>)
    %dma_start3A_49 = arith.constant 1 : i32
    %dma_start3A_50 = arith.constant 0 : i32
    %dma_start3A_51 = tpu.memref_slice %arg5[%dma_start3A_49, %dma_start3A_50] : memref<80x125xi32, #tpu.memory_space<vmem>> -> memref<1x125xi32, #tpu.memory_space<vmem>>
    %dma_start3A_52 = tpu.memref_squeeze %dma_start3A_51 : memref<1x125xi32, #tpu.memory_space<vmem>> -> memref<125xi32, #tpu.memory_space<vmem>>
    %dma_start3A_53 = arith.constant 0 : i32
    %dma_start3A_54 = arith.constant 0 : i32
    %dma_start3A_55 = tpu.memref_slice %arg2[%dma_start3A_53, %dma_start3A_54] : memref<10240x64xf32, #tpu.memory_space<hbm>> -> memref<10240x64xf32, #tpu.memory_space<hbm>>
    tpu.enqueue_indirect_dma source(%dma_start3A_55 : memref<10240x64xf32, #tpu.memory_space<hbm>>) target(%arg8 : memref<125x64xf32, #tpu.memory_space<vmem>>) offsets(%dma_start3A_52 : memref<125xi32, #tpu.memory_space<vmem>>) semaphore(%arg18 : memref<!tpu.dma_semaphore, #tpu.memory_space<semaphore_mem>>)
    %dma_start3A_56 = arith.constant 2 : i32
    %dma_start3A_57 = arith.constant 0 : i32
    %dma_start3A_58 = tpu.memref_slice %arg5[%dma_start3A_56, %dma_start3A_57] : memref<80x125xi32, #tpu.memory_space<vmem>> -> memref<1x125xi32, #tpu.memory_space<vmem>>
    %dma_start3A_59 = tpu.memref_squeeze %dma_start3A_58 : memref<1x125xi32, #tpu.memory_space<vmem>> -> memref<125xi32, #tpu.memory_space<vmem>>
    %dma_start3A_60 = arith.constant 0 : i32
    %dma_start3A_61 = arith.constant 0 : i32
    %dma_start3A_62 = tpu.memref_slice %arg2[%dma_start3A_60, %dma_start3A_61] : memref<10240x64xf32, #tpu.memory_space<hbm>> -> memref<10240x64xf32, #tpu.memory_space<hbm>>
    tpu.enqueue_indirect_dma source(%dma_start3A_62 : memref<10240x64xf32, #tpu.memory_space<hbm>>) target(%arg9 : memref<125x64xf32, #tpu.memory_space<vmem>>) offsets(%dma_start3A_59 : memref<125xi32, #tpu.memory_space<vmem>>) semaphore(%arg19 : memref<!tpu.dma_semaphore, #tpu.memory_space<semaphore_mem>>)
    %dma_start3A_63 = arith.constant 3 : i32
    %dma_start3A_64 = arith.constant 0 : i32
    %dma_start3A_65 = tpu.memref_slice %arg5[%dma_start3A_63, %dma_start3A_64] : memref<80x125xi32, #tpu.memory_space<vmem>> -> memref<1x125xi32, #tpu.memory_space<vmem>>
    %dma_start3A_66 = tpu.memref_squeeze %dma_start3A_65 : memref<1x125xi32, #tpu.memory_space<vmem>> -> memref<125xi32, #tpu.memory_space<vmem>>
    %dma_start3A_67 = arith.constant 0 : i32
    %dma_start3A_68 = arith.constant 0 : i32
    %dma_start3A_69 = tpu.memref_slice %arg2[%dma_start3A_67, %dma_start3A_68] : memref<10240x64xf32, #tpu.memory_space<hbm>> -> memref<10240x64xf32, #tpu.memory_space<hbm>>
    tpu.enqueue_indirect_dma source(%dma_start3A_69 : memref<10240x64xf32, #tpu.memory_space<hbm>>) target(%arg10 : memref<125x64xf32, #tpu.memory_space<vmem>>) offsets(%dma_start3A_66 : memref<125xi32, #tpu.memory_space<vmem>>) semaphore(%arg20 : memref<!tpu.dma_semaphore, #tpu.memory_space<semaphore_mem>>)
    %dma_start3A_70 = arith.constant 4 : i32
    %dma_start3A_71 = arith.constant 0 : i32
    %dma_start3A_72 = tpu.memref_slice %arg5[%dma_start3A_70, %dma_start3A_71] : memref<80x125xi32, #tpu.memory_space<vmem>> -> memref<1x125xi32, #tpu.memory_space<vmem>>
    %dma_start3A_73 = tpu.memref_squeeze %dma_start3A_72 : memref<1x125xi32, #tpu.memory_space<vmem>> -> memref<125xi32, #tpu.memory_space<vmem>>
    %dma_start3A_74 = arith.constant 0 : i32
    %dma_start3A_75 = arith.constant 0 : i32
    %dma_start3A_76 = tpu.memref_slice %arg2[%dma_start3A_74, %dma_start3A_75] : memref<10240x64xf32, #tpu.memory_space<hbm>> -> memref<10240x64xf32, #tpu.memory_space<hbm>>
    tpu.enqueue_indirect_dma source(%dma_start3A_76 : memref<10240x64xf32, #tpu.memory_space<hbm>>) target(%arg11 : memref<125x64xf32, #tpu.memory_space<vmem>>) offsets(%dma_start3A_73 : memref<125xi32, #tpu.memory_space<vmem>>) semaphore(%arg21 : memref<!tpu.dma_semaphore, #tpu.memory_space<semaphore_mem>>)
    %mul3A_77 = arith.constant 640 : i32
    %mul3A_78 = arith.muli %arg1, %mul3A_77 : i32
    %add3A_79 = arith.constant 0 : i32
    %add3A_80 = arith.addi %mul3A_78, %add3A_79 : i32
    %dma_start3A_81 = arith.constant 0 : i32
    %dma_start3A_82 = tpu.memref_slice %arg16[%add3A_80, %dma_start3A_81] : memref<10240x64xf32, #tpu.memory_space<vmem_shared>> -> memref<64x64xf32, #tpu.memory_space<vmem_shared>>
    %dma_start3A_83 = arith.constant 0 : i32
    %dma_start3A_84 = tpu.memref_slice %arg16[%add3A_80, %dma_start3A_83] : memref<10240x64xf32, #tpu.memory_space<vmem_shared>> -> memref<64x64xf32, #tpu.memory_space<vmem_shared>>
    tpu.enqueue_dma source(%arg15 : memref<64x64xf32, #tpu.memory_space<vmem>>) target(%dma_start3A_84 : memref<64x64xf32, #tpu.memory_space<vmem_shared>>) target_semaphore(%arg33 : memref<!tpu.dma_semaphore, #tpu.memory_space<semaphore_mem>>)
    %mul3A_85 = arith.constant 640 : i32
    %mul3A_86 = arith.muli %arg1, %mul3A_85 : i32
    %add3A_87 = arith.constant 64 : i32
    %add3A_88 = arith.addi %mul3A_86, %add3A_87 : i32
    %dma_start3A_89 = arith.constant 0 : i32
    %dma_start3A_90 = tpu.memref_slice %arg16[%add3A_88, %dma_start3A_89] : memref<10240x64xf32, #tpu.memory_space<vmem_shared>> -> memref<64x64xf32, #tpu.memory_space<vmem_shared>>
    %dma_start3A_91 = arith.constant 0 : i32
    %dma_start3A_92 = tpu.memref_slice %arg16[%add3A_88, %dma_start3A_91] : memref<10240x64xf32, #tpu.memory_space<vmem_shared>> -> memref<64x64xf32, #tpu.memory_space<vmem_shared>>
    tpu.enqueue_dma source(%arg15 : memref<64x64xf32, #tpu.memory_space<vmem>>) target(%dma_start3A_92 : memref<64x64xf32, #tpu.memory_space<vmem_shared>>) target_semaphore(%arg33 : memref<!tpu.dma_semaphore, #tpu.memory_space<semaphore_mem>>)
    %mul3A_93 = arith.constant 640 : i32
    %mul3A_94 = arith.muli %arg1, %mul3A_93 : i32
    %add3A_95 = arith.constant 128 : i32
    %add3A_96 = arith.addi %mul3A_94, %add3A_95 : i32
    %dma_start3A_97 = arith.constant 0 : i32
    %dma_start3A_98 = tpu.memref_slice %arg16[%add3A_96, %dma_start3A_97] : memref<10240x64xf32, #tpu.memory_space<vmem_shared>> -> memref<64x64xf32, #tpu.memory_space<vmem_shared>>
    %dma_start3A_99 = arith.constant 0 : i32
    %dma_start3A_100 = tpu.memref_slice %arg16[%add3A_96, %dma_start3A_99] : memref<10240x64xf32, #tpu.memory_space<vmem_shared>> -> memref<64x64xf32, #tpu.memory_space<vmem_shared>>
    tpu.enqueue_dma source(%arg15 : memref<64x64xf32, #tpu.memory_space<vmem>>) target(%dma_start3A_100 : memref<64x64xf32, #tpu.memory_space<vmem_shared>>) target_semaphore(%arg33 : memref<!tpu.dma_semaphore, #tpu.memory_space<semaphore_mem>>)
    %mul3A_101 = arith.constant 640 : i32
    %mul3A_102 = arith.muli %arg1, %mul3A_101 : i32
    %add3A_103 = arith.constant 192 : i32
    %add3A_104 = arith.addi %mul3A_102, %add3A_103 : i32
    %dma_start3A_105 = arith.constant 0 : i32
    %dma_start3A_106 = tpu.memref_slice %arg16[%add3A_104, %dma_start3A_105] : memref<10240x64xf32, #tpu.memory_space<vmem_shared>> -> memref<64x64xf32, #tpu.memory_space<vmem_shared>>
    %dma_start3A_107 = arith.constant 0 : i32
    %dma_start3A_108 = tpu.memref_slice %arg16[%add3A_104, %dma_start3A_107] : memref<10240x64xf32, #tpu.memory_space<vmem_shared>> -> memref<64x64xf32, #tpu.memory_space<vmem_shared>>
    tpu.enqueue_dma source(%arg15 : memref<64x64xf32, #tpu.memory_space<vmem>>) target(%dma_start3A_108 : memref<64x64xf32, #tpu.memory_space<vmem_shared>>) target_semaphore(%arg33 : memref<!tpu.dma_semaphore, #tpu.memory_space<semaphore_mem>>)
    %mul3A_109 = arith.constant 640 : i32
    %mul3A_110 = arith.muli %arg1, %mul3A_109 : i32
    %add3A_111 = arith.constant 256 : i32
    %add3A_112 = arith.addi %mul3A_110, %add3A_111 : i32
    %dma_start3A_113 = arith.constant 0 : i32
    %dma_start3A_114 = tpu.memref_slice %arg16[%add3A_112, %dma_start3A_113] : memref<10240x64xf32, #tpu.memory_space<vmem_shared>> -> memref<64x64xf32, #tpu.memory_space<vmem_shared>>
    %dma_start3A_115 = arith.constant 0 : i32
    %dma_start3A_116 = tpu.memref_slice %arg16[%add3A_112, %dma_start3A_115] : memref<10240x64xf32, #tpu.memory_space<vmem_shared>> -> memref<64x64xf32, #tpu.memory_space<vmem_shared>>
    tpu.enqueue_dma source(%arg15 : memref<64x64xf32, #tpu.memory_space<vmem>>) target(%dma_start3A_116 : memref<64x64xf32, #tpu.memory_space<vmem_shared>>) target_semaphore(%arg33 : memref<!tpu.dma_semaphore, #tpu.memory_space<semaphore_mem>>)
    %mul3A_117 = arith.constant 640 : i32
    %mul3A_118 = arith.muli %arg1, %mul3A_117 : i32
    %add3A_119 = arith.constant 320 : i32
    %add3A_120 = arith.addi %mul3A_118, %add3A_119 : i32
    %dma_start3A_121 = arith.constant 0 : i32
    %dma_start3A_122 = tpu.memref_slice %arg16[%add3A_120, %dma_start3A_121] : memref<10240x64xf32, #tpu.memory_space<vmem_shared>> -> memref<64x64xf32, #tpu.memory_space<vmem_shared>>
    %dma_start3A_123 = arith.constant 0 : i32
    %dma_start3A_124 = tpu.memref_slice %arg16[%add3A_120, %dma_start3A_123] : memref<10240x64xf32, #tpu.memory_space<vmem_shared>> -> memref<64x64xf32, #tpu.memory_space<vmem_shared>>
    tpu.enqueue_dma source(%arg15 : memref<64x64xf32, #tpu.memory_space<vmem>>) target(%dma_start3A_124 : memref<64x64xf32, #tpu.memory_space<vmem_shared>>) target_semaphore(%arg33 : memref<!tpu.dma_semaphore, #tpu.memory_space<semaphore_mem>>)
    %mul3A_125 = arith.constant 640 : i32
    %mul3A_126 = arith.muli %arg1, %mul3A_125 : i32
    %add3A_127 = arith.constant 384 : i32
    %add3A_128 = arith.addi %mul3A_126, %add3A_127 : i32
    %dma_start3A_129 = arith.constant 0 : i32
    %dma_start3A_130 = tpu.memref_slice %arg16[%add3A_128, %dma_start3A_129] : memref<10240x64xf32, #tpu.memory_space<vmem_shared>> -> memref<64x64xf32, #tpu.memory_space<vmem_shared>>
    %dma_start3A_131 = arith.constant 0 : i32
    %dma_start3A_132 = tpu.memref_slice %arg16[%add3A_128, %dma_start3A_131] : memref<10240x64xf32, #tpu.memory_space<vmem_shared>> -> memref<64x64xf32, #tpu.memory_space<vmem_shared>>
    tpu.enqueue_dma source(%arg15 : memref<64x64xf32, #tpu.memory_space<vmem>>) target(%dma_start3A_132 : memref<64x64xf32, #tpu.memory_space<vmem_shared>>) target_semaphore(%arg33 : memref<!tpu.dma_semaphore, #tpu.memory_space<semaphore_mem>>)
    %mul3A_133 = arith.constant 640 : i32
    %mul3A_134 = arith.muli %arg1, %mul3A_133 : i32
    %add3A_135 = arith.constant 448 : i32
    %add3A_136 = arith.addi %mul3A_134, %add3A_135 : i32
    %dma_start3A_137 = arith.constant 0 : i32
    %dma_start3A_138 = tpu.memref_slice %arg16[%add3A_136, %dma_start3A_137] : memref<10240x64xf32, #tpu.memory_space<vmem_shared>> -> memref<64x64xf32, #tpu.memory_space<vmem_shared>>
    %dma_start3A_139 = arith.constant 0 : i32
    %dma_start3A_140 = tpu.memref_slice %arg16[%add3A_136, %dma_start3A_139] : memref<10240x64xf32, #tpu.memory_space<vmem_shared>> -> memref<64x64xf32, #tpu.memory_space<vmem_shared>>
    tpu.enqueue_dma source(%arg15 : memref<64x64xf32, #tpu.memory_space<vmem>>) target(%dma_start3A_140 : memref<64x64xf32, #tpu.memory_space<vmem_shared>>) target_semaphore(%arg33 : memref<!tpu.dma_semaphore, #tpu.memory_space<semaphore_mem>>)
    %mul3A_141 = arith.constant 640 : i32
    %mul3A_142 = arith.muli %arg1, %mul3A_141 : i32
    %add3A_143 = arith.constant 512 : i32
    %add3A_144 = arith.addi %mul3A_142, %add3A_143 : i32
    %dma_start3A_145 = arith.constant 0 : i32
    %dma_start3A_146 = tpu.memref_slice %arg16[%add3A_144, %dma_start3A_145] : memref<10240x64xf32, #tpu.memory_space<vmem_shared>> -> memref<64x64xf32, #tpu.memory_space<vmem_shared>>
    %dma_start3A_147 = arith.constant 0 : i32
    %dma_start3A_148 = tpu.memref_slice %arg16[%add3A_144, %dma_start3A_147] : memref<10240x64xf32, #tpu.memory_space<vmem_shared>> -> memref<64x64xf32, #tpu.memory_space<vmem_shared>>
    tpu.enqueue_dma source(%arg15 : memref<64x64xf32, #tpu.memory_space<vmem>>) target(%dma_start3A_148 : memref<64x64xf32, #tpu.memory_space<vmem_shared>>) target_semaphore(%arg33 : memref<!tpu.dma_semaphore, #tpu.memory_space<semaphore_mem>>)
    %mul3A_149 = arith.constant 640 : i32
    %mul3A_150 = arith.muli %arg1, %mul3A_149 : i32
    %add3A_151 = arith.constant 576 : i32
    %add3A_152 = arith.addi %mul3A_150, %add3A_151 : i32
    %dma_start3A_153 = arith.constant 0 : i32
    %dma_start3A_154 = tpu.memref_slice %arg16[%add3A_152, %dma_start3A_153] : memref<10240x64xf32, #tpu.memory_space<vmem_shared>> -> memref<64x64xf32, #tpu.memory_space<vmem_shared>>
    %dma_start3A_155 = arith.constant 0 : i32
    %dma_start3A_156 = tpu.memref_slice %arg16[%add3A_152, %dma_start3A_155] : memref<10240x64xf32, #tpu.memory_space<vmem_shared>> -> memref<64x64xf32, #tpu.memory_space<vmem_shared>>
    tpu.enqueue_dma source(%arg15 : memref<64x64xf32, #tpu.memory_space<vmem>>) target(%dma_start3A_156 : memref<64x64xf32, #tpu.memory_space<vmem_shared>>) target_semaphore(%arg33 : memref<!tpu.dma_semaphore, #tpu.memory_space<semaphore_mem>>)
    %mul3A_157 = arith.constant 640 : i32
    %mul3A_158 = arith.muli %arg1, %mul3A_157 : i32
    %add3A_159 = arith.constant 0 : i32
    %add3A_160 = arith.addi %mul3A_158, %add3A_159 : i32
    %dma_wait3A_161 = arith.constant 0 : i32
    %dma_wait3A_162 = tpu.memref_slice %arg16[%add3A_160, %dma_wait3A_161] : memref<10240x64xf32, #tpu.memory_space<vmem_shared>> -> memref<64x64xf32, #tpu.memory_space<vmem_shared>>
    %dma_wait3A_163 = arith.constant 0 : i32
    %dma_wait3A_164 = tpu.memref_slice %arg16[%add3A_160, %dma_wait3A_163] : memref<10240x64xf32, #tpu.memory_space<vmem_shared>> -> memref<64x64xf32, #tpu.memory_space<vmem_shared>>
    tpu.wait_dma2 semaphore(%arg33 : memref<!tpu.dma_semaphore, #tpu.memory_space<semaphore_mem>>) src(%arg15 : memref<64x64xf32, #tpu.memory_space<vmem>>) dst(%dma_wait3A_164 : memref<64x64xf32, #tpu.memory_space<vmem_shared>>)
    %mul3A_165 = arith.constant 640 : i32
    %mul3A_166 = arith.muli %arg1, %mul3A_165 : i32
    %add3A_167 = arith.constant 64 : i32
    %add3A_168 = arith.addi %mul3A_166, %add3A_167 : i32
    %dma_wait3A_169 = arith.constant 0 : i32
    %dma_wait3A_170 = tpu.memref_slice %arg16[%add3A_168, %dma_wait3A_169] : memref<10240x64xf32, #tpu.memory_space<vmem_shared>> -> memref<64x64xf32, #tpu.memory_space<vmem_shared>>
    %dma_wait3A_171 = arith.constant 0 : i32
    %dma_wait3A_172 = tpu.memref_slice %arg16[%add3A_168, %dma_wait3A_171] : memref<10240x64xf32, #tpu.memory_space<vmem_shared>> -> memref<64x64xf32, #tpu.memory_space<vmem_shared>>
    tpu.wait_dma2 semaphore(%arg33 : memref<!tpu.dma_semaphore, #tpu.memory_space<semaphore_mem>>) src(%arg15 : memref<64x64xf32, #tpu.memory_space<vmem>>) dst(%dma_wait3A_172 : memref<64x64xf32, #tpu.memory_space<vmem_shared>>)
    %mul3A_173 = arith.constant 640 : i32
    %mul3A_174 = arith.muli %arg1, %mul3A_173 : i32
    %add3A_175 = arith.constant 128 : i32
    %add3A_176 = arith.addi %mul3A_174, %add3A_175 : i32
    %dma_wait3A_177 = arith.constant 0 : i32
    %dma_wait3A_178 = tpu.memref_slice %arg16[%add3A_176, %dma_wait3A_177] : memref<10240x64xf32, #tpu.memory_space<vmem_shared>> -> memref<64x64xf32, #tpu.memory_space<vmem_shared>>
    %dma_wait3A_179 = arith.constant 0 : i32
    %dma_wait3A_180 = tpu.memref_slice %arg16[%add3A_176, %dma_wait3A_179] : memref<10240x64xf32, #tpu.memory_space<vmem_shared>> -> memref<64x64xf32, #tpu.memory_space<vmem_shared>>
    tpu.wait_dma2 semaphore(%arg33 : memref<!tpu.dma_semaphore, #tpu.memory_space<semaphore_mem>>) src(%arg15 : memref<64x64xf32, #tpu.memory_space<vmem>>) dst(%dma_wait3A_180 : memref<64x64xf32, #tpu.memory_space<vmem_shared>>)
    %mul3A_181 = arith.constant 640 : i32
    %mul3A_182 = arith.muli %arg1, %mul3A_181 : i32
    %add3A_183 = arith.constant 192 : i32
    %add3A_184 = arith.addi %mul3A_182, %add3A_183 : i32
    %dma_wait3A_185 = arith.constant 0 : i32
    %dma_wait3A_186 = tpu.memref_slice %arg16[%add3A_184, %dma_wait3A_185] : memref<10240x64xf32, #tpu.memory_space<vmem_shared>> -> memref<64x64xf32, #tpu.memory_space<vmem_shared>>
    %dma_wait3A_187 = arith.constant 0 : i32
    %dma_wait3A_188 = tpu.memref_slice %arg16[%add3A_184, %dma_wait3A_187] : memref<10240x64xf32, #tpu.memory_space<vmem_shared>> -> memref<64x64xf32, #tpu.memory_space<vmem_shared>>
    tpu.wait_dma2 semaphore(%arg33 : memref<!tpu.dma_semaphore, #tpu.memory_space<semaphore_mem>>) src(%arg15 : memref<64x64xf32, #tpu.memory_space<vmem>>) dst(%dma_wait3A_188 : memref<64x64xf32, #tpu.memory_space<vmem_shared>>)
    %mul3A_189 = arith.constant 640 : i32
    %mul3A_190 = arith.muli %arg1, %mul3A_189 : i32
    %add3A_191 = arith.constant 256 : i32
    %add3A_192 = arith.addi %mul3A_190, %add3A_191 : i32
    %dma_wait3A_193 = arith.constant 0 : i32
    %dma_wait3A_194 = tpu.memref_slice %arg16[%add3A_192, %dma_wait3A_193] : memref<10240x64xf32, #tpu.memory_space<vmem_shared>> -> memref<64x64xf32, #tpu.memory_space<vmem_shared>>
    %dma_wait3A_195 = arith.constant 0 : i32
    %dma_wait3A_196 = tpu.memref_slice %arg16[%add3A_192, %dma_wait3A_195] : memref<10240x64xf32, #tpu.memory_space<vmem_shared>> -> memref<64x64xf32, #tpu.memory_space<vmem_shared>>
    tpu.wait_dma2 semaphore(%arg33 : memref<!tpu.dma_semaphore, #tpu.memory_space<semaphore_mem>>) src(%arg15 : memref<64x64xf32, #tpu.memory_space<vmem>>) dst(%dma_wait3A_196 : memref<64x64xf32, #tpu.memory_space<vmem_shared>>)
    %mul3A_197 = arith.constant 640 : i32
    %mul3A_198 = arith.muli %arg1, %mul3A_197 : i32
    %add3A_199 = arith.constant 320 : i32
    %add3A_200 = arith.addi %mul3A_198, %add3A_199 : i32
    %dma_wait3A_201 = arith.constant 0 : i32
    %dma_wait3A_202 = tpu.memref_slice %arg16[%add3A_200, %dma_wait3A_201] : memref<10240x64xf32, #tpu.memory_space<vmem_shared>> -> memref<64x64xf32, #tpu.memory_space<vmem_shared>>
    %dma_wait3A_203 = arith.constant 0 : i32
    %dma_wait3A_204 = tpu.memref_slice %arg16[%add3A_200, %dma_wait3A_203] : memref<10240x64xf32, #tpu.memory_space<vmem_shared>> -> memref<64x64xf32, #tpu.memory_space<vmem_shared>>
    tpu.wait_dma2 semaphore(%arg33 : memref<!tpu.dma_semaphore, #tpu.memory_space<semaphore_mem>>) src(%arg15 : memref<64x64xf32, #tpu.memory_space<vmem>>) dst(%dma_wait3A_204 : memref<64x64xf32, #tpu.memory_space<vmem_shared>>)
    %mul3A_205 = arith.constant 640 : i32
    %mul3A_206 = arith.muli %arg1, %mul3A_205 : i32
    %add3A_207 = arith.constant 384 : i32
    %add3A_208 = arith.addi %mul3A_206, %add3A_207 : i32
    %dma_wait3A_209 = arith.constant 0 : i32
    %dma_wait3A_210 = tpu.memref_slice %arg16[%add3A_208, %dma_wait3A_209] : memref<10240x64xf32, #tpu.memory_space<vmem_shared>> -> memref<64x64xf32, #tpu.memory_space<vmem_shared>>
    %dma_wait3A_211 = arith.constant 0 : i32
    %dma_wait3A_212 = tpu.memref_slice %arg16[%add3A_208, %dma_wait3A_211] : memref<10240x64xf32, #tpu.memory_space<vmem_shared>> -> memref<64x64xf32, #tpu.memory_space<vmem_shared>>
    tpu.wait_dma2 semaphore(%arg33 : memref<!tpu.dma_semaphore, #tpu.memory_space<semaphore_mem>>) src(%arg15 : memref<64x64xf32, #tpu.memory_space<vmem>>) dst(%dma_wait3A_212 : memref<64x64xf32, #tpu.memory_space<vmem_shared>>)
    %mul3A_213 = arith.constant 640 : i32
    %mul3A_214 = arith.muli %arg1, %mul3A_213 : i32
    %add3A_215 = arith.constant 448 : i32
    %add3A_216 = arith.addi %mul3A_214, %add3A_215 : i32
    %dma_wait3A_217 = arith.constant 0 : i32
    %dma_wait3A_218 = tpu.memref_slice %arg16[%add3A_216, %dma_wait3A_217] : memref<10240x64xf32, #tpu.memory_space<vmem_shared>> -> memref<64x64xf32, #tpu.memory_space<vmem_shared>>
    %dma_wait3A_219 = arith.constant 0 : i32
    %dma_wait3A_220 = tpu.memref_slice %arg16[%add3A_216, %dma_wait3A_219] : memref<10240x64xf32, #tpu.memory_space<vmem_shared>> -> memref<64x64xf32, #tpu.memory_space<vmem_shared>>
    tpu.wait_dma2 semaphore(%arg33 : memref<!tpu.dma_semaphore, #tpu.memory_space<semaphore_mem>>) src(%arg15 : memref<64x64xf32, #tpu.memory_space<vmem>>) dst(%dma_wait3A_220 : memref<64x64xf32, #tpu.memory_space<vmem_shared>>)
    %mul3A_221 = arith.constant 640 : i32
    %mul3A_222 = arith.muli %arg1, %mul3A_221 : i32
    %add3A_223 = arith.constant 512 : i32
    %add3A_224 = arith.addi %mul3A_222, %add3A_223 : i32
    %dma_wait3A_225 = arith.constant 0 : i32
    %dma_wait3A_226 = tpu.memref_slice %arg16[%add3A_224, %dma_wait3A_225] : memref<10240x64xf32, #tpu.memory_space<vmem_shared>> -> memref<64x64xf32, #tpu.memory_space<vmem_shared>>
    %dma_wait3A_227 = arith.constant 0 : i32
    %dma_wait3A_228 = tpu.memref_slice %arg16[%add3A_224, %dma_wait3A_227] : memref<10240x64xf32, #tpu.memory_space<vmem_shared>> -> memref<64x64xf32, #tpu.memory_space<vmem_shared>>
    tpu.wait_dma2 semaphore(%arg33 : memref<!tpu.dma_semaphore, #tpu.memory_space<semaphore_mem>>) src(%arg15 : memref<64x64xf32, #tpu.memory_space<vmem>>) dst(%dma_wait3A_228 : memref<64x64xf32, #tpu.memory_space<vmem_shared>>)
    %mul3A_229 = arith.constant 640 : i32
    %mul3A_230 = arith.muli %arg1, %mul3A_229 : i32
    %add3A_231 = arith.constant 576 : i32
    %add3A_232 = arith.addi %mul3A_230, %add3A_231 : i32
    %dma_wait3A_233 = arith.constant 0 : i32
    %dma_wait3A_234 = tpu.memref_slice %arg16[%add3A_232, %dma_wait3A_233] : memref<10240x64xf32, #tpu.memory_space<vmem_shared>> -> memref<64x64xf32, #tpu.memory_space<vmem_shared>>
    %dma_wait3A_235 = arith.constant 0 : i32
    %dma_wait3A_236 = tpu.memref_slice %arg16[%add3A_232, %dma_wait3A_235] : memref<10240x64xf32, #tpu.memory_space<vmem_shared>> -> memref<64x64xf32, #tpu.memory_space<vmem_shared>>
    tpu.wait_dma2 semaphore(%arg33 : memref<!tpu.dma_semaphore, #tpu.memory_space<semaphore_mem>>) src(%arg15 : memref<64x64xf32, #tpu.memory_space<vmem>>) dst(%dma_wait3A_236 : memref<64x64xf32, #tpu.memory_space<vmem_shared>>)
    %barrier3A = arith.constant 0 : index
    tpu.barrier barrier_id(%barrier3A)
    %dma_start3A_237 = arith.constant 5 : i32
    %dma_start3A_238 = arith.constant 0 : i32
    %dma_start3A_239 = tpu.memref_slice %arg5[%dma_start3A_237, %dma_start3A_238] : memref<80x125xi32, #tpu.memory_space<vmem>> -> memref<1x125xi32, #tpu.memory_space<vmem>>
    %dma_start3A_240 = tpu.memref_squeeze %dma_start3A_239 : memref<1x125xi32, #tpu.memory_space<vmem>> -> memref<125xi32, #tpu.memory_space<vmem>>
    %dma_start3A_241 = arith.constant 0 : i32
    %dma_start3A_242 = arith.constant 0 : i32
    %dma_start3A_243 = tpu.memref_slice %arg2[%dma_start3A_241, %dma_start3A_242] : memref<10240x64xf32, #tpu.memory_space<hbm>> -> memref<10240x64xf32, #tpu.memory_space<hbm>>
    tpu.enqueue_indirect_dma source(%dma_start3A_243 : memref<10240x64xf32, #tpu.memory_space<hbm>>) target(%arg12 : memref<125x64xf32, #tpu.memory_space<vmem>>) offsets(%dma_start3A_240 : memref<125xi32, #tpu.memory_space<vmem>>) semaphore(%arg22 : memref<!tpu.dma_semaphore, #tpu.memory_space<semaphore_mem>>)
    %dma_wait3A_244 = arith.constant 0 : i32
    %dma_wait3A_245 = arith.constant 0 : i32
    %dma_wait3A_246 = tpu.memref_slice %arg5[%dma_wait3A_244, %dma_wait3A_245] : memref<80x125xi32, #tpu.memory_space<vmem>> -> memref<1x125xi32, #tpu.memory_space<vmem>>
    %dma_wait3A_247 = tpu.memref_squeeze %dma_wait3A_246 : memref<1x125xi32, #tpu.memory_space<vmem>> -> memref<125xi32, #tpu.memory_space<vmem>>
    %dma_wait3A_248 = arith.constant 0 : i32
    %dma_wait3A_249 = arith.constant 0 : i32
    %dma_wait3A_250 = tpu.memref_slice %arg2[%dma_wait3A_248, %dma_wait3A_249] : memref<10240x64xf32, #tpu.memory_space<hbm>> -> memref<10240x64xf32, #tpu.memory_space<hbm>>
    tpu.wait_indirect_dma semaphore(%arg17 : memref<!tpu.dma_semaphore, #tpu.memory_space<semaphore_mem>>) src(%dma_wait3A_250 : memref<10240x64xf32, #tpu.memory_space<hbm>>) dst(%arg7 : memref<125x64xf32, #tpu.memory_space<vmem>>)
    %dma_start3A_251 = arith.constant 0 : i32
    %dma_start3A_252 = arith.constant 0 : i32
    %dma_start3A_253 = tpu.memref_slice %arg6[%dma_start3A_251, %dma_start3A_252] : memref<80x125xi32, #tpu.memory_space<vmem>> -> memref<1x125xi32, #tpu.memory_space<vmem>>
    %dma_start3A_254 = tpu.memref_squeeze %dma_start3A_253 : memref<1x125xi32, #tpu.memory_space<vmem>> -> memref<125xi32, #tpu.memory_space<vmem>>
    %dma_start3A_255 = arith.constant 0 : i32
    %dma_start3A_256 = arith.constant 0 : i32
    %dma_start3A_257 = tpu.memref_slice %arg16[%dma_start3A_255, %dma_start3A_256] : memref<10240x64xf32, #tpu.memory_space<vmem_shared>> -> memref<10240x64xf32, #tpu.memory_space<vmem_shared>>
    tpu.enqueue_indirect_dma source(%arg7 : memref<125x64xf32, #tpu.memory_space<vmem>>) target(%dma_start3A_257 : memref<10240x64xf32, #tpu.memory_space<vmem_shared>>) offsets(%dma_start3A_254 : memref<125xi32, #tpu.memory_space<vmem>>) semaphore(%arg25 : memref<!tpu.dma_semaphore, #tpu.memory_space<semaphore_mem>>) {add = true}
    %dma_start3A_258 = arith.constant 6 : i32
    %dma_start3A_259 = arith.constant 0 : i32
    %dma_start3A_260 = tpu.memref_slice %arg5[%dma_start3A_258, %dma_start3A_259] : memref<80x125xi32, #tpu.memory_space<vmem>> -> memref<1x125xi32, #tpu.memory_space<vmem>>
    %dma_start3A_261 = tpu.memref_squeeze %dma_start3A_260 : memref<1x125xi32, #tpu.memory_space<vmem>> -> memref<125xi32, #tpu.memory_space<vmem>>
    %dma_start3A_262 = arith.constant 0 : i32
    %dma_start3A_263 = arith.constant 0 : i32
    %dma_start3A_264 = tpu.memref_slice %arg2[%dma_start3A_262, %dma_start3A_263] : memref<10240x64xf32, #tpu.memory_space<hbm>> -> memref<10240x64xf32, #tpu.memory_space<hbm>>
    tpu.enqueue_indirect_dma source(%dma_start3A_264 : memref<10240x64xf32, #tpu.memory_space<hbm>>) target(%arg13 : memref<125x64xf32, #tpu.memory_space<vmem>>) offsets(%dma_start3A_261 : memref<125xi32, #tpu.memory_space<vmem>>) semaphore(%arg23 : memref<!tpu.dma_semaphore, #tpu.memory_space<semaphore_mem>>)
    %dma_wait3A_265 = arith.constant 1 : i32
    %dma_wait3A_266 = arith.constant 0 : i32
    %dma_wait3A_267 = tpu.memref_slice %arg5[%dma_wait3A_265, %dma_wait3A_266] : memref<80x125xi32, #tpu.memory_space<vmem>> -> memref<1x125xi32, #tpu.memory_space<vmem>>
    %dma_wait3A_268 = tpu.memref_squeeze %dma_wait3A_267 : memref<1x125xi32, #tpu.memory_space<vmem>> -> memref<125xi32, #tpu.memory_space<vmem>>
    %dma_wait3A_269 = arith.constant 0 : i32
    %dma_wait3A_270 = arith.constant 0 : i32
    %dma_wait3A_271 = tpu.memref_slice %arg2[%dma_wait3A_269, %dma_wait3A_270] : memref<10240x64xf32, #tpu.memory_space<hbm>> -> memref<10240x64xf32, #tpu.memory_space<hbm>>
    tpu.wait_indirect_dma semaphore(%arg18 : memref<!tpu.dma_semaphore, #tpu.memory_space<semaphore_mem>>) src(%dma_wait3A_271 : memref<10240x64xf32, #tpu.memory_space<hbm>>) dst(%arg8 : memref<125x64xf32, #tpu.memory_space<vmem>>)
    %dma_start3A_272 = arith.constant 1 : i32
    %dma_start3A_273 = arith.constant 0 : i32
    %dma_start3A_274 = tpu.memref_slice %arg6[%dma_start3A_272, %dma_start3A_273] : memref<80x125xi32, #tpu.memory_space<vmem>> -> memref<1x125xi32, #tpu.memory_space<vmem>>
    %dma_start3A_275 = tpu.memref_squeeze %dma_start3A_274 : memref<1x125xi32, #tpu.memory_space<vmem>> -> memref<125xi32, #tpu.memory_space<vmem>>
    %dma_start3A_276 = arith.constant 0 : i32
    %dma_start3A_277 = arith.constant 0 : i32
    %dma_start3A_278 = tpu.memref_slice %arg16[%dma_start3A_276, %dma_start3A_277] : memref<10240x64xf32, #tpu.memory_space<vmem_shared>> -> memref<10240x64xf32, #tpu.memory_space<vmem_shared>>
    tpu.enqueue_indirect_dma source(%arg8 : memref<125x64xf32, #tpu.memory_space<vmem>>) target(%dma_start3A_278 : memref<10240x64xf32, #tpu.memory_space<vmem_shared>>) offsets(%dma_start3A_275 : memref<125xi32, #tpu.memory_space<vmem>>) semaphore(%arg26 : memref<!tpu.dma_semaphore, #tpu.memory_space<semaphore_mem>>) {add = true}
    %dma_start3A_279 = arith.constant 7 : i32
    %dma_start3A_280 = arith.constant 0 : i32
    %dma_start3A_281 = tpu.memref_slice %arg5[%dma_start3A_279, %dma_start3A_280] : memref<80x125xi32, #tpu.memory_space<vmem>> -> memref<1x125xi32, #tpu.memory_space<vmem>>
    %dma_start3A_282 = tpu.memref_squeeze %dma_start3A_281 : memref<1x125xi32, #tpu.memory_space<vmem>> -> memref<125xi32, #tpu.memory_space<vmem>>
    %dma_start3A_283 = arith.constant 0 : i32
    %dma_start3A_284 = arith.constant 0 : i32
    %dma_start3A_285 = tpu.memref_slice %arg2[%dma_start3A_283, %dma_start3A_284] : memref<10240x64xf32, #tpu.memory_space<hbm>> -> memref<10240x64xf32, #tpu.memory_space<hbm>>
    tpu.enqueue_indirect_dma source(%dma_start3A_285 : memref<10240x64xf32, #tpu.memory_space<hbm>>) target(%arg14 : memref<125x64xf32, #tpu.memory_space<vmem>>) offsets(%dma_start3A_282 : memref<125xi32, #tpu.memory_space<vmem>>) semaphore(%arg24 : memref<!tpu.dma_semaphore, #tpu.memory_space<semaphore_mem>>)
    %dma_wait3A_286 = arith.constant 2 : i32
    %dma_wait3A_287 = arith.constant 0 : i32
    %dma_wait3A_288 = tpu.memref_slice %arg5[%dma_wait3A_286, %dma_wait3A_287] : memref<80x125xi32, #tpu.memory_space<vmem>> -> memref<1x125xi32, #tpu.memory_space<vmem>>
    %dma_wait3A_289 = tpu.memref_squeeze %dma_wait3A_288 : memref<1x125xi32, #tpu.memory_space<vmem>> -> memref<125xi32, #tpu.memory_space<vmem>>
    %dma_wait3A_290 = arith.constant 0 : i32
    %dma_wait3A_291 = arith.constant 0 : i32
    %dma_wait3A_292 = tpu.memref_slice %arg2[%dma_wait3A_290, %dma_wait3A_291] : memref<10240x64xf32, #tpu.memory_space<hbm>> -> memref<10240x64xf32, #tpu.memory_space<hbm>>
    tpu.wait_indirect_dma semaphore(%arg19 : memref<!tpu.dma_semaphore, #tpu.memory_space<semaphore_mem>>) src(%dma_wait3A_292 : memref<10240x64xf32, #tpu.memory_space<hbm>>) dst(%arg9 : memref<125x64xf32, #tpu.memory_space<vmem>>)
    %dma_start3A_293 = arith.constant 2 : i32
    %dma_start3A_294 = arith.constant 0 : i32
    %dma_start3A_295 = tpu.memref_slice %arg6[%dma_start3A_293, %dma_start3A_294] : memref<80x125xi32, #tpu.memory_space<vmem>> -> memref<1x125xi32, #tpu.memory_space<vmem>>
    %dma_start3A_296 = tpu.memref_squeeze %dma_start3A_295 : memref<1x125xi32, #tpu.memory_space<vmem>> -> memref<125xi32, #tpu.memory_space<vmem>>
    %dma_start3A_297 = arith.constant 0 : i32
    %dma_start3A_298 = arith.constant 0 : i32
    %dma_start3A_299 = tpu.memref_slice %arg16[%dma_start3A_297, %dma_start3A_298] : memref<10240x64xf32, #tpu.memory_space<vmem_shared>> -> memref<10240x64xf32, #tpu.memory_space<vmem_shared>>
    tpu.enqueue_indirect_dma source(%arg9 : memref<125x64xf32, #tpu.memory_space<vmem>>) target(%dma_start3A_299 : memref<10240x64xf32, #tpu.memory_space<vmem_shared>>) offsets(%dma_start3A_296 : memref<125xi32, #tpu.memory_space<vmem>>) semaphore(%arg27 : memref<!tpu.dma_semaphore, #tpu.memory_space<semaphore_mem>>) {add = true}
    %dma_wait3A_300 = arith.constant 0 : i32
    %dma_wait3A_301 = arith.constant 0 : i32
    %dma_wait3A_302 = tpu.memref_slice %arg6[%dma_wait3A_300, %dma_wait3A_301] : memref<80x125xi32, #tpu.memory_space<vmem>> -> memref<1x125xi32, #tpu.memory_space<vmem>>
    %dma_wait3A_303 = tpu.memref_squeeze %dma_wait3A_302 : memref<1x125xi32, #tpu.memory_space<vmem>> -> memref<125xi32, #tpu.memory_space<vmem>>
    %dma_wait3A_304 = arith.constant 0 : i32
    %dma_wait3A_305 = arith.constant 0 : i32
    %dma_wait3A_306 = tpu.memref_slice %arg16[%dma_wait3A_304, %dma_wait3A_305] : memref<10240x64xf32, #tpu.memory_space<vmem_shared>> -> memref<10240x64xf32, #tpu.memory_space<vmem_shared>>
    tpu.wait_indirect_dma semaphore(%arg25 : memref<!tpu.dma_semaphore, #tpu.memory_space<semaphore_mem>>) src(%arg7 : memref<125x64xf32, #tpu.memory_space<vmem>>) dst(%dma_wait3A_306 : memref<10240x64xf32, #tpu.memory_space<vmem_shared>>)
    %dma_start3A_307 = arith.constant 8 : i32
    %dma_start3A_308 = arith.constant 0 : i32
    %dma_start3A_309 = tpu.memref_slice %arg5[%dma_start3A_307, %dma_start3A_308] : memref<80x125xi32, #tpu.memory_space<vmem>> -> memref<1x125xi32, #tpu.memory_space<vmem>>
    %dma_start3A_310 = tpu.memref_squeeze %dma_start3A_309 : memref<1x125xi32, #tpu.memory_space<vmem>> -> memref<125xi32, #tpu.memory_space<vmem>>
    %dma_start3A_311 = arith.constant 0 : i32
    %dma_start3A_312 = arith.constant 0 : i32
    %dma_start3A_313 = tpu.memref_slice %arg2[%dma_start3A_311, %dma_start3A_312] : memref<10240x64xf32, #tpu.memory_space<hbm>> -> memref<10240x64xf32, #tpu.memory_space<hbm>>
    tpu.enqueue_indirect_dma source(%dma_start3A_313 : memref<10240x64xf32, #tpu.memory_space<hbm>>) target(%arg7 : memref<125x64xf32, #tpu.memory_space<vmem>>) offsets(%dma_start3A_310 : memref<125xi32, #tpu.memory_space<vmem>>) semaphore(%arg17 : memref<!tpu.dma_semaphore, #tpu.memory_space<semaphore_mem>>)
    %dma_wait3A_314 = arith.constant 3 : i32
    %dma_wait3A_315 = arith.constant 0 : i32
    %dma_wait3A_316 = tpu.memref_slice %arg5[%dma_wait3A_314, %dma_wait3A_315] : memref<80x125xi32, #tpu.memory_space<vmem>> -> memref<1x125xi32, #tpu.memory_space<vmem>>
    %dma_wait3A_317 = tpu.memref_squeeze %dma_wait3A_316 : memref<1x125xi32, #tpu.memory_space<vmem>> -> memref<125xi32, #tpu.memory_space<vmem>>
    %dma_wait3A_318 = arith.constant 0 : i32
    %dma_wait3A_319 = arith.constant 0 : i32
    %dma_wait3A_320 = tpu.memref_slice %arg2[%dma_wait3A_318, %dma_wait3A_319] : memref<10240x64xf32, #tpu.memory_space<hbm>> -> memref<10240x64xf32, #tpu.memory_space<hbm>>
    tpu.wait_indirect_dma semaphore(%arg20 : memref<!tpu.dma_semaphore, #tpu.memory_space<semaphore_mem>>) src(%dma_wait3A_320 : memref<10240x64xf32, #tpu.memory_space<hbm>>) dst(%arg10 : memref<125x64xf32, #tpu.memory_space<vmem>>)
    %dma_start3A_321 = arith.constant 3 : i32
    %dma_start3A_322 = arith.constant 0 : i32
    %dma_start3A_323 = tpu.memref_slice %arg6[%dma_start3A_321, %dma_start3A_322] : memref<80x125xi32, #tpu.memory_space<vmem>> -> memref<1x125xi32, #tpu.memory_space<vmem>>
    %dma_start3A_324 = tpu.memref_squeeze %dma_start3A_323 : memref<1x125xi32, #tpu.memory_space<vmem>> -> memref<125xi32, #tpu.memory_space<vmem>>
    %dma_start3A_325 = arith.constant 0 : i32
    %dma_start3A_326 = arith.constant 0 : i32
    %dma_start3A_327 = tpu.memref_slice %arg16[%dma_start3A_325, %dma_start3A_326] : memref<10240x64xf32, #tpu.memory_space<vmem_shared>> -> memref<10240x64xf32, #tpu.memory_space<vmem_shared>>
    tpu.enqueue_indirect_dma source(%arg10 : memref<125x64xf32, #tpu.memory_space<vmem>>) target(%dma_start3A_327 : memref<10240x64xf32, #tpu.memory_space<vmem_shared>>) offsets(%dma_start3A_324 : memref<125xi32, #tpu.memory_space<vmem>>) semaphore(%arg28 : memref<!tpu.dma_semaphore, #tpu.memory_space<semaphore_mem>>) {add = true}
    %dma_wait3A_328 = arith.constant 1 : i32
    %dma_wait3A_329 = arith.constant 0 : i32
    %dma_wait3A_330 = tpu.memref_slice %arg6[%dma_wait3A_328, %dma_wait3A_329] : memref<80x125xi32, #tpu.memory_space<vmem>> -> memref<1x125xi32, #tpu.memory_space<vmem>>
    %dma_wait3A_331 = tpu.memref_squeeze %dma_wait3A_330 : memref<1x125xi32, #tpu.memory_space<vmem>> -> memref<125xi32, #tpu.memory_space<vmem>>
    %dma_wait3A_332 = arith.constant 0 : i32
    %dma_wait3A_333 = arith.constant 0 : i32
    %dma_wait3A_334 = tpu.memref_slice %arg16[%dma_wait3A_332, %dma_wait3A_333] : memref<10240x64xf32, #tpu.memory_space<vmem_shared>> -> memref<10240x64xf32, #tpu.memory_space<vmem_shared>>
    tpu.wait_indirect_dma semaphore(%arg26 : memref<!tpu.dma_semaphore, #tpu.memory_space<semaphore_mem>>) src(%arg8 : memref<125x64xf32, #tpu.memory_space<vmem>>) dst(%dma_wait3A_334 : memref<10240x64xf32, #tpu.memory_space<vmem_shared>>)
    %dma_start3A_335 = arith.constant 9 : i32
    %dma_start3A_336 = arith.constant 0 : i32
    %dma_start3A_337 = tpu.memref_slice %arg5[%dma_start3A_335, %dma_start3A_336] : memref<80x125xi32, #tpu.memory_space<vmem>> -> memref<1x125xi32, #tpu.memory_space<vmem>>
    %dma_start3A_338 = tpu.memref_squeeze %dma_start3A_337 : memref<1x125xi32, #tpu.memory_space<vmem>> -> memref<125xi32, #tpu.memory_space<vmem>>
    %dma_start3A_339 = arith.constant 0 : i32
    %dma_start3A_340 = arith.constant 0 : i32
    %dma_start3A_341 = tpu.memref_slice %arg2[%dma_start3A_339, %dma_start3A_340] : memref<10240x64xf32, #tpu.memory_space<hbm>> -> memref<10240x64xf32, #tpu.memory_space<hbm>>
    tpu.enqueue_indirect_dma source(%dma_start3A_341 : memref<10240x64xf32, #tpu.memory_space<hbm>>) target(%arg8 : memref<125x64xf32, #tpu.memory_space<vmem>>) offsets(%dma_start3A_338 : memref<125xi32, #tpu.memory_space<vmem>>) semaphore(%arg18 : memref<!tpu.dma_semaphore, #tpu.memory_space<semaphore_mem>>)
    %dma_wait3A_342 = arith.constant 4 : i32
    %dma_wait3A_343 = arith.constant 0 : i32
    %dma_wait3A_344 = tpu.memref_slice %arg5[%dma_wait3A_342, %dma_wait3A_343] : memref<80x125xi32, #tpu.memory_space<vmem>> -> memref<1x125xi32, #tpu.memory_space<vmem>>
    %dma_wait3A_345 = tpu.memref_squeeze %dma_wait3A_344 : memref<1x125xi32, #tpu.memory_space<vmem>> -> memref<125xi32, #tpu.memory_space<vmem>>
    %dma_wait3A_346 = arith.constant 0 : i32
    %dma_wait3A_347 = arith.constant 0 : i32
    %dma_wait3A_348 = tpu.memref_slice %arg2[%dma_wait3A_346, %dma_wait3A_347] : memref<10240x64xf32, #tpu.memory_space<hbm>> -> memref<10240x64xf32, #tpu.memory_space<hbm>>
    tpu.wait_indirect_dma semaphore(%arg21 : memref<!tpu.dma_semaphore, #tpu.memory_space<semaphore_mem>>) src(%dma_wait3A_348 : memref<10240x64xf32, #tpu.memory_space<hbm>>) dst(%arg11 : memref<125x64xf32, #tpu.memory_space<vmem>>)
    %dma_start3A_349 = arith.constant 4 : i32
    %dma_start3A_350 = arith.constant 0 : i32
    %dma_start3A_351 = tpu.memref_slice %arg6[%dma_start3A_349, %dma_start3A_350] : memref<80x125xi32, #tpu.memory_space<vmem>> -> memref<1x125xi32, #tpu.memory_space<vmem>>
    %dma_start3A_352 = tpu.memref_squeeze %dma_start3A_351 : memref<1x125xi32, #tpu.memory_space<vmem>> -> memref<125xi32, #tpu.memory_space<vmem>>
    %dma_start3A_353 = arith.constant 0 : i32
    %dma_start3A_354 = arith.constant 0 : i32
    %dma_start3A_355 = tpu.memref_slice %arg16[%dma_start3A_353, %dma_start3A_354] : memref<10240x64xf32, #tpu.memory_space<vmem_shared>> -> memref<10240x64xf32, #tpu.memory_space<vmem_shared>>
    tpu.enqueue_indirect_dma source(%arg11 : memref<125x64xf32, #tpu.memory_space<vmem>>) target(%dma_start3A_355 : memref<10240x64xf32, #tpu.memory_space<vmem_shared>>) offsets(%dma_start3A_352 : memref<125xi32, #tpu.memory_space<vmem>>) semaphore(%arg29 : memref<!tpu.dma_semaphore, #tpu.memory_space<semaphore_mem>>) {add = true}
    %dma_wait3A_356 = arith.constant 2 : i32
    %dma_wait3A_357 = arith.constant 0 : i32
    %dma_wait3A_358 = tpu.memref_slice %arg6[%dma_wait3A_356, %dma_wait3A_357] : memref<80x125xi32, #tpu.memory_space<vmem>> -> memref<1x125xi32, #tpu.memory_space<vmem>>
    %dma_wait3A_359 = tpu.memref_squeeze %dma_wait3A_358 : memref<1x125xi32, #tpu.memory_space<vmem>> -> memref<125xi32, #tpu.memory_space<vmem>>
    %dma_wait3A_360 = arith.constant 0 : i32
    %dma_wait3A_361 = arith.constant 0 : i32
    %dma_wait3A_362 = tpu.memref_slice %arg16[%dma_wait3A_360, %dma_wait3A_361] : memref<10240x64xf32, #tpu.memory_space<vmem_shared>> -> memref<10240x64xf32, #tpu.memory_space<vmem_shared>>
    tpu.wait_indirect_dma semaphore(%arg27 : memref<!tpu.dma_semaphore, #tpu.memory_space<semaphore_mem>>) src(%arg9 : memref<125x64xf32, #tpu.memory_space<vmem>>) dst(%dma_wait3A_362 : memref<10240x64xf32, #tpu.memory_space<vmem_shared>>)
    %dma_start3A_363 = arith.constant 10 : i32
    %dma_start3A_364 = arith.constant 0 : i32
    %dma_start3A_365 = tpu.memref_slice %arg5[%dma_start3A_363, %dma_start3A_364] : memref<80x125xi32, #tpu.memory_space<vmem>> -> memref<1x125xi32, #tpu.memory_space<vmem>>
    %dma_start3A_366 = tpu.memref_squeeze %dma_start3A_365 : memref<1x125xi32, #tpu.memory_space<vmem>> -> memref<125xi32, #tpu.memory_space<vmem>>
    %dma_start3A_367 = arith.constant 0 : i32
    %dma_start3A_368 = arith.constant 0 : i32
    %dma_start3A_369 = tpu.memref_slice %arg2[%dma_start3A_367, %dma_start3A_368] : memref<10240x64xf32, #tpu.memory_space<hbm>> -> memref<10240x64xf32, #tpu.memory_space<hbm>>
    tpu.enqueue_indirect_dma source(%dma_start3A_369 : memref<10240x64xf32, #tpu.memory_space<hbm>>) target(%arg9 : memref<125x64xf32, #tpu.memory_space<vmem>>) offsets(%dma_start3A_366 : memref<125xi32, #tpu.memory_space<vmem>>) semaphore(%arg19 : memref<!tpu.dma_semaphore, #tpu.memory_space<semaphore_mem>>)
    %dma_wait3A_370 = arith.constant 5 : i32
    %dma_wait3A_371 = arith.constant 0 : i32
    %dma_wait3A_372 = tpu.memref_slice %arg5[%dma_wait3A_370, %dma_wait3A_371] : memref<80x125xi32, #tpu.memory_space<vmem>> -> memref<1x125xi32, #tpu.memory_space<vmem>>
    %dma_wait3A_373 = tpu.memref_squeeze %dma_wait3A_372 : memref<1x125xi32, #tpu.memory_space<vmem>> -> memref<125xi32, #tpu.memory_space<vmem>>
    %dma_wait3A_374 = arith.constant 0 : i32
    %dma_wait3A_375 = arith.constant 0 : i32
    %dma_wait3A_376 = tpu.memref_slice %arg2[%dma_wait3A_374, %dma_wait3A_375] : memref<10240x64xf32, #tpu.memory_space<hbm>> -> memref<10240x64xf32, #tpu.memory_space<hbm>>
    tpu.wait_indirect_dma semaphore(%arg22 : memref<!tpu.dma_semaphore, #tpu.memory_space<semaphore_mem>>) src(%dma_wait3A_376 : memref<10240x64xf32, #tpu.memory_space<hbm>>) dst(%arg12 : memref<125x64xf32, #tpu.memory_space<vmem>>)
    %dma_start3A_377 = arith.constant 5 : i32
    %dma_start3A_378 = arith.constant 0 : i32
    %dma_start3A_379 = tpu.memref_slice %arg6[%dma_start3A_377, %dma_start3A_378] : memref<80x125xi32, #tpu.memory_space<vmem>> -> memref<1x125xi32, #tpu.memory_space<vmem>>
    %dma_start3A_380 = tpu.memref_squeeze %dma_start3A_379 : memref<1x125xi32, #tpu.memory_space<vmem>> -> memref<125xi32, #tpu.memory_space<vmem>>
    %dma_start3A_381 = arith.constant 0 : i32
    %dma_start3A_382 = arith.constant 0 : i32
    %dma_start3A_383 = tpu.memref_slice %arg16[%dma_start3A_381, %dma_start3A_382] : memref<10240x64xf32, #tpu.memory_space<vmem_shared>> -> memref<10240x64xf32, #tpu.memory_space<vmem_shared>>
    tpu.enqueue_indirect_dma source(%arg12 : memref<125x64xf32, #tpu.memory_space<vmem>>) target(%dma_start3A_383 : memref<10240x64xf32, #tpu.memory_space<vmem_shared>>) offsets(%dma_start3A_380 : memref<125xi32, #tpu.memory_space<vmem>>) semaphore(%arg30 : memref<!tpu.dma_semaphore, #tpu.memory_space<semaphore_mem>>) {add = true}
    %dma_wait3A_384 = arith.constant 3 : i32
    %dma_wait3A_385 = arith.constant 0 : i32
    %dma_wait3A_386 = tpu.memref_slice %arg6[%dma_wait3A_384, %dma_wait3A_385] : memref<80x125xi32, #tpu.memory_space<vmem>> -> memref<1x125xi32, #tpu.memory_space<vmem>>
    %dma_wait3A_387 = tpu.memref_squeeze %dma_wait3A_386 : memref<1x125xi32, #tpu.memory_space<vmem>> -> memref<125xi32, #tpu.memory_space<vmem>>
    %dma_wait3A_388 = arith.constant 0 : i32
    %dma_wait3A_389 = arith.constant 0 : i32
    %dma_wait3A_390 = tpu.memref_slice %arg16[%dma_wait3A_388, %dma_wait3A_389] : memref<10240x64xf32, #tpu.memory_space<vmem_shared>> -> memref<10240x64xf32, #tpu.memory_space<vmem_shared>>
    tpu.wait_indirect_dma semaphore(%arg28 : memref<!tpu.dma_semaphore, #tpu.memory_space<semaphore_mem>>) src(%arg10 : memref<125x64xf32, #tpu.memory_space<vmem>>) dst(%dma_wait3A_390 : memref<10240x64xf32, #tpu.memory_space<vmem_shared>>)
    %dma_start3A_391 = arith.constant 11 : i32
    %dma_start3A_392 = arith.constant 0 : i32
    %dma_start3A_393 = tpu.memref_slice %arg5[%dma_start3A_391, %dma_start3A_392] : memref<80x125xi32, #tpu.memory_space<vmem>> -> memref<1x125xi32, #tpu.memory_space<vmem>>
    %dma_start3A_394 = tpu.memref_squeeze %dma_start3A_393 : memref<1x125xi32, #tpu.memory_space<vmem>> -> memref<125xi32, #tpu.memory_space<vmem>>
    %dma_start3A_395 = arith.constant 0 : i32
    %dma_start3A_396 = arith.constant 0 : i32
    %dma_start3A_397 = tpu.memref_slice %arg2[%dma_start3A_395, %dma_start3A_396] : memref<10240x64xf32, #tpu.memory_space<hbm>> -> memref<10240x64xf32, #tpu.memory_space<hbm>>
    tpu.enqueue_indirect_dma source(%dma_start3A_397 : memref<10240x64xf32, #tpu.memory_space<hbm>>) target(%arg10 : memref<125x64xf32, #tpu.memory_space<vmem>>) offsets(%dma_start3A_394 : memref<125xi32, #tpu.memory_space<vmem>>) semaphore(%arg20 : memref<!tpu.dma_semaphore, #tpu.memory_space<semaphore_mem>>)
    %dma_wait3A_398 = arith.constant 6 : i32
    %dma_wait3A_399 = arith.constant 0 : i32
    %dma_wait3A_400 = tpu.memref_slice %arg5[%dma_wait3A_398, %dma_wait3A_399] : memref<80x125xi32, #tpu.memory_space<vmem>> -> memref<1x125xi32, #tpu.memory_space<vmem>>
    %dma_wait3A_401 = tpu.memref_squeeze %dma_wait3A_400 : memref<1x125xi32, #tpu.memory_space<vmem>> -> memref<125xi32, #tpu.memory_space<vmem>>
    %dma_wait3A_402 = arith.constant 0 : i32
    %dma_wait3A_403 = arith.constant 0 : i32
    %dma_wait3A_404 = tpu.memref_slice %arg2[%dma_wait3A_402, %dma_wait3A_403] : memref<10240x64xf32, #tpu.memory_space<hbm>> -> memref<10240x64xf32, #tpu.memory_space<hbm>>
    tpu.wait_indirect_dma semaphore(%arg23 : memref<!tpu.dma_semaphore, #tpu.memory_space<semaphore_mem>>) src(%dma_wait3A_404 : memref<10240x64xf32, #tpu.memory_space<hbm>>) dst(%arg13 : memref<125x64xf32, #tpu.memory_space<vmem>>)
    %dma_start3A_405 = arith.constant 6 : i32
    %dma_start3A_406 = arith.constant 0 : i32
    %dma_start3A_407 = tpu.memref_slice %arg6[%dma_start3A_405, %dma_start3A_406] : memref<80x125xi32, #tpu.memory_space<vmem>> -> memref<1x125xi32, #tpu.memory_space<vmem>>
    %dma_start3A_408 = tpu.memref_squeeze %dma_start3A_407 : memref<1x125xi32, #tpu.memory_space<vmem>> -> memref<125xi32, #tpu.memory_space<vmem>>
    %dma_start3A_409 = arith.constant 0 : i32
    %dma_start3A_410 = arith.constant 0 : i32
    %dma_start3A_411 = tpu.memref_slice %arg16[%dma_start3A_409, %dma_start3A_410] : memref<10240x64xf32, #tpu.memory_space<vmem_shared>> -> memref<10240x64xf32, #tpu.memory_space<vmem_shared>>
    tpu.enqueue_indirect_dma source(%arg13 : memref<125x64xf32, #tpu.memory_space<vmem>>) target(%dma_start3A_411 : memref<10240x64xf32, #tpu.memory_space<vmem_shared>>) offsets(%dma_start3A_408 : memref<125xi32, #tpu.memory_space<vmem>>) semaphore(%arg31 : memref<!tpu.dma_semaphore, #tpu.memory_space<semaphore_mem>>) {add = true}
    %dma_wait3A_412 = arith.constant 4 : i32
    %dma_wait3A_413 = arith.constant 0 : i32
    %dma_wait3A_414 = tpu.memref_slice %arg6[%dma_wait3A_412, %dma_wait3A_413] : memref<80x125xi32, #tpu.memory_space<vmem>> -> memref<1x125xi32, #tpu.memory_space<vmem>>
    %dma_wait3A_415 = tpu.memref_squeeze %dma_wait3A_414 : memref<1x125xi32, #tpu.memory_space<vmem>> -> memref<125xi32, #tpu.memory_space<vmem>>
    %dma_wait3A_416 = arith.constant 0 : i32
    %dma_wait3A_417 = arith.constant 0 : i32
    %dma_wait3A_418 = tpu.memref_slice %arg16[%dma_wait3A_416, %dma_wait3A_417] : memref<10240x64xf32, #tpu.memory_space<vmem_shared>> -> memref<10240x64xf32, #tpu.memory_space<vmem_shared>>
    tpu.wait_indirect_dma semaphore(%arg29 : memref<!tpu.dma_semaphore, #tpu.memory_space<semaphore_mem>>) src(%arg11 : memref<125x64xf32, #tpu.memory_space<vmem>>) dst(%dma_wait3A_418 : memref<10240x64xf32, #tpu.memory_space<vmem_shared>>)
    %dma_start3A_419 = arith.constant 12 : i32
    %dma_start3A_420 = arith.constant 0 : i32
    %dma_start3A_421 = tpu.memref_slice %arg5[%dma_start3A_419, %dma_start3A_420] : memref<80x125xi32, #tpu.memory_space<vmem>> -> memref<1x125xi32, #tpu.memory_space<vmem>>
    %dma_start3A_422 = tpu.memref_squeeze %dma_start3A_421 : memref<1x125xi32, #tpu.memory_space<vmem>> -> memref<125xi32, #tpu.memory_space<vmem>>
    %dma_start3A_423 = arith.constant 0 : i32
    %dma_start3A_424 = arith.constant 0 : i32
    %dma_start3A_425 = tpu.memref_slice %arg2[%dma_start3A_423, %dma_start3A_424] : memref<10240x64xf32, #tpu.memory_space<hbm>> -> memref<10240x64xf32, #tpu.memory_space<hbm>>
    tpu.enqueue_indirect_dma source(%dma_start3A_425 : memref<10240x64xf32, #tpu.memory_space<hbm>>) target(%arg11 : memref<125x64xf32, #tpu.memory_space<vmem>>) offsets(%dma_start3A_422 : memref<125xi32, #tpu.memory_space<vmem>>) semaphore(%arg21 : memref<!tpu.dma_semaphore, #tpu.memory_space<semaphore_mem>>)
    %dma_wait3A_426 = arith.constant 7 : i32
    %dma_wait3A_427 = arith.constant 0 : i32
    %dma_wait3A_428 = tpu.memref_slice %arg5[%dma_wait3A_426, %dma_wait3A_427] : memref<80x125xi32, #tpu.memory_space<vmem>> -> memref<1x125xi32, #tpu.memory_space<vmem>>
    %dma_wait3A_429 = tpu.memref_squeeze %dma_wait3A_428 : memref<1x125xi32, #tpu.memory_space<vmem>> -> memref<125xi32, #tpu.memory_space<vmem>>
    %dma_wait3A_430 = arith.constant 0 : i32
    %dma_wait3A_431 = arith.constant 0 : i32
    %dma_wait3A_432 = tpu.memref_slice %arg2[%dma_wait3A_430, %dma_wait3A_431] : memref<10240x64xf32, #tpu.memory_space<hbm>> -> memref<10240x64xf32, #tpu.memory_space<hbm>>
    tpu.wait_indirect_dma semaphore(%arg24 : memref<!tpu.dma_semaphore, #tpu.memory_space<semaphore_mem>>) src(%dma_wait3A_432 : memref<10240x64xf32, #tpu.memory_space<hbm>>) dst(%arg14 : memref<125x64xf32, #tpu.memory_space<vmem>>)
    %dma_start3A_433 = arith.constant 7 : i32
    %dma_start3A_434 = arith.constant 0 : i32
    %dma_start3A_435 = tpu.memref_slice %arg6[%dma_start3A_433, %dma_start3A_434] : memref<80x125xi32, #tpu.memory_space<vmem>> -> memref<1x125xi32, #tpu.memory_space<vmem>>
    %dma_start3A_436 = tpu.memref_squeeze %dma_start3A_435 : memref<1x125xi32, #tpu.memory_space<vmem>> -> memref<125xi32, #tpu.memory_space<vmem>>
    %dma_start3A_437 = arith.constant 0 : i32
    %dma_start3A_438 = arith.constant 0 : i32
    %dma_start3A_439 = tpu.memref_slice %arg16[%dma_start3A_437, %dma_start3A_438] : memref<10240x64xf32, #tpu.memory_space<vmem_shared>> -> memref<10240x64xf32, #tpu.memory_space<vmem_shared>>
    tpu.enqueue_indirect_dma source(%arg14 : memref<125x64xf32, #tpu.memory_space<vmem>>) target(%dma_start3A_439 : memref<10240x64xf32, #tpu.memory_space<vmem_shared>>) offsets(%dma_start3A_436 : memref<125xi32, #tpu.memory_space<vmem>>) semaphore(%arg32 : memref<!tpu.dma_semaphore, #tpu.memory_space<semaphore_mem>>) {add = true}
    %scan3A_440 = arith.constant 0 : i32
    %scan3A_441 = arith.constant 1 : i32
    %scan3A_442 = arith.constant 8 : i32
    %scan3A_443 = arith.addi %scan3A_441, %scan3A_442 : i32
    %scan3A_444 = arith.constant 1 : i32
    %scan3A_445 = scf.for %scan3A_662 = %scan3A_441 to %scan3A_443 step %scan3A_444 iter_args(%scan3A_663 = %scan3A_440) -> (i32)  : i32 {
      %mul3A_664 = arith.constant 8 : i32
      %mul3A_665 = arith.muli %mul3A_664, %scan3A_662 : i32
      %add3A_666 = arith.constant 0 : i32
      %add3A_667 = arith.addi %mul3A_665, %add3A_666 : i32
      %add3A_668 = arith.constant 5 : i32
      %add3A_669 = arith.addi %add3A_667, %add3A_668 : i32
      %sub3A = arith.constant 8 : i32
      %sub3A_670 = arith.subi %add3A_669, %sub3A : i32
      %dma_wait3A_671 = arith.constant 0 : i32
      %dma_wait3A_672 = tpu.memref_slice %arg6[%sub3A_670, %dma_wait3A_671] : memref<80x125xi32, #tpu.memory_space<vmem>> -> memref<1x125xi32, #tpu.memory_space<vmem>>
      %dma_wait3A_673 = tpu.memref_squeeze %dma_wait3A_672 : memref<1x125xi32, #tpu.memory_space<vmem>> -> memref<125xi32, #tpu.memory_space<vmem>>
      %dma_wait3A_674 = arith.constant 0 : i32
      %dma_wait3A_675 = arith.constant 0 : i32
      %dma_wait3A_676 = tpu.memref_slice %arg16[%dma_wait3A_674, %dma_wait3A_675] : memref<10240x64xf32, #tpu.memory_space<vmem_shared>> -> memref<10240x64xf32, #tpu.memory_space<vmem_shared>>
      tpu.wait_indirect_dma semaphore(%arg30 : memref<!tpu.dma_semaphore, #tpu.memory_space<semaphore_mem>>) src(%arg12 : memref<125x64xf32, #tpu.memory_space<vmem>>) dst(%dma_wait3A_676 : memref<10240x64xf32, #tpu.memory_space<vmem_shared>>)
      %add3A_677 = arith.constant 5 : i32
      %add3A_678 = arith.addi %add3A_667, %add3A_677 : i32
      %dma_start3A_679 = arith.constant 0 : i32
      %dma_start3A_680 = tpu.memref_slice %arg5[%add3A_678, %dma_start3A_679] : memref<80x125xi32, #tpu.memory_space<vmem>> -> memref<1x125xi32, #tpu.memory_space<vmem>>
      %dma_start3A_681 = tpu.memref_squeeze %dma_start3A_680 : memref<1x125xi32, #tpu.memory_space<vmem>> -> memref<125xi32, #tpu.memory_space<vmem>>
      %dma_start3A_682 = arith.constant 0 : i32
      %dma_start3A_683 = arith.constant 0 : i32
      %dma_start3A_684 = tpu.memref_slice %arg2[%dma_start3A_682, %dma_start3A_683] : memref<10240x64xf32, #tpu.memory_space<hbm>> -> memref<10240x64xf32, #tpu.memory_space<hbm>>
      tpu.enqueue_indirect_dma source(%dma_start3A_684 : memref<10240x64xf32, #tpu.memory_space<hbm>>) target(%arg12 : memref<125x64xf32, #tpu.memory_space<vmem>>) offsets(%dma_start3A_681 : memref<125xi32, #tpu.memory_space<vmem>>) semaphore(%arg22 : memref<!tpu.dma_semaphore, #tpu.memory_space<semaphore_mem>>)
      %dma_wait3A_685 = arith.constant 0 : i32
      %dma_wait3A_686 = tpu.memref_slice %arg5[%add3A_667, %dma_wait3A_685] : memref<80x125xi32, #tpu.memory_space<vmem>> -> memref<1x125xi32, #tpu.memory_space<vmem>>
      %dma_wait3A_687 = tpu.memref_squeeze %dma_wait3A_686 : memref<1x125xi32, #tpu.memory_space<vmem>> -> memref<125xi32, #tpu.memory_space<vmem>>
      %dma_wait3A_688 = arith.constant 0 : i32
      %dma_wait3A_689 = arith.constant 0 : i32
      %dma_wait3A_690 = tpu.memref_slice %arg2[%dma_wait3A_688, %dma_wait3A_689] : memref<10240x64xf32, #tpu.memory_space<hbm>> -> memref<10240x64xf32, #tpu.memory_space<hbm>>
      tpu.wait_indirect_dma semaphore(%arg17 : memref<!tpu.dma_semaphore, #tpu.memory_space<semaphore_mem>>) src(%dma_wait3A_690 : memref<10240x64xf32, #tpu.memory_space<hbm>>) dst(%arg7 : memref<125x64xf32, #tpu.memory_space<vmem>>)
      %dma_start3A_691 = arith.constant 0 : i32
      %dma_start3A_692 = tpu.memref_slice %arg6[%add3A_667, %dma_start3A_691] : memref<80x125xi32, #tpu.memory_space<vmem>> -> memref<1x125xi32, #tpu.memory_space<vmem>>
      %dma_start3A_693 = tpu.memref_squeeze %dma_start3A_692 : memref<1x125xi32, #tpu.memory_space<vmem>> -> memref<125xi32, #tpu.memory_space<vmem>>
      %dma_start3A_694 = arith.constant 0 : i32
      %dma_start3A_695 = arith.constant 0 : i32
      %dma_start3A_696 = tpu.memref_slice %arg16[%dma_start3A_694, %dma_start3A_695] : memref<10240x64xf32, #tpu.memory_space<vmem_shared>> -> memref<10240x64xf32, #tpu.memory_space<vmem_shared>>
      tpu.enqueue_indirect_dma source(%arg7 : memref<125x64xf32, #tpu.memory_space<vmem>>) target(%dma_start3A_696 : memref<10240x64xf32, #tpu.memory_space<vmem_shared>>) offsets(%dma_start3A_693 : memref<125xi32, #tpu.memory_space<vmem>>) semaphore(%arg25 : memref<!tpu.dma_semaphore, #tpu.memory_space<semaphore_mem>>) {add = true}
      %add3A_697 = arith.constant 1 : i32
      %add3A_698 = arith.addi %mul3A_665, %add3A_697 : i32
      %add3A_699 = arith.constant 5 : i32
      %add3A_700 = arith.addi %add3A_698, %add3A_699 : i32
      %sub3A_701 = arith.constant 8 : i32
      %sub3A_702 = arith.subi %add3A_700, %sub3A_701 : i32
      %dma_wait3A_703 = arith.constant 0 : i32
      %dma_wait3A_704 = tpu.memref_slice %arg6[%sub3A_702, %dma_wait3A_703] : memref<80x125xi32, #tpu.memory_space<vmem>> -> memref<1x125xi32, #tpu.memory_space<vmem>>
      %dma_wait3A_705 = tpu.memref_squeeze %dma_wait3A_704 : memref<1x125xi32, #tpu.memory_space<vmem>> -> memref<125xi32, #tpu.memory_space<vmem>>
      %dma_wait3A_706 = arith.constant 0 : i32
      %dma_wait3A_707 = arith.constant 0 : i32
      %dma_wait3A_708 = tpu.memref_slice %arg16[%dma_wait3A_706, %dma_wait3A_707] : memref<10240x64xf32, #tpu.memory_space<vmem_shared>> -> memref<10240x64xf32, #tpu.memory_space<vmem_shared>>
      tpu.wait_indirect_dma semaphore(%arg31 : memref<!tpu.dma_semaphore, #tpu.memory_space<semaphore_mem>>) src(%arg13 : memref<125x64xf32, #tpu.memory_space<vmem>>) dst(%dma_wait3A_708 : memref<10240x64xf32, #tpu.memory_space<vmem_shared>>)
      %add3A_709 = arith.constant 5 : i32
      %add3A_710 = arith.addi %add3A_698, %add3A_709 : i32
      %dma_start3A_711 = arith.constant 0 : i32
      %dma_start3A_712 = tpu.memref_slice %arg5[%add3A_710, %dma_start3A_711] : memref<80x125xi32, #tpu.memory_space<vmem>> -> memref<1x125xi32, #tpu.memory_space<vmem>>
      %dma_start3A_713 = tpu.memref_squeeze %dma_start3A_712 : memref<1x125xi32, #tpu.memory_space<vmem>> -> memref<125xi32, #tpu.memory_space<vmem>>
      %dma_start3A_714 = arith.constant 0 : i32
      %dma_start3A_715 = arith.constant 0 : i32
      %dma_start3A_716 = tpu.memref_slice %arg2[%dma_start3A_714, %dma_start3A_715] : memref<10240x64xf32, #tpu.memory_space<hbm>> -> memref<10240x64xf32, #tpu.memory_space<hbm>>
      tpu.enqueue_indirect_dma source(%dma_start3A_716 : memref<10240x64xf32, #tpu.memory_space<hbm>>) target(%arg13 : memref<125x64xf32, #tpu.memory_space<vmem>>) offsets(%dma_start3A_713 : memref<125xi32, #tpu.memory_space<vmem>>) semaphore(%arg23 : memref<!tpu.dma_semaphore, #tpu.memory_space<semaphore_mem>>)
      %dma_wait3A_717 = arith.constant 0 : i32
      %dma_wait3A_718 = tpu.memref_slice %arg5[%add3A_698, %dma_wait3A_717] : memref<80x125xi32, #tpu.memory_space<vmem>> -> memref<1x125xi32, #tpu.memory_space<vmem>>
      %dma_wait3A_719 = tpu.memref_squeeze %dma_wait3A_718 : memref<1x125xi32, #tpu.memory_space<vmem>> -> memref<125xi32, #tpu.memory_space<vmem>>
      %dma_wait3A_720 = arith.constant 0 : i32
      %dma_wait3A_721 = arith.constant 0 : i32
      %dma_wait3A_722 = tpu.memref_slice %arg2[%dma_wait3A_720, %dma_wait3A_721] : memref<10240x64xf32, #tpu.memory_space<hbm>> -> memref<10240x64xf32, #tpu.memory_space<hbm>>
      tpu.wait_indirect_dma semaphore(%arg18 : memref<!tpu.dma_semaphore, #tpu.memory_space<semaphore_mem>>) src(%dma_wait3A_722 : memref<10240x64xf32, #tpu.memory_space<hbm>>) dst(%arg8 : memref<125x64xf32, #tpu.memory_space<vmem>>)
      %dma_start3A_723 = arith.constant 0 : i32
      %dma_start3A_724 = tpu.memref_slice %arg6[%add3A_698, %dma_start3A_723] : memref<80x125xi32, #tpu.memory_space<vmem>> -> memref<1x125xi32, #tpu.memory_space<vmem>>
      %dma_start3A_725 = tpu.memref_squeeze %dma_start3A_724 : memref<1x125xi32, #tpu.memory_space<vmem>> -> memref<125xi32, #tpu.memory_space<vmem>>
      %dma_start3A_726 = arith.constant 0 : i32
      %dma_start3A_727 = arith.constant 0 : i32
      %dma_start3A_728 = tpu.memref_slice %arg16[%dma_start3A_726, %dma_start3A_727] : memref<10240x64xf32, #tpu.memory_space<vmem_shared>> -> memref<10240x64xf32, #tpu.memory_space<vmem_shared>>
      tpu.enqueue_indirect_dma source(%arg8 : memref<125x64xf32, #tpu.memory_space<vmem>>) target(%dma_start3A_728 : memref<10240x64xf32, #tpu.memory_space<vmem_shared>>) offsets(%dma_start3A_725 : memref<125xi32, #tpu.memory_space<vmem>>) semaphore(%arg26 : memref<!tpu.dma_semaphore, #tpu.memory_space<semaphore_mem>>) {add = true}
      %add3A_729 = arith.constant 2 : i32
      %add3A_730 = arith.addi %mul3A_665, %add3A_729 : i32
      %add3A_731 = arith.constant 5 : i32
      %add3A_732 = arith.addi %add3A_730, %add3A_731 : i32
      %sub3A_733 = arith.constant 8 : i32
      %sub3A_734 = arith.subi %add3A_732, %sub3A_733 : i32
      %dma_wait3A_735 = arith.constant 0 : i32
      %dma_wait3A_736 = tpu.memref_slice %arg6[%sub3A_734, %dma_wait3A_735] : memref<80x125xi32, #tpu.memory_space<vmem>> -> memref<1x125xi32, #tpu.memory_space<vmem>>
      %dma_wait3A_737 = tpu.memref_squeeze %dma_wait3A_736 : memref<1x125xi32, #tpu.memory_space<vmem>> -> memref<125xi32, #tpu.memory_space<vmem>>
      %dma_wait3A_738 = arith.constant 0 : i32
      %dma_wait3A_739 = arith.constant 0 : i32
      %dma_wait3A_740 = tpu.memref_slice %arg16[%dma_wait3A_738, %dma_wait3A_739] : memref<10240x64xf32, #tpu.memory_space<vmem_shared>> -> memref<10240x64xf32, #tpu.memory_space<vmem_shared>>
      tpu.wait_indirect_dma semaphore(%arg32 : memref<!tpu.dma_semaphore, #tpu.memory_space<semaphore_mem>>) src(%arg14 : memref<125x64xf32, #tpu.memory_space<vmem>>) dst(%dma_wait3A_740 : memref<10240x64xf32, #tpu.memory_space<vmem_shared>>)
      %add3A_741 = arith.constant 5 : i32
      %add3A_742 = arith.addi %add3A_730, %add3A_741 : i32
      %dma_start3A_743 = arith.constant 0 : i32
      %dma_start3A_744 = tpu.memref_slice %arg5[%add3A_742, %dma_start3A_743] : memref<80x125xi32, #tpu.memory_space<vmem>> -> memref<1x125xi32, #tpu.memory_space<vmem>>
      %dma_start3A_745 = tpu.memref_squeeze %dma_start3A_744 : memref<1x125xi32, #tpu.memory_space<vmem>> -> memref<125xi32, #tpu.memory_space<vmem>>
      %dma_start3A_746 = arith.constant 0 : i32
      %dma_start3A_747 = arith.constant 0 : i32
      %dma_start3A_748 = tpu.memref_slice %arg2[%dma_start3A_746, %dma_start3A_747] : memref<10240x64xf32, #tpu.memory_space<hbm>> -> memref<10240x64xf32, #tpu.memory_space<hbm>>
      tpu.enqueue_indirect_dma source(%dma_start3A_748 : memref<10240x64xf32, #tpu.memory_space<hbm>>) target(%arg14 : memref<125x64xf32, #tpu.memory_space<vmem>>) offsets(%dma_start3A_745 : memref<125xi32, #tpu.memory_space<vmem>>) semaphore(%arg24 : memref<!tpu.dma_semaphore, #tpu.memory_space<semaphore_mem>>)
      %dma_wait3A_749 = arith.constant 0 : i32
      %dma_wait3A_750 = tpu.memref_slice %arg5[%add3A_730, %dma_wait3A_749] : memref<80x125xi32, #tpu.memory_space<vmem>> -> memref<1x125xi32, #tpu.memory_space<vmem>>
      %dma_wait3A_751 = tpu.memref_squeeze %dma_wait3A_750 : memref<1x125xi32, #tpu.memory_space<vmem>> -> memref<125xi32, #tpu.memory_space<vmem>>
      %dma_wait3A_752 = arith.constant 0 : i32
      %dma_wait3A_753 = arith.constant 0 : i32
      %dma_wait3A_754 = tpu.memref_slice %arg2[%dma_wait3A_752, %dma_wait3A_753] : memref<10240x64xf32, #tpu.memory_space<hbm>> -> memref<10240x64xf32, #tpu.memory_space<hbm>>
      tpu.wait_indirect_dma semaphore(%arg19 : memref<!tpu.dma_semaphore, #tpu.memory_space<semaphore_mem>>) src(%dma_wait3A_754 : memref<10240x64xf32, #tpu.memory_space<hbm>>) dst(%arg9 : memref<125x64xf32, #tpu.memory_space<vmem>>)
      %dma_start3A_755 = arith.constant 0 : i32
      %dma_start3A_756 = tpu.memref_slice %arg6[%add3A_730, %dma_start3A_755] : memref<80x125xi32, #tpu.memory_space<vmem>> -> memref<1x125xi32, #tpu.memory_space<vmem>>
      %dma_start3A_757 = tpu.memref_squeeze %dma_start3A_756 : memref<1x125xi32, #tpu.memory_space<vmem>> -> memref<125xi32, #tpu.memory_space<vmem>>
      %dma_start3A_758 = arith.constant 0 : i32
      %dma_start3A_759 = arith.constant 0 : i32
      %dma_start3A_760 = tpu.memref_slice %arg16[%dma_start3A_758, %dma_start3A_759] : memref<10240x64xf32, #tpu.memory_space<vmem_shared>> -> memref<10240x64xf32, #tpu.memory_space<vmem_shared>>
      tpu.enqueue_indirect_dma source(%arg9 : memref<125x64xf32, #tpu.memory_space<vmem>>) target(%dma_start3A_760 : memref<10240x64xf32, #tpu.memory_space<vmem_shared>>) offsets(%dma_start3A_757 : memref<125xi32, #tpu.memory_space<vmem>>) semaphore(%arg27 : memref<!tpu.dma_semaphore, #tpu.memory_space<semaphore_mem>>) {add = true}
      %add3A_761 = arith.constant 3 : i32
      %add3A_762 = arith.addi %mul3A_665, %add3A_761 : i32
      %add3A_763 = arith.constant 5 : i32
      %add3A_764 = arith.addi %add3A_762, %add3A_763 : i32
      %sub3A_765 = arith.constant 8 : i32
      %sub3A_766 = arith.subi %add3A_764, %sub3A_765 : i32
      %dma_wait3A_767 = arith.constant 0 : i32
      %dma_wait3A_768 = tpu.memref_slice %arg6[%sub3A_766, %dma_wait3A_767] : memref<80x125xi32, #tpu.memory_space<vmem>> -> memref<1x125xi32, #tpu.memory_space<vmem>>
      %dma_wait3A_769 = tpu.memref_squeeze %dma_wait3A_768 : memref<1x125xi32, #tpu.memory_space<vmem>> -> memref<125xi32, #tpu.memory_space<vmem>>
      %dma_wait3A_770 = arith.constant 0 : i32
      %dma_wait3A_771 = arith.constant 0 : i32
      %dma_wait3A_772 = tpu.memref_slice %arg16[%dma_wait3A_770, %dma_wait3A_771] : memref<10240x64xf32, #tpu.memory_space<vmem_shared>> -> memref<10240x64xf32, #tpu.memory_space<vmem_shared>>
      tpu.wait_indirect_dma semaphore(%arg25 : memref<!tpu.dma_semaphore, #tpu.memory_space<semaphore_mem>>) src(%arg7 : memref<125x64xf32, #tpu.memory_space<vmem>>) dst(%dma_wait3A_772 : memref<10240x64xf32, #tpu.memory_space<vmem_shared>>)
      %add3A_773 = arith.constant 5 : i32
      %add3A_774 = arith.addi %add3A_762, %add3A_773 : i32
      %dma_start3A_775 = arith.constant 0 : i32
      %dma_start3A_776 = tpu.memref_slice %arg5[%add3A_774, %dma_start3A_775] : memref<80x125xi32, #tpu.memory_space<vmem>> -> memref<1x125xi32, #tpu.memory_space<vmem>>
      %dma_start3A_777 = tpu.memref_squeeze %dma_start3A_776 : memref<1x125xi32, #tpu.memory_space<vmem>> -> memref<125xi32, #tpu.memory_space<vmem>>
      %dma_start3A_778 = arith.constant 0 : i32
      %dma_start3A_779 = arith.constant 0 : i32
      %dma_start3A_780 = tpu.memref_slice %arg2[%dma_start3A_778, %dma_start3A_779] : memref<10240x64xf32, #tpu.memory_space<hbm>> -> memref<10240x64xf32, #tpu.memory_space<hbm>>
      tpu.enqueue_indirect_dma source(%dma_start3A_780 : memref<10240x64xf32, #tpu.memory_space<hbm>>) target(%arg7 : memref<125x64xf32, #tpu.memory_space<vmem>>) offsets(%dma_start3A_777 : memref<125xi32, #tpu.memory_space<vmem>>) semaphore(%arg17 : memref<!tpu.dma_semaphore, #tpu.memory_space<semaphore_mem>>)
      %dma_wait3A_781 = arith.constant 0 : i32
      %dma_wait3A_782 = tpu.memref_slice %arg5[%add3A_762, %dma_wait3A_781] : memref<80x125xi32, #tpu.memory_space<vmem>> -> memref<1x125xi32, #tpu.memory_space<vmem>>
      %dma_wait3A_783 = tpu.memref_squeeze %dma_wait3A_782 : memref<1x125xi32, #tpu.memory_space<vmem>> -> memref<125xi32, #tpu.memory_space<vmem>>
      %dma_wait3A_784 = arith.constant 0 : i32
      %dma_wait3A_785 = arith.constant 0 : i32
      %dma_wait3A_786 = tpu.memref_slice %arg2[%dma_wait3A_784, %dma_wait3A_785] : memref<10240x64xf32, #tpu.memory_space<hbm>> -> memref<10240x64xf32, #tpu.memory_space<hbm>>
      tpu.wait_indirect_dma semaphore(%arg20 : memref<!tpu.dma_semaphore, #tpu.memory_space<semaphore_mem>>) src(%dma_wait3A_786 : memref<10240x64xf32, #tpu.memory_space<hbm>>) dst(%arg10 : memref<125x64xf32, #tpu.memory_space<vmem>>)
      %dma_start3A_787 = arith.constant 0 : i32
      %dma_start3A_788 = tpu.memref_slice %arg6[%add3A_762, %dma_start3A_787] : memref<80x125xi32, #tpu.memory_space<vmem>> -> memref<1x125xi32, #tpu.memory_space<vmem>>
      %dma_start3A_789 = tpu.memref_squeeze %dma_start3A_788 : memref<1x125xi32, #tpu.memory_space<vmem>> -> memref<125xi32, #tpu.memory_space<vmem>>
      %dma_start3A_790 = arith.constant 0 : i32
      %dma_start3A_791 = arith.constant 0 : i32
      %dma_start3A_792 = tpu.memref_slice %arg16[%dma_start3A_790, %dma_start3A_791] : memref<10240x64xf32, #tpu.memory_space<vmem_shared>> -> memref<10240x64xf32, #tpu.memory_space<vmem_shared>>
      tpu.enqueue_indirect_dma source(%arg10 : memref<125x64xf32, #tpu.memory_space<vmem>>) target(%dma_start3A_792 : memref<10240x64xf32, #tpu.memory_space<vmem_shared>>) offsets(%dma_start3A_789 : memref<125xi32, #tpu.memory_space<vmem>>) semaphore(%arg28 : memref<!tpu.dma_semaphore, #tpu.memory_space<semaphore_mem>>) {add = true}
      %add3A_793 = arith.constant 4 : i32
      %add3A_794 = arith.addi %mul3A_665, %add3A_793 : i32
      %add3A_795 = arith.constant 5 : i32
      %add3A_796 = arith.addi %add3A_794, %add3A_795 : i32
      %sub3A_797 = arith.constant 8 : i32
      %sub3A_798 = arith.subi %add3A_796, %sub3A_797 : i32
      %dma_wait3A_799 = arith.constant 0 : i32
      %dma_wait3A_800 = tpu.memref_slice %arg6[%sub3A_798, %dma_wait3A_799] : memref<80x125xi32, #tpu.memory_space<vmem>> -> memref<1x125xi32, #tpu.memory_space<vmem>>
      %dma_wait3A_801 = tpu.memref_squeeze %dma_wait3A_800 : memref<1x125xi32, #tpu.memory_space<vmem>> -> memref<125xi32, #tpu.memory_space<vmem>>
      %dma_wait3A_802 = arith.constant 0 : i32
      %dma_wait3A_803 = arith.constant 0 : i32
      %dma_wait3A_804 = tpu.memref_slice %arg16[%dma_wait3A_802, %dma_wait3A_803] : memref<10240x64xf32, #tpu.memory_space<vmem_shared>> -> memref<10240x64xf32, #tpu.memory_space<vmem_shared>>
      tpu.wait_indirect_dma semaphore(%arg26 : memref<!tpu.dma_semaphore, #tpu.memory_space<semaphore_mem>>) src(%arg8 : memref<125x64xf32, #tpu.memory_space<vmem>>) dst(%dma_wait3A_804 : memref<10240x64xf32, #tpu.memory_space<vmem_shared>>)
      %add3A_805 = arith.constant 5 : i32
      %add3A_806 = arith.addi %add3A_794, %add3A_805 : i32
      %dma_start3A_807 = arith.constant 0 : i32
      %dma_start3A_808 = tpu.memref_slice %arg5[%add3A_806, %dma_start3A_807] : memref<80x125xi32, #tpu.memory_space<vmem>> -> memref<1x125xi32, #tpu.memory_space<vmem>>
      %dma_start3A_809 = tpu.memref_squeeze %dma_start3A_808 : memref<1x125xi32, #tpu.memory_space<vmem>> -> memref<125xi32, #tpu.memory_space<vmem>>
      %dma_start3A_810 = arith.constant 0 : i32
      %dma_start3A_811 = arith.constant 0 : i32
      %dma_start3A_812 = tpu.memref_slice %arg2[%dma_start3A_810, %dma_start3A_811] : memref<10240x64xf32, #tpu.memory_space<hbm>> -> memref<10240x64xf32, #tpu.memory_space<hbm>>
      tpu.enqueue_indirect_dma source(%dma_start3A_812 : memref<10240x64xf32, #tpu.memory_space<hbm>>) target(%arg8 : memref<125x64xf32, #tpu.memory_space<vmem>>) offsets(%dma_start3A_809 : memref<125xi32, #tpu.memory_space<vmem>>) semaphore(%arg18 : memref<!tpu.dma_semaphore, #tpu.memory_space<semaphore_mem>>)
      %dma_wait3A_813 = arith.constant 0 : i32
      %dma_wait3A_814 = tpu.memref_slice %arg5[%add3A_794, %dma_wait3A_813] : memref<80x125xi32, #tpu.memory_space<vmem>> -> memref<1x125xi32, #tpu.memory_space<vmem>>
      %dma_wait3A_815 = tpu.memref_squeeze %dma_wait3A_814 : memref<1x125xi32, #tpu.memory_space<vmem>> -> memref<125xi32, #tpu.memory_space<vmem>>
      %dma_wait3A_816 = arith.constant 0 : i32
      %dma_wait3A_817 = arith.constant 0 : i32
      %dma_wait3A_818 = tpu.memref_slice %arg2[%dma_wait3A_816, %dma_wait3A_817] : memref<10240x64xf32, #tpu.memory_space<hbm>> -> memref<10240x64xf32, #tpu.memory_space<hbm>>
      tpu.wait_indirect_dma semaphore(%arg21 : memref<!tpu.dma_semaphore, #tpu.memory_space<semaphore_mem>>) src(%dma_wait3A_818 : memref<10240x64xf32, #tpu.memory_space<hbm>>) dst(%arg11 : memref<125x64xf32, #tpu.memory_space<vmem>>)
      %dma_start3A_819 = arith.constant 0 : i32
      %dma_start3A_820 = tpu.memref_slice %arg6[%add3A_794, %dma_start3A_819] : memref<80x125xi32, #tpu.memory_space<vmem>> -> memref<1x125xi32, #tpu.memory_space<vmem>>
      %dma_start3A_821 = tpu.memref_squeeze %dma_start3A_820 : memref<1x125xi32, #tpu.memory_space<vmem>> -> memref<125xi32, #tpu.memory_space<vmem>>
      %dma_start3A_822 = arith.constant 0 : i32
      %dma_start3A_823 = arith.constant 0 : i32
      %dma_start3A_824 = tpu.memref_slice %arg16[%dma_start3A_822, %dma_start3A_823] : memref<10240x64xf32, #tpu.memory_space<vmem_shared>> -> memref<10240x64xf32, #tpu.memory_space<vmem_shared>>
      tpu.enqueue_indirect_dma source(%arg11 : memref<125x64xf32, #tpu.memory_space<vmem>>) target(%dma_start3A_824 : memref<10240x64xf32, #tpu.memory_space<vmem_shared>>) offsets(%dma_start3A_821 : memref<125xi32, #tpu.memory_space<vmem>>) semaphore(%arg29 : memref<!tpu.dma_semaphore, #tpu.memory_space<semaphore_mem>>) {add = true}
      %add3A_825 = arith.constant 5 : i32
      %add3A_826 = arith.addi %mul3A_665, %add3A_825 : i32
      %add3A_827 = arith.constant 5 : i32
      %add3A_828 = arith.addi %add3A_826, %add3A_827 : i32
      %sub3A_829 = arith.constant 8 : i32
      %sub3A_830 = arith.subi %add3A_828, %sub3A_829 : i32
      %dma_wait3A_831 = arith.constant 0 : i32
      %dma_wait3A_832 = tpu.memref_slice %arg6[%sub3A_830, %dma_wait3A_831] : memref<80x125xi32, #tpu.memory_space<vmem>> -> memref<1x125xi32, #tpu.memory_space<vmem>>
      %dma_wait3A_833 = tpu.memref_squeeze %dma_wait3A_832 : memref<1x125xi32, #tpu.memory_space<vmem>> -> memref<125xi32, #tpu.memory_space<vmem>>
      %dma_wait3A_834 = arith.constant 0 : i32
      %dma_wait3A_835 = arith.constant 0 : i32
      %dma_wait3A_836 = tpu.memref_slice %arg16[%dma_wait3A_834, %dma_wait3A_835] : memref<10240x64xf32, #tpu.memory_space<vmem_shared>> -> memref<10240x64xf32, #tpu.memory_space<vmem_shared>>
      tpu.wait_indirect_dma semaphore(%arg27 : memref<!tpu.dma_semaphore, #tpu.memory_space<semaphore_mem>>) src(%arg9 : memref<125x64xf32, #tpu.memory_space<vmem>>) dst(%dma_wait3A_836 : memref<10240x64xf32, #tpu.memory_space<vmem_shared>>)
      %add3A_837 = arith.constant 5 : i32
      %add3A_838 = arith.addi %add3A_826, %add3A_837 : i32
      %dma_start3A_839 = arith.constant 0 : i32
      %dma_start3A_840 = tpu.memref_slice %arg5[%add3A_838, %dma_start3A_839] : memref<80x125xi32, #tpu.memory_space<vmem>> -> memref<1x125xi32, #tpu.memory_space<vmem>>
      %dma_start3A_841 = tpu.memref_squeeze %dma_start3A_840 : memref<1x125xi32, #tpu.memory_space<vmem>> -> memref<125xi32, #tpu.memory_space<vmem>>
      %dma_start3A_842 = arith.constant 0 : i32
      %dma_start3A_843 = arith.constant 0 : i32
      %dma_start3A_844 = tpu.memref_slice %arg2[%dma_start3A_842, %dma_start3A_843] : memref<10240x64xf32, #tpu.memory_space<hbm>> -> memref<10240x64xf32, #tpu.memory_space<hbm>>
      tpu.enqueue_indirect_dma source(%dma_start3A_844 : memref<10240x64xf32, #tpu.memory_space<hbm>>) target(%arg9 : memref<125x64xf32, #tpu.memory_space<vmem>>) offsets(%dma_start3A_841 : memref<125xi32, #tpu.memory_space<vmem>>) semaphore(%arg19 : memref<!tpu.dma_semaphore, #tpu.memory_space<semaphore_mem>>)
      %dma_wait3A_845 = arith.constant 0 : i32
      %dma_wait3A_846 = tpu.memref_slice %arg5[%add3A_826, %dma_wait3A_845] : memref<80x125xi32, #tpu.memory_space<vmem>> -> memref<1x125xi32, #tpu.memory_space<vmem>>
      %dma_wait3A_847 = tpu.memref_squeeze %dma_wait3A_846 : memref<1x125xi32, #tpu.memory_space<vmem>> -> memref<125xi32, #tpu.memory_space<vmem>>
      %dma_wait3A_848 = arith.constant 0 : i32
      %dma_wait3A_849 = arith.constant 0 : i32
      %dma_wait3A_850 = tpu.memref_slice %arg2[%dma_wait3A_848, %dma_wait3A_849] : memref<10240x64xf32, #tpu.memory_space<hbm>> -> memref<10240x64xf32, #tpu.memory_space<hbm>>
      tpu.wait_indirect_dma semaphore(%arg22 : memref<!tpu.dma_semaphore, #tpu.memory_space<semaphore_mem>>) src(%dma_wait3A_850 : memref<10240x64xf32, #tpu.memory_space<hbm>>) dst(%arg12 : memref<125x64xf32, #tpu.memory_space<vmem>>)
      %dma_start3A_851 = arith.constant 0 : i32
      %dma_start3A_852 = tpu.memref_slice %arg6[%add3A_826, %dma_start3A_851] : memref<80x125xi32, #tpu.memory_space<vmem>> -> memref<1x125xi32, #tpu.memory_space<vmem>>
      %dma_start3A_853 = tpu.memref_squeeze %dma_start3A_852 : memref<1x125xi32, #tpu.memory_space<vmem>> -> memref<125xi32, #tpu.memory_space<vmem>>
      %dma_start3A_854 = arith.constant 0 : i32
      %dma_start3A_855 = arith.constant 0 : i32
      %dma_start3A_856 = tpu.memref_slice %arg16[%dma_start3A_854, %dma_start3A_855] : memref<10240x64xf32, #tpu.memory_space<vmem_shared>> -> memref<10240x64xf32, #tpu.memory_space<vmem_shared>>
      tpu.enqueue_indirect_dma source(%arg12 : memref<125x64xf32, #tpu.memory_space<vmem>>) target(%dma_start3A_856 : memref<10240x64xf32, #tpu.memory_space<vmem_shared>>) offsets(%dma_start3A_853 : memref<125xi32, #tpu.memory_space<vmem>>) semaphore(%arg30 : memref<!tpu.dma_semaphore, #tpu.memory_space<semaphore_mem>>) {add = true}
      %add3A_857 = arith.constant 6 : i32
      %add3A_858 = arith.addi %mul3A_665, %add3A_857 : i32
      %add3A_859 = arith.constant 5 : i32
      %add3A_860 = arith.addi %add3A_858, %add3A_859 : i32
      %sub3A_861 = arith.constant 8 : i32
      %sub3A_862 = arith.subi %add3A_860, %sub3A_861 : i32
      %dma_wait3A_863 = arith.constant 0 : i32
      %dma_wait3A_864 = tpu.memref_slice %arg6[%sub3A_862, %dma_wait3A_863] : memref<80x125xi32, #tpu.memory_space<vmem>> -> memref<1x125xi32, #tpu.memory_space<vmem>>
      %dma_wait3A_865 = tpu.memref_squeeze %dma_wait3A_864 : memref<1x125xi32, #tpu.memory_space<vmem>> -> memref<125xi32, #tpu.memory_space<vmem>>
      %dma_wait3A_866 = arith.constant 0 : i32
      %dma_wait3A_867 = arith.constant 0 : i32
      %dma_wait3A_868 = tpu.memref_slice %arg16[%dma_wait3A_866, %dma_wait3A_867] : memref<10240x64xf32, #tpu.memory_space<vmem_shared>> -> memref<10240x64xf32, #tpu.memory_space<vmem_shared>>
      tpu.wait_indirect_dma semaphore(%arg28 : memref<!tpu.dma_semaphore, #tpu.memory_space<semaphore_mem>>) src(%arg10 : memref<125x64xf32, #tpu.memory_space<vmem>>) dst(%dma_wait3A_868 : memref<10240x64xf32, #tpu.memory_space<vmem_shared>>)
      %add3A_869 = arith.constant 5 : i32
      %add3A_870 = arith.addi %add3A_858, %add3A_869 : i32
      %dma_start3A_871 = arith.constant 0 : i32
      %dma_start3A_872 = tpu.memref_slice %arg5[%add3A_870, %dma_start3A_871] : memref<80x125xi32, #tpu.memory_space<vmem>> -> memref<1x125xi32, #tpu.memory_space<vmem>>
      %dma_start3A_873 = tpu.memref_squeeze %dma_start3A_872 : memref<1x125xi32, #tpu.memory_space<vmem>> -> memref<125xi32, #tpu.memory_space<vmem>>
      %dma_start3A_874 = arith.constant 0 : i32
      %dma_start3A_875 = arith.constant 0 : i32
      %dma_start3A_876 = tpu.memref_slice %arg2[%dma_start3A_874, %dma_start3A_875] : memref<10240x64xf32, #tpu.memory_space<hbm>> -> memref<10240x64xf32, #tpu.memory_space<hbm>>
      tpu.enqueue_indirect_dma source(%dma_start3A_876 : memref<10240x64xf32, #tpu.memory_space<hbm>>) target(%arg10 : memref<125x64xf32, #tpu.memory_space<vmem>>) offsets(%dma_start3A_873 : memref<125xi32, #tpu.memory_space<vmem>>) semaphore(%arg20 : memref<!tpu.dma_semaphore, #tpu.memory_space<semaphore_mem>>)
      %dma_wait3A_877 = arith.constant 0 : i32
      %dma_wait3A_878 = tpu.memref_slice %arg5[%add3A_858, %dma_wait3A_877] : memref<80x125xi32, #tpu.memory_space<vmem>> -> memref<1x125xi32, #tpu.memory_space<vmem>>
      %dma_wait3A_879 = tpu.memref_squeeze %dma_wait3A_878 : memref<1x125xi32, #tpu.memory_space<vmem>> -> memref<125xi32, #tpu.memory_space<vmem>>
      %dma_wait3A_880 = arith.constant 0 : i32
      %dma_wait3A_881 = arith.constant 0 : i32
      %dma_wait3A_882 = tpu.memref_slice %arg2[%dma_wait3A_880, %dma_wait3A_881] : memref<10240x64xf32, #tpu.memory_space<hbm>> -> memref<10240x64xf32, #tpu.memory_space<hbm>>
      tpu.wait_indirect_dma semaphore(%arg23 : memref<!tpu.dma_semaphore, #tpu.memory_space<semaphore_mem>>) src(%dma_wait3A_882 : memref<10240x64xf32, #tpu.memory_space<hbm>>) dst(%arg13 : memref<125x64xf32, #tpu.memory_space<vmem>>)
      %dma_start3A_883 = arith.constant 0 : i32
      %dma_start3A_884 = tpu.memref_slice %arg6[%add3A_858, %dma_start3A_883] : memref<80x125xi32, #tpu.memory_space<vmem>> -> memref<1x125xi32, #tpu.memory_space<vmem>>
      %dma_start3A_885 = tpu.memref_squeeze %dma_start3A_884 : memref<1x125xi32, #tpu.memory_space<vmem>> -> memref<125xi32, #tpu.memory_space<vmem>>
      %dma_start3A_886 = arith.constant 0 : i32
      %dma_start3A_887 = arith.constant 0 : i32
      %dma_start3A_888 = tpu.memref_slice %arg16[%dma_start3A_886, %dma_start3A_887] : memref<10240x64xf32, #tpu.memory_space<vmem_shared>> -> memref<10240x64xf32, #tpu.memory_space<vmem_shared>>
      tpu.enqueue_indirect_dma source(%arg13 : memref<125x64xf32, #tpu.memory_space<vmem>>) target(%dma_start3A_888 : memref<10240x64xf32, #tpu.memory_space<vmem_shared>>) offsets(%dma_start3A_885 : memref<125xi32, #tpu.memory_space<vmem>>) semaphore(%arg31 : memref<!tpu.dma_semaphore, #tpu.memory_space<semaphore_mem>>) {add = true}
      %add3A_889 = arith.constant 7 : i32
      %add3A_890 = arith.addi %mul3A_665, %add3A_889 : i32
      %add3A_891 = arith.constant 5 : i32
      %add3A_892 = arith.addi %add3A_890, %add3A_891 : i32
      %sub3A_893 = arith.constant 8 : i32
      %sub3A_894 = arith.subi %add3A_892, %sub3A_893 : i32
      %dma_wait3A_895 = arith.constant 0 : i32
      %dma_wait3A_896 = tpu.memref_slice %arg6[%sub3A_894, %dma_wait3A_895] : memref<80x125xi32, #tpu.memory_space<vmem>> -> memref<1x125xi32, #tpu.memory_space<vmem>>
      %dma_wait3A_897 = tpu.memref_squeeze %dma_wait3A_896 : memref<1x125xi32, #tpu.memory_space<vmem>> -> memref<125xi32, #tpu.memory_space<vmem>>
      %dma_wait3A_898 = arith.constant 0 : i32
      %dma_wait3A_899 = arith.constant 0 : i32
      %dma_wait3A_900 = tpu.memref_slice %arg16[%dma_wait3A_898, %dma_wait3A_899] : memref<10240x64xf32, #tpu.memory_space<vmem_shared>> -> memref<10240x64xf32, #tpu.memory_space<vmem_shared>>
      tpu.wait_indirect_dma semaphore(%arg29 : memref<!tpu.dma_semaphore, #tpu.memory_space<semaphore_mem>>) src(%arg11 : memref<125x64xf32, #tpu.memory_space<vmem>>) dst(%dma_wait3A_900 : memref<10240x64xf32, #tpu.memory_space<vmem_shared>>)
      %add3A_901 = arith.constant 5 : i32
      %add3A_902 = arith.addi %add3A_890, %add3A_901 : i32
      %dma_start3A_903 = arith.constant 0 : i32
      %dma_start3A_904 = tpu.memref_slice %arg5[%add3A_902, %dma_start3A_903] : memref<80x125xi32, #tpu.memory_space<vmem>> -> memref<1x125xi32, #tpu.memory_space<vmem>>
      %dma_start3A_905 = tpu.memref_squeeze %dma_start3A_904 : memref<1x125xi32, #tpu.memory_space<vmem>> -> memref<125xi32, #tpu.memory_space<vmem>>
      %dma_start3A_906 = arith.constant 0 : i32
      %dma_start3A_907 = arith.constant 0 : i32
      %dma_start3A_908 = tpu.memref_slice %arg2[%dma_start3A_906, %dma_start3A_907] : memref<10240x64xf32, #tpu.memory_space<hbm>> -> memref<10240x64xf32, #tpu.memory_space<hbm>>
      tpu.enqueue_indirect_dma source(%dma_start3A_908 : memref<10240x64xf32, #tpu.memory_space<hbm>>) target(%arg11 : memref<125x64xf32, #tpu.memory_space<vmem>>) offsets(%dma_start3A_905 : memref<125xi32, #tpu.memory_space<vmem>>) semaphore(%arg21 : memref<!tpu.dma_semaphore, #tpu.memory_space<semaphore_mem>>)
      %dma_wait3A_909 = arith.constant 0 : i32
      %dma_wait3A_910 = tpu.memref_slice %arg5[%add3A_890, %dma_wait3A_909] : memref<80x125xi32, #tpu.memory_space<vmem>> -> memref<1x125xi32, #tpu.memory_space<vmem>>
      %dma_wait3A_911 = tpu.memref_squeeze %dma_wait3A_910 : memref<1x125xi32, #tpu.memory_space<vmem>> -> memref<125xi32, #tpu.memory_space<vmem>>
      %dma_wait3A_912 = arith.constant 0 : i32
      %dma_wait3A_913 = arith.constant 0 : i32
      %dma_wait3A_914 = tpu.memref_slice %arg2[%dma_wait3A_912, %dma_wait3A_913] : memref<10240x64xf32, #tpu.memory_space<hbm>> -> memref<10240x64xf32, #tpu.memory_space<hbm>>
      tpu.wait_indirect_dma semaphore(%arg24 : memref<!tpu.dma_semaphore, #tpu.memory_space<semaphore_mem>>) src(%dma_wait3A_914 : memref<10240x64xf32, #tpu.memory_space<hbm>>) dst(%arg14 : memref<125x64xf32, #tpu.memory_space<vmem>>)
      %dma_start3A_915 = arith.constant 0 : i32
      %dma_start3A_916 = tpu.memref_slice %arg6[%add3A_890, %dma_start3A_915] : memref<80x125xi32, #tpu.memory_space<vmem>> -> memref<1x125xi32, #tpu.memory_space<vmem>>
      %dma_start3A_917 = tpu.memref_squeeze %dma_start3A_916 : memref<1x125xi32, #tpu.memory_space<vmem>> -> memref<125xi32, #tpu.memory_space<vmem>>
      %dma_start3A_918 = arith.constant 0 : i32
      %dma_start3A_919 = arith.constant 0 : i32
      %dma_start3A_920 = tpu.memref_slice %arg16[%dma_start3A_918, %dma_start3A_919] : memref<10240x64xf32, #tpu.memory_space<vmem_shared>> -> memref<10240x64xf32, #tpu.memory_space<vmem_shared>>
      tpu.enqueue_indirect_dma source(%arg14 : memref<125x64xf32, #tpu.memory_space<vmem>>) target(%dma_start3A_920 : memref<10240x64xf32, #tpu.memory_space<vmem_shared>>) offsets(%dma_start3A_917 : memref<125xi32, #tpu.memory_space<vmem>>) semaphore(%arg32 : memref<!tpu.dma_semaphore, #tpu.memory_space<semaphore_mem>>) {add = true}
      %scan3A_921 = arith.constant 0 : i32
      scf.yield %scan3A_921 : i32
    }
    %scan3A_446 = arith.constant 8 : i32
    %dma_wait3A_447 = arith.constant 69 : i32
    %dma_wait3A_448 = arith.constant 0 : i32
    %dma_wait3A_449 = tpu.memref_slice %arg6[%dma_wait3A_447, %dma_wait3A_448] : memref<80x125xi32, #tpu.memory_space<vmem>> -> memref<1x125xi32, #tpu.memory_space<vmem>>
    %dma_wait3A_450 = tpu.memref_squeeze %dma_wait3A_449 : memref<1x125xi32, #tpu.memory_space<vmem>> -> memref<125xi32, #tpu.memory_space<vmem>>
    %dma_wait3A_451 = arith.constant 0 : i32
    %dma_wait3A_452 = arith.constant 0 : i32
    %dma_wait3A_453 = tpu.memref_slice %arg16[%dma_wait3A_451, %dma_wait3A_452] : memref<10240x64xf32, #tpu.memory_space<vmem_shared>> -> memref<10240x64xf32, #tpu.memory_space<vmem_shared>>
    tpu.wait_indirect_dma semaphore(%arg30 : memref<!tpu.dma_semaphore, #tpu.memory_space<semaphore_mem>>) src(%arg12 : memref<125x64xf32, #tpu.memory_space<vmem>>) dst(%dma_wait3A_453 : memref<10240x64xf32, #tpu.memory_space<vmem_shared>>)
    %dma_start3A_454 = arith.constant 77 : i32
    %dma_start3A_455 = arith.constant 0 : i32
    %dma_start3A_456 = tpu.memref_slice %arg5[%dma_start3A_454, %dma_start3A_455] : memref<80x125xi32, #tpu.memory_space<vmem>> -> memref<1x125xi32, #tpu.memory_space<vmem>>
    %dma_start3A_457 = tpu.memref_squeeze %dma_start3A_456 : memref<1x125xi32, #tpu.memory_space<vmem>> -> memref<125xi32, #tpu.memory_space<vmem>>
    %dma_start3A_458 = arith.constant 0 : i32
    %dma_start3A_459 = arith.constant 0 : i32
    %dma_start3A_460 = tpu.memref_slice %arg2[%dma_start3A_458, %dma_start3A_459] : memref<10240x64xf32, #tpu.memory_space<hbm>> -> memref<10240x64xf32, #tpu.memory_space<hbm>>
    tpu.enqueue_indirect_dma source(%dma_start3A_460 : memref<10240x64xf32, #tpu.memory_space<hbm>>) target(%arg12 : memref<125x64xf32, #tpu.memory_space<vmem>>) offsets(%dma_start3A_457 : memref<125xi32, #tpu.memory_space<vmem>>) semaphore(%arg22 : memref<!tpu.dma_semaphore, #tpu.memory_space<semaphore_mem>>)
    %dma_wait3A_461 = arith.constant 72 : i32
    %dma_wait3A_462 = arith.constant 0 : i32
    %dma_wait3A_463 = tpu.memref_slice %arg5[%dma_wait3A_461, %dma_wait3A_462] : memref<80x125xi32, #tpu.memory_space<vmem>> -> memref<1x125xi32, #tpu.memory_space<vmem>>
    %dma_wait3A_464 = tpu.memref_squeeze %dma_wait3A_463 : memref<1x125xi32, #tpu.memory_space<vmem>> -> memref<125xi32, #tpu.memory_space<vmem>>
    %dma_wait3A_465 = arith.constant 0 : i32
    %dma_wait3A_466 = arith.constant 0 : i32
    %dma_wait3A_467 = tpu.memref_slice %arg2[%dma_wait3A_465, %dma_wait3A_466] : memref<10240x64xf32, #tpu.memory_space<hbm>> -> memref<10240x64xf32, #tpu.memory_space<hbm>>
    tpu.wait_indirect_dma semaphore(%arg17 : memref<!tpu.dma_semaphore, #tpu.memory_space<semaphore_mem>>) src(%dma_wait3A_467 : memref<10240x64xf32, #tpu.memory_space<hbm>>) dst(%arg7 : memref<125x64xf32, #tpu.memory_space<vmem>>)
    %dma_start3A_468 = arith.constant 72 : i32
    %dma_start3A_469 = arith.constant 0 : i32
    %dma_start3A_470 = tpu.memref_slice %arg6[%dma_start3A_468, %dma_start3A_469] : memref<80x125xi32, #tpu.memory_space<vmem>> -> memref<1x125xi32, #tpu.memory_space<vmem>>
    %dma_start3A_471 = tpu.memref_squeeze %dma_start3A_470 : memref<1x125xi32, #tpu.memory_space<vmem>> -> memref<125xi32, #tpu.memory_space<vmem>>
    %dma_start3A_472 = arith.constant 0 : i32
    %dma_start3A_473 = arith.constant 0 : i32
    %dma_start3A_474 = tpu.memref_slice %arg16[%dma_start3A_472, %dma_start3A_473] : memref<10240x64xf32, #tpu.memory_space<vmem_shared>> -> memref<10240x64xf32, #tpu.memory_space<vmem_shared>>
    tpu.enqueue_indirect_dma source(%arg7 : memref<125x64xf32, #tpu.memory_space<vmem>>) target(%dma_start3A_474 : memref<10240x64xf32, #tpu.memory_space<vmem_shared>>) offsets(%dma_start3A_471 : memref<125xi32, #tpu.memory_space<vmem>>) semaphore(%arg25 : memref<!tpu.dma_semaphore, #tpu.memory_space<semaphore_mem>>) {add = true}
    %dma_wait3A_475 = arith.constant 70 : i32
    %dma_wait3A_476 = arith.constant 0 : i32
    %dma_wait3A_477 = tpu.memref_slice %arg6[%dma_wait3A_475, %dma_wait3A_476] : memref<80x125xi32, #tpu.memory_space<vmem>> -> memref<1x125xi32, #tpu.memory_space<vmem>>
    %dma_wait3A_478 = tpu.memref_squeeze %dma_wait3A_477 : memref<1x125xi32, #tpu.memory_space<vmem>> -> memref<125xi32, #tpu.memory_space<vmem>>
    %dma_wait3A_479 = arith.constant 0 : i32
    %dma_wait3A_480 = arith.constant 0 : i32
    %dma_wait3A_481 = tpu.memref_slice %arg16[%dma_wait3A_479, %dma_wait3A_480] : memref<10240x64xf32, #tpu.memory_space<vmem_shared>> -> memref<10240x64xf32, #tpu.memory_space<vmem_shared>>
    tpu.wait_indirect_dma semaphore(%arg31 : memref<!tpu.dma_semaphore, #tpu.memory_space<semaphore_mem>>) src(%arg13 : memref<125x64xf32, #tpu.memory_space<vmem>>) dst(%dma_wait3A_481 : memref<10240x64xf32, #tpu.memory_space<vmem_shared>>)
    %dma_start3A_482 = arith.constant 78 : i32
    %dma_start3A_483 = arith.constant 0 : i32
    %dma_start3A_484 = tpu.memref_slice %arg5[%dma_start3A_482, %dma_start3A_483] : memref<80x125xi32, #tpu.memory_space<vmem>> -> memref<1x125xi32, #tpu.memory_space<vmem>>
    %dma_start3A_485 = tpu.memref_squeeze %dma_start3A_484 : memref<1x125xi32, #tpu.memory_space<vmem>> -> memref<125xi32, #tpu.memory_space<vmem>>
    %dma_start3A_486 = arith.constant 0 : i32
    %dma_start3A_487 = arith.constant 0 : i32
    %dma_start3A_488 = tpu.memref_slice %arg2[%dma_start3A_486, %dma_start3A_487] : memref<10240x64xf32, #tpu.memory_space<hbm>> -> memref<10240x64xf32, #tpu.memory_space<hbm>>
    tpu.enqueue_indirect_dma source(%dma_start3A_488 : memref<10240x64xf32, #tpu.memory_space<hbm>>) target(%arg13 : memref<125x64xf32, #tpu.memory_space<vmem>>) offsets(%dma_start3A_485 : memref<125xi32, #tpu.memory_space<vmem>>) semaphore(%arg23 : memref<!tpu.dma_semaphore, #tpu.memory_space<semaphore_mem>>)
    %dma_wait3A_489 = arith.constant 73 : i32
    %dma_wait3A_490 = arith.constant 0 : i32
    %dma_wait3A_491 = tpu.memref_slice %arg5[%dma_wait3A_489, %dma_wait3A_490] : memref<80x125xi32, #tpu.memory_space<vmem>> -> memref<1x125xi32, #tpu.memory_space<vmem>>
    %dma_wait3A_492 = tpu.memref_squeeze %dma_wait3A_491 : memref<1x125xi32, #tpu.memory_space<vmem>> -> memref<125xi32, #tpu.memory_space<vmem>>
    %dma_wait3A_493 = arith.constant 0 : i32
    %dma_wait3A_494 = arith.constant 0 : i32
    %dma_wait3A_495 = tpu.memref_slice %arg2[%dma_wait3A_493, %dma_wait3A_494] : memref<10240x64xf32, #tpu.memory_space<hbm>> -> memref<10240x64xf32, #tpu.memory_space<hbm>>
    tpu.wait_indirect_dma semaphore(%arg18 : memref<!tpu.dma_semaphore, #tpu.memory_space<semaphore_mem>>) src(%dma_wait3A_495 : memref<10240x64xf32, #tpu.memory_space<hbm>>) dst(%arg8 : memref<125x64xf32, #tpu.memory_space<vmem>>)
    %dma_start3A_496 = arith.constant 73 : i32
    %dma_start3A_497 = arith.constant 0 : i32
    %dma_start3A_498 = tpu.memref_slice %arg6[%dma_start3A_496, %dma_start3A_497] : memref<80x125xi32, #tpu.memory_space<vmem>> -> memref<1x125xi32, #tpu.memory_space<vmem>>
    %dma_start3A_499 = tpu.memref_squeeze %dma_start3A_498 : memref<1x125xi32, #tpu.memory_space<vmem>> -> memref<125xi32, #tpu.memory_space<vmem>>
    %dma_start3A_500 = arith.constant 0 : i32
    %dma_start3A_501 = arith.constant 0 : i32
    %dma_start3A_502 = tpu.memref_slice %arg16[%dma_start3A_500, %dma_start3A_501] : memref<10240x64xf32, #tpu.memory_space<vmem_shared>> -> memref<10240x64xf32, #tpu.memory_space<vmem_shared>>
    tpu.enqueue_indirect_dma source(%arg8 : memref<125x64xf32, #tpu.memory_space<vmem>>) target(%dma_start3A_502 : memref<10240x64xf32, #tpu.memory_space<vmem_shared>>) offsets(%dma_start3A_499 : memref<125xi32, #tpu.memory_space<vmem>>) semaphore(%arg26 : memref<!tpu.dma_semaphore, #tpu.memory_space<semaphore_mem>>) {add = true}
    %dma_wait3A_503 = arith.constant 71 : i32
    %dma_wait3A_504 = arith.constant 0 : i32
    %dma_wait3A_505 = tpu.memref_slice %arg6[%dma_wait3A_503, %dma_wait3A_504] : memref<80x125xi32, #tpu.memory_space<vmem>> -> memref<1x125xi32, #tpu.memory_space<vmem>>
    %dma_wait3A_506 = tpu.memref_squeeze %dma_wait3A_505 : memref<1x125xi32, #tpu.memory_space<vmem>> -> memref<125xi32, #tpu.memory_space<vmem>>
    %dma_wait3A_507 = arith.constant 0 : i32
    %dma_wait3A_508 = arith.constant 0 : i32
    %dma_wait3A_509 = tpu.memref_slice %arg16[%dma_wait3A_507, %dma_wait3A_508] : memref<10240x64xf32, #tpu.memory_space<vmem_shared>> -> memref<10240x64xf32, #tpu.memory_space<vmem_shared>>
    tpu.wait_indirect_dma semaphore(%arg32 : memref<!tpu.dma_semaphore, #tpu.memory_space<semaphore_mem>>) src(%arg14 : memref<125x64xf32, #tpu.memory_space<vmem>>) dst(%dma_wait3A_509 : memref<10240x64xf32, #tpu.memory_space<vmem_shared>>)
    %dma_start3A_510 = arith.constant 79 : i32
    %dma_start3A_511 = arith.constant 0 : i32
    %dma_start3A_512 = tpu.memref_slice %arg5[%dma_start3A_510, %dma_start3A_511] : memref<80x125xi32, #tpu.memory_space<vmem>> -> memref<1x125xi32, #tpu.memory_space<vmem>>
    %dma_start3A_513 = tpu.memref_squeeze %dma_start3A_512 : memref<1x125xi32, #tpu.memory_space<vmem>> -> memref<125xi32, #tpu.memory_space<vmem>>
    %dma_start3A_514 = arith.constant 0 : i32
    %dma_start3A_515 = arith.constant 0 : i32
    %dma_start3A_516 = tpu.memref_slice %arg2[%dma_start3A_514, %dma_start3A_515] : memref<10240x64xf32, #tpu.memory_space<hbm>> -> memref<10240x64xf32, #tpu.memory_space<hbm>>
    tpu.enqueue_indirect_dma source(%dma_start3A_516 : memref<10240x64xf32, #tpu.memory_space<hbm>>) target(%arg14 : memref<125x64xf32, #tpu.memory_space<vmem>>) offsets(%dma_start3A_513 : memref<125xi32, #tpu.memory_space<vmem>>) semaphore(%arg24 : memref<!tpu.dma_semaphore, #tpu.memory_space<semaphore_mem>>)
    %dma_wait3A_517 = arith.constant 74 : i32
    %dma_wait3A_518 = arith.constant 0 : i32
    %dma_wait3A_519 = tpu.memref_slice %arg5[%dma_wait3A_517, %dma_wait3A_518] : memref<80x125xi32, #tpu.memory_space<vmem>> -> memref<1x125xi32, #tpu.memory_space<vmem>>
    %dma_wait3A_520 = tpu.memref_squeeze %dma_wait3A_519 : memref<1x125xi32, #tpu.memory_space<vmem>> -> memref<125xi32, #tpu.memory_space<vmem>>
    %dma_wait3A_521 = arith.constant 0 : i32
    %dma_wait3A_522 = arith.constant 0 : i32
    %dma_wait3A_523 = tpu.memref_slice %arg2[%dma_wait3A_521, %dma_wait3A_522] : memref<10240x64xf32, #tpu.memory_space<hbm>> -> memref<10240x64xf32, #tpu.memory_space<hbm>>
    tpu.wait_indirect_dma semaphore(%arg19 : memref<!tpu.dma_semaphore, #tpu.memory_space<semaphore_mem>>) src(%dma_wait3A_523 : memref<10240x64xf32, #tpu.memory_space<hbm>>) dst(%arg9 : memref<125x64xf32, #tpu.memory_space<vmem>>)
    %dma_start3A_524 = arith.constant 74 : i32
    %dma_start3A_525 = arith.constant 0 : i32
    %dma_start3A_526 = tpu.memref_slice %arg6[%dma_start3A_524, %dma_start3A_525] : memref<80x125xi32, #tpu.memory_space<vmem>> -> memref<1x125xi32, #tpu.memory_space<vmem>>
    %dma_start3A_527 = tpu.memref_squeeze %dma_start3A_526 : memref<1x125xi32, #tpu.memory_space<vmem>> -> memref<125xi32, #tpu.memory_space<vmem>>
    %dma_start3A_528 = arith.constant 0 : i32
    %dma_start3A_529 = arith.constant 0 : i32
    %dma_start3A_530 = tpu.memref_slice %arg16[%dma_start3A_528, %dma_start3A_529] : memref<10240x64xf32, #tpu.memory_space<vmem_shared>> -> memref<10240x64xf32, #tpu.memory_space<vmem_shared>>
    tpu.enqueue_indirect_dma source(%arg9 : memref<125x64xf32, #tpu.memory_space<vmem>>) target(%dma_start3A_530 : memref<10240x64xf32, #tpu.memory_space<vmem_shared>>) offsets(%dma_start3A_527 : memref<125xi32, #tpu.memory_space<vmem>>) semaphore(%arg27 : memref<!tpu.dma_semaphore, #tpu.memory_space<semaphore_mem>>) {add = true}
    %dma_wait3A_531 = arith.constant 72 : i32
    %dma_wait3A_532 = arith.constant 0 : i32
    %dma_wait3A_533 = tpu.memref_slice %arg6[%dma_wait3A_531, %dma_wait3A_532] : memref<80x125xi32, #tpu.memory_space<vmem>> -> memref<1x125xi32, #tpu.memory_space<vmem>>
    %dma_wait3A_534 = tpu.memref_squeeze %dma_wait3A_533 : memref<1x125xi32, #tpu.memory_space<vmem>> -> memref<125xi32, #tpu.memory_space<vmem>>
    %dma_wait3A_535 = arith.constant 0 : i32
    %dma_wait3A_536 = arith.constant 0 : i32
    %dma_wait3A_537 = tpu.memref_slice %arg16[%dma_wait3A_535, %dma_wait3A_536] : memref<10240x64xf32, #tpu.memory_space<vmem_shared>> -> memref<10240x64xf32, #tpu.memory_space<vmem_shared>>
    tpu.wait_indirect_dma semaphore(%arg25 : memref<!tpu.dma_semaphore, #tpu.memory_space<semaphore_mem>>) src(%arg7 : memref<125x64xf32, #tpu.memory_space<vmem>>) dst(%dma_wait3A_537 : memref<10240x64xf32, #tpu.memory_space<vmem_shared>>)
    %dma_wait3A_538 = arith.constant 75 : i32
    %dma_wait3A_539 = arith.constant 0 : i32
    %dma_wait3A_540 = tpu.memref_slice %arg5[%dma_wait3A_538, %dma_wait3A_539] : memref<80x125xi32, #tpu.memory_space<vmem>> -> memref<1x125xi32, #tpu.memory_space<vmem>>
    %dma_wait3A_541 = tpu.memref_squeeze %dma_wait3A_540 : memref<1x125xi32, #tpu.memory_space<vmem>> -> memref<125xi32, #tpu.memory_space<vmem>>
    %dma_wait3A_542 = arith.constant 0 : i32
    %dma_wait3A_543 = arith.constant 0 : i32
    %dma_wait3A_544 = tpu.memref_slice %arg2[%dma_wait3A_542, %dma_wait3A_543] : memref<10240x64xf32, #tpu.memory_space<hbm>> -> memref<10240x64xf32, #tpu.memory_space<hbm>>
    tpu.wait_indirect_dma semaphore(%arg20 : memref<!tpu.dma_semaphore, #tpu.memory_space<semaphore_mem>>) src(%dma_wait3A_544 : memref<10240x64xf32, #tpu.memory_space<hbm>>) dst(%arg10 : memref<125x64xf32, #tpu.memory_space<vmem>>)
    %dma_start3A_545 = arith.constant 75 : i32
    %dma_start3A_546 = arith.constant 0 : i32
    %dma_start3A_547 = tpu.memref_slice %arg6[%dma_start3A_545, %dma_start3A_546] : memref<80x125xi32, #tpu.memory_space<vmem>> -> memref<1x125xi32, #tpu.memory_space<vmem>>
    %dma_start3A_548 = tpu.memref_squeeze %dma_start3A_547 : memref<1x125xi32, #tpu.memory_space<vmem>> -> memref<125xi32, #tpu.memory_space<vmem>>
    %dma_start3A_549 = arith.constant 0 : i32
    %dma_start3A_550 = arith.constant 0 : i32
    %dma_start3A_551 = tpu.memref_slice %arg16[%dma_start3A_549, %dma_start3A_550] : memref<10240x64xf32, #tpu.memory_space<vmem_shared>> -> memref<10240x64xf32, #tpu.memory_space<vmem_shared>>
    tpu.enqueue_indirect_dma source(%arg10 : memref<125x64xf32, #tpu.memory_space<vmem>>) target(%dma_start3A_551 : memref<10240x64xf32, #tpu.memory_space<vmem_shared>>) offsets(%dma_start3A_548 : memref<125xi32, #tpu.memory_space<vmem>>) semaphore(%arg28 : memref<!tpu.dma_semaphore, #tpu.memory_space<semaphore_mem>>) {add = true}
    %dma_wait3A_552 = arith.constant 73 : i32
    %dma_wait3A_553 = arith.constant 0 : i32
    %dma_wait3A_554 = tpu.memref_slice %arg6[%dma_wait3A_552, %dma_wait3A_553] : memref<80x125xi32, #tpu.memory_space<vmem>> -> memref<1x125xi32, #tpu.memory_space<vmem>>
    %dma_wait3A_555 = tpu.memref_squeeze %dma_wait3A_554 : memref<1x125xi32, #tpu.memory_space<vmem>> -> memref<125xi32, #tpu.memory_space<vmem>>
    %dma_wait3A_556 = arith.constant 0 : i32
    %dma_wait3A_557 = arith.constant 0 : i32
    %dma_wait3A_558 = tpu.memref_slice %arg16[%dma_wait3A_556, %dma_wait3A_557] : memref<10240x64xf32, #tpu.memory_space<vmem_shared>> -> memref<10240x64xf32, #tpu.memory_space<vmem_shared>>
    tpu.wait_indirect_dma semaphore(%arg26 : memref<!tpu.dma_semaphore, #tpu.memory_space<semaphore_mem>>) src(%arg8 : memref<125x64xf32, #tpu.memory_space<vmem>>) dst(%dma_wait3A_558 : memref<10240x64xf32, #tpu.memory_space<vmem_shared>>)
    %dma_wait3A_559 = arith.constant 76 : i32
    %dma_wait3A_560 = arith.constant 0 : i32
    %dma_wait3A_561 = tpu.memref_slice %arg5[%dma_wait3A_559, %dma_wait3A_560] : memref<80x125xi32, #tpu.memory_space<vmem>> -> memref<1x125xi32, #tpu.memory_space<vmem>>
    %dma_wait3A_562 = tpu.memref_squeeze %dma_wait3A_561 : memref<1x125xi32, #tpu.memory_space<vmem>> -> memref<125xi32, #tpu.memory_space<vmem>>
    %dma_wait3A_563 = arith.constant 0 : i32
    %dma_wait3A_564 = arith.constant 0 : i32
    %dma_wait3A_565 = tpu.memref_slice %arg2[%dma_wait3A_563, %dma_wait3A_564] : memref<10240x64xf32, #tpu.memory_space<hbm>> -> memref<10240x64xf32, #tpu.memory_space<hbm>>
    tpu.wait_indirect_dma semaphore(%arg21 : memref<!tpu.dma_semaphore, #tpu.memory_space<semaphore_mem>>) src(%dma_wait3A_565 : memref<10240x64xf32, #tpu.memory_space<hbm>>) dst(%arg11 : memref<125x64xf32, #tpu.memory_space<vmem>>)
    %dma_start3A_566 = arith.constant 76 : i32
    %dma_start3A_567 = arith.constant 0 : i32
    %dma_start3A_568 = tpu.memref_slice %arg6[%dma_start3A_566, %dma_start3A_567] : memref<80x125xi32, #tpu.memory_space<vmem>> -> memref<1x125xi32, #tpu.memory_space<vmem>>
    %dma_start3A_569 = tpu.memref_squeeze %dma_start3A_568 : memref<1x125xi32, #tpu.memory_space<vmem>> -> memref<125xi32, #tpu.memory_space<vmem>>
    %dma_start3A_570 = arith.constant 0 : i32
    %dma_start3A_571 = arith.constant 0 : i32
    %dma_start3A_572 = tpu.memref_slice %arg16[%dma_start3A_570, %dma_start3A_571] : memref<10240x64xf32, #tpu.memory_space<vmem_shared>> -> memref<10240x64xf32, #tpu.memory_space<vmem_shared>>
    tpu.enqueue_indirect_dma source(%arg11 : memref<125x64xf32, #tpu.memory_space<vmem>>) target(%dma_start3A_572 : memref<10240x64xf32, #tpu.memory_space<vmem_shared>>) offsets(%dma_start3A_569 : memref<125xi32, #tpu.memory_space<vmem>>) semaphore(%arg29 : memref<!tpu.dma_semaphore, #tpu.memory_space<semaphore_mem>>) {add = true}
    %dma_wait3A_573 = arith.constant 74 : i32
    %dma_wait3A_574 = arith.constant 0 : i32
    %dma_wait3A_575 = tpu.memref_slice %arg6[%dma_wait3A_573, %dma_wait3A_574] : memref<80x125xi32, #tpu.memory_space<vmem>> -> memref<1x125xi32, #tpu.memory_space<vmem>>
    %dma_wait3A_576 = tpu.memref_squeeze %dma_wait3A_575 : memref<1x125xi32, #tpu.memory_space<vmem>> -> memref<125xi32, #tpu.memory_space<vmem>>
    %dma_wait3A_577 = arith.constant 0 : i32
    %dma_wait3A_578 = arith.constant 0 : i32
    %dma_wait3A_579 = tpu.memref_slice %arg16[%dma_wait3A_577, %dma_wait3A_578] : memref<10240x64xf32, #tpu.memory_space<vmem_shared>> -> memref<10240x64xf32, #tpu.memory_space<vmem_shared>>
    tpu.wait_indirect_dma semaphore(%arg27 : memref<!tpu.dma_semaphore, #tpu.memory_space<semaphore_mem>>) src(%arg9 : memref<125x64xf32, #tpu.memory_space<vmem>>) dst(%dma_wait3A_579 : memref<10240x64xf32, #tpu.memory_space<vmem_shared>>)
    %dma_wait3A_580 = arith.constant 77 : i32
    %dma_wait3A_581 = arith.constant 0 : i32
    %dma_wait3A_582 = tpu.memref_slice %arg5[%dma_wait3A_580, %dma_wait3A_581] : memref<80x125xi32, #tpu.memory_space<vmem>> -> memref<1x125xi32, #tpu.memory_space<vmem>>
    %dma_wait3A_583 = tpu.memref_squeeze %dma_wait3A_582 : memref<1x125xi32, #tpu.memory_space<vmem>> -> memref<125xi32, #tpu.memory_space<vmem>>
    %dma_wait3A_584 = arith.constant 0 : i32
    %dma_wait3A_585 = arith.constant 0 : i32
    %dma_wait3A_586 = tpu.memref_slice %arg2[%dma_wait3A_584, %dma_wait3A_585] : memref<10240x64xf32, #tpu.memory_space<hbm>> -> memref<10240x64xf32, #tpu.memory_space<hbm>>
    tpu.wait_indirect_dma semaphore(%arg22 : memref<!tpu.dma_semaphore, #tpu.memory_space<semaphore_mem>>) src(%dma_wait3A_586 : memref<10240x64xf32, #tpu.memory_space<hbm>>) dst(%arg12 : memref<125x64xf32, #tpu.memory_space<vmem>>)
    %dma_start3A_587 = arith.constant 77 : i32
    %dma_start3A_588 = arith.constant 0 : i32
    %dma_start3A_589 = tpu.memref_slice %arg6[%dma_start3A_587, %dma_start3A_588] : memref<80x125xi32, #tpu.memory_space<vmem>> -> memref<1x125xi32, #tpu.memory_space<vmem>>
    %dma_start3A_590 = tpu.memref_squeeze %dma_start3A_589 : memref<1x125xi32, #tpu.memory_space<vmem>> -> memref<125xi32, #tpu.memory_space<vmem>>
    %dma_start3A_591 = arith.constant 0 : i32
    %dma_start3A_592 = arith.constant 0 : i32
    %dma_start3A_593 = tpu.memref_slice %arg16[%dma_start3A_591, %dma_start3A_592] : memref<10240x64xf32, #tpu.memory_space<vmem_shared>> -> memref<10240x64xf32, #tpu.memory_space<vmem_shared>>
    tpu.enqueue_indirect_dma source(%arg12 : memref<125x64xf32, #tpu.memory_space<vmem>>) target(%dma_start3A_593 : memref<10240x64xf32, #tpu.memory_space<vmem_shared>>) offsets(%dma_start3A_590 : memref<125xi32, #tpu.memory_space<vmem>>) semaphore(%arg30 : memref<!tpu.dma_semaphore, #tpu.memory_space<semaphore_mem>>) {add = true}
    %dma_wait3A_594 = arith.constant 75 : i32
    %dma_wait3A_595 = arith.constant 0 : i32
    %dma_wait3A_596 = tpu.memref_slice %arg6[%dma_wait3A_594, %dma_wait3A_595] : memref<80x125xi32, #tpu.memory_space<vmem>> -> memref<1x125xi32, #tpu.memory_space<vmem>>
    %dma_wait3A_597 = tpu.memref_squeeze %dma_wait3A_596 : memref<1x125xi32, #tpu.memory_space<vmem>> -> memref<125xi32, #tpu.memory_space<vmem>>
    %dma_wait3A_598 = arith.constant 0 : i32
    %dma_wait3A_599 = arith.constant 0 : i32
    %dma_wait3A_600 = tpu.memref_slice %arg16[%dma_wait3A_598, %dma_wait3A_599] : memref<10240x64xf32, #tpu.memory_space<vmem_shared>> -> memref<10240x64xf32, #tpu.memory_space<vmem_shared>>
    tpu.wait_indirect_dma semaphore(%arg28 : memref<!tpu.dma_semaphore, #tpu.memory_space<semaphore_mem>>) src(%arg10 : memref<125x64xf32, #tpu.memory_space<vmem>>) dst(%dma_wait3A_600 : memref<10240x64xf32, #tpu.memory_space<vmem_shared>>)
    %dma_wait3A_601 = arith.constant 78 : i32
    %dma_wait3A_602 = arith.constant 0 : i32
    %dma_wait3A_603 = tpu.memref_slice %arg5[%dma_wait3A_601, %dma_wait3A_602] : memref<80x125xi32, #tpu.memory_space<vmem>> -> memref<1x125xi32, #tpu.memory_space<vmem>>
    %dma_wait3A_604 = tpu.memref_squeeze %dma_wait3A_603 : memref<1x125xi32, #tpu.memory_space<vmem>> -> memref<125xi32, #tpu.memory_space<vmem>>
    %dma_wait3A_605 = arith.constant 0 : i32
    %dma_wait3A_606 = arith.constant 0 : i32
    %dma_wait3A_607 = tpu.memref_slice %arg2[%dma_wait3A_605, %dma_wait3A_606] : memref<10240x64xf32, #tpu.memory_space<hbm>> -> memref<10240x64xf32, #tpu.memory_space<hbm>>
    tpu.wait_indirect_dma semaphore(%arg23 : memref<!tpu.dma_semaphore, #tpu.memory_space<semaphore_mem>>) src(%dma_wait3A_607 : memref<10240x64xf32, #tpu.memory_space<hbm>>) dst(%arg13 : memref<125x64xf32, #tpu.memory_space<vmem>>)
    %dma_start3A_608 = arith.constant 78 : i32
    %dma_start3A_609 = arith.constant 0 : i32
    %dma_start3A_610 = tpu.memref_slice %arg6[%dma_start3A_608, %dma_start3A_609] : memref<80x125xi32, #tpu.memory_space<vmem>> -> memref<1x125xi32, #tpu.memory_space<vmem>>
    %dma_start3A_611 = tpu.memref_squeeze %dma_start3A_610 : memref<1x125xi32, #tpu.memory_space<vmem>> -> memref<125xi32, #tpu.memory_space<vmem>>
    %dma_start3A_612 = arith.constant 0 : i32
    %dma_start3A_613 = arith.constant 0 : i32
    %dma_start3A_614 = tpu.memref_slice %arg16[%dma_start3A_612, %dma_start3A_613] : memref<10240x64xf32, #tpu.memory_space<vmem_shared>> -> memref<10240x64xf32, #tpu.memory_space<vmem_shared>>
    tpu.enqueue_indirect_dma source(%arg13 : memref<125x64xf32, #tpu.memory_space<vmem>>) target(%dma_start3A_614 : memref<10240x64xf32, #tpu.memory_space<vmem_shared>>) offsets(%dma_start3A_611 : memref<125xi32, #tpu.memory_space<vmem>>) semaphore(%arg31 : memref<!tpu.dma_semaphore, #tpu.memory_space<semaphore_mem>>) {add = true}
    %dma_wait3A_615 = arith.constant 76 : i32
    %dma_wait3A_616 = arith.constant 0 : i32
    %dma_wait3A_617 = tpu.memref_slice %arg6[%dma_wait3A_615, %dma_wait3A_616] : memref<80x125xi32, #tpu.memory_space<vmem>> -> memref<1x125xi32, #tpu.memory_space<vmem>>
    %dma_wait3A_618 = tpu.memref_squeeze %dma_wait3A_617 : memref<1x125xi32, #tpu.memory_space<vmem>> -> memref<125xi32, #tpu.memory_space<vmem>>
    %dma_wait3A_619 = arith.constant 0 : i32
    %dma_wait3A_620 = arith.constant 0 : i32
    %dma_wait3A_621 = tpu.memref_slice %arg16[%dma_wait3A_619, %dma_wait3A_620] : memref<10240x64xf32, #tpu.memory_space<vmem_shared>> -> memref<10240x64xf32, #tpu.memory_space<vmem_shared>>
    tpu.wait_indirect_dma semaphore(%arg29 : memref<!tpu.dma_semaphore, #tpu.memory_space<semaphore_mem>>) src(%arg11 : memref<125x64xf32, #tpu.memory_space<vmem>>) dst(%dma_wait3A_621 : memref<10240x64xf32, #tpu.memory_space<vmem_shared>>)
    %dma_wait3A_622 = arith.constant 79 : i32
    %dma_wait3A_623 = arith.constant 0 : i32
    %dma_wait3A_624 = tpu.memref_slice %arg5[%dma_wait3A_622, %dma_wait3A_623] : memref<80x125xi32, #tpu.memory_space<vmem>> -> memref<1x125xi32, #tpu.memory_space<vmem>>
    %dma_wait3A_625 = tpu.memref_squeeze %dma_wait3A_624 : memref<1x125xi32, #tpu.memory_space<vmem>> -> memref<125xi32, #tpu.memory_space<vmem>>
    %dma_wait3A_626 = arith.constant 0 : i32
    %dma_wait3A_627 = arith.constant 0 : i32
    %dma_wait3A_628 = tpu.memref_slice %arg2[%dma_wait3A_626, %dma_wait3A_627] : memref<10240x64xf32, #tpu.memory_space<hbm>> -> memref<10240x64xf32, #tpu.memory_space<hbm>>
    tpu.wait_indirect_dma semaphore(%arg24 : memref<!tpu.dma_semaphore, #tpu.memory_space<semaphore_mem>>) src(%dma_wait3A_628 : memref<10240x64xf32, #tpu.memory_space<hbm>>) dst(%arg14 : memref<125x64xf32, #tpu.memory_space<vmem>>)
    %dma_start3A_629 = arith.constant 79 : i32
    %dma_start3A_630 = arith.constant 0 : i32
    %dma_start3A_631 = tpu.memref_slice %arg6[%dma_start3A_629, %dma_start3A_630] : memref<80x125xi32, #tpu.memory_space<vmem>> -> memref<1x125xi32, #tpu.memory_space<vmem>>
    %dma_start3A_632 = tpu.memref_squeeze %dma_start3A_631 : memref<1x125xi32, #tpu.memory_space<vmem>> -> memref<125xi32, #tpu.memory_space<vmem>>
    %dma_start3A_633 = arith.constant 0 : i32
    %dma_start3A_634 = arith.constant 0 : i32
    %dma_start3A_635 = tpu.memref_slice %arg16[%dma_start3A_633, %dma_start3A_634] : memref<10240x64xf32, #tpu.memory_space<vmem_shared>> -> memref<10240x64xf32, #tpu.memory_space<vmem_shared>>
    tpu.enqueue_indirect_dma source(%arg14 : memref<125x64xf32, #tpu.memory_space<vmem>>) target(%dma_start3A_635 : memref<10240x64xf32, #tpu.memory_space<vmem_shared>>) offsets(%dma_start3A_632 : memref<125xi32, #tpu.memory_space<vmem>>) semaphore(%arg32 : memref<!tpu.dma_semaphore, #tpu.memory_space<semaphore_mem>>) {add = true}
    %dma_wait3A_636 = arith.constant 77 : i32
    %dma_wait3A_637 = arith.constant 0 : i32
    %dma_wait3A_638 = tpu.memref_slice %arg6[%dma_wait3A_636, %dma_wait3A_637] : memref<80x125xi32, #tpu.memory_space<vmem>> -> memref<1x125xi32, #tpu.memory_space<vmem>>
    %dma_wait3A_639 = tpu.memref_squeeze %dma_wait3A_638 : memref<1x125xi32, #tpu.memory_space<vmem>> -> memref<125xi32, #tpu.memory_space<vmem>>
    %dma_wait3A_640 = arith.constant 0 : i32
    %dma_wait3A_641 = arith.constant 0 : i32
    %dma_wait3A_642 = tpu.memref_slice %arg16[%dma_wait3A_640, %dma_wait3A_641] : memref<10240x64xf32, #tpu.memory_space<vmem_shared>> -> memref<10240x64xf32, #tpu.memory_space<vmem_shared>>
    tpu.wait_indirect_dma semaphore(%arg30 : memref<!tpu.dma_semaphore, #tpu.memory_space<semaphore_mem>>) src(%arg12 : memref<125x64xf32, #tpu.memory_space<vmem>>) dst(%dma_wait3A_642 : memref<10240x64xf32, #tpu.memory_space<vmem_shared>>)
    %dma_wait3A_643 = arith.constant 78 : i32
    %dma_wait3A_644 = arith.constant 0 : i32
    %dma_wait3A_645 = tpu.memref_slice %arg6[%dma_wait3A_643, %dma_wait3A_644] : memref<80x125xi32, #tpu.memory_space<vmem>> -> memref<1x125xi32, #tpu.memory_space<vmem>>
    %dma_wait3A_646 = tpu.memref_squeeze %dma_wait3A_645 : memref<1x125xi32, #tpu.memory_space<vmem>> -> memref<125xi32, #tpu.memory_space<vmem>>
    %dma_wait3A_647 = arith.constant 0 : i32
    %dma_wait3A_648 = arith.constant 0 : i32
    %dma_wait3A_649 = tpu.memref_slice %arg16[%dma_wait3A_647, %dma_wait3A_648] : memref<10240x64xf32, #tpu.memory_space<vmem_shared>> -> memref<10240x64xf32, #tpu.memory_space<vmem_shared>>
    tpu.wait_indirect_dma semaphore(%arg31 : memref<!tpu.dma_semaphore, #tpu.memory_space<semaphore_mem>>) src(%arg13 : memref<125x64xf32, #tpu.memory_space<vmem>>) dst(%dma_wait3A_649 : memref<10240x64xf32, #tpu.memory_space<vmem_shared>>)
    %dma_wait3A_650 = arith.constant 79 : i32
    %dma_wait3A_651 = arith.constant 0 : i32
    %dma_wait3A_652 = tpu.memref_slice %arg6[%dma_wait3A_650, %dma_wait3A_651] : memref<80x125xi32, #tpu.memory_space<vmem>> -> memref<1x125xi32, #tpu.memory_space<vmem>>
    %dma_wait3A_653 = tpu.memref_squeeze %dma_wait3A_652 : memref<1x125xi32, #tpu.memory_space<vmem>> -> memref<125xi32, #tpu.memory_space<vmem>>
    %dma_wait3A_654 = arith.constant 0 : i32
    %dma_wait3A_655 = arith.constant 0 : i32
    %dma_wait3A_656 = tpu.memref_slice %arg16[%dma_wait3A_654, %dma_wait3A_655] : memref<10240x64xf32, #tpu.memory_space<vmem_shared>> -> memref<10240x64xf32, #tpu.memory_space<vmem_shared>>
    tpu.wait_indirect_dma semaphore(%arg32 : memref<!tpu.dma_semaphore, #tpu.memory_space<semaphore_mem>>) src(%arg14 : memref<125x64xf32, #tpu.memory_space<vmem>>) dst(%dma_wait3A_656 : memref<10240x64xf32, #tpu.memory_space<vmem_shared>>)
    %barrier3A_657 = arith.constant 0 : index
    tpu.barrier barrier_id(%barrier3A_657)
    %mul3A_658 = arith.constant 640 : i32
    %mul3A_659 = arith.muli %arg1, %mul3A_658 : i32
    %mul3A_660 = arith.constant 640 : i32
    %mul3A_661 = arith.muli %arg1, %mul3A_660 : i32
    "tpu.region"() ({
      %run_scoped3A = tpu.sem_alloc : memref<!tpu.dma_semaphore, #tpu.memory_space<semaphore_mem>>
      %dma_start3A_662 = arith.constant 0 : i32
      %dma_start3A_663 = tpu.memref_slice %arg4[%arg0, %mul3A_661, %dma_start3A_662] : memref<2x10240x64xf32, #tpu.memory_space<hbm>> -> memref<1x640x64xf32, #tpu.memory_space<hbm>>
      %dma_start3A_664 = tpu.memref_squeeze %dma_start3A_663 : memref<1x640x64xf32, #tpu.memory_space<hbm>> -> memref<640x64xf32, #tpu.memory_space<hbm>>
      %dma_start3A_665 = arith.constant 0 : i32
      %dma_start3A_666 = tpu.memref_slice %arg16[%mul3A_659, %dma_start3A_665] : memref<10240x64xf32, #tpu.memory_space<vmem_shared>> -> memref<640x64xf32, #tpu.memory_space<vmem_shared>>
      tpu.enqueue_dma source(%dma_start3A_666 : memref<640x64xf32, #tpu.memory_space<vmem_shared>>) target(%dma_start3A_664 : memref<640x64xf32, #tpu.memory_space<hbm>>) target_semaphore(%run_scoped3A : memref<!tpu.dma_semaphore, #tpu.memory_space<semaphore_mem>>)
      %dma_wait3A_667 = arith.constant 0 : i32
      %dma_wait3A_668 = tpu.memref_slice %arg4[%arg0, %mul3A_661, %dma_wait3A_667] : memref<2x10240x64xf32, #tpu.memory_space<hbm>> -> memref<1x640x64xf32, #tpu.memory_space<hbm>>
      %dma_wait3A_669 = tpu.memref_squeeze %dma_wait3A_668 : memref<1x640x64xf32, #tpu.memory_space<hbm>> -> memref<640x64xf32, #tpu.memory_space<hbm>>
      %dma_wait3A_670 = arith.constant 0 : i32
      %dma_wait3A_671 = tpu.memref_slice %arg16[%mul3A_659, %dma_wait3A_670] : memref<10240x64xf32, #tpu.memory_space<vmem_shared>> -> memref<640x64xf32, #tpu.memory_space<vmem_shared>>
      tpu.wait_dma2 semaphore(%run_scoped3A : memref<!tpu.dma_semaphore, #tpu.memory_space<semaphore_mem>>) src(%dma_wait3A_671 : memref<640x64xf32, #tpu.memory_space<vmem_shared>>) dst(%dma_wait3A_669 : memref<640x64xf32, #tpu.memory_space<hbm>>)
      tpu.yield
    }) : () -> ()
    return
  }
}

#map = affine_map<(d0, d1) -> (0, 0)>
module attributes {stable_mosaic.version = 14 : i64} {
  func.func @k(%arg0: i32, %arg1: i32, %arg2: memref<2x320000xi32, #tpu.memory_space<hbm>>, %arg3: memref<32x10240xf32, #tpu.memory_space<hbm>>, %arg4: memref<32x10240xf32, #tpu.memory_space<hbm>>, %arg5: memref<10000xi32, #tpu.memory_space<vmem>>, %arg6: memref<10240xf32, #tpu.memory_space<vmem>>) attributes {dimension_semantics = [#tpu.dimension_semantics<core_parallel>, #tpu.dimension_semantics<subcore_parallel>], iteration_bounds = array<i64: 2, 16>, scalar_prefetch = 0 : i64, scratch_operands = 2 : i64, tpu.core_type = #tpu.core_type<sc_vector_subcore>, window_params = [{transform_indices = #map}, {transform_indices = #map}, {transform_indices = #map}]} {
    %mul3A = arith.constant 2 : i32
    %mul3A_0 = arith.muli %arg1, %mul3A : i32
    %add3A = arith.addi %mul3A_0, %arg0 : i32
    %mul3A_1 = arith.constant 10000 : i32
    %mul3A_2 = arith.muli %add3A, %mul3A_1 : i32
    %broadcast_in_dim3A = arith.constant 0.000000e+00 : f32
    %broadcast_in_dim3A_3 = vector.broadcast %broadcast_in_dim3A : f32 to vector<16xf32>
    %broadcast_in_dim3A_4 = arith.constant 1.000000e+00 : f32
    %broadcast_in_dim3A_5 = vector.broadcast %broadcast_in_dim3A_4 : f32 to vector<16xf32>
    %scan3A = arith.constant 0 : i32
    %scan3A_6 = arith.constant 0 : i32
    %scan3A_7 = arith.constant 640 : i32
    %scan3A_8 = arith.addi %scan3A_6, %scan3A_7 : i32
    %scan3A_9 = arith.constant 1 : i32
    %scan3A_10 = scf.for %scan3A_34 = %scan3A_6 to %scan3A_8 step %scan3A_9 iter_args(%scan3A_35 = %scan3A) -> (i32)  : i32 {
      %mul3A_36 = arith.constant 16 : i32
      %mul3A_37 = arith.muli %scan3A_34, %mul3A_36 : i32
      %swap3A = arith.index_cast %mul3A_37 : i32 to index
      %swap3A_38 = tpu.vector_load %arg6[%swap3A] {strides = array<i32>} : memref<10240xf32, #tpu.memory_space<vmem>>, vector<16xf32>,
      tpu.vector_store %arg6[%swap3A], %broadcast_in_dim3A_3 {strides = array<i32>} : memref<10240xf32, #tpu.memory_space<vmem>>, vector<16xf32>,
      %scan3A_39 = arith.constant 0 : i32
      scf.yield %scan3A_39 : i32
    }
    %scan3A_11 = arith.constant 640 : i32
    %run_scoped3A = arith.constant 0 : i32
    "tpu.region"() ({
      %run_scoped3A_34 = tpu.sem_alloc : memref<!tpu.dma_semaphore, #tpu.memory_space<semaphore_mem>>
      %dma_start3A = tpu.memref_slice %arg2[%run_scoped3A, %mul3A_2] : memref<2x320000xi32, #tpu.memory_space<hbm>> -> memref<1x10000xi32, #tpu.memory_space<hbm>>
      %dma_start3A_35 = tpu.memref_squeeze %dma_start3A : memref<1x10000xi32, #tpu.memory_space<hbm>> -> memref<10000xi32, #tpu.memory_space<hbm>>
      %dma_start3A_36 = tpu.memref_slice %arg2[%run_scoped3A, %mul3A_2] : memref<2x320000xi32, #tpu.memory_space<hbm>> -> memref<1x10000xi32, #tpu.memory_space<hbm>>
      %dma_start3A_37 = tpu.memref_squeeze %dma_start3A_36 : memref<1x10000xi32, #tpu.memory_space<hbm>> -> memref<10000xi32, #tpu.memory_space<hbm>>
      tpu.enqueue_dma source(%dma_start3A_37 : memref<10000xi32, #tpu.memory_space<hbm>>) target(%arg5 : memref<10000xi32, #tpu.memory_space<vmem>>) target_semaphore(%run_scoped3A_34 : memref<!tpu.dma_semaphore, #tpu.memory_space<semaphore_mem>>)
      %dma_wait3A = tpu.memref_slice %arg2[%run_scoped3A, %mul3A_2] : memref<2x320000xi32, #tpu.memory_space<hbm>> -> memref<1x10000xi32, #tpu.memory_space<hbm>>
      %dma_wait3A_38 = tpu.memref_squeeze %dma_wait3A : memref<1x10000xi32, #tpu.memory_space<hbm>> -> memref<10000xi32, #tpu.memory_space<hbm>>
      %dma_wait3A_39 = tpu.memref_slice %arg2[%run_scoped3A, %mul3A_2] : memref<2x320000xi32, #tpu.memory_space<hbm>> -> memref<1x10000xi32, #tpu.memory_space<hbm>>
      %dma_wait3A_40 = tpu.memref_squeeze %dma_wait3A_39 : memref<1x10000xi32, #tpu.memory_space<hbm>> -> memref<10000xi32, #tpu.memory_space<hbm>>
      tpu.wait_dma2 semaphore(%run_scoped3A_34 : memref<!tpu.dma_semaphore, #tpu.memory_space<semaphore_mem>>) src(%dma_wait3A_40 : memref<10000xi32, #tpu.memory_space<hbm>>) dst(%arg5 : memref<10000xi32, #tpu.memory_space<vmem>>)
      tpu.yield
    }) : () -> ()
    %scan3A_12 = arith.constant 0 : i32
    %scan3A_13 = arith.constant 0 : i32
    %scan3A_14 = arith.constant 625 : i32
    %scan3A_15 = arith.addi %scan3A_13, %scan3A_14 : i32
    %scan3A_16 = arith.constant 1 : i32
    %scan3A_17 = scf.for %scan3A_34 = %scan3A_13 to %scan3A_15 step %scan3A_16 iter_args(%scan3A_35 = %scan3A_12) -> (i32)  : i32 {
      %mul3A_36 = arith.constant 16 : i32
      %mul3A_37 = arith.muli %scan3A_34, %mul3A_36 : i32
      %get3A = arith.index_cast %mul3A_37 : i32 to index
      %get3A_38 = tpu.vector_load %arg5[%get3A] {strides = array<i32>} : memref<10000xi32, #tpu.memory_space<vmem>>, vector<16xi32>,
      tpu.vector_store_idx %arg6[%get3A_38], %broadcast_in_dim3A_5 {add = true} : memref<10240xf32, #tpu.memory_space<vmem>>[vector<16xi32>], vector<16xf32>,
      %scan3A_39 = arith.constant 0 : i32
      scf.yield %scan3A_39 : i32
    }
    %scan3A_18 = arith.constant 625 : i32
    "tpu.region"() ({
      %run_scoped3A_34 = tpu.sem_alloc : memref<!tpu.dma_semaphore, #tpu.memory_space<semaphore_mem>>
      %dma_start3A = arith.constant 0 : i32
      %dma_start3A_35 = tpu.memref_slice %arg3[%add3A, %dma_start3A] : memref<32x10240xf32, #tpu.memory_space<hbm>> -> memref<1x10240xf32, #tpu.memory_space<hbm>>
      %dma_start3A_36 = tpu.memref_squeeze %dma_start3A_35 : memref<1x10240xf32, #tpu.memory_space<hbm>> -> memref<10240xf32, #tpu.memory_space<hbm>>
      %dma_start3A_37 = arith.constant 0 : i32
      %dma_start3A_38 = tpu.memref_slice %arg3[%add3A, %dma_start3A_37] : memref<32x10240xf32, #tpu.memory_space<hbm>> -> memref<1x10240xf32, #tpu.memory_space<hbm>>
      %dma_start3A_39 = tpu.memref_squeeze %dma_start3A_38 : memref<1x10240xf32, #tpu.memory_space<hbm>> -> memref<10240xf32, #tpu.memory_space<hbm>>
      tpu.enqueue_dma source(%arg6 : memref<10240xf32, #tpu.memory_space<vmem>>) target(%dma_start3A_39 : memref<10240xf32, #tpu.memory_space<hbm>>) target_semaphore(%run_scoped3A_34 : memref<!tpu.dma_semaphore, #tpu.memory_space<semaphore_mem>>)
      %dma_wait3A = arith.constant 0 : i32
      %dma_wait3A_40 = tpu.memref_slice %arg3[%add3A, %dma_wait3A] : memref<32x10240xf32, #tpu.memory_space<hbm>> -> memref<1x10240xf32, #tpu.memory_space<hbm>>
      %dma_wait3A_41 = tpu.memref_squeeze %dma_wait3A_40 : memref<1x10240xf32, #tpu.memory_space<hbm>> -> memref<10240xf32, #tpu.memory_space<hbm>>
      %dma_wait3A_42 = arith.constant 0 : i32
      %dma_wait3A_43 = tpu.memref_slice %arg3[%add3A, %dma_wait3A_42] : memref<32x10240xf32, #tpu.memory_space<hbm>> -> memref<1x10240xf32, #tpu.memory_space<hbm>>
      %dma_wait3A_44 = tpu.memref_squeeze %dma_wait3A_43 : memref<1x10240xf32, #tpu.memory_space<hbm>> -> memref<10240xf32, #tpu.memory_space<hbm>>
      tpu.wait_dma2 semaphore(%run_scoped3A_34 : memref<!tpu.dma_semaphore, #tpu.memory_space<semaphore_mem>>) src(%arg6 : memref<10240xf32, #tpu.memory_space<vmem>>) dst(%dma_wait3A_44 : memref<10240xf32, #tpu.memory_space<hbm>>)
      tpu.yield
    }) : () -> ()
    %scan3A_19 = arith.constant 0 : i32
    %scan3A_20 = arith.constant 0 : i32
    %scan3A_21 = arith.constant 640 : i32
    %scan3A_22 = arith.addi %scan3A_20, %scan3A_21 : i32
    %scan3A_23 = arith.constant 1 : i32
    %scan3A_24 = scf.for %scan3A_34 = %scan3A_20 to %scan3A_22 step %scan3A_23 iter_args(%scan3A_35 = %scan3A_19) -> (i32)  : i32 {
      %mul3A_36 = arith.constant 16 : i32
      %mul3A_37 = arith.muli %scan3A_34, %mul3A_36 : i32
      %swap3A = arith.index_cast %mul3A_37 : i32 to index
      %swap3A_38 = tpu.vector_load %arg6[%swap3A] {strides = array<i32>} : memref<10240xf32, #tpu.memory_space<vmem>>, vector<16xf32>,
      tpu.vector_store %arg6[%swap3A], %broadcast_in_dim3A_3 {strides = array<i32>} : memref<10240xf32, #tpu.memory_space<vmem>>, vector<16xf32>,
      %scan3A_39 = arith.constant 0 : i32
      scf.yield %scan3A_39 : i32
    }
    %scan3A_25 = arith.constant 640 : i32
    %run_scoped3A_26 = arith.constant 1 : i32
    "tpu.region"() ({
      %run_scoped3A_34 = tpu.sem_alloc : memref<!tpu.dma_semaphore, #tpu.memory_space<semaphore_mem>>
      %dma_start3A = tpu.memref_slice %arg2[%run_scoped3A_26, %mul3A_2] : memref<2x320000xi32, #tpu.memory_space<hbm>> -> memref<1x10000xi32, #tpu.memory_space<hbm>>
      %dma_start3A_35 = tpu.memref_squeeze %dma_start3A : memref<1x10000xi32, #tpu.memory_space<hbm>> -> memref<10000xi32, #tpu.memory_space<hbm>>
      %dma_start3A_36 = tpu.memref_slice %arg2[%run_scoped3A_26, %mul3A_2] : memref<2x320000xi32, #tpu.memory_space<hbm>> -> memref<1x10000xi32, #tpu.memory_space<hbm>>
      %dma_start3A_37 = tpu.memref_squeeze %dma_start3A_36 : memref<1x10000xi32, #tpu.memory_space<hbm>> -> memref<10000xi32, #tpu.memory_space<hbm>>
      tpu.enqueue_dma source(%dma_start3A_37 : memref<10000xi32, #tpu.memory_space<hbm>>) target(%arg5 : memref<10000xi32, #tpu.memory_space<vmem>>) target_semaphore(%run_scoped3A_34 : memref<!tpu.dma_semaphore, #tpu.memory_space<semaphore_mem>>)
      %dma_wait3A = tpu.memref_slice %arg2[%run_scoped3A_26, %mul3A_2] : memref<2x320000xi32, #tpu.memory_space<hbm>> -> memref<1x10000xi32, #tpu.memory_space<hbm>>
      %dma_wait3A_38 = tpu.memref_squeeze %dma_wait3A : memref<1x10000xi32, #tpu.memory_space<hbm>> -> memref<10000xi32, #tpu.memory_space<hbm>>
      %dma_wait3A_39 = tpu.memref_slice %arg2[%run_scoped3A_26, %mul3A_2] : memref<2x320000xi32, #tpu.memory_space<hbm>> -> memref<1x10000xi32, #tpu.memory_space<hbm>>
      %dma_wait3A_40 = tpu.memref_squeeze %dma_wait3A_39 : memref<1x10000xi32, #tpu.memory_space<hbm>> -> memref<10000xi32, #tpu.memory_space<hbm>>
      tpu.wait_dma2 semaphore(%run_scoped3A_34 : memref<!tpu.dma_semaphore, #tpu.memory_space<semaphore_mem>>) src(%dma_wait3A_40 : memref<10000xi32, #tpu.memory_space<hbm>>) dst(%arg5 : memref<10000xi32, #tpu.memory_space<vmem>>)
      tpu.yield
    }) : () -> ()
    %scan3A_27 = arith.constant 0 : i32
    %scan3A_28 = arith.constant 0 : i32
    %scan3A_29 = arith.constant 625 : i32
    %scan3A_30 = arith.addi %scan3A_28, %scan3A_29 : i32
    %scan3A_31 = arith.constant 1 : i32
    %scan3A_32 = scf.for %scan3A_34 = %scan3A_28 to %scan3A_30 step %scan3A_31 iter_args(%scan3A_35 = %scan3A_27) -> (i32)  : i32 {
      %mul3A_36 = arith.constant 16 : i32
      %mul3A_37 = arith.muli %scan3A_34, %mul3A_36 : i32
      %get3A = arith.index_cast %mul3A_37 : i32 to index
      %get3A_38 = tpu.vector_load %arg5[%get3A] {strides = array<i32>} : memref<10000xi32, #tpu.memory_space<vmem>>, vector<16xi32>,
      tpu.vector_store_idx %arg6[%get3A_38], %broadcast_in_dim3A_5 {add = true} : memref<10240xf32, #tpu.memory_space<vmem>>[vector<16xi32>], vector<16xf32>,
      %scan3A_39 = arith.constant 0 : i32
      scf.yield %scan3A_39 : i32
    }
    %scan3A_33 = arith.constant 625 : i32
    "tpu.region"() ({
      %run_scoped3A_34 = tpu.sem_alloc : memref<!tpu.dma_semaphore, #tpu.memory_space<semaphore_mem>>
      %dma_start3A = arith.constant 0 : i32
      %dma_start3A_35 = tpu.memref_slice %arg4[%add3A, %dma_start3A] : memref<32x10240xf32, #tpu.memory_space<hbm>> -> memref<1x10240xf32, #tpu.memory_space<hbm>>
      %dma_start3A_36 = tpu.memref_squeeze %dma_start3A_35 : memref<1x10240xf32, #tpu.memory_space<hbm>> -> memref<10240xf32, #tpu.memory_space<hbm>>
      %dma_start3A_37 = arith.constant 0 : i32
      %dma_start3A_38 = tpu.memref_slice %arg4[%add3A, %dma_start3A_37] : memref<32x10240xf32, #tpu.memory_space<hbm>> -> memref<1x10240xf32, #tpu.memory_space<hbm>>
      %dma_start3A_39 = tpu.memref_squeeze %dma_start3A_38 : memref<1x10240xf32, #tpu.memory_space<hbm>> -> memref<10240xf32, #tpu.memory_space<hbm>>
      tpu.enqueue_dma source(%arg6 : memref<10240xf32, #tpu.memory_space<vmem>>) target(%dma_start3A_39 : memref<10240xf32, #tpu.memory_space<hbm>>) target_semaphore(%run_scoped3A_34 : memref<!tpu.dma_semaphore, #tpu.memory_space<semaphore_mem>>)
      %dma_wait3A = arith.constant 0 : i32
      %dma_wait3A_40 = tpu.memref_slice %arg4[%add3A, %dma_wait3A] : memref<32x10240xf32, #tpu.memory_space<hbm>> -> memref<1x10240xf32, #tpu.memory_space<hbm>>
      %dma_wait3A_41 = tpu.memref_squeeze %dma_wait3A_40 : memref<1x10240xf32, #tpu.memory_space<hbm>> -> memref<10240xf32, #tpu.memory_space<hbm>>
      %dma_wait3A_42 = arith.constant 0 : i32
      %dma_wait3A_43 = tpu.memref_slice %arg4[%add3A, %dma_wait3A_42] : memref<32x10240xf32, #tpu.memory_space<hbm>> -> memref<1x10240xf32, #tpu.memory_space<hbm>>
      %dma_wait3A_44 = tpu.memref_squeeze %dma_wait3A_43 : memref<1x10240xf32, #tpu.memory_space<hbm>> -> memref<10240xf32, #tpu.memory_space<hbm>>
      tpu.wait_dma2 semaphore(%run_scoped3A_34 : memref<!tpu.dma_semaphore, #tpu.memory_space<semaphore_mem>>) src(%arg6 : memref<10240xf32, #tpu.memory_space<vmem>>) dst(%dma_wait3A_44 : memref<10240xf32, #tpu.memory_space<hbm>>)
      tpu.yield
    }) : () -> ()
    return
  }
}

module attributes {stable_mosaic.version = 14 : i64} {
  func.func @_mm_scale_body(%arg0: i32, %arg1: memref<1024x128xf32, #tpu.memory_space<vmem>>, %arg2: memref<128x128xf32, #tpu.memory_space<vmem>>, %arg3: memref<32x10240xf32, #tpu.memory_space<vmem>>, %arg4: memref<1024x64xf32, #tpu.memory_space<vmem>>, %arg5: memref<1024x64xf32, #tpu.memory_space<vmem>>) attributes {dimension_semantics = [#tpu.dimension_semantics<arbitrary>], iteration_bounds = array<i64: 10>, scalar_prefetch = 0 : i64, scratch_operands = 0 : i64, tpu.core_type = #tpu.core_type<tc>, window_params = [{transform_indices = @transform_0, window_bounds = array<i64: 1024, 128>}, {pipeline_mode = #tpu.pipeline_mode<synchronous>, transform_indices = @transform_1, window_bounds = array<i64: 128, 128>}, {pipeline_mode = #tpu.pipeline_mode<synchronous>, transform_indices = @transform_2, window_bounds = array<i64: 32, 10240>}, {transform_indices = @transform_3, window_bounds = array<i64: 1024, 64>}, {transform_indices = @transform_4, window_bounds = array<i64: 1024, 64>}]} {
    %mul3A = arith.constant 1024 : i32
    %mul3A_0 = arith.muli %arg0, %mul3A : i32
    %get3A = arith.constant 0 : index
    %get3A_1 = arith.index_cast %mul3A_0 : i32 to index
    %get3A_2 = vector.load %arg3[%get3A, %get3A_1] : memref<32x10240xf32, #tpu.memory_space<vmem>>, vector<32x1024xf32>
    %reduce_sum3A = arith.constant dense<0.000000e+00> : vector<1024xf32>
    %reduce_sum3A_3 = vector.multi_reduction <add>, %get3A_2, %reduce_sum3A [0] : vector<32x1024xf32> to vector<1024xf32>
    %max3A = arith.constant 1.000000e+00 : f32
    %max3A_4 = vector.broadcast %max3A : f32 to vector<1024xf32>
    %max3A_5 = arith.maximumf %reduce_sum3A_3, %max3A_4 : vector<1024xf32>
    %rsqrt3A = math.rsqrt %max3A_5 : vector<1024xf32>
    %get3A_6 = arith.constant 0 : index
    %get3A_7 = arith.constant 0 : index
    %get3A_8 = vector.load %arg1[%get3A_6, %get3A_7] : memref<1024x128xf32, #tpu.memory_space<vmem>>, vector<1024x128xf32>
    %get3A_9 = arith.constant 0 : index
    %get3A_10 = arith.constant 0 : index
    %get3A_11 = vector.load %arg2[%get3A_9, %get3A_10] : memref<128x128xf32, #tpu.memory_space<vmem>>, vector<128x128xf32>
    %dot_general3A = arith.constant dense<0.000000e+00> : vector<1024x128xf32>
    %dot_general3A_12 = tpu.matmul %get3A_8, %get3A_11, %dot_general3A {dimension_numbers = #tpu.dot_dimension_numbers<[1], [0], [0], [1], [0, 0, 1, 1], [], []>, transpose_lhs_hint = false} : vector<1024x128xf32>, vector<128x128xf32>, vector<1024x128xf32> -> vector<1024x128xf32>
    %broadcast_in_dim3A = vector.shape_cast %rsqrt3A : vector<1024xf32> to vector<1024x1xf32>
    %mul3A_13 = vector.broadcast %broadcast_in_dim3A : vector<1024x1xf32> to vector<1024x128xf32>
    %mul3A_14 = arith.mulf %dot_general3A_12, %mul3A_13 : vector<1024x128xf32>
    %slice3A = vector.extract_strided_slice %mul3A_14 {offsets = [0, 0], sizes = [1024, 64], strides = [1, 1]} : vector<1024x128xf32> to vector<1024x64xf32>
    %swap3A = arith.constant 0 : index
    %swap3A_15 = arith.constant 0 : index
    %swap3A_16 = vector.load %arg4[%swap3A, %swap3A_15] : memref<1024x64xf32, #tpu.memory_space<vmem>>, vector<1024x64xf32>
    tpu.vector_store %arg4[%swap3A, %swap3A_15], %slice3A {strides = array<i32>} : memref<1024x64xf32, #tpu.memory_space<vmem>>, vector<1024x64xf32>,
    %slice3A_17 = vector.extract_strided_slice %mul3A_14 {offsets = [0, 64], sizes = [1024, 64], strides = [1, 1]} : vector<1024x128xf32> to vector<1024x64xf32>
    %swap3A_18 = arith.constant 0 : index
    %swap3A_19 = arith.constant 0 : index
    %swap3A_20 = vector.load %arg5[%swap3A_18, %swap3A_19] : memref<1024x64xf32, #tpu.memory_space<vmem>>, vector<1024x64xf32>
    tpu.vector_store %arg5[%swap3A_18, %swap3A_19], %slice3A_17 {strides = array<i32>} : memref<1024x64xf32, #tpu.memory_space<vmem>>, vector<1024x64xf32>,
    return
  }
  func.func @transform_0(%arg0: i32) -> (i32, i32) {
    %c0_i32 = arith.constant 0 : i32
    %c0_i32_0 = arith.constant 0 : i32
    return %arg0, %c0_i32 : i32, i32
  }
  func.func @transform_1(%arg0: i32) -> (i32, i32) {
    %c0_i32 = arith.constant 0 : i32
    %c0_i32_0 = arith.constant 0 : i32
    %c0_i32_1 = arith.constant 0 : i32
    return %c0_i32, %c0_i32_0 : i32, i32
  }
  func.func @transform_2(%arg0: i32) -> (i32, i32) {
    %c0_i32 = arith.constant 0 : i32
    %c0_i32_0 = arith.constant 0 : i32
    %c0_i32_1 = arith.constant 0 : i32
    return %c0_i32, %c0_i32_0 : i32, i32
  }
  func.func @transform_3(%arg0: i32) -> (i32, i32) {
    %c0_i32 = arith.constant 0 : i32
    %c0_i32_0 = arith.constant 0 : i32
    return %arg0, %c0_i32 : i32, i32
  }
  func.func @transform_4(%arg0: i32) -> (i32, i32) {
    %c0_i32 = arith.constant 0 : i32
    %c0_i32_0 = arith.constant 0 : i32
    return %arg0, %c0_i32 : i32, i32
  }
}

module attributes {stable_mosaic.version = 14 : i64} {
  func.func @_mid_body(%arg0: i32, %arg1: memref<2x1024x64xf32, #tpu.memory_space<vmem>>, %arg2: memref<2x1024x64xf32, #tpu.memory_space<vmem>>, %arg3: memref<32x10240xf32, #tpu.memory_space<vmem>>, %arg4: memref<32x10240xf32, #tpu.memory_space<vmem>>, %arg5: memref<128xf32, #tpu.memory_space<vmem>>, %arg6: memref<128x64xf32, #tpu.memory_space<vmem>>, %arg7: memref<1024x64xf32, #tpu.memory_space<vmem>>) attributes {dimension_semantics = [#tpu.dimension_semantics<arbitrary>], iteration_bounds = array<i64: 10>, scalar_prefetch = 0 : i64, scratch_operands = 0 : i64, tpu.core_type = #tpu.core_type<tc>, window_params = [{transform_indices = @transform_0, window_bounds = array<i64: 2, 1024, 64>}, {transform_indices = @transform_1, window_bounds = array<i64: 2, 1024, 64>}, {pipeline_mode = #tpu.pipeline_mode<synchronous>, transform_indices = @transform_2, window_bounds = array<i64: 32, 10240>}, {pipeline_mode = #tpu.pipeline_mode<synchronous>, transform_indices = @transform_3, window_bounds = array<i64: 32, 10240>}, {pipeline_mode = #tpu.pipeline_mode<synchronous>, transform_indices = @transform_4, window_bounds = array<i64: 128>}, {pipeline_mode = #tpu.pipeline_mode<synchronous>, transform_indices = @transform_5, window_bounds = array<i64: 128, 64>}, {transform_indices = @transform_6, window_bounds = array<i64: 1024, 64>}]} {
    %mul3A = arith.constant 1024 : i32
    %mul3A_0 = arith.muli %arg0, %mul3A : i32
    %get3A = arith.constant 0 : index
    %get3A_1 = arith.index_cast %mul3A_0 : i32 to index
    %get3A_2 = vector.load %arg3[%get3A, %get3A_1] : memref<32x10240xf32, #tpu.memory_space<vmem>>, vector<32x1024xf32>
    %reduce_sum3A = arith.constant dense<0.000000e+00> : vector<1024xf32>
    %reduce_sum3A_3 = vector.multi_reduction <add>, %get3A_2, %reduce_sum3A [0] : vector<32x1024xf32> to vector<1024xf32>
    %max3A = arith.constant 1.000000e+00 : f32
    %max3A_4 = vector.broadcast %max3A : f32 to vector<1024xf32>
    %max3A_5 = arith.maximumf %reduce_sum3A_3, %max3A_4 : vector<1024xf32>
    %rsqrt3A = math.rsqrt %max3A_5 : vector<1024xf32>
    %mul3A_6 = arith.constant 1024 : i32
    %mul3A_7 = arith.muli %arg0, %mul3A_6 : i32
    %get3A_8 = arith.constant 0 : index
    %get3A_9 = arith.index_cast %mul3A_7 : i32 to index
    %get3A_10 = vector.load %arg4[%get3A_8, %get3A_9] : memref<32x10240xf32, #tpu.memory_space<vmem>>, vector<32x1024xf32>
    %reduce_sum3A_11 = arith.constant dense<0.000000e+00> : vector<1024xf32>
    %reduce_sum3A_12 = vector.multi_reduction <add>, %get3A_10, %reduce_sum3A_11 [0] : vector<32x1024xf32> to vector<1024xf32>
    %max3A_13 = arith.constant 1.000000e+00 : f32
    %max3A_14 = vector.broadcast %max3A_13 : f32 to vector<1024xf32>
    %max3A_15 = arith.maximumf %reduce_sum3A_12, %max3A_14 : vector<1024xf32>
    %rsqrt3A_16 = math.rsqrt %max3A_15 : vector<1024xf32>
    %get3A_17 = arith.constant 0 : index
    %get3A_18 = arith.constant 0 : index
    %get3A_19 = arith.constant 0 : index
    %get3A_20 = vector.load %arg1[%get3A_17, %get3A_18, %get3A_19] : memref<2x1024x64xf32, #tpu.memory_space<vmem>>, vector<1x1024x64xf32>
    %get3A_21 = vector.shape_cast %get3A_20 : vector<1x1024x64xf32> to vector<1024x64xf32>
    %get3A_22 = arith.constant 1 : index
    %get3A_23 = arith.constant 0 : index
    %get3A_24 = arith.constant 0 : index
    %get3A_25 = vector.load %arg1[%get3A_22, %get3A_23, %get3A_24] : memref<2x1024x64xf32, #tpu.memory_space<vmem>>, vector<1x1024x64xf32>
    %get3A_26 = vector.shape_cast %get3A_25 : vector<1x1024x64xf32> to vector<1024x64xf32>
    %add3A = arith.addf %get3A_21, %get3A_26 : vector<1024x64xf32>
    %get3A_27 = arith.constant 0 : index
    %get3A_28 = arith.constant 0 : index
    %get3A_29 = arith.constant 0 : index
    %get3A_30 = vector.load %arg2[%get3A_27, %get3A_28, %get3A_29] : memref<2x1024x64xf32, #tpu.memory_space<vmem>>, vector<1x1024x64xf32>
    %get3A_31 = vector.shape_cast %get3A_30 : vector<1x1024x64xf32> to vector<1024x64xf32>
    %get3A_32 = arith.constant 1 : index
    %get3A_33 = arith.constant 0 : index
    %get3A_34 = arith.constant 0 : index
    %get3A_35 = vector.load %arg2[%get3A_32, %get3A_33, %get3A_34] : memref<2x1024x64xf32, #tpu.memory_space<vmem>>, vector<1x1024x64xf32>
    %get3A_36 = vector.shape_cast %get3A_35 : vector<1x1024x64xf32> to vector<1024x64xf32>
    %add3A_37 = arith.addf %get3A_31, %get3A_36 : vector<1024x64xf32>
    %concatenate3A = tpu.concatenate %add3A, %add3A_37 in 1 : vector<1024x64xf32>, vector<1024x64xf32> -> vector<1024x128xf32>
    %broadcast_in_dim3A = vector.shape_cast %rsqrt3A : vector<1024xf32> to vector<1024x1xf32>
    %mul3A_38 = vector.broadcast %broadcast_in_dim3A : vector<1024x1xf32> to vector<1024x128xf32>
    %mul3A_39 = arith.mulf %concatenate3A, %mul3A_38 : vector<1024x128xf32>
    %get3A_40 = arith.constant 0 : index
    %get3A_41 = vector.load %arg5[%get3A_40] : memref<128xf32, #tpu.memory_space<vmem>>, vector<128xf32>
    %broadcast_in_dim3A_42 = vector.shape_cast %get3A_41 : vector<128xf32> to vector<1x128xf32>
    %add3A_43 = vector.broadcast %broadcast_in_dim3A_42 : vector<1x128xf32> to vector<1024x128xf32>
    %add3A_44 = arith.addf %mul3A_39, %add3A_43 : vector<1024x128xf32>
    %max3A_45 = arith.constant 0.000000e+00 : f32
    %max3A_46 = vector.broadcast %max3A_45 : f32 to vector<1024x128xf32>
    %max3A_47 = arith.maximumf %add3A_44, %max3A_46 : vector<1024x128xf32>
    %get3A_48 = arith.constant 0 : index
    %get3A_49 = arith.constant 0 : index
    %get3A_50 = vector.load %arg6[%get3A_48, %get3A_49] : memref<128x64xf32, #tpu.memory_space<vmem>>, vector<128x64xf32>
    %dot_general3A = arith.constant dense<0.000000e+00> : vector<1024x64xf32>
    %dot_general3A_51 = tpu.matmul %max3A_47, %get3A_50, %dot_general3A {dimension_numbers = #tpu.dot_dimension_numbers<[1], [0], [0], [1], [0, 0, 1, 1], [], []>, transpose_lhs_hint = false} : vector<1024x128xf32>, vector<128x64xf32>, vector<1024x64xf32> -> vector<1024x64xf32>
    %broadcast_in_dim3A_52 = vector.shape_cast %rsqrt3A_16 : vector<1024xf32> to vector<1024x1xf32>
    %mul3A_53 = vector.broadcast %broadcast_in_dim3A_52 : vector<1024x1xf32> to vector<1024x64xf32>
    %mul3A_54 = arith.mulf %dot_general3A_51, %mul3A_53 : vector<1024x64xf32>
    %swap3A = arith.constant 0 : index
    %swap3A_55 = arith.constant 0 : index
    %swap3A_56 = vector.load %arg7[%swap3A, %swap3A_55] : memref<1024x64xf32, #tpu.memory_space<vmem>>, vector<1024x64xf32>
    tpu.vector_store %arg7[%swap3A, %swap3A_55], %mul3A_54 {strides = array<i32>} : memref<1024x64xf32, #tpu.memory_space<vmem>>, vector<1024x64xf32>,
    return
  }
  func.func @transform_0(%arg0: i32) -> (i32, i32, i32) {
    %c0_i32 = arith.constant 0 : i32
    %c0_i32_0 = arith.constant 0 : i32
    %c0_i32_1 = arith.constant 0 : i32
    return %c0_i32, %arg0, %c0_i32_0 : i32, i32, i32
  }
  func.func @transform_1(%arg0: i32) -> (i32, i32, i32) {
    %c0_i32 = arith.constant 0 : i32
    %c0_i32_0 = arith.constant 0 : i32
    %c0_i32_1 = arith.constant 0 : i32
    return %c0_i32, %arg0, %c0_i32_0 : i32, i32, i32
  }
  func.func @transform_2(%arg0: i32) -> (i32, i32) {
    %c0_i32 = arith.constant 0 : i32
    %c0_i32_0 = arith.constant 0 : i32
    %c0_i32_1 = arith.constant 0 : i32
    return %c0_i32, %c0_i32_0 : i32, i32
  }
  func.func @transform_3(%arg0: i32) -> (i32, i32) {
    %c0_i32 = arith.constant 0 : i32
    %c0_i32_0 = arith.constant 0 : i32
    %c0_i32_1 = arith.constant 0 : i32
    return %c0_i32, %c0_i32_0 : i32, i32
  }
  func.func @transform_4(%arg0: i32) -> i32 {
    %c0_i32 = arith.constant 0 : i32
    %c0_i32_0 = arith.constant 0 : i32
    return %c0_i32 : i32
  }
  func.func @transform_5(%arg0: i32) -> (i32, i32) {
    %c0_i32 = arith.constant 0 : i32
    %c0_i32_0 = arith.constant 0 : i32
    %c0_i32_1 = arith.constant 0 : i32
    return %c0_i32, %c0_i32_0 : i32, i32
  }
  func.func @transform_6(%arg0: i32) -> (i32, i32) {
    %c0_i32 = arith.constant 0 : i32
    %c0_i32_0 = arith.constant 0 : i32
    return %arg0, %c0_i32 : i32, i32
  }
}

module attributes {stable_mosaic.version = 14 : i64} {
  func.func @_final_body(%arg0: i32, %arg1: memref<2x1024x64xf32, #tpu.memory_space<vmem>>, %arg2: memref<32x10240xf32, #tpu.memory_space<vmem>>, %arg3: memref<64xf32, #tpu.memory_space<vmem>>, %arg4: memref<1024x64xf32, #tpu.memory_space<vmem>>) attributes {dimension_semantics = [#tpu.dimension_semantics<arbitrary>], iteration_bounds = array<i64: 10>, scalar_prefetch = 0 : i64, scratch_operands = 0 : i64, tpu.core_type = #tpu.core_type<tc>, window_params = [{transform_indices = @transform_0, window_bounds = array<i64: 2, 1024, 64>}, {pipeline_mode = #tpu.pipeline_mode<synchronous>, transform_indices = @transform_1, window_bounds = array<i64: 32, 10240>}, {pipeline_mode = #tpu.pipeline_mode<synchronous>, transform_indices = @transform_2, window_bounds = array<i64: 64>}, {transform_indices = @transform_3, window_bounds = array<i64: 1024, 64>}]} {
    %mul3A = arith.constant 1024 : i32
    %mul3A_0 = arith.muli %arg0, %mul3A : i32
    %get3A = arith.constant 0 : index
    %get3A_1 = arith.index_cast %mul3A_0 : i32 to index
    %get3A_2 = vector.load %arg2[%get3A, %get3A_1] : memref<32x10240xf32, #tpu.memory_space<vmem>>, vector<32x1024xf32>
    %reduce_sum3A = arith.constant dense<0.000000e+00> : vector<1024xf32>
    %reduce_sum3A_3 = vector.multi_reduction <add>, %get3A_2, %reduce_sum3A [0] : vector<32x1024xf32> to vector<1024xf32>
    %max3A = arith.constant 1.000000e+00 : f32
    %max3A_4 = vector.broadcast %max3A : f32 to vector<1024xf32>
    %max3A_5 = arith.maximumf %reduce_sum3A_3, %max3A_4 : vector<1024xf32>
    %rsqrt3A = math.rsqrt %max3A_5 : vector<1024xf32>
    %get3A_6 = arith.constant 0 : index
    %get3A_7 = arith.constant 0 : index
    %get3A_8 = arith.constant 0 : index
    %get3A_9 = vector.load %arg1[%get3A_6, %get3A_7, %get3A_8] : memref<2x1024x64xf32, #tpu.memory_space<vmem>>, vector<1x1024x64xf32>
    %get3A_10 = vector.shape_cast %get3A_9 : vector<1x1024x64xf32> to vector<1024x64xf32>
    %get3A_11 = arith.constant 1 : index
    %get3A_12 = arith.constant 0 : index
    %get3A_13 = arith.constant 0 : index
    %get3A_14 = vector.load %arg1[%get3A_11, %get3A_12, %get3A_13] : memref<2x1024x64xf32, #tpu.memory_space<vmem>>, vector<1x1024x64xf32>
    %get3A_15 = vector.shape_cast %get3A_14 : vector<1x1024x64xf32> to vector<1024x64xf32>
    %add3A = arith.addf %get3A_10, %get3A_15 : vector<1024x64xf32>
    %broadcast_in_dim3A = vector.shape_cast %rsqrt3A : vector<1024xf32> to vector<1024x1xf32>
    %mul3A_16 = vector.broadcast %broadcast_in_dim3A : vector<1024x1xf32> to vector<1024x64xf32>
    %mul3A_17 = arith.mulf %add3A, %mul3A_16 : vector<1024x64xf32>
    %get3A_18 = arith.constant 0 : index
    %get3A_19 = vector.load %arg3[%get3A_18] : memref<64xf32, #tpu.memory_space<vmem>>, vector<64xf32>
    %broadcast_in_dim3A_20 = vector.shape_cast %get3A_19 : vector<64xf32> to vector<1x64xf32>
    %add3A_21 = vector.broadcast %broadcast_in_dim3A_20 : vector<1x64xf32> to vector<1024x64xf32>
    %add3A_22 = arith.addf %mul3A_17, %add3A_21 : vector<1024x64xf32>
    %reduce_max3A = arith.constant dense<0xFF800000> : vector<1024xf32>
    %reduce_max3A_23 = vector.multi_reduction <maximumf>, %add3A_22, %reduce_max3A [1] : vector<1024x64xf32> to vector<1024xf32>
    %broadcast_in_dim3A_24 = vector.shape_cast %reduce_max3A_23 : vector<1024xf32> to vector<1024x1xf32>
    %sub3A = vector.broadcast %broadcast_in_dim3A_24 : vector<1024x1xf32> to vector<1024x64xf32>
    %sub3A_25 = arith.subf %add3A_22, %sub3A : vector<1024x64xf32>
    %exp3A = math.exp %sub3A_25 : vector<1024x64xf32>
    %sub3A_26 = vector.broadcast %broadcast_in_dim3A_24 : vector<1024x1xf32> to vector<1024x64xf32>
    %sub3A_27 = arith.subf %add3A_22, %sub3A_26 : vector<1024x64xf32>
    %reduce_sum3A_28 = arith.constant dense<0.000000e+00> : vector<1024xf32>
    %reduce_sum3A_29 = vector.multi_reduction <add>, %exp3A, %reduce_sum3A_28 [1] : vector<1024x64xf32> to vector<1024xf32>
    %broadcast_in_dim3A_30 = vector.shape_cast %reduce_sum3A_29 : vector<1024xf32> to vector<1024x1xf32>
    %log3A = math.log %broadcast_in_dim3A_30 : vector<1024x1xf32>
    %sub3A_31 = vector.broadcast %log3A : vector<1024x1xf32> to vector<1024x64xf32>
    %sub3A_32 = arith.subf %sub3A_27, %sub3A_31 : vector<1024x64xf32>
    %swap3A = arith.constant 0 : index
    %swap3A_33 = arith.constant 0 : index
    %swap3A_34 = vector.load %arg4[%swap3A, %swap3A_33] : memref<1024x64xf32, #tpu.memory_space<vmem>>, vector<1024x64xf32>
    tpu.vector_store %arg4[%swap3A, %swap3A_33], %sub3A_32 {strides = array<i32>} : memref<1024x64xf32, #tpu.memory_space<vmem>>, vector<1024x64xf32>,
    return
  }
  func.func @transform_0(%arg0: i32) -> (i32, i32, i32) {
    %c0_i32 = arith.constant 0 : i32
    %c0_i32_0 = arith.constant 0 : i32
    %c0_i32_1 = arith.constant 0 : i32
    return %c0_i32, %arg0, %c0_i32_0 : i32, i32, i32
  }
  func.func @transform_1(%arg0: i32) -> (i32, i32) {
    %c0_i32 = arith.constant 0 : i32
    %c0_i32_0 = arith.constant 0 : i32
    %c0_i32_1 = arith.constant 0 : i32
    return %c0_i32, %c0_i32_0 : i32, i32
  }
  func.func @transform_2(%arg0: i32) -> i32 {
    %c0_i32 = arith.constant 0 : i32
    %c0_i32_0 = arith.constant 0 : i32
    return %c0_i32 : i32
  }
  func.func @transform_3(%arg0: i32) -> (i32, i32) {
    %c0_i32 = arith.constant 0 : i32
    %c0_i32_0 = arith.constant 0 : i32
    return %arg0, %c0_i32 : i32, i32
  }
}

</mosaic_0001>

<sc_bundles>
// kernel: kernel.11.cloned.1.call-start
scs
__scs_entry_jumppad:
0x0: {  	(pc) =	sbr.rel $0x88, $3  }
0x1: {  	(tag) =	ssettag $0x0;
	lr =	simm.s32 $0x1  }
0x2: {  	[smem:$0x3F9B] =	sst lr;
	_ =	strace $0xD0000000  }
0x3: {  	_ = 	snop  }
0x4: {  	_ = 	snop  }
0x5: {  	_ = 	snop  }
0x6: {  	_ = 	snop  }
0x7: {  	_ = 	snop  }
__scs_overlays_trampoline_lowered:
0x8: {  	[smem:$0x3FAA] =	sst s0  }
0x9: {  	[smem:$0x3FAB] =	sst s1  }
0xa: {  	[smem:$0x3FAC] =	sst s2  }
0xb: {  	[smem:$0x3FAD] =	sst s3  }
0xc: {  	[smem:$0x3FAE] =	sst s4  }
0xd: {  	[smem:$0x3FAF] =	sst s5  }
0xe: {  	[smem:$0x3FB0] =	sst s6  }
0xf: {  	[smem:$0x3FB1] =	sst s7  }
0x10: {  	[smem:$0x3FB2] =	sst s8  }
0x11: {  	[smem:$0x3FB3] =	sst s9;
	s0 =	simm.s32 @!p0 $0x0  }
0x12: {  	s1 =	sld [smem:$0x3F99];
	s0 =	simm.s32 @p0 $0x1  }
0x13: {  	[smem:$0x3FB4] =	sst s0;
	s0 =	simm.s32 @!p1 $0x0  }
0x14: {  	s2 =	sld [smem:$0x3F98];
	s0 =	simm.s32 @p1 $0x1  }
0x15: {  	[smem:$0x3FB5] =	sst s0;
	s0 =	simm.s32 @!p2 $0x0  }
0x16: {  	s3 =	sld [smem:$0x3FDB];
	s0 =	simm.s32 @p2 $0x1  }
0x17: {  	s4 =	simm.s32 $0x1BF5;
	[smem:$0x3FB7] =	sst s0  }
0x18: {  	s0 =	sld [smem:$0x3F9A];
	_ =	swait.ge [sflag:s4], $0x0  }
0x19: {  	s7 =	sld [smem:$0x3F9B]  }
0x1a: {  	s8 =	sadd.s32 $0xFFFFE003, lr  }
0x1b: {  	s9 =	sadd.s32 $0xFFFFFEF7, lr;
	s5 =	simm.s32 $0xFFFFFFFF;
	p2 =	slt.u32 s8, $0xFFFFF086  }
0x1c: {  	p1 =	slt.u32 s9, $0xF7A;
	s5 =	simm.s32 @!p2 $0x0  }
0x1d: {  	s5 =	simm.s32 @p1 $0x1;
	p0 =	seq.s32 s7, s2  }
0x1e: {  	s7 =	smul.u32 @!p0 $0xF7A, s2;
	p2 =	seq.s32 @!p0 s5, $0x0  }
0x1f: {  	s9 =	smul.u32 $0xF7A, s1;
	s8 =	simm.s32 @!p0 $0x1BF5;
	p2 =	por !p2, p0  }
0x20: {  	[sflag:s8] =	ssyncset.s32 @!p0 $0xFFFFF086;
	s6 =	sadd.s32 @!p0 s3, s7;
	s7 =	simm.s32 @!p0 $0x108  }
0x21: {  	s3 =	sadd.s32 s3, s9;
	s6 =	sadd.s32 @!p0 $0x88, s6;
	s7 =	simm.s32 @p2 $0x1082  }
0x22: {  	[simem:s7], [sflag:s8] =	dma.local @!p0 [hbm:s6], $0xF7A  }
0x23: {  	s9 =	sor.u32 $0xD0000000, s2;
	s6 =	simm.s32 $0x108;
	_ =	swait.ge @!p0 [sflag:s8], $0x0  }
0x24: {  	s3 =	sadd.s32 $0x88, s3;
	s6 =	simm.s32 @!p1 $0x1082;
	[sflag:s4] =	ssyncset.s32 $0xFFFFF086  }
0x25: {  	[simem:s6], [sflag:s4] =	dma.local [hbm:s3], $0xF7A  }
0x26: {  	[smem:$0x3F9B] =	sst s1;
	(tag) =	ssettag s2;
	_ =	strace s9  }
0x27: {  	s1 =	sld [smem:$0x3FAB]  }
0x28: {  	s2 =	sld [smem:$0x3FAC]  }
0x29: {  	s4 =	sld [smem:$0x3FAE]  }
0x2a: {  	p0 =	seq.s32 s5, $0x0;
	s5 =	sld [smem:$0x3FAF]  }
0x2b: {  	s6 =	sld [smem:$0x3FB0]  }
0x2c: {  	s7 =	sld [smem:$0x3FB1]  }
0x2d: {  	s3 =	simm.s32 $0x108;
	s8 =	sld [smem:$0x3FB2]  }
0x2e: {  	s3 =	simm.s32 @!p0 $0x1082;
	s9 =	sld [smem:$0x3FB3]  }
0x2f: {  	lr =	sadd.s32 s0, s3;
	s0 =	sld [smem:$0x3FAA]  }
0x30: {  	s3 =	sld [smem:$0x3FAD]  }
0x31: {  	[smem:$0x3FB6] =	sst s10  }
0x32: {  	s10 =	sld [smem:$0x3FB4];
	_ =	sdelay $0x3  }
0x33: {  	p0 =	seq.s32 s10, $0x1;
	s10 =	sld [smem:$0x3FB6];
	_ =	sdelay $0x3  }
0x34: {  	[smem:$0x3FB6] =	sst s10  }
0x35: {  	s10 =	sld [smem:$0x3FB5];
	_ =	sdelay $0x3  }
0x36: {  	p1 =	seq.s32 s10, $0x1;
	s10 =	sld [smem:$0x3FB6];
	_ =	sdelay $0x3  }
0x37: {  	[smem:$0x3FB6] =	sst s10  }
0x38: {  	s10 =	sld [smem:$0x3FB7]  }
0x39: {  	_ = 	snop;
	(pc) =	sbr.ind lr, $3  }
0x3a: {  	_ = 	snop  }
0x3b: {  	_ = 	snop  }
0x3c: {  	p2 =	seq.s32 s10, $0x1;
	s10 =	sld [smem:$0x3FB6]  }
0x3d: {  	_ =	shalt  }
0x3e: {  	_ =	shalt  }
0x3f: {  	_ =	shalt  }
0x40: {  	_ =	shalt  }
0x41: {  	_ =	shalt  }
0x42: {  	_ =	shalt  }
0x43: {  	_ =	shalt  }
0x44: {  	_ =	shalt  }
0x45: {  	_ =	shalt  }
0x46: {  	_ =	shalt  }
0x47: {  	_ =	shalt  }
0x48: {  	_ =	shalt  }
0x49: {  	_ =	shalt  }
0x4a: {  	_ =	shalt  }
0x4b: {  	_ =	shalt  }
0x4c: {  	_ =	shalt  }
0x4d: {  	_ =	shalt  }
0x4e: {  	_ =	shalt  }
0x4f: {  	_ =	shalt  }
0x50: {  	_ =	shalt  }
0x51: {  	_ =	shalt  }
0x52: {  	_ =	shalt  }
0x53: {  	_ =	shalt  }
0x54: {  	_ =	shalt  }
0x55: {  	_ =	shalt  }
0x56: {  	_ =	shalt  }
0x57: {  	_ =	shalt  }
0x58: {  	_ =	shalt  }
0x59: {  	_ =	shalt  }
0x5a: {  	_ =	shalt  }
0x5b: {  	_ =	shalt  }
0x5c: {  	_ =	shalt  }
0x5d: {  	_ =	shalt  }
0x5e: {  	_ =	shalt  }
0x5f: {  	_ =	shalt  }
0x60: {  	_ =	shalt  }
0x61: {  	_ =	shalt  }
0x62: {  	_ =	shalt  }
0x63: {  	_ =	shalt  }
0x64: {  	_ =	shalt  }
0x65: {  	_ =	shalt  }
0x66: {  	_ =	shalt  }
0x67: {  	_ =	shalt  }
0x68: {  	_ =	shalt  }
0x69: {  	_ =	shalt  }
0x6a: {  	_ =	shalt  }
0x6b: {  	_ =	shalt  }
0x6c: {  	_ =	shalt  }
0x6d: {  	_ =	shalt  }
0x6e: {  	_ =	shalt  }
0x6f: {  	_ =	shalt  }
0x70: {  	_ =	shalt  }
0x71: {  	_ =	shalt  }
0x72: {  	_ =	shalt  }
0x73: {  	_ =	shalt  }
0x74: {  	_ =	shalt  }
0x75: {  	_ =	shalt  }
0x76: {  	_ =	shalt  }
0x77: {  	_ =	shalt  }
0x78: {  	_ =	shalt  }
0x79: {  	_ =	shalt  }
0x7a: {  	_ =	shalt  }
0x7b: {  	_ =	shalt  }
0x7c: {  	_ =	shalt  }
0x7d: {  	_ =	shalt  }
0x7e: {  	_ =	shalt  }
0x7f: {  	_ =	shalt  }
0x80: {  	_ =	shalt  }
0x81: {  	_ =	shalt  }
0x82: {  	_ =	shalt  }
0x83: {  	_ =	shalt  }
0x84: {  	_ =	shalt  }
0x85: {  	_ =	shalt  }
0x86: {  	_ =	shalt  }
0x87: {  	_ =	shalt  }
.Lfunc_end0:
.L_simem_size_0:
called_computation.1_lowered:
.L_overlay_start_0:
0x88: {  	s2 =	sld [smem:$0x3FD9]  }
0x89: {  	s3 =	sld [smem:$0x3FFE];
	_ =	sdelay $0x1  }
0x8a: {  	s1 =	srdreg.scid  }
0x8b: {  	s0 =	sand.u32 $0x1, s1  }
0x8c: {  	s16 =	sshll.u32 s0, $0xA;
	s2 =	sadd.s32 s3, s2  }
0x8d: {  	s2 =	sadd.s32 s2, s16  }
0x8e: {  	[smem:$0x3FC2] =	sst s2  }
0x8f: {  	_ = 	snop  }
0x90: {  	(tm) =	ssettm $0x1  }
0x91: {  	s17 =	sld [smem:$0x3FFB];
	_ =	sdelay $0x3  }
0x92: {  	_ =	strace s17  }
0x93: {  	s2 =	sld [smem:$0x3FFC];
	_ =	sdelay $0x3  }
0x94: {  	_ =	strace s2  }
0x95: {  	s2 =	sld [smem:$0x3FFD];
	_ =	sdelay $0x3  }
0x96: {  	_ =	strace s2  }
0x97: {  	_ =	strace $0x8FFFFFFF  }
0x98: {  	s18 =	sld [smem:$0x3FDB];
	_ =	sdelay $0x1  }
0x99: {  	s19 =	simm.s32 $_scs_section_size  }
0x9a: {  	s4 =	simm.s32 $_size__tile_overlayer_lowered;
	s5 =	simm.s32 $_tile_overlayer_lowered  }
0x9b: {  	s22 =	simm.s32 $0x1BFF;
	s21 =	sshll.u32 s5, $0x1;
	s2 =	sadd.s32 s19, s18  }
0x9c: {  	s6 =	simm.s32 $0x0;
	s20 =	sshll.u32 s4, $0x1;
	s4 =	sadd.s32 s21, s2  }
0x9d: {  	[timem:s6], [sflag:s22] =	dma.local [hbm:s4], s20  }
0x9e: {  	_ =	swait.ge [sflag:s22], s20  }
0x9f: {  	s3 =	ssub.s32 $0x0, s20;
	[sflag:s22] =	ssyncset.done $0x0  }
0xa0: {  	[sflag:s22] =	ssyncadd.s32 s3;
	_ =	sdelay $0x1  }
0xa1: {  	s23 =	simm.s32 $0x1B8B  }
0xa2: {  	_ =	swait.ge [sflag:s23], $0x1  }
0xa3: {  	[sflag:s23] =	ssyncset.done $0x0  }
0xa4: {  	s25 =	simm.s32 $0x1B8E;
	s24 =	sld [smem:$0x3FFE];
	[sflag:s23] =	ssyncadd.s32 $0xFFFFFFFF  }
0xa5: {  	s26 =	simm.s32 $execute0_lowered;
	[smem:$0x3FD2] =	sst s25  }
0xa6: {  	s4 =	sshll.u32 s26, $0x1;
	_ =	strace $0x80000049;
	[dreg:$0x1] =	wrdreg $0xFFFFFFFF  }
0xa7: {  	s28 =	simm.s32 $_size_execute0_lowered;
	s2 =	sadd.s32 s2, s4;
	[dreg:$0x0] =	wrdreg $0x0  }
0xa8: {  	s4 =	sshll.u32 s28, $0x1;
	[dreg:$0x2] =	wrdreg s2  }
0xa9: {  	[dreg:$0x3] =	wrdreg s4  }
0xaa: {  	[dreg:$0x4] =	wrdreg $0xC0  }
0xab: {  	_ =	task [dreg:s6], $0x5FFFF  }
0xac: {  	[dreg:$0x1] =	wrdreg $0xFFFFFFFF  }
0xad: {  	[dreg:$0x0] =	wrdreg $0x60  }
0xae: {  	[dreg:$0x2] =	wrdreg s24  }
0xaf: {  	[dreg:$0x3] =	wrdreg $0x15A000  }
0xb0: {  	[dreg:$0x4] =	wrdreg $0x9  }
0xb1: {  	_ =	task.clear_ibuf [dreg:s6], $0x5FFFF;
	_ =	strace $0x90000049  }
0xb2: {  	s29 =	simm.s32 $0x9;
	_ =	strace $0x8000004B  }
0xb3: {  	_ =	swait.ge [sflag:s29], $0x1  }
0xb4: {  	[sflag:s29] =	ssyncadd.s32 $0xFFFFFFFF  }
0xb5: {  	_ =	strace $0x9000004B  }
0xb6: {  	_ =	sfence  }
0xb7: {  	s30 =	sld [smem:$0x0];
	_ =	sdelay $0x2  }
0xb8: {  	s31 =	sshll.u32 s1, $0xD;
	s1 =	sshrl.u32 s1, $0x2  }
0xb9: {  	s3 =	sand.u32 $0x4000, s31;
	s1 =	sadd.s32 s1, s30  }
0xba: {  	s0 =	sor.u32 s3, s0;
	s1 =	sshll.u32 s1, $0x11  }
0xbb: {  	s0 =	sor.u32 s1, s0  }
0xbc: {  	s0 =	sadd.s32 $0x8F2B, s0  }
0xbd: {  	[sflag:s0] =	ssyncadd.remote.s32 $0x1  }
0xbe: {  	_ =	sfence.sel $0xFFFF  }
0xbf: {  	[dreg:$0x0] =	wrdreg $0xFFFFFFFF;
	(pc) =	sbr.abs _section_cstart, $3  }
0xc0: {  	[dreg:$0x1] =	wrdreg $0xFFFFFFFF  }
0xc1: {  	_ =	task.clear_ibuf [dreg:s6], $0x2FFFF;
	_ =	strace $0x9FFFFFFF  }
0xc2: {  	(tm) =	ssettm $0x7FFFFFFF  }
0xc3: {  	_ =	shalt  }
tec
execute0_lowered:
.L_overlay_start_1:
0x0: {  	(tag) =	ssettag $0x1  }
0x1: {  	s0 =	srdreg.scid;
	s3 =	rddreg [dreg:$0x0]  }
0x2: {  	s8 =	stileid.u32;
	s2 =	rddreg [dreg:$0x1]  }
0x3: {  	s4 =	simm.s32 $0x0;
	s28 =	simm.s32 $0x6F40;
	s30 =	simm.s32 $0x8E80  }
0x4: {  	s29 =	simm.s32 $0x1;
	s31 =	simm.s32 $0x3;
	s9 =	simm.s32 $0xB  }
0x5: {  	s10 =	simm.s32 $0x6;
	s11 =	simm.s32 $0xC;
	s6 =	smul.u32 $0xA000, s8  }
0x6: {  	s0 =	sand.u32 $0x1, s0;
	s1 =	sshll.u32 s8, $0x1;
	s8 =	smul.u32 $0x28000, s8  }
0x7: {  	[smem:$0x7FF] =	sst s4;
	s4 =	sadd.s32 $0x2AC00, s3;
	s5 =	sadd.s32 $0x3EC00, s3  }
0x8: {  	s1 =	sor.u32 s0, s1;
	s7 =	smul.u32 $0xA0000, s0;
	s8 =	sshrl.u32 s8, $0x2  }
0x9: {  	_ =	strace $0x8000004A;
	s15 =	sadd.s32 s6, s2;
	s14 =	sadd.s32 s8, s2  }
0xa: {  	s0 =	ssub.s32 $0x2, s0;
	[dreg:$0x5] =	wrdreg s15;
	s16 =	sadd.s32 $0x1000, s14  }
0xb: {  	s1 =	smul.u32 $0x2800, s1;
	s17 =	sadd.s32 $0x2000, s14;
	[dreg:$0x6] =	wrdreg s16  }
0xc: {  	s12 =	sshrl.u32 s0, $0x1;
	s18 =	sadd.s32 $0x3000, s14;
	[dreg:$0x7] =	wrdreg s17  }
0xd: {  	s7 =	sadd.s32 s6, s7;
	s19 =	sadd.s32 $0x4000, s14;
	[dreg:$0x8] =	wrdreg s18  }
0xe: {  	s0 =	ssub.s32 s0, s12;
	s20 =	sadd.s32 $0x5000, s14;
	[dreg:$0x9] =	wrdreg s19  }
0xf: {  	s12 =	simm.s32 $0x7;
	s21 =	sadd.s32 $0x6000, s14;
	[dreg:$0xa] =	wrdreg s20  }
0x10: {  	s15 =	simm.s32 $0xE;
	s22 =	sadd.s32 $0x7000, s14;
	[dreg:$0xb] =	wrdreg s21  }
0x11: {  	s1 =	sshrl.u32 s1, $0x3;
	s23 =	sadd.s32 $0x8000, s14;
	[dreg:$0xc] =	wrdreg s22  }
0x12: {  	s7 =	sshrl.u32 s7, $0x3;
	s24 =	sadd.s32 $0x9000, s14;
	[dreg:$0xd] =	wrdreg s23  }
0x13: {  	s0 =	smax.u32 s0, $0x1;
	s14 =	simm.s32 $0x8;
	[dreg:$0xe] =	wrdreg s24  }
0x14: {  	s1 =	sadd.s32 s1, s3;
	s3 =	sadd.s32 s7, s3;
	[dreg:$0x11] =	wrdreg s0  }
0x15: {  	s24 =	simm.s32 $0x7D;
	s0 =	simm.s32 $0x10B80;
	s18 =	simm.s32 $0x2  }
0x16: {  	s7 =	simm.s32 $0x12AC0;
	s20 =	simm.s32 $0x9;
	s19 =	simm.s32 $0x4  }
0x17: {  	s21 =	simm.s32 $0xA;
	s23 =	simm.s32 $0x5;
	s13 =	sadd.s32 $0x16C00, s1  }
0x18: {  	s16 =	simm.s32 $0xF;
	s1 =	sadd.s32 $0x20C00, s1;
	[dreg:$0x3] =	wrdreg s13  }
0x19: {  	s17 =	simm.s32 $0x10;
	s25 =	sadd.s32 $0x7AC00, s3;
	[dreg:$0x4] =	wrdreg s1  }
0x1a: {  	s22 =	simm.s32 $0x0;
	s26 =	sadd.s32 $0x52C00, s3;
	[dreg:$0xf] =	wrdreg s25  }
0x1b: {  	s3 =	simm.s32 $0xCD00;
	[dreg:$0x10] =	wrdreg s26;
	s25 =	simm.s32 $0x5000  }
0x1c: {  	v0 =	vimm.f32 $0.0e+00;
	s1 =	simm.s32 $0xADC0;
	s26 =	simm.s32 $0xEC40;
	s13 =	simm.s32 $0xD  }
.LBB2_1:
0x1d: {  	[dreg:$0x12] =	wrdreg s22  }
0x1e: {  	s6 =	simm.s32 $0x0;
	s8 =	rddreg [dreg:$0x3]  }
0x1f: {  	[tilespmem:s6], [sflag:$0x11] =	stream.linear.gather [hbm4b:s8+s6], $0x2800, $0x38;
	[tilespmem:$0x1FA00] =	vst v63  }
0x20: {  	s22 =	simm.s32 $0x2800;
	s8 =	rddreg [dreg:$0x4]  }
0x21: {  	[tilespmem:s22], [sflag:$0x12] =	stream.linear.gather [hbm4b:s8+s6], $0x2800, $0x38;
	[tilespmem:$0x1FA00] =	vst v63  }
0x22: {  	s8 =	simm.s32 $0x100;
	s6 =	simm.s32 $0x0  }
.LBB2_2:
0x23: {  	p0 =	sne.s32 s8, $0x3F00;
	[tilespmem:s6+$0x14A30] =	vst v0;
	s22 =	smov.u32 s8;
	s8 =	sadd.s32 $0x100, s8  }
.Ltmp0:
0x24: {  	[tilespmem:s6+$0x14A20] =	vst v0;
	(pc) =	sbr.rel @p0 .LBB2_2-.Ltmp0, $3  }
0x25: {  	[tilespmem:s6+$0x14A00] =	vst v0  }
0x26: {  	[tilespmem:s6+$0x14A10] =	vst v0;
	_ =	sdelay $0x1  }
0x27: {  	s6 =	sshra.s32 s22, $0x2  }
0x28: {  	[tilespmem:s6+$0x14A30] =	vst v0  }
0x29: {  	[tilespmem:s6+$0x14A20] =	vst v0  }
0x2a: {  	[tilespmem:s6+$0x14A00] =	vst v0  }
0x2b: {  	[tilespmem:s6+$0x14A10] =	vst v0;
	s8 =	simm.s32 $0x11  }
0x2c: {  	_ =	swait.ge [sflag:s8], $0x2800  }
0x2d: {  	[sflag:s8] =	ssyncset.done $0x0  }
0x2e: {  	s22 =	simm.s32 $0x12;
	[sflag:s8] =	ssyncadd.s32 $0xFFFFD800  }
0x2f: {  	_ =	swait.ge [sflag:s22], $0x2800  }
0x30: {  	[sflag:s22] =	ssyncset.done $0x0  }
0x31: {  	[sflag:s22] =	ssyncadd.s32 $0xFFFFD800;
	s22 =	simm.s32 $0x0  }
0x32: {  	[tilespmem:s25], [sflag:$0x1] =	stream.indirect.gather [hbm4b:s4+s24], $0x40, s22, s24, $0xb8;
	[tilespmem:$0x1FA00] =	vst v63  }
0x33: {  	s22 =	simm.s32 $0x80  }
0x34: {  	[tilespmem:s28], [sflag:$0x2] =	stream.indirect.gather [hbm4b:s4+s24], $0x40, s22, s24, $0xb8;
	[tilespmem:$0x1FA00] =	vst v63  }
0x35: {  	s22 =	simm.s32 $0x100  }
0x36: {  	[tilespmem:s30], [sflag:$0x3] =	stream.indirect.gather [hbm4b:s4+s24], $0x40, s22, s24, $0xb8;
	[tilespmem:$0x1FA00] =	vst v63  }
0x37: {  	s22 =	simm.s32 $0x180  }
0x38: {  	[tilespmem:s1], [sflag:$0x4] =	stream.indirect.gather [hbm4b:s4+s24], $0x40, s22, s24, $0xb8;
	[tilespmem:$0x1FA00] =	vst v63  }
0x39: {  	s22 =	simm.s32 $0x200  }
0x3a: {  	[tilespmem:s3], [sflag:$0x5] =	stream.indirect.gather [hbm4b:s4+s24], $0x40, s22, s24, $0xb8;
	[tilespmem:$0x1FA00] =	vst v63  }
0x3b: {  	s6 =	rddreg [dreg:$0x5];
	s22 =	simm.s32 $0x14A00  }
0x3c: {  	[spmem:s6] =	stream.linear.scatter [tilespmem:s22], [sflag:$0x11], $0x1000, $0x38;
	[tilespmem:$0x1FA00] =	vst v63  }
0x3d: {  	s6 =	rddreg [dreg:$0x6]  }
0x3e: {  	[spmem:s6] =	stream.linear.scatter [tilespmem:s22], [sflag:$0x11], $0x1000, $0x38;
	[tilespmem:$0x1FA00] =	vst v63  }
0x3f: {  	s6 =	rddreg [dreg:$0x7]  }
0x40: {  	[spmem:s6] =	stream.linear.scatter [tilespmem:s22], [sflag:$0x11], $0x1000, $0x38;
	[tilespmem:$0x1FA00] =	vst v63  }
0x41: {  	s6 =	rddreg [dreg:$0x8]  }
0x42: {  	[spmem:s6] =	stream.linear.scatter [tilespmem:s22], [sflag:$0x11], $0x1000, $0x38;
	[tilespmem:$0x1FA00] =	vst v63  }
0x43: {  	s6 =	rddreg [dreg:$0x9]  }
0x44: {  	[spmem:s6] =	stream.linear.scatter [tilespmem:s22], [sflag:$0x11], $0x1000, $0x38;
	[tilespmem:$0x1FA00] =	vst v63  }
0x45: {  	s6 =	rddreg [dreg:$0xa]  }
0x46: {  	[spmem:s6] =	stream.linear.scatter [tilespmem:s22], [sflag:$0x11], $0x1000, $0x38;
	[tilespmem:$0x1FA00] =	vst v63  }
0x47: {  	s6 =	rddreg [dreg:$0xb]  }
0x48: {  	[spmem:s6] =	stream.linear.scatter [tilespmem:s22], [sflag:$0x11], $0x1000, $0x38;
	[tilespmem:$0x1FA00] =	vst v63  }
0x49: {  	s6 =	rddreg [dreg:$0xc]  }
0x4a: {  	[spmem:s6] =	stream.linear.scatter [tilespmem:s22], [sflag:$0x11], $0x1000, $0x38;
	[tilespmem:$0x1FA00] =	vst v63  }
0x4b: {  	s6 =	rddreg [dreg:$0xd]  }
0x4c: {  	[spmem:s6] =	stream.linear.scatter [tilespmem:s22], [sflag:$0x11], $0x1000, $0x38;
	[tilespmem:$0x1FA00] =	vst v63  }
0x4d: {  	s6 =	rddreg [dreg:$0xe]  }
0x4e: {  	[spmem:s6] =	stream.linear.scatter [tilespmem:s22], [sflag:$0x11], $0x1000, $0x38;
	[tilespmem:$0x1FA00] =	vst v63  }
0x4f: {  	_ =	swait.ge [sflag:s8], $0x1000  }
0x50: {  	[sflag:s8] =	ssyncset.done $0x0  }
0x51: {  	[sflag:s8] =	ssyncadd.s32 $0xFFFFF000  }
0x52: {  	_ =	swait.ge [sflag:s8], $0x1000  }
0x53: {  	[sflag:s8] =	ssyncset.done $0x0  }
0x54: {  	[sflag:s8] =	ssyncadd.s32 $0xFFFFF000  }
0x55: {  	_ =	swait.ge [sflag:s8], $0x1000  }
0x56: {  	[sflag:s8] =	ssyncset.done $0x0  }
0x57: {  	[sflag:s8] =	ssyncadd.s32 $0xFFFFF000  }
0x58: {  	_ =	swait.ge [sflag:s8], $0x1000  }
0x59: {  	[sflag:s8] =	ssyncset.done $0x0  }
0x5a: {  	[sflag:s8] =	ssyncadd.s32 $0xFFFFF000  }
0x5b: {  	_ =	swait.ge [sflag:s8], $0x1000  }
0x5c: {  	[sflag:s8] =	ssyncset.done $0x0  }
0x5d: {  	[sflag:s8] =	ssyncadd.s32 $0xFFFFF000  }
0x5e: {  	_ =	swait.ge [sflag:s8], $0x1000  }
0x5f: {  	[sflag:s8] =	ssyncset.done $0x0  }
0x60: {  	[sflag:s8] =	ssyncadd.s32 $0xFFFFF000  }
0x61: {  	_ =	swait.ge [sflag:s8], $0x1000  }
0x62: {  	[sflag:s8] =	ssyncset.done $0x0  }
0x63: {  	[sflag:s8] =	ssyncadd.s32 $0xFFFFF000  }
0x64: {  	_ =	swait.ge [sflag:s8], $0x1000  }
0x65: {  	[sflag:s8] =	ssyncset.done $0x0  }
0x66: {  	[sflag:s8] =	ssyncadd.s32 $0xFFFFF000  }
0x67: {  	_ =	swait.ge [sflag:s8], $0x1000  }
0x68: {  	[sflag:s8] =	ssyncset.done $0x0  }
0x69: {  	[sflag:s8] =	ssyncadd.s32 $0xFFFFF000  }
0x6a: {  	_ =	swait.ge [sflag:s8], $0x1000  }
0x6b: {  	[sflag:s8] =	ssyncset.done $0x0  }
0x6c: {  	[sflag:s8] =	ssyncadd.s32 $0xFFFFF000  }
0x6d: {  	s22 =	simm.s32 $0x280;
	[bflag:$0x0] =	sbarrier.arrive $0xFFFF  }
0x6e: {  	[tilespmem:s26], [sflag:$0x6] =	stream.indirect.gather [hbm4b:s4+s24], $0x40, s22, s24, $0xb8;
	[tilespmem:$0x1FA00] =	vst v63  }
0x6f: {  	_ =	swait.ge [sflag:s29], $0x1F40  }
0x70: {  	[sflag:s29] =	ssyncset.done $0x0  }
0x71: {  	s8 =	simm.s32 $0x2800;
	[sflag:s29] =	ssyncadd.s32 $0xFFFFE0C0  }
0x72: {  	[spmem:s2] =	stream.indirect.scatter.add.f32 [tilespmem:s25], [sflag:$0x9], $0x40, s8, s24, $0xb8;
	[tilespmem:$0x1FA00] =	vst v63  }
0x73: {  	s22 =	simm.s32 $0x300  }
0x74: {  	[tilespmem:s0], [sflag:$0x7] =	stream.indirect.gather [hbm4b:s4+s24], $0x40, s22, s24, $0xb8;
	[tilespmem:$0x1FA00] =	vst v63  }
0x75: {  	_ =	swait.ge [sflag:s18], $0x1F40  }
0x76: {  	[sflag:s18] =	ssyncset.done $0x0  }
0x77: {  	s8 =	simm.s32 $0x2880;
	[sflag:s18] =	ssyncadd.s32 $0xFFFFE0C0  }
0x78: {  	[spmem:s2] =	stream.indirect.scatter.add.f32 [tilespmem:s28], [sflag:$0xA], $0x40, s8, s24, $0xb8;
	[tilespmem:$0x1FA00] =	vst v63  }
0x79: {  	s22 =	simm.s32 $0x380  }
0x7a: {  	[tilespmem:s7], [sflag:$0x8] =	stream.indirect.gather [hbm4b:s4+s24], $0x40, s22, s24, $0xb8;
	[tilespmem:$0x1FA00] =	vst v63  }
0x7b: {  	_ =	swait.ge [sflag:s31], $0x1F40  }
0x7c: {  	[sflag:s31] =	ssyncset.done $0x0  }
0x7d: {  	s8 =	simm.s32 $0x2900;
	[sflag:s31] =	ssyncadd.s32 $0xFFFFE0C0  }
0x7e: {  	[spmem:s2] =	stream.indirect.scatter.add.f32 [tilespmem:s30], [sflag:$0xB], $0x40, s8, s24, $0xb8;
	[tilespmem:$0x1FA00] =	vst v63  }
0x7f: {  	_ =	swait.ge [sflag:s20], $0x1F40  }
0x80: {  	[sflag:s20] =	ssyncset.done $0x0  }
0x81: {  	s22 =	simm.s32 $0x400;
	[sflag:s20] =	ssyncadd.s32 $0xFFFFE0C0  }
0x82: {  	[tilespmem:s25], [sflag:$0x1] =	stream.indirect.gather [hbm4b:s4+s24], $0x40, s22, s24, $0xb8;
	[tilespmem:$0x1FA00] =	vst v63  }
0x83: {  	_ =	swait.ge [sflag:s19], $0x1F40  }
0x84: {  	[sflag:s19] =	ssyncset.done $0x0  }
0x85: {  	s8 =	simm.s32 $0x2980;
	[sflag:s19] =	ssyncadd.s32 $0xFFFFE0C0  }
0x86: {  	[spmem:s2] =	stream.indirect.scatter.add.f32 [tilespmem:s1], [sflag:$0xC], $0x40, s8, s24, $0xb8;
	[tilespmem:$0x1FA00] =	vst v63  }
0x87: {  	_ =	swait.ge [sflag:s21], $0x1F40  }
0x88: {  	[sflag:s21] =	ssyncset.done $0x0  }
0x89: {  	s22 =	simm.s32 $0x480;
	[sflag:s21] =	ssyncadd.s32 $0xFFFFE0C0  }
0x8a: {  	[tilespmem:s28], [sflag:$0x2] =	stream.indirect.gather [hbm4b:s4+s24], $0x40, s22, s24, $0xb8;
	[tilespmem:$0x1FA00] =	vst v63  }
0x8b: {  	_ =	swait.ge [sflag:s23], $0x1F40  }
0x8c: {  	[sflag:s23] =	ssyncset.done $0x0  }
0x8d: {  	s8 =	simm.s32 $0x2A00;
	[sflag:s23] =	ssyncadd.s32 $0xFFFFE0C0  }
0x8e: {  	[spmem:s2] =	stream.indirect.scatter.add.f32 [tilespmem:s3], [sflag:$0xD], $0x40, s8, s24, $0xb8;
	[tilespmem:$0x1FA00] =	vst v63  }
0x8f: {  	_ =	swait.ge [sflag:s9], $0x1F40  }
0x90: {  	[sflag:s9] =	ssyncset.done $0x0  }
0x91: {  	s22 =	simm.s32 $0x500;
	[sflag:s9] =	ssyncadd.s32 $0xFFFFE0C0  }
0x92: {  	[tilespmem:s30], [sflag:$0x3] =	stream.indirect.gather [hbm4b:s4+s24], $0x40, s22, s24, $0xb8;
	[tilespmem:$0x1FA00] =	vst v63  }
0x93: {  	_ =	swait.ge [sflag:s10], $0x1F40  }
0x94: {  	[sflag:s10] =	ssyncset.done $0x0  }
0x95: {  	s8 =	simm.s32 $0x2A80;
	[sflag:s10] =	ssyncadd.s32 $0xFFFFE0C0  }
0x96: {  	[spmem:s2] =	stream.indirect.scatter.add.f32 [tilespmem:s26], [sflag:$0xE], $0x40, s8, s24, $0xb8;
	[tilespmem:$0x1FA00] =	vst v63  }
0x97: {  	_ =	swait.ge [sflag:s11], $0x1F40  }
0x98: {  	[sflag:s11] =	ssyncset.done $0x0  }
0x99: {  	s22 =	simm.s32 $0x580;
	[sflag:s11] =	ssyncadd.s32 $0xFFFFE0C0  }
0x9a: {  	[tilespmem:s1], [sflag:$0x4] =	stream.indirect.gather [hbm4b:s4+s24], $0x40, s22, s24, $0xb8;
	[tilespmem:$0x1FA00] =	vst v63  }
0x9b: {  	_ =	swait.ge [sflag:s12], $0x1F40  }
0x9c: {  	[sflag:s12] =	ssyncset.done $0x0  }
0x9d: {  	s8 =	simm.s32 $0x2B00;
	[sflag:s12] =	ssyncadd.s32 $0xFFFFE0C0  }
0x9e: {  	[spmem:s2] =	stream.indirect.scatter.add.f32 [tilespmem:s0], [sflag:$0xF], $0x40, s8, s24, $0xb8;
	[tilespmem:$0x1FA00] =	vst v63  }
0x9f: {  	_ =	swait.ge [sflag:s13], $0x1F40  }
0xa0: {  	[sflag:s13] =	ssyncset.done $0x0  }
0xa1: {  	s22 =	simm.s32 $0x600;
	[sflag:s13] =	ssyncadd.s32 $0xFFFFE0C0  }
0xa2: {  	[tilespmem:s3], [sflag:$0x5] =	stream.indirect.gather [hbm4b:s4+s24], $0x40, s22, s24, $0xb8;
	[tilespmem:$0x1FA00] =	vst v63  }
0xa3: {  	_ =	swait.ge [sflag:s14], $0x1F40  }
0xa4: {  	[sflag:s14] =	ssyncset.done $0x0  }
0xa5: {  	s8 =	simm.s32 $0x2B80;
	[sflag:s14] =	ssyncadd.s32 $0xFFFFE0C0  }
0xa6: {  	[spmem:s2] =	stream.indirect.scatter.add.f32 [tilespmem:s7], [sflag:$0x10], $0x40, s8, s24, $0xb8;
	[tilespmem:$0x1FA00] =	vst v63  }
0xa7: {  	_ =	swait.ge [sflag:s15], $0x1F40  }
0xa8: {  	[sflag:s15] =	ssyncset.done $0x0  }
0xa9: {  	s22 =	simm.s32 $0x680;
	[sflag:s15] =	ssyncadd.s32 $0xFFFFE0C0  }
0xaa: {  	[tilespmem:s26], [sflag:$0x6] =	stream.indirect.gather [hbm4b:s4+s24], $0x40, s22, s24, $0xb8;
	[tilespmem:$0x1FA00] =	vst v63  }
0xab: {  	_ =	swait.ge [sflag:s29], $0x1F40  }
0xac: {  	[sflag:s29] =	ssyncset.done $0x0  }
0xad: {  	s8 =	simm.s32 $0x2C00;
	[sflag:s29] =	ssyncadd.s32 $0xFFFFE0C0  }
0xae: {  	[spmem:s2] =	stream.indirect.scatter.add.f32 [tilespmem:s25], [sflag:$0x9], $0x40, s8, s24, $0xb8;
	[tilespmem:$0x1FA00] =	vst v63  }
0xaf: {  	_ =	swait.ge [sflag:s16], $0x1F40  }
0xb0: {  	[sflag:s16] =	ssyncset.done $0x0  }
0xb1: {  	s22 =	simm.s32 $0x700;
	[sflag:s16] =	ssyncadd.s32 $0xFFFFE0C0  }
0xb2: {  	[tilespmem:s0], [sflag:$0x7] =	stream.indirect.gather [hbm4b:s4+s24], $0x40, s22, s24, $0xb8;
	[tilespmem:$0x1FA00] =	vst v63  }
0xb3: {  	_ =	swait.ge [sflag:s18], $0x1F40  }
0xb4: {  	[sflag:s18] =	ssyncset.done $0x0  }
0xb5: {  	s8 =	simm.s32 $0x2C80;
	[sflag:s18] =	ssyncadd.s32 $0xFFFFE0C0  }
0xb6: {  	[spmem:s2] =	stream.indirect.scatter.add.f32 [tilespmem:s28], [sflag:$0xA], $0x40, s8, s24, $0xb8;
	[tilespmem:$0x1FA00] =	vst v63  }
0xb7: {  	_ =	swait.ge [sflag:s17], $0x1F40  }
0xb8: {  	[sflag:s17] =	ssyncset.done $0x0  }
0xb9: {  	s22 =	simm.s32 $0x780;
	[sflag:s17] =	ssyncadd.s32 $0xFFFFE0C0  }
0xba: {  	[tilespmem:s7], [sflag:$0x8] =	stream.indirect.gather [hbm4b:s4+s24], $0x40, s22, s24, $0xb8;
	[tilespmem:$0x1FA00] =	vst v63  }
0xbb: {  	_ =	swait.ge [sflag:s31], $0x1F40  }
0xbc: {  	[sflag:s31] =	ssyncset.done $0x0  }
0xbd: {  	s8 =	simm.s32 $0x2D00;
	[sflag:s31] =	ssyncadd.s32 $0xFFFFE0C0  }
0xbe: {  	[spmem:s2] =	stream.indirect.scatter.add.f32 [tilespmem:s30], [sflag:$0xB], $0x40, s8, s24, $0xb8;
	[tilespmem:$0x1FA00] =	vst v63  }
0xbf: {  	_ =	swait.ge [sflag:s20], $0x1F40  }
0xc0: {  	[sflag:s20] =	ssyncset.done $0x0  }
0xc1: {  	s22 =	simm.s32 $0x800;
	[sflag:s20] =	ssyncadd.s32 $0xFFFFE0C0  }
0xc2: {  	[tilespmem:s25], [sflag:$0x1] =	stream.indirect.gather [hbm4b:s4+s24], $0x40, s22, s24, $0xb8;
	[tilespmem:$0x1FA00] =	vst v63  }
0xc3: {  	_ =	swait.ge [sflag:s19], $0x1F40  }
0xc4: {  	[sflag:s19] =	ssyncset.done $0x0  }
0xc5: {  	s8 =	simm.s32 $0x2D80;
	[sflag:s19] =	ssyncadd.s32 $0xFFFFE0C0  }
0xc6: {  	[spmem:s2] =	stream.indirect.scatter.add.f32 [tilespmem:s1], [sflag:$0xC], $0x40, s8, s24, $0xb8;
	[tilespmem:$0x1FA00] =	vst v63  }
0xc7: {  	_ =	swait.ge [sflag:s21], $0x1F40  }
0xc8: {  	[sflag:s21] =	ssyncset.done $0x0  }
0xc9: {  	s22 =	simm.s32 $0x880;
	[sflag:s21] =	ssyncadd.s32 $0xFFFFE0C0  }
0xca: {  	[tilespmem:s28], [sflag:$0x2] =	stream.indirect.gather [hbm4b:s4+s24], $0x40, s22, s24, $0xb8;
	[tilespmem:$0x1FA00] =	vst v63  }
0xcb: {  	_ =	swait.ge [sflag:s23], $0x1F40  }
0xcc: {  	[sflag:s23] =	ssyncset.done $0x0  }
0xcd: {  	s8 =	simm.s32 $0x2E00;
	[sflag:s23] =	ssyncadd.s32 $0xFFFFE0C0  }
0xce: {  	[spmem:s2] =	stream.indirect.scatter.add.f32 [tilespmem:s3], [sflag:$0xD], $0x40, s8, s24, $0xb8;
	[tilespmem:$0x1FA00] =	vst v63  }
0xcf: {  	_ =	swait.ge [sflag:s9], $0x1F40  }
0xd0: {  	[sflag:s9] =	ssyncset.done $0x0  }
0xd1: {  	s22 =	simm.s32 $0x900;
	[sflag:s9] =	ssyncadd.s32 $0xFFFFE0C0  }
0xd2: {  	[tilespmem:s30], [sflag:$0x3] =	stream.indirect.gather [hbm4b:s4+s24], $0x40, s22, s24, $0xb8;
	[tilespmem:$0x1FA00] =	vst v63  }
0xd3: {  	_ =	swait.ge [sflag:s10], $0x1F40  }
0xd4: {  	[sflag:s10] =	ssyncset.done $0x0  }
0xd5: {  	s8 =	simm.s32 $0x2E80;
	[sflag:s10] =	ssyncadd.s32 $0xFFFFE0C0  }
0xd6: {  	[spmem:s2] =	stream.indirect.scatter.add.f32 [tilespmem:s26], [sflag:$0xE], $0x40, s8, s24, $0xb8;
	[tilespmem:$0x1FA00] =	vst v63  }
0xd7: {  	_ =	swait.ge [sflag:s11], $0x1F40  }
0xd8: {  	[sflag:s11] =	ssyncset.done $0x0  }
0xd9: {  	s22 =	simm.s32 $0x980;
	[sflag:s11] =	ssyncadd.s32 $0xFFFFE0C0  }
0xda: {  	[tilespmem:s1], [sflag:$0x4] =	stream.indirect.gather [hbm4b:s4+s24], $0x40, s22, s24, $0xb8;
	[tilespmem:$0x1FA00] =	vst v63  }
0xdb: {  	_ =	swait.ge [sflag:s12], $0x1F40  }
0xdc: {  	[sflag:s12] =	ssyncset.done $0x0  }
0xdd: {  	s8 =	simm.s32 $0x2F00;
	[sflag:s12] =	ssyncadd.s32 $0xFFFFE0C0  }
0xde: {  	[spmem:s2] =	stream.indirect.scatter.add.f32 [tilespmem:s0], [sflag:$0xF], $0x40, s8, s24, $0xb8;
	[tilespmem:$0x1FA00] =	vst v63  }
0xdf: {  	_ =	swait.ge [sflag:s13], $0x1F40  }
0xe0: {  	[sflag:s13] =	ssyncset.done $0x0  }
0xe1: {  	s22 =	simm.s32 $0xA00;
	[sflag:s13] =	ssyncadd.s32 $0xFFFFE0C0  }
0xe2: {  	[tilespmem:s3], [sflag:$0x5] =	stream.indirect.gather [hbm4b:s4+s24], $0x40, s22, s24, $0xb8;
	[tilespmem:$0x1FA00] =	vst v63  }
0xe3: {  	_ =	swait.ge [sflag:s14], $0x1F40  }
0xe4: {  	[sflag:s14] =	ssyncset.done $0x0  }
0xe5: {  	s6 =	simm.s32 $0x2F80;
	s8 =	simm.s32 $0x1000;
	[sflag:s14] =	ssyncadd.s32 $0xFFFFE0C0  }
.LBB2_4:
0xe6: {  	[spmem:s2] =	stream.indirect.scatter.add.f32 [tilespmem:s7], [sflag:$0x10], $0x40, s6, s24, $0xb8;
	[tilespmem:$0x1FA00] =	vst v63  }
0xe7: {  	s6 =	smov.u32 s8  }
0xe8: {  	p0 =	sne.s32 s8, $0x7000;
	s8 =	sadd.s32 $0x1000, s8;
	_ =	swait.ge [sflag:s15], $0x1F40  }
0xe9: {  	s6 =	sshra.s32 s6, $0x2;
	[sflag:s15] =	ssyncset.done $0x0  }
0xea: {  	s22 =	sadd.s32 $0x680, s6;
	[sflag:s15] =	ssyncadd.s32 $0xFFFFE0C0  }
0xeb: {  	[tilespmem:s26], [sflag:$0x6] =	stream.indirect.gather [hbm4b:s4+s24], $0x40, s22, s24, $0xb8;
	[tilespmem:$0x1FA00] =	vst v63  }
0xec: {  	_ =	swait.ge [sflag:s29], $0x1F40  }
0xed: {  	[sflag:s29] =	ssyncset.done $0x0  }
0xee: {  	s22 =	sadd.s32 $0x2C00, s6;
	[sflag:s29] =	ssyncadd.s32 $0xFFFFE0C0  }
0xef: {  	[spmem:s2] =	stream.indirect.scatter.add.f32 [tilespmem:s25], [sflag:$0x9], $0x40, s22, s24, $0xb8;
	[tilespmem:$0x1FA00] =	vst v63  }
0xf0: {  	_ =	swait.ge [sflag:s16], $0x1F40  }
0xf1: {  	[sflag:s16] =	ssyncset.done $0x0  }
0xf2: {  	s22 =	sadd.s32 $0x700, s6;
	[sflag:s16] =	ssyncadd.s32 $0xFFFFE0C0  }
0xf3: {  	[tilespmem:s0], [sflag:$0x7] =	stream.indirect.gather [hbm4b:s4+s24], $0x40, s22, s24, $0xb8;
	[tilespmem:$0x1FA00] =	vst v63  }
0xf4: {  	_ =	swait.ge [sflag:s18], $0x1F40  }
0xf5: {  	[sflag:s18] =	ssyncset.done $0x0  }
0xf6: {  	s22 =	sadd.s32 $0x2C80, s6;
	[sflag:s18] =	ssyncadd.s32 $0xFFFFE0C0  }
0xf7: {  	[spmem:s2] =	stream.indirect.scatter.add.f32 [tilespmem:s28], [sflag:$0xA], $0x40, s22, s24, $0xb8;
	[tilespmem:$0x1FA00] =	vst v63  }
0xf8: {  	_ =	swait.ge [sflag:s17], $0x1F40  }
0xf9: {  	[sflag:s17] =	ssyncset.done $0x0  }
0xfa: {  	s22 =	sadd.s32 $0x780, s6;
	[sflag:s17] =	ssyncadd.s32 $0xFFFFE0C0  }
0xfb: {  	[tilespmem:s7], [sflag:$0x8] =	stream.indirect.gather [hbm4b:s4+s24], $0x40, s22, s24, $0xb8;
	[tilespmem:$0x1FA00] =	vst v63  }
0xfc: {  	_ =	swait.ge [sflag:s31], $0x1F40  }
0xfd: {  	[sflag:s31] =	ssyncset.done $0x0  }
0xfe: {  	s22 =	sadd.s32 $0x2D00, s6;
	[sflag:s31] =	ssyncadd.s32 $0xFFFFE0C0  }
0xff: {  	[spmem:s2] =	stream.indirect.scatter.add.f32 [tilespmem:s30], [sflag:$0xB], $0x40, s22, s24, $0xb8;
	[tilespmem:$0x1FA00] =	vst v63  }
0x100: {  	_ =	swait.ge [sflag:s20], $0x1F40  }
0x101: {  	[sflag:s20] =	ssyncset.done $0x0  }
0x102: {  	s22 =	sadd.s32 $0x800, s6;
	[sflag:s20] =	ssyncadd.s32 $0xFFFFE0C0  }
0x103: {  	[tilespmem:s25], [sflag:$0x1] =	stream.indirect.gather [hbm4b:s4+s24], $0x40, s22, s24, $0xb8;
	[tilespmem:$0x1FA00] =	vst v63  }
0x104: {  	_ =	swait.ge [sflag:s19], $0x1F40  }
0x105: {  	[sflag:s19] =	ssyncset.done $0x0  }
0x106: {  	s22 =	sadd.s32 $0x2D80, s6;
	[sflag:s19] =	ssyncadd.s32 $0xFFFFE0C0  }
0x107: {  	[spmem:s2] =	stream.indirect.scatter.add.f32 [tilespmem:s1], [sflag:$0xC], $0x40, s22, s24, $0xb8;
	[tilespmem:$0x1FA00] =	vst v63  }
0x108: {  	_ =	swait.ge [sflag:s21], $0x1F40  }
0x109: {  	[sflag:s21] =	ssyncset.done $0x0  }
0x10a: {  	s22 =	sadd.s32 $0x880, s6;
	[sflag:s21] =	ssyncadd.s32 $0xFFFFE0C0  }
0x10b: {  	[tilespmem:s28], [sflag:$0x2] =	stream.indirect.gather [hbm4b:s4+s24], $0x40, s22, s24, $0xb8;
	[tilespmem:$0x1FA00] =	vst v63  }
0x10c: {  	_ =	swait.ge [sflag:s23], $0x1F40  }
0x10d: {  	[sflag:s23] =	ssyncset.done $0x0  }
0x10e: {  	s22 =	sadd.s32 $0x2E00, s6;
	[sflag:s23] =	ssyncadd.s32 $0xFFFFE0C0  }
0x10f: {  	[spmem:s2] =	stream.indirect.scatter.add.f32 [tilespmem:s3], [sflag:$0xD], $0x40, s22, s24, $0xb8;
	[tilespmem:$0x1FA00] =	vst v63  }
0x110: {  	_ =	swait.ge [sflag:s9], $0x1F40  }
0x111: {  	[sflag:s9] =	ssyncset.done $0x0  }
0x112: {  	s22 =	sadd.s32 $0x900, s6;
	[sflag:s9] =	ssyncadd.s32 $0xFFFFE0C0  }
0x113: {  	[tilespmem:s30], [sflag:$0x3] =	stream.indirect.gather [hbm4b:s4+s24], $0x40, s22, s24, $0xb8;
	[tilespmem:$0x1FA00] =	vst v63  }
0x114: {  	_ =	swait.ge [sflag:s10], $0x1F40  }
0x115: {  	[sflag:s10] =	ssyncset.done $0x0  }
0x116: {  	s22 =	sadd.s32 $0x2E80, s6;
	[sflag:s10] =	ssyncadd.s32 $0xFFFFE0C0  }
0x117: {  	[spmem:s2] =	stream.indirect.scatter.add.f32 [tilespmem:s26], [sflag:$0xE], $0x40, s22, s24, $0xb8;
	[tilespmem:$0x1FA00] =	vst v63  }
0x118: {  	_ =	swait.ge [sflag:s11], $0x1F40  }
0x119: {  	[sflag:s11] =	ssyncset.done $0x0  }
0x11a: {  	s22 =	sadd.s32 $0x980, s6;
	[sflag:s11] =	ssyncadd.s32 $0xFFFFE0C0  }
0x11b: {  	[tilespmem:s1], [sflag:$0x4] =	stream.indirect.gather [hbm4b:s4+s24], $0x40, s22, s24, $0xb8;
	[tilespmem:$0x1FA00] =	vst v63  }
0x11c: {  	_ =	swait.ge [sflag:s12], $0x1F40  }
0x11d: {  	[sflag:s12] =	ssyncset.done $0x0  }
0x11e: {  	s22 =	sadd.s32 $0x2F00, s6;
	[sflag:s12] =	ssyncadd.s32 $0xFFFFE0C0  }
0x11f: {  	[spmem:s2] =	stream.indirect.scatter.add.f32 [tilespmem:s0], [sflag:$0xF], $0x40, s22, s24, $0xb8;
	[tilespmem:$0x1FA00] =	vst v63  }
0x120: {  	_ =	swait.ge [sflag:s13], $0x1F40  }
0x121: {  	[sflag:s13] =	ssyncset.done $0x0  }
.Ltmp1:
0x122: {  	s22 =	sadd.s32 $0xA00, s6;
	[sflag:s13] =	ssyncadd.s32 $0xFFFFE0C0;
	(pc) =	sbr.rel @p0 .LBB2_4-.Ltmp1, $4  }
0x123: {  	[tilespmem:s3], [sflag:$0x5] =	stream.indirect.gather [hbm4b:s4+s24], $0x40, s22, s24, $0xb8;
	[tilespmem:$0x1FA00] =	vst v63  }
0x124: {  	_ =	swait.ge [sflag:s14], $0x1F40  }
0x125: {  	[sflag:s14] =	ssyncset.done $0x0  }
0x126: {  	s6 =	sadd.s32 $0x2F80, s6;
	[sflag:s14] =	ssyncadd.s32 $0xFFFFE0C0  }
0x127: {  	[spmem:s2] =	stream.indirect.scatter.add.f32 [tilespmem:s7], [sflag:$0x10], $0x40, s6, s24, $0xb8;
	[tilespmem:$0x1FA00] =	vst v63  }
0x128: {  	_ =	swait.ge [sflag:s15], $0x1F40  }
0x129: {  	[sflag:s15] =	ssyncset.done $0x0  }
0x12a: {  	s8 =	simm.s32 $0x2680;
	[sflag:s15] =	ssyncadd.s32 $0xFFFFE0C0  }
0x12b: {  	[tilespmem:s26], [sflag:$0x6] =	stream.indirect.gather [hbm4b:s4+s24], $0x40, s8, s24, $0xb8;
	[tilespmem:$0x1FA00] =	vst v63  }
0x12c: {  	_ =	swait.ge [sflag:s29], $0x1F40  }
0x12d: {  	[sflag:s29] =	ssyncset.done $0x0  }
0x12e: {  	s22 =	simm.s32 $0x4C00;
	[sflag:s29] =	ssyncadd.s32 $0xFFFFE0C0  }
0x12f: {  	[spmem:s2] =	stream.indirect.scatter.add.f32 [tilespmem:s25], [sflag:$0x9], $0x40, s22, s24, $0xb8;
	[tilespmem:$0x1FA00] =	vst v63  }
0x130: {  	_ =	swait.ge [sflag:s16], $0x1F40  }
0x131: {  	[sflag:s16] =	ssyncset.done $0x0  }
0x132: {  	s8 =	simm.s32 $0x2700;
	[sflag:s16] =	ssyncadd.s32 $0xFFFFE0C0  }
0x133: {  	[tilespmem:s0], [sflag:$0x7] =	stream.indirect.gather [hbm4b:s4+s24], $0x40, s8, s24, $0xb8;
	[tilespmem:$0x1FA00] =	vst v63  }
0x134: {  	_ =	swait.ge [sflag:s18], $0x1F40  }
0x135: {  	[sflag:s18] =	ssyncset.done $0x0  }
0x136: {  	s22 =	simm.s32 $0x4C80;
	[sflag:s18] =	ssyncadd.s32 $0xFFFFE0C0  }
0x137: {  	[spmem:s2] =	stream.indirect.scatter.add.f32 [tilespmem:s28], [sflag:$0xA], $0x40, s22, s24, $0xb8;
	[tilespmem:$0x1FA00] =	vst v63  }
0x138: {  	_ =	swait.ge [sflag:s17], $0x1F40  }
0x139: {  	[sflag:s17] =	ssyncset.done $0x0  }
0x13a: {  	s8 =	simm.s32 $0x2780;
	[sflag:s17] =	ssyncadd.s32 $0xFFFFE0C0  }
0x13b: {  	[tilespmem:s7], [sflag:$0x8] =	stream.indirect.gather [hbm4b:s4+s24], $0x40, s8, s24, $0xb8;
	[tilespmem:$0x1FA00] =	vst v63  }
0x13c: {  	_ =	swait.ge [sflag:s31], $0x1F40  }
0x13d: {  	[sflag:s31] =	ssyncset.done $0x0  }
0x13e: {  	s22 =	simm.s32 $0x4D00;
	[sflag:s31] =	ssyncadd.s32 $0xFFFFE0C0  }
0x13f: {  	[spmem:s2] =	stream.indirect.scatter.add.f32 [tilespmem:s30], [sflag:$0xB], $0x40, s22, s24, $0xb8;
	[tilespmem:$0x1FA00] =	vst v63  }
0x140: {  	_ =	swait.ge [sflag:s20], $0x1F40  }
0x141: {  	[sflag:s20] =	ssyncset.done $0x0  }
0x142: {  	[sflag:s20] =	ssyncadd.s32 $0xFFFFE0C0  }
0x143: {  	_ =	swait.ge [sflag:s19], $0x1F40  }
0x144: {  	[sflag:s19] =	ssyncset.done $0x0  }
0x145: {  	s8 =	simm.s32 $0x4D80;
	[sflag:s19] =	ssyncadd.s32 $0xFFFFE0C0  }
0x146: {  	[spmem:s2] =	stream.indirect.scatter.add.f32 [tilespmem:s1], [sflag:$0xC], $0x40, s8, s24, $0xb8;
	[tilespmem:$0x1FA00] =	vst v63  }
0x147: {  	_ =	swait.ge [sflag:s21], $0x1F40  }
0x148: {  	[sflag:s21] =	ssyncset.done $0x0  }
0x149: {  	[sflag:s21] =	ssyncadd.s32 $0xFFFFE0C0  }
0x14a: {  	_ =	swait.ge [sflag:s23], $0x1F40  }
0x14b: {  	[sflag:s23] =	ssyncset.done $0x0  }
0x14c: {  	s22 =	simm.s32 $0x4E00;
	[sflag:s23] =	ssyncadd.s32 $0xFFFFE0C0  }
0x14d: {  	[spmem:s2] =	stream.indirect.scatter.add.f32 [tilespmem:s3], [sflag:$0xD], $0x40, s22, s24, $0xb8;
	[tilespmem:$0x1FA00] =	vst v63  }
0x14e: {  	_ =	swait.ge [sflag:s9], $0x1F40  }
0x14f: {  	[sflag:s9] =	ssyncset.done $0x0  }
0x150: {  	[sflag:s9] =	ssyncadd.s32 $0xFFFFE0C0  }
0x151: {  	_ =	swait.ge [sflag:s10], $0x1F40  }
0x152: {  	[sflag:s10] =	ssyncset.done $0x0  }
0x153: {  	s8 =	simm.s32 $0x4E80;
	[sflag:s10] =	ssyncadd.s32 $0xFFFFE0C0  }
0x154: {  	[spmem:s2] =	stream.indirect.scatter.add.f32 [tilespmem:s26], [sflag:$0xE], $0x40, s8, s24, $0xb8;
	[tilespmem:$0x1FA00] =	vst v63  }
0x155: {  	_ =	swait.ge [sflag:s11], $0x1F40  }
0x156: {  	[sflag:s11] =	ssyncset.done $0x0  }
0x157: {  	[sflag:s11] =	ssyncadd.s32 $0xFFFFE0C0  }
0x158: {  	_ =	swait.ge [sflag:s12], $0x1F40  }
0x159: {  	[sflag:s12] =	ssyncset.done $0x0  }
0x15a: {  	s22 =	simm.s32 $0x4F00;
	[sflag:s12] =	ssyncadd.s32 $0xFFFFE0C0  }
0x15b: {  	[spmem:s2] =	stream.indirect.scatter.add.f32 [tilespmem:s0], [sflag:$0xF], $0x40, s22, s24, $0xb8;
	[tilespmem:$0x1FA00] =	vst v63  }
0x15c: {  	_ =	swait.ge [sflag:s13], $0x1F40  }
0x15d: {  	[sflag:s13] =	ssyncset.done $0x0  }
0x15e: {  	[sflag:s13] =	ssyncadd.s32 $0xFFFFE0C0  }
0x15f: {  	_ =	swait.ge [sflag:s14], $0x1F40  }
0x160: {  	[sflag:s14] =	ssyncset.done $0x0  }
0x161: {  	s8 =	simm.s32 $0x4F80;
	[sflag:s14] =	ssyncadd.s32 $0xFFFFE0C0  }
0x162: {  	[spmem:s2] =	stream.indirect.scatter.add.f32 [tilespmem:s7], [sflag:$0x10], $0x40, s8, s24, $0xb8;
	[tilespmem:$0x1FA00] =	vst v63  }
0x163: {  	_ =	swait.ge [sflag:s15], $0x1F40  }
0x164: {  	[sflag:s15] =	ssyncset.done $0x0  }
0x165: {  	[sflag:s15] =	ssyncadd.s32 $0xFFFFE0C0  }
0x166: {  	_ =	swait.ge [sflag:s16], $0x1F40  }
0x167: {  	[sflag:s16] =	ssyncset.done $0x0  }
0x168: {  	[sflag:s16] =	ssyncadd.s32 $0xFFFFE0C0  }
0x169: {  	_ =	swait.ge [sflag:s17], $0x1F40  }
0x16a: {  	[sflag:s17] =	ssyncset.done $0x0  }
0x16b: {  	[sflag:s17] =	ssyncadd.s32 $0xFFFFE0C0  }
0x16c: {  	s22 =	stileid.u32;
	[bflag:$0x0] =	sbarrier.arrive $0xFFFF  }
0x16d: {  	s6 =	sshll.u32 s22, $0x6;
	s8 =	rddreg [dreg:$0x5]  }
0x16e: {  	s22 =	sor.u32 $0x1C13, s6;
	s6 =	rddreg [dreg:$0xf]  }
0x16f: {  	[dreg:$0x13] =	wrdreg s22;
	s8 =	sshrl.u32 s8, $0x3  }
0x170: {  	[dreg:$0x14] =	wrdreg s8  }
0x171: {  	[hbm:s6], [sflag:s22] =	dma.local [spmem:s8], $0x1400  }
0x172: {  	s8 =	simm.s32 $0x13  }
0x173: {  	_ =	swait.ge [sflag:s8], $0x1400  }
0x174: {  	[sflag:s8] =	ssyncset.done $0x0  }
0x175: {  	s22 =	simm.s32 $0x0;
	[sflag:s8] =	ssyncadd.s32 $0xFFFFEC00  }
0x176: {  	[tilespmem:s25], [sflag:$0x1] =	stream.indirect.gather [hbm4b:s5+s24], $0x40, s22, s24, $0xb8;
	[tilespmem:$0x1FA00] =	vst v63  }
0x177: {  	s8 =	simm.s32 $0x80  }
0x178: {  	[tilespmem:s28], [sflag:$0x2] =	stream.indirect.gather [hbm4b:s5+s24], $0x40, s8, s24, $0xb8;
	[tilespmem:$0x1FA00] =	vst v63  }
0x179: {  	s22 =	simm.s32 $0x100  }
0x17a: {  	[tilespmem:s30], [sflag:$0x3] =	stream.indirect.gather [hbm4b:s5+s24], $0x40, s22, s24, $0xb8;
	[tilespmem:$0x1FA00] =	vst v63  }
0x17b: {  	s8 =	simm.s32 $0x180  }
0x17c: {  	[tilespmem:s1], [sflag:$0x4] =	stream.indirect.gather [hbm4b:s5+s24], $0x40, s8, s24, $0xb8;
	[tilespmem:$0x1FA00] =	vst v63  }
0x17d: {  	s22 =	simm.s32 $0x200  }
0x17e: {  	[tilespmem:s3], [sflag:$0x5] =	stream.indirect.gather [hbm4b:s5+s24], $0x40, s22, s24, $0xb8;
	[tilespmem:$0x1FA00] =	vst v63  }
0x17f: {  	s8 =	rddreg [dreg:$0x5];
	s22 =	simm.s32 $0x14A00  }
0x180: {  	[spmem:s8] =	stream.linear.scatter [tilespmem:s22], [sflag:$0x11], $0x1000, $0x38;
	[tilespmem:$0x1FA00] =	vst v63  }
0x181: {  	s8 =	rddreg [dreg:$0x6]  }
0x182: {  	[spmem:s8] =	stream.linear.scatter [tilespmem:s22], [sflag:$0x11], $0x1000, $0x38;
	[tilespmem:$0x1FA00] =	vst v63  }
0x183: {  	s8 =	rddreg [dreg:$0x7]  }
0x184: {  	[spmem:s8] =	stream.linear.scatter [tilespmem:s22], [sflag:$0x11], $0x1000, $0x38;
	[tilespmem:$0x1FA00] =	vst v63  }
0x185: {  	s8 =	rddreg [dreg:$0x8]  }
0x186: {  	[spmem:s8] =	stream.linear.scatter [tilespmem:s22], [sflag:$0x11], $0x1000, $0x38;
	[tilespmem:$0x1FA00] =	vst v63  }
0x187: {  	s8 =	rddreg [dreg:$0x9]  }
0x188: {  	[spmem:s8] =	stream.linear.scatter [tilespmem:s22], [sflag:$0x11], $0x1000, $0x38;
	[tilespmem:$0x1FA00] =	vst v63  }
0x189: {  	s8 =	rddreg [dreg:$0xa]  }
0x18a: {  	[spmem:s8] =	stream.linear.scatter [tilespmem:s22], [sflag:$0x11], $0x1000, $0x38;
	[tilespmem:$0x1FA00] =	vst v63  }
0x18b: {  	s8 =	rddreg [dreg:$0xb]  }
0x18c: {  	[spmem:s8] =	stream.linear.scatter [tilespmem:s22], [sflag:$0x11], $0x1000, $0x38;
	[tilespmem:$0x1FA00] =	vst v63  }
0x18d: {  	s8 =	rddreg [dreg:$0xc]  }
0x18e: {  	[spmem:s8] =	stream.linear.scatter [tilespmem:s22], [sflag:$0x11], $0x1000, $0x38;
	[tilespmem:$0x1FA00] =	vst v63  }
0x18f: {  	s8 =	rddreg [dreg:$0xd]  }
0x190: {  	[spmem:s8] =	stream.linear.scatter [tilespmem:s22], [sflag:$0x11], $0x1000, $0x38;
	[tilespmem:$0x1FA00] =	vst v63  }
0x191: {  	s8 =	rddreg [dreg:$0xe]  }
0x192: {  	[spmem:s8] =	stream.linear.scatter [tilespmem:s22], [sflag:$0x11], $0x1000, $0x38;
	[tilespmem:$0x1FA00] =	vst v63  }
0x193: {  	s8 =	simm.s32 $0x11  }
0x194: {  	_ =	swait.ge [sflag:s8], $0x1000  }
0x195: {  	[sflag:s8] =	ssyncset.done $0x0  }
0x196: {  	[sflag:s8] =	ssyncadd.s32 $0xFFFFF000  }
0x197: {  	_ =	swait.ge [sflag:s8], $0x1000  }
0x198: {  	[sflag:s8] =	ssyncset.done $0x0  }
0x199: {  	[sflag:s8] =	ssyncadd.s32 $0xFFFFF000  }
0x19a: {  	_ =	swait.ge [sflag:s8], $0x1000  }
0x19b: {  	[sflag:s8] =	ssyncset.done $0x0  }
0x19c: {  	[sflag:s8] =	ssyncadd.s32 $0xFFFFF000  }
0x19d: {  	_ =	swait.ge [sflag:s8], $0x1000  }
0x19e: {  	[sflag:s8] =	ssyncset.done $0x0  }
0x19f: {  	[sflag:s8] =	ssyncadd.s32 $0xFFFFF000  }
0x1a0: {  	_ =	swait.ge [sflag:s8], $0x1000  }
0x1a1: {  	[sflag:s8] =	ssyncset.done $0x0  }
0x1a2: {  	[sflag:s8] =	ssyncadd.s32 $0xFFFFF000  }
0x1a3: {  	_ =	swait.ge [sflag:s8], $0x1000  }
0x1a4: {  	[sflag:s8] =	ssyncset.done $0x0  }
0x1a5: {  	[sflag:s8] =	ssyncadd.s32 $0xFFFFF000  }
0x1a6: {  	_ =	swait.ge [sflag:s8], $0x1000  }
0x1a7: {  	[sflag:s8] =	ssyncset.done $0x0  }
0x1a8: {  	[sflag:s8] =	ssyncadd.s32 $0xFFFFF000  }
0x1a9: {  	_ =	swait.ge [sflag:s8], $0x1000  }
0x1aa: {  	[sflag:s8] =	ssyncset.done $0x0  }
0x1ab: {  	[sflag:s8] =	ssyncadd.s32 $0xFFFFF000  }
0x1ac: {  	_ =	swait.ge [sflag:s8], $0x1000  }
0x1ad: {  	[sflag:s8] =	ssyncset.done $0x0  }
0x1ae: {  	[sflag:s8] =	ssyncadd.s32 $0xFFFFF000  }
0x1af: {  	_ =	swait.ge [sflag:s8], $0x1000  }
0x1b0: {  	[sflag:s8] =	ssyncset.done $0x0  }
0x1b1: {  	[sflag:s8] =	ssyncadd.s32 $0xFFFFF000  }
0x1b2: {  	s22 =	simm.s32 $0x280;
	[bflag:$0x0] =	sbarrier.arrive $0xFFFF  }
0x1b3: {  	[tilespmem:s26], [sflag:$0x6] =	stream.indirect.gather [hbm4b:s5+s24], $0x40, s22, s24, $0xb8;
	[tilespmem:$0x1FA00] =	vst v63  }
0x1b4: {  	_ =	swait.ge [sflag:s29], $0x1F40  }
0x1b5: {  	[sflag:s29] =	ssyncset.done $0x0  }
0x1b6: {  	s8 =	simm.s32 $0x2800;
	[sflag:s29] =	ssyncadd.s32 $0xFFFFE0C0  }
0x1b7: {  	[spmem:s2] =	stream.indirect.scatter.add.f32 [tilespmem:s25], [sflag:$0x9], $0x40, s8, s24, $0xb8;
	[tilespmem:$0x1FA00] =	vst v63  }
0x1b8: {  	s22 =	simm.s32 $0x300  }
0x1b9: {  	[tilespmem:s0], [sflag:$0x7] =	stream.indirect.gather [hbm4b:s5+s24], $0x40, s22, s24, $0xb8;
	[tilespmem:$0x1FA00] =	vst v63  }
0x1ba: {  	_ =	swait.ge [sflag:s18], $0x1F40  }
0x1bb: {  	[sflag:s18] =	ssyncset.done $0x0  }
0x1bc: {  	s8 =	simm.s32 $0x2880;
	[sflag:s18] =	ssyncadd.s32 $0xFFFFE0C0  }
0x1bd: {  	[spmem:s2] =	stream.indirect.scatter.add.f32 [tilespmem:s28], [sflag:$0xA], $0x40, s8, s24, $0xb8;
	[tilespmem:$0x1FA00] =	vst v63  }
0x1be: {  	s22 =	simm.s32 $0x380  }
0x1bf: {  	[tilespmem:s7], [sflag:$0x8] =	stream.indirect.gather [hbm4b:s5+s24], $0x40, s22, s24, $0xb8;
	[tilespmem:$0x1FA00] =	vst v63  }
0x1c0: {  	_ =	swait.ge [sflag:s31], $0x1F40  }
0x1c1: {  	[sflag:s31] =	ssyncset.done $0x0  }
0x1c2: {  	s8 =	simm.s32 $0x2900;
	[sflag:s31] =	ssyncadd.s32 $0xFFFFE0C0  }
0x1c3: {  	[spmem:s2] =	stream.indirect.scatter.add.f32 [tilespmem:s30], [sflag:$0xB], $0x40, s8, s24, $0xb8;
	[tilespmem:$0x1FA00] =	vst v63  }
0x1c4: {  	_ =	swait.ge [sflag:s20], $0x1F40  }
0x1c5: {  	[sflag:s20] =	ssyncset.done $0x0  }
0x1c6: {  	s22 =	simm.s32 $0x400;
	[sflag:s20] =	ssyncadd.s32 $0xFFFFE0C0  }
0x1c7: {  	[tilespmem:s25], [sflag:$0x1] =	stream.indirect.gather [hbm4b:s5+s24], $0x40, s22, s24, $0xb8;
	[tilespmem:$0x1FA00] =	vst v63  }
0x1c8: {  	_ =	swait.ge [sflag:s19], $0x1F40  }
0x1c9: {  	[sflag:s19] =	ssyncset.done $0x0  }
0x1ca: {  	s8 =	simm.s32 $0x2980;
	[sflag:s19] =	ssyncadd.s32 $0xFFFFE0C0  }
0x1cb: {  	[spmem:s2] =	stream.indirect.scatter.add.f32 [tilespmem:s1], [sflag:$0xC], $0x40, s8, s24, $0xb8;
	[tilespmem:$0x1FA00] =	vst v63  }
0x1cc: {  	_ =	swait.ge [sflag:s21], $0x1F40  }
0x1cd: {  	[sflag:s21] =	ssyncset.done $0x0  }
0x1ce: {  	s22 =	simm.s32 $0x480;
	[sflag:s21] =	ssyncadd.s32 $0xFFFFE0C0  }
0x1cf: {  	[tilespmem:s28], [sflag:$0x2] =	stream.indirect.gather [hbm4b:s5+s24], $0x40, s22, s24, $0xb8;
	[tilespmem:$0x1FA00] =	vst v63  }
0x1d0: {  	_ =	swait.ge [sflag:s23], $0x1F40  }
0x1d1: {  	[sflag:s23] =	ssyncset.done $0x0  }
0x1d2: {  	s8 =	simm.s32 $0x2A00;
	[sflag:s23] =	ssyncadd.s32 $0xFFFFE0C0  }
0x1d3: {  	[spmem:s2] =	stream.indirect.scatter.add.f32 [tilespmem:s3], [sflag:$0xD], $0x40, s8, s24, $0xb8;
	[tilespmem:$0x1FA00] =	vst v63  }
0x1d4: {  	_ =	swait.ge [sflag:s9], $0x1F40  }
0x1d5: {  	[sflag:s9] =	ssyncset.done $0x0  }
0x1d6: {  	s22 =	simm.s32 $0x500;
	[sflag:s9] =	ssyncadd.s32 $0xFFFFE0C0  }
0x1d7: {  	[tilespmem:s30], [sflag:$0x3] =	stream.indirect.gather [hbm4b:s5+s24], $0x40, s22, s24, $0xb8;
	[tilespmem:$0x1FA00] =	vst v63  }
0x1d8: {  	_ =	swait.ge [sflag:s10], $0x1F40  }
0x1d9: {  	[sflag:s10] =	ssyncset.done $0x0  }
0x1da: {  	s8 =	simm.s32 $0x2A80;
	[sflag:s10] =	ssyncadd.s32 $0xFFFFE0C0  }
0x1db: {  	[spmem:s2] =	stream.indirect.scatter.add.f32 [tilespmem:s26], [sflag:$0xE], $0x40, s8, s24, $0xb8;
	[tilespmem:$0x1FA00] =	vst v63  }
0x1dc: {  	_ =	swait.ge [sflag:s11], $0x1F40  }
0x1dd: {  	[sflag:s11] =	ssyncset.done $0x0  }
0x1de: {  	s22 =	simm.s32 $0x580;
	[sflag:s11] =	ssyncadd.s32 $0xFFFFE0C0  }
0x1df: {  	[tilespmem:s1], [sflag:$0x4] =	stream.indirect.gather [hbm4b:s5+s24], $0x40, s22, s24, $0xb8;
	[tilespmem:$0x1FA00] =	vst v63  }
0x1e0: {  	_ =	swait.ge [sflag:s12], $0x1F40  }
0x1e1: {  	[sflag:s12] =	ssyncset.done $0x0  }
0x1e2: {  	s8 =	simm.s32 $0x2B00;
	[sflag:s12] =	ssyncadd.s32 $0xFFFFE0C0  }
0x1e3: {  	[spmem:s2] =	stream.indirect.scatter.add.f32 [tilespmem:s0], [sflag:$0xF], $0x40, s8, s24, $0xb8;
	[tilespmem:$0x1FA00] =	vst v63  }
0x1e4: {  	_ =	swait.ge [sflag:s13], $0x1F40  }
0x1e5: {  	[sflag:s13] =	ssyncset.done $0x0  }
0x1e6: {  	s22 =	simm.s32 $0x600;
	[sflag:s13] =	ssyncadd.s32 $0xFFFFE0C0  }
0x1e7: {  	[tilespmem:s3], [sflag:$0x5] =	stream.indirect.gather [hbm4b:s5+s24], $0x40, s22, s24, $0xb8;
	[tilespmem:$0x1FA00] =	vst v63  }
0x1e8: {  	_ =	swait.ge [sflag:s14], $0x1F40  }
0x1e9: {  	[sflag:s14] =	ssyncset.done $0x0  }
0x1ea: {  	s8 =	simm.s32 $0x2B80;
	[sflag:s14] =	ssyncadd.s32 $0xFFFFE0C0  }
0x1eb: {  	[spmem:s2] =	stream.indirect.scatter.add.f32 [tilespmem:s7], [sflag:$0x10], $0x40, s8, s24, $0xb8;
	[tilespmem:$0x1FA00] =	vst v63  }
0x1ec: {  	_ =	swait.ge [sflag:s15], $0x1F40  }
0x1ed: {  	[sflag:s15] =	ssyncset.done $0x0  }
0x1ee: {  	s22 =	simm.s32 $0x680;
	[sflag:s15] =	ssyncadd.s32 $0xFFFFE0C0  }
0x1ef: {  	[tilespmem:s26], [sflag:$0x6] =	stream.indirect.gather [hbm4b:s5+s24], $0x40, s22, s24, $0xb8;
	[tilespmem:$0x1FA00] =	vst v63  }
0x1f0: {  	_ =	swait.ge [sflag:s29], $0x1F40  }
0x1f1: {  	[sflag:s29] =	ssyncset.done $0x0  }
0x1f2: {  	s8 =	simm.s32 $0x2C00;
	[sflag:s29] =	ssyncadd.s32 $0xFFFFE0C0  }
0x1f3: {  	[spmem:s2] =	stream.indirect.scatter.add.f32 [tilespmem:s25], [sflag:$0x9], $0x40, s8, s24, $0xb8;
	[tilespmem:$0x1FA00] =	vst v63  }
0x1f4: {  	_ =	swait.ge [sflag:s16], $0x1F40  }
0x1f5: {  	[sflag:s16] =	ssyncset.done $0x0  }
0x1f6: {  	s22 =	simm.s32 $0x700;
	[sflag:s16] =	ssyncadd.s32 $0xFFFFE0C0  }
0x1f7: {  	[tilespmem:s0], [sflag:$0x7] =	stream.indirect.gather [hbm4b:s5+s24], $0x40, s22, s24, $0xb8;
	[tilespmem:$0x1FA00] =	vst v63  }
0x1f8: {  	_ =	swait.ge [sflag:s18], $0x1F40  }
0x1f9: {  	[sflag:s18] =	ssyncset.done $0x0  }
0x1fa: {  	s8 =	simm.s32 $0x2C80;
	[sflag:s18] =	ssyncadd.s32 $0xFFFFE0C0  }
0x1fb: {  	[spmem:s2] =	stream.indirect.scatter.add.f32 [tilespmem:s28], [sflag:$0xA], $0x40, s8, s24, $0xb8;
	[tilespmem:$0x1FA00] =	vst v63  }
0x1fc: {  	_ =	swait.ge [sflag:s17], $0x1F40  }
0x1fd: {  	[sflag:s17] =	ssyncset.done $0x0  }
0x1fe: {  	s22 =	simm.s32 $0x780;
	[sflag:s17] =	ssyncadd.s32 $0xFFFFE0C0  }
0x1ff: {  	[tilespmem:s7], [sflag:$0x8] =	stream.indirect.gather [hbm4b:s5+s24], $0x40, s22, s24, $0xb8;
	[tilespmem:$0x1FA00] =	vst v63  }
0x200: {  	_ =	swait.ge [sflag:s31], $0x1F40  }
0x201: {  	[sflag:s31] =	ssyncset.done $0x0  }
0x202: {  	s8 =	simm.s32 $0x2D00;
	[sflag:s31] =	ssyncadd.s32 $0xFFFFE0C0  }
0x203: {  	[spmem:s2] =	stream.indirect.scatter.add.f32 [tilespmem:s30], [sflag:$0xB], $0x40, s8, s24, $0xb8;
	[tilespmem:$0x1FA00] =	vst v63  }
0x204: {  	_ =	swait.ge [sflag:s20], $0x1F40  }
0x205: {  	[sflag:s20] =	ssyncset.done $0x0  }
0x206: {  	s22 =	simm.s32 $0x800;
	[sflag:s20] =	ssyncadd.s32 $0xFFFFE0C0  }
0x207: {  	[tilespmem:s25], [sflag:$0x1] =	stream.indirect.gather [hbm4b:s5+s24], $0x40, s22, s24, $0xb8;
	[tilespmem:$0x1FA00] =	vst v63  }
0x208: {  	_ =	swait.ge [sflag:s19], $0x1F40  }
0x209: {  	[sflag:s19] =	ssyncset.done $0x0  }
0x20a: {  	s8 =	simm.s32 $0x2D80;
	[sflag:s19] =	ssyncadd.s32 $0xFFFFE0C0  }
0x20b: {  	[spmem:s2] =	stream.indirect.scatter.add.f32 [tilespmem:s1], [sflag:$0xC], $0x40, s8, s24, $0xb8;
	[tilespmem:$0x1FA00] =	vst v63  }
0x20c: {  	_ =	swait.ge [sflag:s21], $0x1F40  }
0x20d: {  	[sflag:s21] =	ssyncset.done $0x0  }
0x20e: {  	s22 =	simm.s32 $0x880;
	[sflag:s21] =	ssyncadd.s32 $0xFFFFE0C0  }
0x20f: {  	[tilespmem:s28], [sflag:$0x2] =	stream.indirect.gather [hbm4b:s5+s24], $0x40, s22, s24, $0xb8;
	[tilespmem:$0x1FA00] =	vst v63  }
0x210: {  	_ =	swait.ge [sflag:s23], $0x1F40  }
0x211: {  	[sflag:s23] =	ssyncset.done $0x0  }
0x212: {  	s8 =	simm.s32 $0x2E00;
	[sflag:s23] =	ssyncadd.s32 $0xFFFFE0C0  }
0x213: {  	[spmem:s2] =	stream.indirect.scatter.add.f32 [tilespmem:s3], [sflag:$0xD], $0x40, s8, s24, $0xb8;
	[tilespmem:$0x1FA00] =	vst v63  }
0x214: {  	_ =	swait.ge [sflag:s9], $0x1F40  }
0x215: {  	[sflag:s9] =	ssyncset.done $0x0  }
0x216: {  	s22 =	simm.s32 $0x900;
	[sflag:s9] =	ssyncadd.s32 $0xFFFFE0C0  }
0x217: {  	[tilespmem:s30], [sflag:$0x3] =	stream.indirect.gather [hbm4b:s5+s24], $0x40, s22, s24, $0xb8;
	[tilespmem:$0x1FA00] =	vst v63  }
0x218: {  	_ =	swait.ge [sflag:s10], $0x1F40  }
0x219: {  	[sflag:s10] =	ssyncset.done $0x0  }
0x21a: {  	s8 =	simm.s32 $0x2E80;
	[sflag:s10] =	ssyncadd.s32 $0xFFFFE0C0  }
0x21b: {  	[spmem:s2] =	stream.indirect.scatter.add.f32 [tilespmem:s26], [sflag:$0xE], $0x40, s8, s24, $0xb8;
	[tilespmem:$0x1FA00] =	vst v63  }
0x21c: {  	_ =	swait.ge [sflag:s11], $0x1F40  }
0x21d: {  	[sflag:s11] =	ssyncset.done $0x0  }
0x21e: {  	s22 =	simm.s32 $0x980;
	[sflag:s11] =	ssyncadd.s32 $0xFFFFE0C0  }
0x21f: {  	[tilespmem:s1], [sflag:$0x4] =	stream.indirect.gather [hbm4b:s5+s24], $0x40, s22, s24, $0xb8;
	[tilespmem:$0x1FA00] =	vst v63  }
0x220: {  	_ =	swait.ge [sflag:s12], $0x1F40  }
0x221: {  	[sflag:s12] =	ssyncset.done $0x0  }
0x222: {  	s8 =	simm.s32 $0x2F00;
	[sflag:s12] =	ssyncadd.s32 $0xFFFFE0C0  }
0x223: {  	[spmem:s2] =	stream.indirect.scatter.add.f32 [tilespmem:s0], [sflag:$0xF], $0x40, s8, s24, $0xb8;
	[tilespmem:$0x1FA00] =	vst v63  }
0x224: {  	_ =	swait.ge [sflag:s13], $0x1F40  }
0x225: {  	[sflag:s13] =	ssyncset.done $0x0  }
0x226: {  	s22 =	simm.s32 $0xA00;
	[sflag:s13] =	ssyncadd.s32 $0xFFFFE0C0  }
0x227: {  	[tilespmem:s3], [sflag:$0x5] =	stream.indirect.gather [hbm4b:s5+s24], $0x40, s22, s24, $0xb8;
	[tilespmem:$0x1FA00] =	vst v63  }
0x228: {  	_ =	swait.ge [sflag:s14], $0x1F40  }
0x229: {  	[sflag:s14] =	ssyncset.done $0x0  }
0x22a: {  	s6 =	simm.s32 $0x2F80;
	s8 =	simm.s32 $0x1000;
	[sflag:s14] =	ssyncadd.s32 $0xFFFFE0C0  }
.LBB2_6:
0x22b: {  	[spmem:s2] =	stream.indirect.scatter.add.f32 [tilespmem:s7], [sflag:$0x10], $0x40, s6, s24, $0xb8;
	[tilespmem:$0x1FA00] =	vst v63  }
0x22c: {  	s6 =	smov.u32 s8  }
0x22d: {  	p0 =	sne.s32 s8, $0x7000;
	s8 =	sadd.s32 $0x1000, s8;
	_ =	swait.ge [sflag:s15], $0x1F40  }
0x22e: {  	s6 =	sshra.s32 s6, $0x2;
	[sflag:s15] =	ssyncset.done $0x0  }
0x22f: {  	s22 =	sadd.s32 $0x680, s6;
	[sflag:s15] =	ssyncadd.s32 $0xFFFFE0C0  }
0x230: {  	[tilespmem:s26], [sflag:$0x6] =	stream.indirect.gather [hbm4b:s5+s24], $0x40, s22, s24, $0xb8;
	[tilespmem:$0x1FA00] =	vst v63  }
0x231: {  	_ =	swait.ge [sflag:s29], $0x1F40  }
0x232: {  	[sflag:s29] =	ssyncset.done $0x0  }
0x233: {  	s22 =	sadd.s32 $0x2C00, s6;
	[sflag:s29] =	ssyncadd.s32 $0xFFFFE0C0  }
0x234: {  	[spmem:s2] =	stream.indirect.scatter.add.f32 [tilespmem:s25], [sflag:$0x9], $0x40, s22, s24, $0xb8;
	[tilespmem:$0x1FA00] =	vst v63  }
0x235: {  	_ =	swait.ge [sflag:s16], $0x1F40  }
0x236: {  	[sflag:s16] =	ssyncset.done $0x0  }
0x237: {  	s22 =	sadd.s32 $0x700, s6;
	[sflag:s16] =	ssyncadd.s32 $0xFFFFE0C0  }
0x238: {  	[tilespmem:s0], [sflag:$0x7] =	stream.indirect.gather [hbm4b:s5+s24], $0x40, s22, s24, $0xb8;
	[tilespmem:$0x1FA00] =	vst v63  }
0x239: {  	_ =	swait.ge [sflag:s18], $0x1F40  }
0x23a: {  	[sflag:s18] =	ssyncset.done $0x0  }
0x23b: {  	s22 =	sadd.s32 $0x2C80, s6;
	[sflag:s18] =	ssyncadd.s32 $0xFFFFE0C0  }
0x23c: {  	[spmem:s2] =	stream.indirect.scatter.add.f32 [tilespmem:s28], [sflag:$0xA], $0x40, s22, s24, $0xb8;
	[tilespmem:$0x1FA00] =	vst v63  }
0x23d: {  	_ =	swait.ge [sflag:s17], $0x1F40  }
0x23e: {  	[sflag:s17] =	ssyncset.done $0x0  }
0x23f: {  	s22 =	sadd.s32 $0x780, s6;
	[sflag:s17] =	ssyncadd.s32 $0xFFFFE0C0  }
0x240: {  	[tilespmem:s7], [sflag:$0x8] =	stream.indirect.gather [hbm4b:s5+s24], $0x40, s22, s24, $0xb8;
	[tilespmem:$0x1FA00] =	vst v63  }
0x241: {  	_ =	swait.ge [sflag:s31], $0x1F40  }
0x242: {  	[sflag:s31] =	ssyncset.done $0x0  }
0x243: {  	s22 =	sadd.s32 $0x2D00, s6;
	[sflag:s31] =	ssyncadd.s32 $0xFFFFE0C0  }
0x244: {  	[spmem:s2] =	stream.indirect.scatter.add.f32 [tilespmem:s30], [sflag:$0xB], $0x40, s22, s24, $0xb8;
	[tilespmem:$0x1FA00] =	vst v63  }
0x245: {  	_ =	swait.ge [sflag:s20], $0x1F40  }
0x246: {  	[sflag:s20] =	ssyncset.done $0x0  }
0x247: {  	s22 =	sadd.s32 $0x800, s6;
	[sflag:s20] =	ssyncadd.s32 $0xFFFFE0C0  }
0x248: {  	[tilespmem:s25], [sflag:$0x1] =	stream.indirect.gather [hbm4b:s5+s24], $0x40, s22, s24, $0xb8;
	[tilespmem:$0x1FA00] =	vst v63  }
0x249: {  	_ =	swait.ge [sflag:s19], $0x1F40  }
0x24a: {  	[sflag:s19] =	ssyncset.done $0x0  }
0x24b: {  	s22 =	sadd.s32 $0x2D80, s6;
	[sflag:s19] =	ssyncadd.s32 $0xFFFFE0C0  }
0x24c: {  	[spmem:s2] =	stream.indirect.scatter.add.f32 [tilespmem:s1], [sflag:$0xC], $0x40, s22, s24, $0xb8;
	[tilespmem:$0x1FA00] =	vst v63  }
0x24d: {  	_ =	swait.ge [sflag:s21], $0x1F40  }
0x24e: {  	[sflag:s21] =	ssyncset.done $0x0  }
0x24f: {  	s22 =	sadd.s32 $0x880, s6;
	[sflag:s21] =	ssyncadd.s32 $0xFFFFE0C0  }
0x250: {  	[tilespmem:s28], [sflag:$0x2] =	stream.indirect.gather [hbm4b:s5+s24], $0x40, s22, s24, $0xb8;
	[tilespmem:$0x1FA00] =	vst v63  }
0x251: {  	_ =	swait.ge [sflag:s23], $0x1F40  }
0x252: {  	[sflag:s23] =	ssyncset.done $0x0  }
0x253: {  	s22 =	sadd.s32 $0x2E00, s6;
	[sflag:s23] =	ssyncadd.s32 $0xFFFFE0C0  }
0x254: {  	[spmem:s2] =	stream.indirect.scatter.add.f32 [tilespmem:s3], [sflag:$0xD], $0x40, s22, s24, $0xb8;
	[tilespmem:$0x1FA00] =	vst v63  }
0x255: {  	_ =	swait.ge [sflag:s9], $0x1F40  }
0x256: {  	[sflag:s9] =	ssyncset.done $0x0  }
0x257: {  	s22 =	sadd.s32 $0x900, s6;
	[sflag:s9] =	ssyncadd.s32 $0xFFFFE0C0  }
0x258: {  	[tilespmem:s30], [sflag:$0x3] =	stream.indirect.gather [hbm4b:s5+s24], $0x40, s22, s24, $0xb8;
	[tilespmem:$0x1FA00] =	vst v63  }
0x259: {  	_ =	swait.ge [sflag:s10], $0x1F40  }
0x25a: {  	[sflag:s10] =	ssyncset.done $0x0  }
0x25b: {  	s22 =	sadd.s32 $0x2E80, s6;
	[sflag:s10] =	ssyncadd.s32 $0xFFFFE0C0  }
0x25c: {  	[spmem:s2] =	stream.indirect.scatter.add.f32 [tilespmem:s26], [sflag:$0xE], $0x40, s22, s24, $0xb8;
	[tilespmem:$0x1FA00] =	vst v63  }
0x25d: {  	_ =	swait.ge [sflag:s11], $0x1F40  }
0x25e: {  	[sflag:s11] =	ssyncset.done $0x0  }
0x25f: {  	s22 =	sadd.s32 $0x980, s6;
	[sflag:s11] =	ssyncadd.s32 $0xFFFFE0C0  }
0x260: {  	[tilespmem:s1], [sflag:$0x4] =	stream.indirect.gather [hbm4b:s5+s24], $0x40, s22, s24, $0xb8;
	[tilespmem:$0x1FA00] =	vst v63  }
0x261: {  	_ =	swait.ge [sflag:s12], $0x1F40  }
0x262: {  	[sflag:s12] =	ssyncset.done $0x0  }
0x263: {  	s22 =	sadd.s32 $0x2F00, s6;
	[sflag:s12] =	ssyncadd.s32 $0xFFFFE0C0  }
0x264: {  	[spmem:s2] =	stream.indirect.scatter.add.f32 [tilespmem:s0], [sflag:$0xF], $0x40, s22, s24, $0xb8;
	[tilespmem:$0x1FA00] =	vst v63  }
0x265: {  	_ =	swait.ge [sflag:s13], $0x1F40  }
0x266: {  	[sflag:s13] =	ssyncset.done $0x0  }
.Ltmp2:
0x267: {  	s22 =	sadd.s32 $0xA00, s6;
	[sflag:s13] =	ssyncadd.s32 $0xFFFFE0C0;
	(pc) =	sbr.rel @p0 .LBB2_6-.Ltmp2, $4  }
0x268: {  	[tilespmem:s3], [sflag:$0x5] =	stream.indirect.gather [hbm4b:s5+s24], $0x40, s22, s24, $0xb8;
	[tilespmem:$0x1FA00] =	vst v63  }
0x269: {  	_ =	swait.ge [sflag:s14], $0x1F40  }
0x26a: {  	[sflag:s14] =	ssyncset.done $0x0  }
0x26b: {  	s6 =	sadd.s32 $0x2F80, s6;
	[sflag:s14] =	ssyncadd.s32 $0xFFFFE0C0  }
0x26c: {  	[spmem:s2] =	stream.indirect.scatter.add.f32 [tilespmem:s7], [sflag:$0x10], $0x40, s6, s24, $0xb8;
	[tilespmem:$0x1FA00] =	vst v63  }
0x26d: {  	_ =	swait.ge [sflag:s15], $0x1F40  }
0x26e: {  	[sflag:s15] =	ssyncset.done $0x0  }
0x26f: {  	s22 =	simm.s32 $0x2680;
	[sflag:s15] =	ssyncadd.s32 $0xFFFFE0C0  }
0x270: {  	[tilespmem:s26], [sflag:$0x6] =	stream.indirect.gather [hbm4b:s5+s24], $0x40, s22, s24, $0xb8;
	[tilespmem:$0x1FA00] =	vst v63  }
0x271: {  	_ =	swait.ge [sflag:s29], $0x1F40  }
0x272: {  	[sflag:s29] =	ssyncset.done $0x0  }
0x273: {  	s8 =	simm.s32 $0x4C00;
	[sflag:s29] =	ssyncadd.s32 $0xFFFFE0C0  }
0x274: {  	[spmem:s2] =	stream.indirect.scatter.add.f32 [tilespmem:s25], [sflag:$0x9], $0x40, s8, s24, $0xb8;
	[tilespmem:$0x1FA00] =	vst v63  }
0x275: {  	_ =	swait.ge [sflag:s16], $0x1F40  }
0x276: {  	[sflag:s16] =	ssyncset.done $0x0  }
0x277: {  	s22 =	simm.s32 $0x2700;
	[sflag:s16] =	ssyncadd.s32 $0xFFFFE0C0  }
0x278: {  	[tilespmem:s0], [sflag:$0x7] =	stream.indirect.gather [hbm4b:s5+s24], $0x40, s22, s24, $0xb8;
	[tilespmem:$0x1FA00] =	vst v63  }
0x279: {  	_ =	swait.ge [sflag:s18], $0x1F40  }
0x27a: {  	[sflag:s18] =	ssyncset.done $0x0  }
0x27b: {  	s8 =	simm.s32 $0x4C80;
	[sflag:s18] =	ssyncadd.s32 $0xFFFFE0C0  }
0x27c: {  	[spmem:s2] =	stream.indirect.scatter.add.f32 [tilespmem:s28], [sflag:$0xA], $0x40, s8, s24, $0xb8;
	[tilespmem:$0x1FA00] =	vst v63  }
0x27d: {  	_ =	swait.ge [sflag:s17], $0x1F40  }
0x27e: {  	[sflag:s17] =	ssyncset.done $0x0  }
0x27f: {  	s22 =	simm.s32 $0x2780;
	[sflag:s17] =	ssyncadd.s32 $0xFFFFE0C0  }
0x280: {  	[tilespmem:s7], [sflag:$0x8] =	stream.indirect.gather [hbm4b:s5+s24], $0x40, s22, s24, $0xb8;
	[tilespmem:$0x1FA00] =	vst v63  }
0x281: {  	_ =	swait.ge [sflag:s31], $0x1F40  }
0x282: {  	[sflag:s31] =	ssyncset.done $0x0  }
0x283: {  	s8 =	simm.s32 $0x4D00;
	[sflag:s31] =	ssyncadd.s32 $0xFFFFE0C0  }
0x284: {  	[spmem:s2] =	stream.indirect.scatter.add.f32 [tilespmem:s30], [sflag:$0xB], $0x40, s8, s24, $0xb8;
	[tilespmem:$0x1FA00] =	vst v63  }
0x285: {  	_ =	swait.ge [sflag:s20], $0x1F40  }
0x286: {  	[sflag:s20] =	ssyncset.done $0x0  }
0x287: {  	[sflag:s20] =	ssyncadd.s32 $0xFFFFE0C0  }
0x288: {  	_ =	swait.ge [sflag:s19], $0x1F40  }
0x289: {  	[sflag:s19] =	ssyncset.done $0x0  }
0x28a: {  	s22 =	simm.s32 $0x4D80;
	[sflag:s19] =	ssyncadd.s32 $0xFFFFE0C0  }
0x28b: {  	[spmem:s2] =	stream.indirect.scatter.add.f32 [tilespmem:s1], [sflag:$0xC], $0x40, s22, s24, $0xb8;
	[tilespmem:$0x1FA00] =	vst v63  }
0x28c: {  	_ =	swait.ge [sflag:s21], $0x1F40  }
0x28d: {  	[sflag:s21] =	ssyncset.done $0x0  }
0x28e: {  	[sflag:s21] =	ssyncadd.s32 $0xFFFFE0C0  }
0x28f: {  	_ =	swait.ge [sflag:s23], $0x1F40  }
0x290: {  	[sflag:s23] =	ssyncset.done $0x0  }
0x291: {  	s8 =	simm.s32 $0x4E00;
	[sflag:s23] =	ssyncadd.s32 $0xFFFFE0C0  }
0x292: {  	[spmem:s2] =	stream.indirect.scatter.add.f32 [tilespmem:s3], [sflag:$0xD], $0x40, s8, s24, $0xb8;
	[tilespmem:$0x1FA00] =	vst v63  }
0x293: {  	_ =	swait.ge [sflag:s9], $0x1F40  }
0x294: {  	[sflag:s9] =	ssyncset.done $0x0  }
0x295: {  	[sflag:s9] =	ssyncadd.s32 $0xFFFFE0C0  }
0x296: {  	_ =	swait.ge [sflag:s10], $0x1F40  }
0x297: {  	[sflag:s10] =	ssyncset.done $0x0  }
0x298: {  	s22 =	simm.s32 $0x4E80;
	[sflag:s10] =	ssyncadd.s32 $0xFFFFE0C0  }
0x299: {  	[spmem:s2] =	stream.indirect.scatter.add.f32 [tilespmem:s26], [sflag:$0xE], $0x40, s22, s24, $0xb8;
	[tilespmem:$0x1FA00] =	vst v63  }
0x29a: {  	_ =	swait.ge [sflag:s11], $0x1F40  }
0x29b: {  	[sflag:s11] =	ssyncset.done $0x0  }
0x29c: {  	[sflag:s11] =	ssyncadd.s32 $0xFFFFE0C0  }
0x29d: {  	_ =	swait.ge [sflag:s12], $0x1F40  }
0x29e: {  	[sflag:s12] =	ssyncset.done $0x0  }
0x29f: {  	s8 =	simm.s32 $0x4F00;
	[sflag:s12] =	ssyncadd.s32 $0xFFFFE0C0  }
0x2a0: {  	[spmem:s2] =	stream.indirect.scatter.add.f32 [tilespmem:s0], [sflag:$0xF], $0x40, s8, s24, $0xb8;
	[tilespmem:$0x1FA00] =	vst v63  }
0x2a1: {  	_ =	swait.ge [sflag:s13], $0x1F40  }
0x2a2: {  	[sflag:s13] =	ssyncset.done $0x0  }
0x2a3: {  	[sflag:s13] =	ssyncadd.s32 $0xFFFFE0C0  }
0x2a4: {  	_ =	swait.ge [sflag:s14], $0x1F40  }
0x2a5: {  	[sflag:s14] =	ssyncset.done $0x0  }
0x2a6: {  	s22 =	simm.s32 $0x4F80;
	[sflag:s14] =	ssyncadd.s32 $0xFFFFE0C0  }
0x2a7: {  	[spmem:s2] =	stream.indirect.scatter.add.f32 [tilespmem:s7], [sflag:$0x10], $0x40, s22, s24, $0xb8;
	[tilespmem:$0x1FA00] =	vst v63  }
0x2a8: {  	_ =	swait.ge [sflag:s15], $0x1F40  }
0x2a9: {  	[sflag:s15] =	ssyncset.done $0x0  }
0x2aa: {  	[sflag:s15] =	ssyncadd.s32 $0xFFFFE0C0  }
0x2ab: {  	_ =	swait.ge [sflag:s16], $0x1F40  }
0x2ac: {  	[sflag:s16] =	ssyncset.done $0x0  }
0x2ad: {  	[sflag:s16] =	ssyncadd.s32 $0xFFFFE0C0  }
0x2ae: {  	_ =	swait.ge [sflag:s17], $0x1F40  }
0x2af: {  	[sflag:s17] =	ssyncset.done $0x0  }
0x2b0: {  	[sflag:s17] =	ssyncadd.s32 $0xFFFFE0C0  }
0x2b1: {  	[bflag:$0x0] =	sbarrier.arrive $0xFFFF  }
0x2b2: {  	s6 =	rddreg [dreg:$0x10]  }
0x2b3: {  	s8 =	rddreg [dreg:$0x13]  }
0x2b4: {  	s22 =	rddreg [dreg:$0x14]  }
0x2b5: {  	[hbm:s6], [sflag:s8] =	dma.local [spmem:s22], $0x1400  }
0x2b6: {  	s8 =	simm.s32 $0x13  }
0x2b7: {  	_ =	swait.ge [sflag:s8], $0x1400  }
0x2b8: {  	s6 =	rddreg [dreg:$0x12]  }
0x2b9: {  	s22 =	sadd.s32 $0x1, s6;
	s6 =	rddreg [dreg:$0x11]  }
0x2ba: {  	p0 =	sne.s32 s22, s6  }
.Ltmp3:
0x2bb: {  	_ = 	snop;
	(pc) =	sbr.rel @p0 .LBB2_1-.Ltmp3, $3  }
0x2bc: {  	_ =	sdelay $0x1  }
0x2bd: {  	[sflag:s8] =	ssyncset.done $0x0  }
0x2be: {  	[sflag:s8] =	ssyncadd.s32 $0xFFFFEC00  }
0x2bf: {  	_ =	sfence.sel $0x180000  }
0x2c0: {  	[bflag:$0x0] =	sbarrier.arrive $0xFFFF  }
0x2c1: {  	_ =	strace $0x9000004A  }
0x2c2: {  	s0 =	stileid.u32;
	[bflag:$0x2] =	sbarrier.arrive $0xFFFF  }
0x2c3: {  	p0 =	sne.s32 s0, $0x0;
	s0 =	rddreg [dreg:$0x2]  }
0x2c4: {  	s0 =	sadd.s32 @!p0 $0x100000, s0  }
0x2c5: {  	[sflag:s0] =	ssyncadd.tile.s32 @!p0 $0x1;
	_ =	shalt  }
.Lfunc_end2:
_tile_overlayer_lowered:
.L_overlay_start_2:
0x2c6: {  	(tag) =	ssettag $0x2  }
0x2c7: {  	s0 =	rddreg [dreg:$0x0];
	s2 =	stileid.u32  }
0x2c8: {  	s1 =	rddreg [dreg:$0x1];
	p0 =	sne.s32 s2, $0x0  }
0x2c9: {  	s3 =	rddreg [dreg:$0x2];
	[bflag:$0x3] =	sbarrier.arrive $0xFFFF;
	s2 =	simm.s32 @!p0 $0x1C13  }
0x2ca: {  	[timem:s3], [sflag:s2] =	dma.local @!p0 [hbm:s0], s1  }
0x2cb: {  	s0 =	simm.s32 @!p0 $0x13  }
0x2cc: {  	_ =	swait.ge @!p0 [sflag:s0], s1  }
0x2cd: {  	s1 =	ssub.s32 @!p0 $0x0, s1;
	[sflag:s0] =	ssyncset.done @!p0 $0x0  }
0x2ce: {  	[sflag:s0] =	ssyncadd.s32 @!p0 s1  }
0x2cf: {  	[bflag:$0x3] =	sbarrier.arrive $0xFFFF  }
0x2d0: {  	_ =	shalt  }

// kernel: kernel.14.cloned.1.call-start
scs
__scs_entry_jumppad:
0x0: {  	(pc) =	sbr.rel $0x88, $3  }
0x1: {  	(tag) =	ssettag $0x0;
	lr =	simm.s32 $0x1  }
0x2: {  	[smem:$0x3F9B] =	sst lr;
	_ =	strace $0xD0000000  }
0x3: {  	_ = 	snop  }
0x4: {  	_ = 	snop  }
0x5: {  	_ = 	snop  }
0x6: {  	_ = 	snop  }
0x7: {  	_ = 	snop  }
__scs_overlays_trampoline_lowered:
0x8: {  	[smem:$0x3FAA] =	sst s0  }
0x9: {  	[smem:$0x3FAB] =	sst s1  }
0xa: {  	[smem:$0x3FAC] =	sst s2  }
0xb: {  	[smem:$0x3FAD] =	sst s3  }
0xc: {  	[smem:$0x3FAE] =	sst s4  }
0xd: {  	[smem:$0x3FAF] =	sst s5  }
0xe: {  	[smem:$0x3FB0] =	sst s6  }
0xf: {  	[smem:$0x3FB1] =	sst s7  }
0x10: {  	[smem:$0x3FB2] =	sst s8  }
0x11: {  	[smem:$0x3FB3] =	sst s9;
	s0 =	simm.s32 @!p0 $0x0  }
0x12: {  	s1 =	sld [smem:$0x3F99];
	s0 =	simm.s32 @p0 $0x1  }
0x13: {  	[smem:$0x3FB4] =	sst s0;
	s0 =	simm.s32 @!p1 $0x0  }
0x14: {  	s2 =	sld [smem:$0x3F98];
	s0 =	simm.s32 @p1 $0x1  }
0x15: {  	[smem:$0x3FB5] =	sst s0;
	s0 =	simm.s32 @!p2 $0x0  }
0x16: {  	s3 =	sld [smem:$0x3FDB];
	s0 =	simm.s32 @p2 $0x1  }
0x17: {  	s4 =	simm.s32 $0x1BF5;
	[smem:$0x3FB7] =	sst s0  }
0x18: {  	s0 =	sld [smem:$0x3F9A];
	_ =	swait.ge [sflag:s4], $0x0  }
0x19: {  	s7 =	sld [smem:$0x3F9B]  }
0x1a: {  	s8 =	sadd.s32 $0xFFFFE003, lr  }
0x1b: {  	s9 =	sadd.s32 $0xFFFFFEF7, lr;
	s5 =	simm.s32 $0xFFFFFFFF;
	p2 =	slt.u32 s8, $0xFFFFF086  }
0x1c: {  	p1 =	slt.u32 s9, $0xF7A;
	s5 =	simm.s32 @!p2 $0x0  }
0x1d: {  	s5 =	simm.s32 @p1 $0x1;
	p0 =	seq.s32 s7, s2  }
0x1e: {  	s7 =	smul.u32 @!p0 $0xF7A, s2;
	p2 =	seq.s32 @!p0 s5, $0x0  }
0x1f: {  	s9 =	smul.u32 $0xF7A, s1;
	s8 =	simm.s32 @!p0 $0x1BF5;
	p2 =	por !p2, p0  }
0x20: {  	[sflag:s8] =	ssyncset.s32 @!p0 $0xFFFFF086;
	s6 =	sadd.s32 @!p0 s3, s7;
	s7 =	simm.s32 @!p0 $0x108  }
0x21: {  	s3 =	sadd.s32 s3, s9;
	s6 =	sadd.s32 @!p0 $0x88, s6;
	s7 =	simm.s32 @p2 $0x1082  }
0x22: {  	[simem:s7], [sflag:s8] =	dma.local @!p0 [hbm:s6], $0xF7A  }
0x23: {  	s9 =	sor.u32 $0xD0000000, s2;
	s6 =	simm.s32 $0x108;
	_ =	swait.ge @!p0 [sflag:s8], $0x0  }
0x24: {  	s3 =	sadd.s32 $0x88, s3;
	s6 =	simm.s32 @!p1 $0x1082;
	[sflag:s4] =	ssyncset.s32 $0xFFFFF086  }
0x25: {  	[simem:s6], [sflag:s4] =	dma.local [hbm:s3], $0xF7A  }
0x26: {  	[smem:$0x3F9B] =	sst s1;
	(tag) =	ssettag s2;
	_ =	strace s9  }
0x27: {  	s1 =	sld [smem:$0x3FAB]  }
0x28: {  	s2 =	sld [smem:$0x3FAC]  }
0x29: {  	s4 =	sld [smem:$0x3FAE]  }
0x2a: {  	p0 =	seq.s32 s5, $0x0;
	s5 =	sld [smem:$0x3FAF]  }
0x2b: {  	s6 =	sld [smem:$0x3FB0]  }
0x2c: {  	s7 =	sld [smem:$0x3FB1]  }
0x2d: {  	s3 =	simm.s32 $0x108;
	s8 =	sld [smem:$0x3FB2]  }
0x2e: {  	s3 =	simm.s32 @!p0 $0x1082;
	s9 =	sld [smem:$0x3FB3]  }
0x2f: {  	lr =	sadd.s32 s0, s3;
	s0 =	sld [smem:$0x3FAA]  }
0x30: {  	s3 =	sld [smem:$0x3FAD]  }
0x31: {  	[smem:$0x3FB6] =	sst s10  }
0x32: {  	s10 =	sld [smem:$0x3FB4];
	_ =	sdelay $0x3  }
0x33: {  	p0 =	seq.s32 s10, $0x1;
	s10 =	sld [smem:$0x3FB6];
	_ =	sdelay $0x3  }
0x34: {  	[smem:$0x3FB6] =	sst s10  }
0x35: {  	s10 =	sld [smem:$0x3FB5];
	_ =	sdelay $0x3  }
0x36: {  	p1 =	seq.s32 s10, $0x1;
	s10 =	sld [smem:$0x3FB6];
	_ =	sdelay $0x3  }
0x37: {  	[smem:$0x3FB6] =	sst s10  }
0x38: {  	s10 =	sld [smem:$0x3FB7]  }
0x39: {  	_ = 	snop;
	(pc) =	sbr.ind lr, $3  }
0x3a: {  	_ = 	snop  }
0x3b: {  	_ = 	snop  }
0x3c: {  	p2 =	seq.s32 s10, $0x1;
	s10 =	sld [smem:$0x3FB6]  }
0x3d: {  	_ =	shalt  }
0x3e: {  	_ =	shalt  }
0x3f: {  	_ =	shalt  }
0x40: {  	_ =	shalt  }
0x41: {  	_ =	shalt  }
0x42: {  	_ =	shalt  }
0x43: {  	_ =	shalt  }
0x44: {  	_ =	shalt  }
0x45: {  	_ =	shalt  }
0x46: {  	_ =	shalt  }
0x47: {  	_ =	shalt  }
0x48: {  	_ =	shalt  }
0x49: {  	_ =	shalt  }
0x4a: {  	_ =	shalt  }
0x4b: {  	_ =	shalt  }
0x4c: {  	_ =	shalt  }
0x4d: {  	_ =	shalt  }
0x4e: {  	_ =	shalt  }
0x4f: {  	_ =	shalt  }
0x50: {  	_ =	shalt  }
0x51: {  	_ =	shalt  }
0x52: {  	_ =	shalt  }
0x53: {  	_ =	shalt  }
0x54: {  	_ =	shalt  }
0x55: {  	_ =	shalt  }
0x56: {  	_ =	shalt  }
0x57: {  	_ =	shalt  }
0x58: {  	_ =	shalt  }
0x59: {  	_ =	shalt  }
0x5a: {  	_ =	shalt  }
0x5b: {  	_ =	shalt  }
0x5c: {  	_ =	shalt  }
0x5d: {  	_ =	shalt  }
0x5e: {  	_ =	shalt  }
0x5f: {  	_ =	shalt  }
0x60: {  	_ =	shalt  }
0x61: {  	_ =	shalt  }
0x62: {  	_ =	shalt  }
0x63: {  	_ =	shalt  }
0x64: {  	_ =	shalt  }
0x65: {  	_ =	shalt  }
0x66: {  	_ =	shalt  }
0x67: {  	_ =	shalt  }
0x68: {  	_ =	shalt  }
0x69: {  	_ =	shalt  }
0x6a: {  	_ =	shalt  }
0x6b: {  	_ =	shalt  }
0x6c: {  	_ =	shalt  }
0x6d: {  	_ =	shalt  }
0x6e: {  	_ =	shalt  }
0x6f: {  	_ =	shalt  }
0x70: {  	_ =	shalt  }
0x71: {  	_ =	shalt  }
0x72: {  	_ =	shalt  }
0x73: {  	_ =	shalt  }
0x74: {  	_ =	shalt  }
0x75: {  	_ =	shalt  }
0x76: {  	_ =	shalt  }
0x77: {  	_ =	shalt  }
0x78: {  	_ =	shalt  }
0x79: {  	_ =	shalt  }
0x7a: {  	_ =	shalt  }
0x7b: {  	_ =	shalt  }
0x7c: {  	_ =	shalt  }
0x7d: {  	_ =	shalt  }
0x7e: {  	_ =	shalt  }
0x7f: {  	_ =	shalt  }
0x80: {  	_ =	shalt  }
0x81: {  	_ =	shalt  }
0x82: {  	_ =	shalt  }
0x83: {  	_ =	shalt  }
0x84: {  	_ =	shalt  }
0x85: {  	_ =	shalt  }
0x86: {  	_ =	shalt  }
0x87: {  	_ =	shalt  }
.Lfunc_end0:
.L_simem_size_0:
called_computation.2_lowered:
.L_overlay_start_0:
0x88: {  	s2 =	sld [smem:$0x3FD9]  }
0x89: {  	s3 =	sld [smem:$0x3FFE];
	_ =	sdelay $0x1  }
0x8a: {  	s1 =	srdreg.scid  }
0x8b: {  	s0 =	sand.u32 $0x1, s1  }
0x8c: {  	s16 =	sshll.u32 s0, $0xA;
	s2 =	sadd.s32 s3, s2  }
0x8d: {  	s2 =	sadd.s32 s2, s16  }
0x8e: {  	[smem:$0x3FC2] =	sst s2  }
0x8f: {  	_ = 	snop  }
0x90: {  	(tm) =	ssettm $0x1  }
0x91: {  	s17 =	sld [smem:$0x3FFB];
	_ =	sdelay $0x3  }
0x92: {  	_ =	strace s17  }
0x93: {  	s2 =	sld [smem:$0x3FFC];
	_ =	sdelay $0x3  }
0x94: {  	_ =	strace s2  }
0x95: {  	s2 =	sld [smem:$0x3FFD];
	_ =	sdelay $0x3  }
0x96: {  	_ =	strace s2  }
0x97: {  	_ =	strace $0x8FFFFFFF  }
0x98: {  	s18 =	sld [smem:$0x3FDB];
	_ =	sdelay $0x1  }
0x99: {  	s19 =	simm.s32 $_scs_section_size  }
0x9a: {  	s4 =	simm.s32 $_size__tile_overlayer_lowered;
	s5 =	simm.s32 $_tile_overlayer_lowered  }
0x9b: {  	s22 =	simm.s32 $0x1BFF;
	s21 =	sshll.u32 s5, $0x1;
	s2 =	sadd.s32 s19, s18  }
0x9c: {  	s6 =	simm.s32 $0x0;
	s20 =	sshll.u32 s4, $0x1;
	s4 =	sadd.s32 s21, s2  }
0x9d: {  	[timem:s6], [sflag:s22] =	dma.local [hbm:s4], s20  }
0x9e: {  	_ =	swait.ge [sflag:s22], s20  }
0x9f: {  	s3 =	ssub.s32 $0x0, s20;
	[sflag:s22] =	ssyncset.done $0x0  }
0xa0: {  	[sflag:s22] =	ssyncadd.s32 s3;
	_ =	sdelay $0x1  }
0xa1: {  	s23 =	simm.s32 $0x1B8B  }
0xa2: {  	_ =	swait.ge [sflag:s23], $0x1  }
0xa3: {  	[sflag:s23] =	ssyncset.done $0x0  }
0xa4: {  	s25 =	simm.s32 $0x1B8E;
	s24 =	sld [smem:$0x3FFE];
	[sflag:s23] =	ssyncadd.s32 $0xFFFFFFFF  }
0xa5: {  	s26 =	simm.s32 $execute0_lowered;
	[smem:$0x3FD2] =	sst s25  }
0xa6: {  	s4 =	sshll.u32 s26, $0x1;
	_ =	strace $0x8000004C;
	[dreg:$0x1] =	wrdreg $0xFFFFFFFF  }
0xa7: {  	s28 =	simm.s32 $_size_execute0_lowered;
	s2 =	sadd.s32 s2, s4;
	[dreg:$0x0] =	wrdreg $0x0  }
0xa8: {  	s4 =	sshll.u32 s28, $0x1;
	[dreg:$0x2] =	wrdreg s2  }
0xa9: {  	[dreg:$0x3] =	wrdreg s4  }
0xaa: {  	[dreg:$0x4] =	wrdreg $0xC0  }
0xab: {  	_ =	task [dreg:s6], $0x5FFFF  }
0xac: {  	[dreg:$0x1] =	wrdreg $0xFFFFFFFF  }
0xad: {  	[dreg:$0x0] =	wrdreg $0x60  }
0xae: {  	[dreg:$0x2] =	wrdreg s24  }
0xaf: {  	[dreg:$0x3] =	wrdreg $0x15A000  }
0xb0: {  	[dreg:$0x4] =	wrdreg $0x9  }
0xb1: {  	_ =	task.clear_ibuf [dreg:s6], $0x5FFFF;
	_ =	strace $0x9000004C  }
0xb2: {  	s29 =	simm.s32 $0x9;
	_ =	strace $0x8000004E  }
0xb3: {  	_ =	swait.ge [sflag:s29], $0x1  }
0xb4: {  	[sflag:s29] =	ssyncadd.s32 $0xFFFFFFFF  }
0xb5: {  	_ =	strace $0x9000004E  }
0xb6: {  	_ =	sfence  }
0xb7: {  	s30 =	sld [smem:$0x0];
	_ =	sdelay $0x2  }
0xb8: {  	s31 =	sshll.u32 s1, $0xD;
	s1 =	sshrl.u32 s1, $0x2  }
0xb9: {  	s3 =	sand.u32 $0x4000, s31;
	s1 =	sadd.s32 s1, s30  }
0xba: {  	s0 =	sor.u32 s3, s0;
	s1 =	sshll.u32 s1, $0x11  }
0xbb: {  	s0 =	sor.u32 s1, s0  }
0xbc: {  	s0 =	sadd.s32 $0x8F2B, s0  }
0xbd: {  	[sflag:s0] =	ssyncadd.remote.s32 $0x1  }
0xbe: {  	_ =	sfence.sel $0xFFFF  }
0xbf: {  	[dreg:$0x0] =	wrdreg $0xFFFFFFFF;
	(pc) =	sbr.abs _section_cstart, $3  }
0xc0: {  	[dreg:$0x1] =	wrdreg $0xFFFFFFFF  }
0xc1: {  	_ =	task.clear_ibuf [dreg:s6], $0x2FFFF;
	_ =	strace $0x9FFFFFFF  }
0xc2: {  	(tm) =	ssettm $0x7FFFFFFF  }
0xc3: {  	_ =	shalt  }
tec
execute0_lowered:
.L_overlay_start_1:
0x0: {  	(tag) =	ssettag $0x1  }
0x1: {  	s0 =	srdreg.scid;
	s3 =	rddreg [dreg:$0x0]  }
0x2: {  	s7 =	stileid.u32;
	s2 =	rddreg [dreg:$0x1];
	s4 =	simm.s32 $0x0  }
0x3: {  	s28 =	simm.s32 $0x8E80;
	s30 =	simm.s32 $0xADC0;
	s29 =	simm.s32 $0xEC40  }
0x4: {  	s31 =	simm.s32 $0x1;
	s8 =	simm.s32 $0x4;
	s9 =	simm.s32 $0xA  }
0x5: {  	s10 =	simm.s32 $0x5;
	s11 =	simm.s32 $0x6;
	s12 =	simm.s32 $0xC  }
0x6: {  	s0 =	sand.u32 $0x1, s0;
	s1 =	sshll.u32 s7, $0x1;
	s5 =	smul.u32 $0xA000, s7  }
0x7: {  	[smem:$0x7FF] =	sst s4;
	s4 =	sadd.s32 $0x2C00, s3;
	s7 =	smul.u32 $0x28000, s7  }
0x8: {  	s1 =	sor.u32 s0, s1;
	s6 =	smul.u32 $0xA0000, s0;
	_ =	strace $0x8000004D  }
0x9: {  	s0 =	ssub.s32 $0x2, s0;
	s1 =	smul.u32 $0x2800, s1;
	s15 =	sshrl.u32 s7, $0x2  }
0xa: {  	s13 =	sshrl.u32 s0, $0x1;
	s16 =	sadd.s32 s5, s2;
	s17 =	sadd.s32 s15, s2  }
0xb: {  	s6 =	sadd.s32 s5, s6;
	[dreg:$0x5] =	wrdreg s16;
	s18 =	sadd.s32 $0x1000, s17  }
0xc: {  	s0 =	ssub.s32 s0, s13;
	s19 =	sadd.s32 $0x2000, s17;
	[dreg:$0x6] =	wrdreg s18  }
0xd: {  	s5 =	simm.s32 $0x3;
	s20 =	sadd.s32 $0x3000, s17;
	[dreg:$0x7] =	wrdreg s19  }
0xe: {  	s13 =	simm.s32 $0x7;
	s21 =	sadd.s32 $0x4000, s17;
	[dreg:$0x8] =	wrdreg s20  }
0xf: {  	s15 =	simm.s32 $0x8;
	s22 =	sadd.s32 $0x5000, s17;
	[dreg:$0x9] =	wrdreg s21  }
0x10: {  	s16 =	simm.s32 $0xE;
	s23 =	sadd.s32 $0x6000, s17;
	[dreg:$0xa] =	wrdreg s22  }
0x11: {  	s1 =	sshrl.u32 s1, $0x3;
	s24 =	sadd.s32 $0x7000, s17;
	[dreg:$0xb] =	wrdreg s23  }
0x12: {  	s6 =	sshrl.u32 s6, $0x3;
	s25 =	sadd.s32 $0x8000, s17;
	[dreg:$0xc] =	wrdreg s24  }
0x13: {  	s0 =	smax.u32 s0, $0x1;
	s1 =	sadd.s32 s1, s3;
	[dreg:$0xd] =	wrdreg s25  }
0x14: {  	s3 =	sadd.s32 s6, s3;
	[dreg:$0x10] =	wrdreg s0;
	s20 =	simm.s32 $0x11  }
0x15: {  	s22 =	simm.s32 $0x7D;
	s23 =	simm.s32 $0x5000;
	s25 =	simm.s32 $0x6F40  }
0x16: {  	s0 =	simm.s32 $0x2;
	s6 =	simm.s32 $0x9;
	s19 =	simm.s32 $0xB  }
0x17: {  	s18 =	simm.s32 $0x10;
	s24 =	simm.s32 $0x0;
	s14 =	sadd.s32 $0x16C00, s1  }
0x18: {  	s1 =	sadd.s32 $0x20C00, s1;
	s26 =	sadd.s32 $0x2AC00, s3;
	[dreg:$0x3] =	wrdreg s14  }
0x19: {  	s3 =	simm.s32 $0x12AC0;
	[dreg:$0x4] =	wrdreg s1;
	s1 =	sadd.s32 $0x9000, s17  }
0x1a: {  	[dreg:$0xf] =	wrdreg s26;
	s26 =	simm.s32 $0x10B80;
	s14 =	simm.s32 $0xD  }
0x1b: {  	v0 =	vimm.f32 $0.0e+00;
	s17 =	simm.s32 $0xF;
	[dreg:$0xe] =	wrdreg s1;
	s1 =	simm.s32 $0xCD00  }
.LBB2_1:
0x1c: {  	[dreg:$0x11] =	wrdreg s24  }
0x1d: {  	s7 =	simm.s32 $0x0;
	s21 =	rddreg [dreg:$0x3]  }
0x1e: {  	[tilespmem:s7], [sflag:$0x11] =	stream.linear.gather [hbm4b:s21+s7], $0x2800, $0x38;
	[tilespmem:$0x1FA00] =	vst v63  }
0x1f: {  	s24 =	simm.s32 $0x2800;
	s21 =	rddreg [dreg:$0x4]  }
0x20: {  	[tilespmem:s24], [sflag:$0x12] =	stream.linear.gather [hbm4b:s21+s7], $0x2800, $0x38;
	[tilespmem:$0x1FA00] =	vst v63  }
0x21: {  	s24 =	simm.s32 $0x100;
	s7 =	simm.s32 $0x0  }
.LBB2_2:
0x22: {  	p0 =	sne.s32 s24, $0x3F00;
	[tilespmem:s7+$0x14A30] =	vst v0;
	s21 =	smov.u32 s24;
	s24 =	sadd.s32 $0x100, s24  }
.Ltmp0:
0x23: {  	[tilespmem:s7+$0x14A20] =	vst v0;
	(pc) =	sbr.rel @p0 .LBB2_2-.Ltmp0, $3  }
0x24: {  	[tilespmem:s7+$0x14A00] =	vst v0  }
0x25: {  	[tilespmem:s7+$0x14A10] =	vst v0;
	_ =	sdelay $0x1  }
0x26: {  	s7 =	sshra.s32 s21, $0x2  }
0x27: {  	[tilespmem:s7+$0x14A30] =	vst v0  }
0x28: {  	[tilespmem:s7+$0x14A20] =	vst v0  }
0x29: {  	[tilespmem:s7+$0x14A00] =	vst v0  }
0x2a: {  	[tilespmem:s7+$0x14A10] =	vst v0  }
0x2b: {  	_ =	swait.ge [sflag:s20], $0x2800  }
0x2c: {  	[sflag:s20] =	ssyncset.done $0x0  }
0x2d: {  	s24 =	simm.s32 $0x12;
	[sflag:s20] =	ssyncadd.s32 $0xFFFFD800  }
0x2e: {  	_ =	swait.ge [sflag:s24], $0x2800  }
0x2f: {  	[sflag:s24] =	ssyncset.done $0x0  }
0x30: {  	s21 =	simm.s32 $0x0;
	[sflag:s24] =	ssyncadd.s32 $0xFFFFD800  }
0x31: {  	[tilespmem:s23], [sflag:$0x1] =	stream.indirect.gather [hbm4b:s4+s22], $0x40, s21, s22, $0xb8;
	[tilespmem:$0x1FA00] =	vst v63  }
0x32: {  	s24 =	simm.s32 $0x80  }
0x33: {  	[tilespmem:s25], [sflag:$0x2] =	stream.indirect.gather [hbm4b:s4+s22], $0x40, s24, s22, $0xb8;
	[tilespmem:$0x1FA00] =	vst v63  }
0x34: {  	s21 =	simm.s32 $0x100  }
0x35: {  	[tilespmem:s28], [sflag:$0x3] =	stream.indirect.gather [hbm4b:s4+s22], $0x40, s21, s22, $0xb8;
	[tilespmem:$0x1FA00] =	vst v63  }
0x36: {  	s24 =	simm.s32 $0x180  }
0x37: {  	[tilespmem:s30], [sflag:$0x4] =	stream.indirect.gather [hbm4b:s4+s22], $0x40, s24, s22, $0xb8;
	[tilespmem:$0x1FA00] =	vst v63  }
0x38: {  	s21 =	simm.s32 $0x200  }
0x39: {  	[tilespmem:s1], [sflag:$0x5] =	stream.indirect.gather [hbm4b:s4+s22], $0x40, s21, s22, $0xb8;
	[tilespmem:$0x1FA00] =	vst v63  }
0x3a: {  	s24 =	rddreg [dreg:$0x5];
	s21 =	simm.s32 $0x14A00  }
0x3b: {  	[spmem:s24] =	stream.linear.scatter [tilespmem:s21], [sflag:$0x11], $0x1000, $0x38;
	[tilespmem:$0x1FA00] =	vst v63  }
0x3c: {  	s24 =	rddreg [dreg:$0x6]  }
0x3d: {  	[spmem:s24] =	stream.linear.scatter [tilespmem:s21], [sflag:$0x11], $0x1000, $0x38;
	[tilespmem:$0x1FA00] =	vst v63  }
0x3e: {  	s24 =	rddreg [dreg:$0x7]  }
0x3f: {  	[spmem:s24] =	stream.linear.scatter [tilespmem:s21], [sflag:$0x11], $0x1000, $0x38;
	[tilespmem:$0x1FA00] =	vst v63  }
0x40: {  	s24 =	rddreg [dreg:$0x8]  }
0x41: {  	[spmem:s24] =	stream.linear.scatter [tilespmem:s21], [sflag:$0x11], $0x1000, $0x38;
	[tilespmem:$0x1FA00] =	vst v63  }
0x42: {  	s24 =	rddreg [dreg:$0x9]  }
0x43: {  	[spmem:s24] =	stream.linear.scatter [tilespmem:s21], [sflag:$0x11], $0x1000, $0x38;
	[tilespmem:$0x1FA00] =	vst v63  }
0x44: {  	s24 =	rddreg [dreg:$0xa]  }
0x45: {  	[spmem:s24] =	stream.linear.scatter [tilespmem:s21], [sflag:$0x11], $0x1000, $0x38;
	[tilespmem:$0x1FA00] =	vst v63  }
0x46: {  	s24 =	rddreg [dreg:$0xb]  }
0x47: {  	[spmem:s24] =	stream.linear.scatter [tilespmem:s21], [sflag:$0x11], $0x1000, $0x38;
	[tilespmem:$0x1FA00] =	vst v63  }
0x48: {  	s24 =	rddreg [dreg:$0xc]  }
0x49: {  	[spmem:s24] =	stream.linear.scatter [tilespmem:s21], [sflag:$0x11], $0x1000, $0x38;
	[tilespmem:$0x1FA00] =	vst v63  }
0x4a: {  	s24 =	rddreg [dreg:$0xd]  }
0x4b: {  	[spmem:s24] =	stream.linear.scatter [tilespmem:s21], [sflag:$0x11], $0x1000, $0x38;
	[tilespmem:$0x1FA00] =	vst v63  }
0x4c: {  	s24 =	rddreg [dreg:$0xe]  }
0x4d: {  	[spmem:s24] =	stream.linear.scatter [tilespmem:s21], [sflag:$0x11], $0x1000, $0x38;
	[tilespmem:$0x1FA00] =	vst v63  }
0x4e: {  	_ =	swait.ge [sflag:s20], $0x1000  }
0x4f: {  	[sflag:s20] =	ssyncset.done $0x0  }
0x50: {  	[sflag:s20] =	ssyncadd.s32 $0xFFFFF000  }
0x51: {  	_ =	swait.ge [sflag:s20], $0x1000  }
0x52: {  	[sflag:s20] =	ssyncset.done $0x0  }
0x53: {  	[sflag:s20] =	ssyncadd.s32 $0xFFFFF000  }
0x54: {  	_ =	swait.ge [sflag:s20], $0x1000  }
0x55: {  	[sflag:s20] =	ssyncset.done $0x0  }
0x56: {  	[sflag:s20] =	ssyncadd.s32 $0xFFFFF000  }
0x57: {  	_ =	swait.ge [sflag:s20], $0x1000  }
0x58: {  	[sflag:s20] =	ssyncset.done $0x0  }
0x59: {  	[sflag:s20] =	ssyncadd.s32 $0xFFFFF000  }
0x5a: {  	_ =	swait.ge [sflag:s20], $0x1000  }
0x5b: {  	[sflag:s20] =	ssyncset.done $0x0  }
0x5c: {  	[sflag:s20] =	ssyncadd.s32 $0xFFFFF000  }
0x5d: {  	_ =	swait.ge [sflag:s20], $0x1000  }
0x5e: {  	[sflag:s20] =	ssyncset.done $0x0  }
0x5f: {  	[sflag:s20] =	ssyncadd.s32 $0xFFFFF000  }
0x60: {  	_ =	swait.ge [sflag:s20], $0x1000  }
0x61: {  	[sflag:s20] =	ssyncset.done $0x0  }
0x62: {  	[sflag:s20] =	ssyncadd.s32 $0xFFFFF000  }
0x63: {  	_ =	swait.ge [sflag:s20], $0x1000  }
0x64: {  	[sflag:s20] =	ssyncset.done $0x0  }
0x65: {  	[sflag:s20] =	ssyncadd.s32 $0xFFFFF000  }
0x66: {  	_ =	swait.ge [sflag:s20], $0x1000  }
0x67: {  	[sflag:s20] =	ssyncset.done $0x0  }
0x68: {  	[sflag:s20] =	ssyncadd.s32 $0xFFFFF000  }
0x69: {  	_ =	swait.ge [sflag:s20], $0x1000  }
0x6a: {  	[sflag:s20] =	ssyncset.done $0x0  }
0x6b: {  	[sflag:s20] =	ssyncadd.s32 $0xFFFFF000  }
0x6c: {  	s24 =	simm.s32 $0x280;
	[bflag:$0x0] =	sbarrier.arrive $0xFFFF  }
0x6d: {  	[tilespmem:s29], [sflag:$0x6] =	stream.indirect.gather [hbm4b:s4+s22], $0x40, s24, s22, $0xb8;
	[tilespmem:$0x1FA00] =	vst v63  }
0x6e: {  	_ =	swait.ge [sflag:s31], $0x1F40  }
0x6f: {  	[sflag:s31] =	ssyncset.done $0x0  }
0x70: {  	s21 =	simm.s32 $0x2800;
	[sflag:s31] =	ssyncadd.s32 $0xFFFFE0C0  }
0x71: {  	[spmem:s2] =	stream.indirect.scatter.add.f32 [tilespmem:s23], [sflag:$0x9], $0x40, s21, s22, $0xb8;
	[tilespmem:$0x1FA00] =	vst v63  }
0x72: {  	s24 =	simm.s32 $0x300  }
0x73: {  	[tilespmem:s26], [sflag:$0x7] =	stream.indirect.gather [hbm4b:s4+s22], $0x40, s24, s22, $0xb8;
	[tilespmem:$0x1FA00] =	vst v63  }
0x74: {  	_ =	swait.ge [sflag:s0], $0x1F40  }
0x75: {  	[sflag:s0] =	ssyncset.done $0x0  }
0x76: {  	s21 =	simm.s32 $0x2880;
	[sflag:s0] =	ssyncadd.s32 $0xFFFFE0C0  }
0x77: {  	[spmem:s2] =	stream.indirect.scatter.add.f32 [tilespmem:s25], [sflag:$0xA], $0x40, s21, s22, $0xb8;
	[tilespmem:$0x1FA00] =	vst v63  }
0x78: {  	s24 =	simm.s32 $0x380  }
0x79: {  	[tilespmem:s3], [sflag:$0x8] =	stream.indirect.gather [hbm4b:s4+s22], $0x40, s24, s22, $0xb8;
	[tilespmem:$0x1FA00] =	vst v63  }
0x7a: {  	_ =	swait.ge [sflag:s5], $0x1F40  }
0x7b: {  	[sflag:s5] =	ssyncset.done $0x0  }
0x7c: {  	s21 =	simm.s32 $0x2900;
	[sflag:s5] =	ssyncadd.s32 $0xFFFFE0C0  }
0x7d: {  	[spmem:s2] =	stream.indirect.scatter.add.f32 [tilespmem:s28], [sflag:$0xB], $0x40, s21, s22, $0xb8;
	[tilespmem:$0x1FA00] =	vst v63  }
0x7e: {  	_ =	swait.ge [sflag:s6], $0x1F40  }
0x7f: {  	[sflag:s6] =	ssyncset.done $0x0  }
0x80: {  	s24 =	simm.s32 $0x400;
	[sflag:s6] =	ssyncadd.s32 $0xFFFFE0C0  }
0x81: {  	[tilespmem:s23], [sflag:$0x1] =	stream.indirect.gather [hbm4b:s4+s22], $0x40, s24, s22, $0xb8;
	[tilespmem:$0x1FA00] =	vst v63  }
0x82: {  	_ =	swait.ge [sflag:s8], $0x1F40  }
0x83: {  	[sflag:s8] =	ssyncset.done $0x0  }
0x84: {  	s21 =	simm.s32 $0x2980;
	[sflag:s8] =	ssyncadd.s32 $0xFFFFE0C0  }
0x85: {  	[spmem:s2] =	stream.indirect.scatter.add.f32 [tilespmem:s30], [sflag:$0xC], $0x40, s21, s22, $0xb8;
	[tilespmem:$0x1FA00] =	vst v63  }
0x86: {  	_ =	swait.ge [sflag:s9], $0x1F40  }
0x87: {  	[sflag:s9] =	ssyncset.done $0x0  }
0x88: {  	s24 =	simm.s32 $0x480;
	[sflag:s9] =	ssyncadd.s32 $0xFFFFE0C0  }
0x89: {  	[tilespmem:s25], [sflag:$0x2] =	stream.indirect.gather [hbm4b:s4+s22], $0x40, s24, s22, $0xb8;
	[tilespmem:$0x1FA00] =	vst v63  }
0x8a: {  	_ =	swait.ge [sflag:s10], $0x1F40  }
0x8b: {  	[sflag:s10] =	ssyncset.done $0x0  }
0x8c: {  	s21 =	simm.s32 $0x2A00;
	[sflag:s10] =	ssyncadd.s32 $0xFFFFE0C0  }
0x8d: {  	[spmem:s2] =	stream.indirect.scatter.add.f32 [tilespmem:s1], [sflag:$0xD], $0x40, s21, s22, $0xb8;
	[tilespmem:$0x1FA00] =	vst v63  }
0x8e: {  	_ =	swait.ge [sflag:s19], $0x1F40  }
0x8f: {  	[sflag:s19] =	ssyncset.done $0x0  }
0x90: {  	s24 =	simm.s32 $0x500;
	[sflag:s19] =	ssyncadd.s32 $0xFFFFE0C0  }
0x91: {  	[tilespmem:s28], [sflag:$0x3] =	stream.indirect.gather [hbm4b:s4+s22], $0x40, s24, s22, $0xb8;
	[tilespmem:$0x1FA00] =	vst v63  }
0x92: {  	_ =	swait.ge [sflag:s11], $0x1F40  }
0x93: {  	[sflag:s11] =	ssyncset.done $0x0  }
0x94: {  	s21 =	simm.s32 $0x2A80;
	[sflag:s11] =	ssyncadd.s32 $0xFFFFE0C0  }
0x95: {  	[spmem:s2] =	stream.indirect.scatter.add.f32 [tilespmem:s29], [sflag:$0xE], $0x40, s21, s22, $0xb8;
	[tilespmem:$0x1FA00] =	vst v63  }
0x96: {  	_ =	swait.ge [sflag:s12], $0x1F40  }
0x97: {  	[sflag:s12] =	ssyncset.done $0x0  }
0x98: {  	s24 =	simm.s32 $0x580;
	[sflag:s12] =	ssyncadd.s32 $0xFFFFE0C0  }
0x99: {  	[tilespmem:s30], [sflag:$0x4] =	stream.indirect.gather [hbm4b:s4+s22], $0x40, s24, s22, $0xb8;
	[tilespmem:$0x1FA00] =	vst v63  }
0x9a: {  	_ =	swait.ge [sflag:s13], $0x1F40  }
0x9b: {  	[sflag:s13] =	ssyncset.done $0x0  }
0x9c: {  	s21 =	simm.s32 $0x2B00;
	[sflag:s13] =	ssyncadd.s32 $0xFFFFE0C0  }
0x9d: {  	[spmem:s2] =	stream.indirect.scatter.add.f32 [tilespmem:s26], [sflag:$0xF], $0x40, s21, s22, $0xb8;
	[tilespmem:$0x1FA00] =	vst v63  }
0x9e: {  	_ =	swait.ge [sflag:s14], $0x1F40  }
0x9f: {  	[sflag:s14] =	ssyncset.done $0x0  }
0xa0: {  	s24 =	simm.s32 $0x600;
	[sflag:s14] =	ssyncadd.s32 $0xFFFFE0C0  }
0xa1: {  	[tilespmem:s1], [sflag:$0x5] =	stream.indirect.gather [hbm4b:s4+s22], $0x40, s24, s22, $0xb8;
	[tilespmem:$0x1FA00] =	vst v63  }
0xa2: {  	_ =	swait.ge [sflag:s15], $0x1F40  }
0xa3: {  	[sflag:s15] =	ssyncset.done $0x0  }
0xa4: {  	s21 =	simm.s32 $0x2B80;
	[sflag:s15] =	ssyncadd.s32 $0xFFFFE0C0  }
0xa5: {  	[spmem:s2] =	stream.indirect.scatter.add.f32 [tilespmem:s3], [sflag:$0x10], $0x40, s21, s22, $0xb8;
	[tilespmem:$0x1FA00] =	vst v63  }
0xa6: {  	_ =	swait.ge [sflag:s16], $0x1F40  }
0xa7: {  	[sflag:s16] =	ssyncset.done $0x0  }
0xa8: {  	s24 =	simm.s32 $0x680;
	[sflag:s16] =	ssyncadd.s32 $0xFFFFE0C0  }
0xa9: {  	[tilespmem:s29], [sflag:$0x6] =	stream.indirect.gather [hbm4b:s4+s22], $0x40, s24, s22, $0xb8;
	[tilespmem:$0x1FA00] =	vst v63  }
0xaa: {  	_ =	swait.ge [sflag:s31], $0x1F40  }
0xab: {  	[sflag:s31] =	ssyncset.done $0x0  }
0xac: {  	s21 =	simm.s32 $0x2C00;
	[sflag:s31] =	ssyncadd.s32 $0xFFFFE0C0  }
0xad: {  	[spmem:s2] =	stream.indirect.scatter.add.f32 [tilespmem:s23], [sflag:$0x9], $0x40, s21, s22, $0xb8;
	[tilespmem:$0x1FA00] =	vst v63  }
0xae: {  	_ =	swait.ge [sflag:s17], $0x1F40  }
0xaf: {  	[sflag:s17] =	ssyncset.done $0x0  }
0xb0: {  	s24 =	simm.s32 $0x700;
	[sflag:s17] =	ssyncadd.s32 $0xFFFFE0C0  }
0xb1: {  	[tilespmem:s26], [sflag:$0x7] =	stream.indirect.gather [hbm4b:s4+s22], $0x40, s24, s22, $0xb8;
	[tilespmem:$0x1FA00] =	vst v63  }
0xb2: {  	_ =	swait.ge [sflag:s0], $0x1F40  }
0xb3: {  	[sflag:s0] =	ssyncset.done $0x0  }
0xb4: {  	s21 =	simm.s32 $0x2C80;
	[sflag:s0] =	ssyncadd.s32 $0xFFFFE0C0  }
0xb5: {  	[spmem:s2] =	stream.indirect.scatter.add.f32 [tilespmem:s25], [sflag:$0xA], $0x40, s21, s22, $0xb8;
	[tilespmem:$0x1FA00] =	vst v63  }
0xb6: {  	_ =	swait.ge [sflag:s18], $0x1F40  }
0xb7: {  	[sflag:s18] =	ssyncset.done $0x0  }
0xb8: {  	s24 =	simm.s32 $0x780;
	[sflag:s18] =	ssyncadd.s32 $0xFFFFE0C0  }
0xb9: {  	[tilespmem:s3], [sflag:$0x8] =	stream.indirect.gather [hbm4b:s4+s22], $0x40, s24, s22, $0xb8;
	[tilespmem:$0x1FA00] =	vst v63  }
0xba: {  	_ =	swait.ge [sflag:s5], $0x1F40  }
0xbb: {  	[sflag:s5] =	ssyncset.done $0x0  }
0xbc: {  	s21 =	simm.s32 $0x2D00;
	[sflag:s5] =	ssyncadd.s32 $0xFFFFE0C0  }
0xbd: {  	[spmem:s2] =	stream.indirect.scatter.add.f32 [tilespmem:s28], [sflag:$0xB], $0x40, s21, s22, $0xb8;
	[tilespmem:$0x1FA00] =	vst v63  }
0xbe: {  	_ =	swait.ge [sflag:s6], $0x1F40  }
0xbf: {  	[sflag:s6] =	ssyncset.done $0x0  }
0xc0: {  	s24 =	simm.s32 $0x800;
	[sflag:s6] =	ssyncadd.s32 $0xFFFFE0C0  }
0xc1: {  	[tilespmem:s23], [sflag:$0x1] =	stream.indirect.gather [hbm4b:s4+s22], $0x40, s24, s22, $0xb8;
	[tilespmem:$0x1FA00] =	vst v63  }
0xc2: {  	_ =	swait.ge [sflag:s8], $0x1F40  }
0xc3: {  	[sflag:s8] =	ssyncset.done $0x0  }
0xc4: {  	s21 =	simm.s32 $0x2D80;
	[sflag:s8] =	ssyncadd.s32 $0xFFFFE0C0  }
0xc5: {  	[spmem:s2] =	stream.indirect.scatter.add.f32 [tilespmem:s30], [sflag:$0xC], $0x40, s21, s22, $0xb8;
	[tilespmem:$0x1FA00] =	vst v63  }
0xc6: {  	_ =	swait.ge [sflag:s9], $0x1F40  }
0xc7: {  	[sflag:s9] =	ssyncset.done $0x0  }
0xc8: {  	s24 =	simm.s32 $0x880;
	[sflag:s9] =	ssyncadd.s32 $0xFFFFE0C0  }
0xc9: {  	[tilespmem:s25], [sflag:$0x2] =	stream.indirect.gather [hbm4b:s4+s22], $0x40, s24, s22, $0xb8;
	[tilespmem:$0x1FA00] =	vst v63  }
0xca: {  	_ =	swait.ge [sflag:s10], $0x1F40  }
0xcb: {  	[sflag:s10] =	ssyncset.done $0x0  }
0xcc: {  	s21 =	simm.s32 $0x2E00;
	[sflag:s10] =	ssyncadd.s32 $0xFFFFE0C0  }
0xcd: {  	[spmem:s2] =	stream.indirect.scatter.add.f32 [tilespmem:s1], [sflag:$0xD], $0x40, s21, s22, $0xb8;
	[tilespmem:$0x1FA00] =	vst v63  }
0xce: {  	_ =	swait.ge [sflag:s19], $0x1F40  }
0xcf: {  	[sflag:s19] =	ssyncset.done $0x0  }
0xd0: {  	s24 =	simm.s32 $0x900;
	[sflag:s19] =	ssyncadd.s32 $0xFFFFE0C0  }
0xd1: {  	[tilespmem:s28], [sflag:$0x3] =	stream.indirect.gather [hbm4b:s4+s22], $0x40, s24, s22, $0xb8;
	[tilespmem:$0x1FA00] =	vst v63  }
0xd2: {  	_ =	swait.ge [sflag:s11], $0x1F40  }
0xd3: {  	[sflag:s11] =	ssyncset.done $0x0  }
0xd4: {  	s21 =	simm.s32 $0x2E80;
	[sflag:s11] =	ssyncadd.s32 $0xFFFFE0C0  }
0xd5: {  	[spmem:s2] =	stream.indirect.scatter.add.f32 [tilespmem:s29], [sflag:$0xE], $0x40, s21, s22, $0xb8;
	[tilespmem:$0x1FA00] =	vst v63  }
0xd6: {  	_ =	swait.ge [sflag:s12], $0x1F40  }
0xd7: {  	[sflag:s12] =	ssyncset.done $0x0  }
0xd8: {  	s24 =	simm.s32 $0x980;
	[sflag:s12] =	ssyncadd.s32 $0xFFFFE0C0  }
0xd9: {  	[tilespmem:s30], [sflag:$0x4] =	stream.indirect.gather [hbm4b:s4+s22], $0x40, s24, s22, $0xb8;
	[tilespmem:$0x1FA00] =	vst v63  }
0xda: {  	_ =	swait.ge [sflag:s13], $0x1F40  }
0xdb: {  	[sflag:s13] =	ssyncset.done $0x0  }
0xdc: {  	s21 =	simm.s32 $0x2F00;
	[sflag:s13] =	ssyncadd.s32 $0xFFFFE0C0  }
0xdd: {  	[spmem:s2] =	stream.indirect.scatter.add.f32 [tilespmem:s26], [sflag:$0xF], $0x40, s21, s22, $0xb8;
	[tilespmem:$0x1FA00] =	vst v63  }
0xde: {  	_ =	swait.ge [sflag:s14], $0x1F40  }
0xdf: {  	[sflag:s14] =	ssyncset.done $0x0  }
0xe0: {  	s24 =	simm.s32 $0xA00;
	[sflag:s14] =	ssyncadd.s32 $0xFFFFE0C0  }
0xe1: {  	[tilespmem:s1], [sflag:$0x5] =	stream.indirect.gather [hbm4b:s4+s22], $0x40, s24, s22, $0xb8;
	[tilespmem:$0x1FA00] =	vst v63  }
0xe2: {  	_ =	swait.ge [sflag:s15], $0x1F40  }
0xe3: {  	[sflag:s15] =	ssyncset.done $0x0  }
0xe4: {  	s7 =	simm.s32 $0x1000;
	s24 =	simm.s32 $0x2F80;
	[sflag:s15] =	ssyncadd.s32 $0xFFFFE0C0  }
.LBB2_4:
0xe5: {  	[spmem:s2] =	stream.indirect.scatter.add.f32 [tilespmem:s3], [sflag:$0x10], $0x40, s24, s22, $0xb8;
	[tilespmem:$0x1FA00] =	vst v63  }
0xe6: {  	s21 =	smov.u32 s7  }
0xe7: {  	p0 =	sne.s32 s7, $0x7000;
	s7 =	sadd.s32 $0x1000, s7;
	_ =	swait.ge [sflag:s16], $0x1F40  }
0xe8: {  	s24 =	sshra.s32 s21, $0x2;
	[sflag:s16] =	ssyncset.done $0x0  }
0xe9: {  	s21 =	sadd.s32 $0x680, s24;
	[sflag:s16] =	ssyncadd.s32 $0xFFFFE0C0  }
0xea: {  	[tilespmem:s29], [sflag:$0x6] =	stream.indirect.gather [hbm4b:s4+s22], $0x40, s21, s22, $0xb8;
	[tilespmem:$0x1FA00] =	vst v63  }
0xeb: {  	_ =	swait.ge [sflag:s31], $0x1F40  }
0xec: {  	[sflag:s31] =	ssyncset.done $0x0  }
0xed: {  	s21 =	sadd.s32 $0x2C00, s24;
	[sflag:s31] =	ssyncadd.s32 $0xFFFFE0C0  }
0xee: {  	[spmem:s2] =	stream.indirect.scatter.add.f32 [tilespmem:s23], [sflag:$0x9], $0x40, s21, s22, $0xb8;
	[tilespmem:$0x1FA00] =	vst v63  }
0xef: {  	_ =	swait.ge [sflag:s17], $0x1F40  }
0xf0: {  	[sflag:s17] =	ssyncset.done $0x0  }
0xf1: {  	s21 =	sadd.s32 $0x700, s24;
	[sflag:s17] =	ssyncadd.s32 $0xFFFFE0C0  }
0xf2: {  	[tilespmem:s26], [sflag:$0x7] =	stream.indirect.gather [hbm4b:s4+s22], $0x40, s21, s22, $0xb8;
	[tilespmem:$0x1FA00] =	vst v63  }
0xf3: {  	_ =	swait.ge [sflag:s0], $0x1F40  }
0xf4: {  	[sflag:s0] =	ssyncset.done $0x0  }
0xf5: {  	s21 =	sadd.s32 $0x2C80, s24;
	[sflag:s0] =	ssyncadd.s32 $0xFFFFE0C0  }
0xf6: {  	[spmem:s2] =	stream.indirect.scatter.add.f32 [tilespmem:s25], [sflag:$0xA], $0x40, s21, s22, $0xb8;
	[tilespmem:$0x1FA00] =	vst v63  }
0xf7: {  	_ =	swait.ge [sflag:s18], $0x1F40  }
0xf8: {  	[sflag:s18] =	ssyncset.done $0x0  }
0xf9: {  	s21 =	sadd.s32 $0x780, s24;
	[sflag:s18] =	ssyncadd.s32 $0xFFFFE0C0  }
0xfa: {  	[tilespmem:s3], [sflag:$0x8] =	stream.indirect.gather [hbm4b:s4+s22], $0x40, s21, s22, $0xb8;
	[tilespmem:$0x1FA00] =	vst v63  }
0xfb: {  	_ =	swait.ge [sflag:s5], $0x1F40  }
0xfc: {  	[sflag:s5] =	ssyncset.done $0x0  }
0xfd: {  	s21 =	sadd.s32 $0x2D00, s24;
	[sflag:s5] =	ssyncadd.s32 $0xFFFFE0C0  }
0xfe: {  	[spmem:s2] =	stream.indirect.scatter.add.f32 [tilespmem:s28], [sflag:$0xB], $0x40, s21, s22, $0xb8;
	[tilespmem:$0x1FA00] =	vst v63  }
0xff: {  	_ =	swait.ge [sflag:s6], $0x1F40  }
0x100: {  	[sflag:s6] =	ssyncset.done $0x0  }
0x101: {  	s21 =	sadd.s32 $0x800, s24;
	[sflag:s6] =	ssyncadd.s32 $0xFFFFE0C0  }
0x102: {  	[tilespmem:s23], [sflag:$0x1] =	stream.indirect.gather [hbm4b:s4+s22], $0x40, s21, s22, $0xb8;
	[tilespmem:$0x1FA00] =	vst v63  }
0x103: {  	_ =	swait.ge [sflag:s8], $0x1F40  }
0x104: {  	[sflag:s8] =	ssyncset.done $0x0  }
0x105: {  	s21 =	sadd.s32 $0x2D80, s24;
	[sflag:s8] =	ssyncadd.s32 $0xFFFFE0C0  }
0x106: {  	[spmem:s2] =	stream.indirect.scatter.add.f32 [tilespmem:s30], [sflag:$0xC], $0x40, s21, s22, $0xb8;
	[tilespmem:$0x1FA00] =	vst v63  }
0x107: {  	_ =	swait.ge [sflag:s9], $0x1F40  }
0x108: {  	[sflag:s9] =	ssyncset.done $0x0  }
0x109: {  	s21 =	sadd.s32 $0x880, s24;
	[sflag:s9] =	ssyncadd.s32 $0xFFFFE0C0  }
0x10a: {  	[tilespmem:s25], [sflag:$0x2] =	stream.indirect.gather [hbm4b:s4+s22], $0x40, s21, s22, $0xb8;
	[tilespmem:$0x1FA00] =	vst v63  }
0x10b: {  	_ =	swait.ge [sflag:s10], $0x1F40  }
0x10c: {  	[sflag:s10] =	ssyncset.done $0x0  }
0x10d: {  	s21 =	sadd.s32 $0x2E00, s24;
	[sflag:s10] =	ssyncadd.s32 $0xFFFFE0C0  }
0x10e: {  	[spmem:s2] =	stream.indirect.scatter.add.f32 [tilespmem:s1], [sflag:$0xD], $0x40, s21, s22, $0xb8;
	[tilespmem:$0x1FA00] =	vst v63  }
0x10f: {  	_ =	swait.ge [sflag:s19], $0x1F40  }
0x110: {  	[sflag:s19] =	ssyncset.done $0x0  }
0x111: {  	s21 =	sadd.s32 $0x900, s24;
	[sflag:s19] =	ssyncadd.s32 $0xFFFFE0C0  }
0x112: {  	[tilespmem:s28], [sflag:$0x3] =	stream.indirect.gather [hbm4b:s4+s22], $0x40, s21, s22, $0xb8;
	[tilespmem:$0x1FA00] =	vst v63  }
0x113: {  	_ =	swait.ge [sflag:s11], $0x1F40  }
0x114: {  	[sflag:s11] =	ssyncset.done $0x0  }
0x115: {  	s21 =	sadd.s32 $0x2E80, s24;
	[sflag:s11] =	ssyncadd.s32 $0xFFFFE0C0  }
0x116: {  	[spmem:s2] =	stream.indirect.scatter.add.f32 [tilespmem:s29], [sflag:$0xE], $0x40, s21, s22, $0xb8;
	[tilespmem:$0x1FA00] =	vst v63  }
0x117: {  	_ =	swait.ge [sflag:s12], $0x1F40  }
0x118: {  	[sflag:s12] =	ssyncset.done $0x0  }
0x119: {  	s21 =	sadd.s32 $0x980, s24;
	[sflag:s12] =	ssyncadd.s32 $0xFFFFE0C0  }
0x11a: {  	[tilespmem:s30], [sflag:$0x4] =	stream.indirect.gather [hbm4b:s4+s22], $0x40, s21, s22, $0xb8;
	[tilespmem:$0x1FA00] =	vst v63  }
0x11b: {  	_ =	swait.ge [sflag:s13], $0x1F40  }
0x11c: {  	[sflag:s13] =	ssyncset.done $0x0  }
0x11d: {  	s21 =	sadd.s32 $0x2F00, s24;
	[sflag:s13] =	ssyncadd.s32 $0xFFFFE0C0  }
0x11e: {  	[spmem:s2] =	stream.indirect.scatter.add.f32 [tilespmem:s26], [sflag:$0xF], $0x40, s21, s22, $0xb8;
	[tilespmem:$0x1FA00] =	vst v63  }
0x11f: {  	_ =	swait.ge [sflag:s14], $0x1F40  }
0x120: {  	[sflag:s14] =	ssyncset.done $0x0  }
.Ltmp1:
0x121: {  	s21 =	sadd.s32 $0xA00, s24;
	[sflag:s14] =	ssyncadd.s32 $0xFFFFE0C0;
	(pc) =	sbr.rel @p0 .LBB2_4-.Ltmp1, $4  }
0x122: {  	[tilespmem:s1], [sflag:$0x5] =	stream.indirect.gather [hbm4b:s4+s22], $0x40, s21, s22, $0xb8;
	[tilespmem:$0x1FA00] =	vst v63  }
0x123: {  	_ =	swait.ge [sflag:s15], $0x1F40  }
0x124: {  	[sflag:s15] =	ssyncset.done $0x0  }
0x125: {  	s24 =	sadd.s32 $0x2F80, s24;
	[sflag:s15] =	ssyncadd.s32 $0xFFFFE0C0  }
0x126: {  	[spmem:s2] =	stream.indirect.scatter.add.f32 [tilespmem:s3], [sflag:$0x10], $0x40, s24, s22, $0xb8;
	[tilespmem:$0x1FA00] =	vst v63  }
0x127: {  	_ =	swait.ge [sflag:s16], $0x1F40  }
0x128: {  	[sflag:s16] =	ssyncset.done $0x0  }
0x129: {  	s7 =	simm.s32 $0x2680;
	[sflag:s16] =	ssyncadd.s32 $0xFFFFE0C0  }
0x12a: {  	[tilespmem:s29], [sflag:$0x6] =	stream.indirect.gather [hbm4b:s4+s22], $0x40, s7, s22, $0xb8;
	[tilespmem:$0x1FA00] =	vst v63  }
0x12b: {  	_ =	swait.ge [sflag:s31], $0x1F40  }
0x12c: {  	[sflag:s31] =	ssyncset.done $0x0  }
0x12d: {  	s24 =	simm.s32 $0x4C00;
	[sflag:s31] =	ssyncadd.s32 $0xFFFFE0C0  }
0x12e: {  	[spmem:s2] =	stream.indirect.scatter.add.f32 [tilespmem:s23], [sflag:$0x9], $0x40, s24, s22, $0xb8;
	[tilespmem:$0x1FA00] =	vst v63  }
0x12f: {  	_ =	swait.ge [sflag:s17], $0x1F40  }
0x130: {  	[sflag:s17] =	ssyncset.done $0x0  }
0x131: {  	s21 =	simm.s32 $0x2700;
	[sflag:s17] =	ssyncadd.s32 $0xFFFFE0C0  }
0x132: {  	[tilespmem:s26], [sflag:$0x7] =	stream.indirect.gather [hbm4b:s4+s22], $0x40, s21, s22, $0xb8;
	[tilespmem:$0x1FA00] =	vst v63  }
0x133: {  	_ =	swait.ge [sflag:s0], $0x1F40  }
0x134: {  	[sflag:s0] =	ssyncset.done $0x0  }
0x135: {  	s24 =	simm.s32 $0x4C80;
	[sflag:s0] =	ssyncadd.s32 $0xFFFFE0C0  }
0x136: {  	[spmem:s2] =	stream.indirect.scatter.add.f32 [tilespmem:s25], [sflag:$0xA], $0x40, s24, s22, $0xb8;
	[tilespmem:$0x1FA00] =	vst v63  }
0x137: {  	_ =	swait.ge [sflag:s18], $0x1F40  }
0x138: {  	[sflag:s18] =	ssyncset.done $0x0  }
0x139: {  	s21 =	simm.s32 $0x2780;
	[sflag:s18] =	ssyncadd.s32 $0xFFFFE0C0  }
0x13a: {  	[tilespmem:s3], [sflag:$0x8] =	stream.indirect.gather [hbm4b:s4+s22], $0x40, s21, s22, $0xb8;
	[tilespmem:$0x1FA00] =	vst v63  }
0x13b: {  	_ =	swait.ge [sflag:s5], $0x1F40  }
0x13c: {  	[sflag:s5] =	ssyncset.done $0x0  }
0x13d: {  	s24 =	simm.s32 $0x4D00;
	[sflag:s5] =	ssyncadd.s32 $0xFFFFE0C0  }
0x13e: {  	[spmem:s2] =	stream.indirect.scatter.add.f32 [tilespmem:s28], [sflag:$0xB], $0x40, s24, s22, $0xb8;
	[tilespmem:$0x1FA00] =	vst v63  }
0x13f: {  	_ =	swait.ge [sflag:s6], $0x1F40  }
0x140: {  	[sflag:s6] =	ssyncset.done $0x0  }
0x141: {  	[sflag:s6] =	ssyncadd.s32 $0xFFFFE0C0  }
0x142: {  	_ =	swait.ge [sflag:s8], $0x1F40  }
0x143: {  	[sflag:s8] =	ssyncset.done $0x0  }
0x144: {  	s21 =	simm.s32 $0x4D80;
	[sflag:s8] =	ssyncadd.s32 $0xFFFFE0C0  }
0x145: {  	[spmem:s2] =	stream.indirect.scatter.add.f32 [tilespmem:s30], [sflag:$0xC], $0x40, s21, s22, $0xb8;
	[tilespmem:$0x1FA00] =	vst v63  }
0x146: {  	_ =	swait.ge [sflag:s9], $0x1F40  }
0x147: {  	[sflag:s9] =	ssyncset.done $0x0  }
0x148: {  	[sflag:s9] =	ssyncadd.s32 $0xFFFFE0C0  }
0x149: {  	_ =	swait.ge [sflag:s10], $0x1F40  }
0x14a: {  	[sflag:s10] =	ssyncset.done $0x0  }
0x14b: {  	s24 =	simm.s32 $0x4E00;
	[sflag:s10] =	ssyncadd.s32 $0xFFFFE0C0  }
0x14c: {  	[spmem:s2] =	stream.indirect.scatter.add.f32 [tilespmem:s1], [sflag:$0xD], $0x40, s24, s22, $0xb8;
	[tilespmem:$0x1FA00] =	vst v63  }
0x14d: {  	_ =	swait.ge [sflag:s19], $0x1F40  }
0x14e: {  	[sflag:s19] =	ssyncset.done $0x0  }
0x14f: {  	[sflag:s19] =	ssyncadd.s32 $0xFFFFE0C0  }
0x150: {  	_ =	swait.ge [sflag:s11], $0x1F40  }
0x151: {  	[sflag:s11] =	ssyncset.done $0x0  }
0x152: {  	s21 =	simm.s32 $0x4E80;
	[sflag:s11] =	ssyncadd.s32 $0xFFFFE0C0  }
0x153: {  	[spmem:s2] =	stream.indirect.scatter.add.f32 [tilespmem:s29], [sflag:$0xE], $0x40, s21, s22, $0xb8;
	[tilespmem:$0x1FA00] =	vst v63  }
0x154: {  	_ =	swait.ge [sflag:s12], $0x1F40  }
0x155: {  	[sflag:s12] =	ssyncset.done $0x0  }
0x156: {  	[sflag:s12] =	ssyncadd.s32 $0xFFFFE0C0  }
0x157: {  	_ =	swait.ge [sflag:s13], $0x1F40  }
0x158: {  	[sflag:s13] =	ssyncset.done $0x0  }
0x159: {  	s24 =	simm.s32 $0x4F00;
	[sflag:s13] =	ssyncadd.s32 $0xFFFFE0C0  }
0x15a: {  	[spmem:s2] =	stream.indirect.scatter.add.f32 [tilespmem:s26], [sflag:$0xF], $0x40, s24, s22, $0xb8;
	[tilespmem:$0x1FA00] =	vst v63  }
0x15b: {  	_ =	swait.ge [sflag:s14], $0x1F40  }
0x15c: {  	[sflag:s14] =	ssyncset.done $0x0  }
0x15d: {  	[sflag:s14] =	ssyncadd.s32 $0xFFFFE0C0  }
0x15e: {  	_ =	swait.ge [sflag:s15], $0x1F40  }
0x15f: {  	[sflag:s15] =	ssyncset.done $0x0  }
0x160: {  	s21 =	simm.s32 $0x4F80;
	[sflag:s15] =	ssyncadd.s32 $0xFFFFE0C0  }
0x161: {  	[spmem:s2] =	stream.indirect.scatter.add.f32 [tilespmem:s3], [sflag:$0x10], $0x40, s21, s22, $0xb8;
	[tilespmem:$0x1FA00] =	vst v63  }
0x162: {  	_ =	swait.ge [sflag:s16], $0x1F40  }
0x163: {  	[sflag:s16] =	ssyncset.done $0x0  }
0x164: {  	[sflag:s16] =	ssyncadd.s32 $0xFFFFE0C0  }
0x165: {  	_ =	swait.ge [sflag:s17], $0x1F40  }
0x166: {  	[sflag:s17] =	ssyncset.done $0x0  }
0x167: {  	[sflag:s17] =	ssyncadd.s32 $0xFFFFE0C0  }
0x168: {  	_ =	swait.ge [sflag:s18], $0x1F40  }
0x169: {  	[sflag:s18] =	ssyncset.done $0x0  }
0x16a: {  	[sflag:s18] =	ssyncadd.s32 $0xFFFFE0C0  }
0x16b: {  	s24 =	stileid.u32;
	[bflag:$0x0] =	sbarrier.arrive $0xFFFF  }
0x16c: {  	s7 =	sshll.u32 s24, $0x6;
	s21 =	rddreg [dreg:$0x5]  }
0x16d: {  	s7 =	sor.u32 $0x1C13, s7;
	s24 =	rddreg [dreg:$0xf];
	s21 =	sshrl.u32 s21, $0x3  }
0x16e: {  	[hbm:s24], [sflag:s7] =	dma.local [spmem:s21], $0x1400  }
0x16f: {  	s21 =	simm.s32 $0x13  }
0x170: {  	_ =	swait.ge [sflag:s21], $0x1400  }
0x171: {  	s7 =	rddreg [dreg:$0x11]  }
0x172: {  	s24 =	sadd.s32 $0x1, s7;
	s7 =	rddreg [dreg:$0x10]  }
0x173: {  	p0 =	sne.s32 s24, s7  }
.Ltmp2:
0x174: {  	_ = 	snop;
	(pc) =	sbr.rel @p0 .LBB2_1-.Ltmp2, $3  }
0x175: {  	_ =	sdelay $0x1  }
0x176: {  	[sflag:s21] =	ssyncset.done $0x0  }
0x177: {  	[sflag:s21] =	ssyncadd.s32 $0xFFFFEC00  }
0x178: {  	_ =	sfence.sel $0x180000  }
0x179: {  	[bflag:$0x0] =	sbarrier.arrive $0xFFFF  }
0x17a: {  	_ =	strace $0x9000004D  }
0x17b: {  	s0 =	stileid.u32;
	[bflag:$0x2] =	sbarrier.arrive $0xFFFF  }
0x17c: {  	p0 =	sne.s32 s0, $0x0;
	s0 =	rddreg [dreg:$0x2]  }
0x17d: {  	s0 =	sadd.s32 @!p0 $0x100000, s0  }
0x17e: {  	[sflag:s0] =	ssyncadd.tile.s32 @!p0 $0x1;
	_ =	shalt  }
.Lfunc_end2:
_tile_overlayer_lowered:
.L_overlay_start_2:
0x17f: {  	(tag) =	ssettag $0x2  }
0x180: {  	s0 =	rddreg [dreg:$0x0];
	s2 =	stileid.u32  }
0x181: {  	s1 =	rddreg [dreg:$0x1];
	p0 =	sne.s32 s2, $0x0  }
0x182: {  	s3 =	rddreg [dreg:$0x2];
	[bflag:$0x3] =	sbarrier.arrive $0xFFFF;
	s2 =	simm.s32 @!p0 $0x1C13  }
0x183: {  	[timem:s3], [sflag:s2] =	dma.local @!p0 [hbm:s0], s1  }
0x184: {  	s0 =	simm.s32 @!p0 $0x13  }
0x185: {  	_ =	swait.ge @!p0 [sflag:s0], s1  }
0x186: {  	s1 =	ssub.s32 @!p0 $0x0, s1;
	[sflag:s0] =	ssyncset.done @!p0 $0x0  }
0x187: {  	[sflag:s0] =	ssyncadd.s32 @!p0 s1  }
0x188: {  	[bflag:$0x3] =	sbarrier.arrive $0xFFFF  }
0x189: {  	_ =	shalt  }

// kernel: kernel.8.cloned.1.call-start
scs
__scs_entry_jumppad:
0x0: {  	(pc) =	sbr.rel $0x88, $3  }
0x1: {  	(tag) =	ssettag $0x0;
	lr =	simm.s32 $0x1  }
0x2: {  	[smem:$0x3F9B] =	sst lr;
	_ =	strace $0xD0000000  }
0x3: {  	_ = 	snop  }
0x4: {  	_ = 	snop  }
0x5: {  	_ = 	snop  }
0x6: {  	_ = 	snop  }
0x7: {  	_ = 	snop  }
__scs_overlays_trampoline_lowered:
0x8: {  	[smem:$0x3FAA] =	sst s0  }
0x9: {  	[smem:$0x3FAB] =	sst s1  }
0xa: {  	[smem:$0x3FAC] =	sst s2  }
0xb: {  	[smem:$0x3FAD] =	sst s3  }
0xc: {  	[smem:$0x3FAE] =	sst s4  }
0xd: {  	[smem:$0x3FAF] =	sst s5  }
0xe: {  	[smem:$0x3FB0] =	sst s6  }
0xf: {  	[smem:$0x3FB1] =	sst s7  }
0x10: {  	[smem:$0x3FB2] =	sst s8  }
0x11: {  	[smem:$0x3FB3] =	sst s9;
	s0 =	simm.s32 @!p0 $0x0  }
0x12: {  	s1 =	sld [smem:$0x3F99];
	s0 =	simm.s32 @p0 $0x1  }
0x13: {  	[smem:$0x3FB4] =	sst s0;
	s0 =	simm.s32 @!p1 $0x0  }
0x14: {  	s2 =	sld [smem:$0x3F98];
	s0 =	simm.s32 @p1 $0x1  }
0x15: {  	[smem:$0x3FB5] =	sst s0;
	s0 =	simm.s32 @!p2 $0x0  }
0x16: {  	s3 =	sld [smem:$0x3FDB];
	s0 =	simm.s32 @p2 $0x1  }
0x17: {  	s4 =	simm.s32 $0x1BF5;
	[smem:$0x3FB7] =	sst s0  }
0x18: {  	s0 =	sld [smem:$0x3F9A];
	_ =	swait.ge [sflag:s4], $0x0  }
0x19: {  	s7 =	sld [smem:$0x3F9B]  }
0x1a: {  	s8 =	sadd.s32 $0xFFFFE003, lr  }
0x1b: {  	s9 =	sadd.s32 $0xFFFFFEF7, lr;
	s5 =	simm.s32 $0xFFFFFFFF;
	p2 =	slt.u32 s8, $0xFFFFF086  }
0x1c: {  	p1 =	slt.u32 s9, $0xF7A;
	s5 =	simm.s32 @!p2 $0x0  }
0x1d: {  	s5 =	simm.s32 @p1 $0x1;
	p0 =	seq.s32 s7, s2  }
0x1e: {  	s7 =	smul.u32 @!p0 $0xF7A, s2;
	p2 =	seq.s32 @!p0 s5, $0x0  }
0x1f: {  	s9 =	smul.u32 $0xF7A, s1;
	s8 =	simm.s32 @!p0 $0x1BF5;
	p2 =	por !p2, p0  }
0x20: {  	[sflag:s8] =	ssyncset.s32 @!p0 $0xFFFFF086;
	s6 =	sadd.s32 @!p0 s3, s7;
	s7 =	simm.s32 @!p0 $0x108  }
0x21: {  	s3 =	sadd.s32 s3, s9;
	s6 =	sadd.s32 @!p0 $0x88, s6;
	s7 =	simm.s32 @p2 $0x1082  }
0x22: {  	[simem:s7], [sflag:s8] =	dma.local @!p0 [hbm:s6], $0xF7A  }
0x23: {  	s9 =	sor.u32 $0xD0000000, s2;
	s6 =	simm.s32 $0x108;
	_ =	swait.ge @!p0 [sflag:s8], $0x0  }
0x24: {  	s3 =	sadd.s32 $0x88, s3;
	s6 =	simm.s32 @!p1 $0x1082;
	[sflag:s4] =	ssyncset.s32 $0xFFFFF086  }
0x25: {  	[simem:s6], [sflag:s4] =	dma.local [hbm:s3], $0xF7A  }
0x26: {  	[smem:$0x3F9B] =	sst s1;
	(tag) =	ssettag s2;
	_ =	strace s9  }
0x27: {  	s1 =	sld [smem:$0x3FAB]  }
0x28: {  	s2 =	sld [smem:$0x3FAC]  }
0x29: {  	s4 =	sld [smem:$0x3FAE]  }
0x2a: {  	p0 =	seq.s32 s5, $0x0;
	s5 =	sld [smem:$0x3FAF]  }
0x2b: {  	s6 =	sld [smem:$0x3FB0]  }
0x2c: {  	s7 =	sld [smem:$0x3FB1]  }
0x2d: {  	s3 =	simm.s32 $0x108;
	s8 =	sld [smem:$0x3FB2]  }
0x2e: {  	s3 =	simm.s32 @!p0 $0x1082;
	s9 =	sld [smem:$0x3FB3]  }
0x2f: {  	lr =	sadd.s32 s0, s3;
	s0 =	sld [smem:$0x3FAA]  }
0x30: {  	s3 =	sld [smem:$0x3FAD]  }
0x31: {  	[smem:$0x3FB6] =	sst s10  }
0x32: {  	s10 =	sld [smem:$0x3FB4];
	_ =	sdelay $0x3  }
0x33: {  	p0 =	seq.s32 s10, $0x1;
	s10 =	sld [smem:$0x3FB6];
	_ =	sdelay $0x3  }
0x34: {  	[smem:$0x3FB6] =	sst s10  }
0x35: {  	s10 =	sld [smem:$0x3FB5];
	_ =	sdelay $0x3  }
0x36: {  	p1 =	seq.s32 s10, $0x1;
	s10 =	sld [smem:$0x3FB6];
	_ =	sdelay $0x3  }
0x37: {  	[smem:$0x3FB6] =	sst s10  }
0x38: {  	s10 =	sld [smem:$0x3FB7]  }
0x39: {  	_ = 	snop;
	(pc) =	sbr.ind lr, $3  }
0x3a: {  	_ = 	snop  }
0x3b: {  	_ = 	snop  }
0x3c: {  	p2 =	seq.s32 s10, $0x1;
	s10 =	sld [smem:$0x3FB6]  }
0x3d: {  	_ =	shalt  }
0x3e: {  	_ =	shalt  }
0x3f: {  	_ =	shalt  }
0x40: {  	_ =	shalt  }
0x41: {  	_ =	shalt  }
0x42: {  	_ =	shalt  }
0x43: {  	_ =	shalt  }
0x44: {  	_ =	shalt  }
0x45: {  	_ =	shalt  }
0x46: {  	_ =	shalt  }
0x47: {  	_ =	shalt  }
0x48: {  	_ =	shalt  }
0x49: {  	_ =	shalt  }
0x4a: {  	_ =	shalt  }
0x4b: {  	_ =	shalt  }
0x4c: {  	_ =	shalt  }
0x4d: {  	_ =	shalt  }
0x4e: {  	_ =	shalt  }
0x4f: {  	_ =	shalt  }
0x50: {  	_ =	shalt  }
0x51: {  	_ =	shalt  }
0x52: {  	_ =	shalt  }
0x53: {  	_ =	shalt  }
0x54: {  	_ =	shalt  }
0x55: {  	_ =	shalt  }
0x56: {  	_ =	shalt  }
0x57: {  	_ =	shalt  }
0x58: {  	_ =	shalt  }
0x59: {  	_ =	shalt  }
0x5a: {  	_ =	shalt  }
0x5b: {  	_ =	shalt  }
0x5c: {  	_ =	shalt  }
0x5d: {  	_ =	shalt  }
0x5e: {  	_ =	shalt  }
0x5f: {  	_ =	shalt  }
0x60: {  	_ =	shalt  }
0x61: {  	_ =	shalt  }
0x62: {  	_ =	shalt  }
0x63: {  	_ =	shalt  }
0x64: {  	_ =	shalt  }
0x65: {  	_ =	shalt  }
0x66: {  	_ =	shalt  }
0x67: {  	_ =	shalt  }
0x68: {  	_ =	shalt  }
0x69: {  	_ =	shalt  }
0x6a: {  	_ =	shalt  }
0x6b: {  	_ =	shalt  }
0x6c: {  	_ =	shalt  }
0x6d: {  	_ =	shalt  }
0x6e: {  	_ =	shalt  }
0x6f: {  	_ =	shalt  }
0x70: {  	_ =	shalt  }
0x71: {  	_ =	shalt  }
0x72: {  	_ =	shalt  }
0x73: {  	_ =	shalt  }
0x74: {  	_ =	shalt  }
0x75: {  	_ =	shalt  }
0x76: {  	_ =	shalt  }
0x77: {  	_ =	shalt  }
0x78: {  	_ =	shalt  }
0x79: {  	_ =	shalt  }
0x7a: {  	_ =	shalt  }
0x7b: {  	_ =	shalt  }
0x7c: {  	_ =	shalt  }
0x7d: {  	_ =	shalt  }
0x7e: {  	_ =	shalt  }
0x7f: {  	_ =	shalt  }
0x80: {  	_ =	shalt  }
0x81: {  	_ =	shalt  }
0x82: {  	_ =	shalt  }
0x83: {  	_ =	shalt  }
0x84: {  	_ =	shalt  }
0x85: {  	_ =	shalt  }
0x86: {  	_ =	shalt  }
0x87: {  	_ =	shalt  }
.Lfunc_end0:
.L_simem_size_0:
called_computation_lowered:
.L_overlay_start_0:
0x88: {  	s2 =	sld [smem:$0x3FD9]  }
0x89: {  	s3 =	sld [smem:$0x3FFE];
	_ =	sdelay $0x1  }
0x8a: {  	s1 =	srdreg.scid  }
0x8b: {  	s0 =	sand.u32 $0x1, s1  }
0x8c: {  	s17 =	sshll.u32 s0, $0xA;
	s2 =	sadd.s32 s3, s2  }
0x8d: {  	s2 =	sadd.s32 s2, s17  }
0x8e: {  	[smem:$0x3FC2] =	sst s2  }
0x8f: {  	_ = 	snop  }
0x90: {  	s2 =	sld [smem:$0x3FD0];
	(tm) =	ssettm $0x1  }
0x91: {  	s18 =	sld [smem:$0x3FFB];
	_ =	sdelay $0x3  }
0x92: {  	_ =	strace s18  }
0x93: {  	s3 =	sld [smem:$0x3FFC];
	_ =	sdelay $0x3  }
0x94: {  	_ =	strace s3  }
0x95: {  	s3 =	sld [smem:$0x3FFD];
	_ =	sdelay $0x3  }
0x96: {  	_ =	strace s3  }
0x97: {  	_ =	strace $0x8FFFFFFF  }
0x98: {  	s19 =	sld [smem:$0x3FDB];
	_ =	sdelay $0x1  }
0x99: {  	s4 =	simm.s32 $_scs_section_size  }
0x9a: {  	s5 =	simm.s32 $_size__tile_overlayer_lowered;
	s6 =	simm.s32 $_tile_overlayer_lowered  }
0x9b: {  	s22 =	simm.s32 $0x1BFF;
	s21 =	sshll.u32 s6, $0x1;
	s3 =	sadd.s32 s4, s19  }
0x9c: {  	s7 =	simm.s32 $0x0;
	s20 =	sshll.u32 s5, $0x1;
	s5 =	sadd.s32 s21, s3  }
0x9d: {  	[timem:s7], [sflag:s22] =	dma.local [hbm:s5], s20  }
0x9e: {  	_ =	swait.ge [sflag:s22], s20  }
0x9f: {  	s4 =	ssub.s32 $0x0, s20;
	[sflag:s22] =	ssyncset.done $0x0  }
0xa0: {  	[sflag:s22] =	ssyncadd.s32 s4;
	_ =	sdelay $0x1  }
0xa1: {  	s23 =	simm.s32 $0x1B8B  }
0xa2: {  	_ =	swait.ge [sflag:s23], $0x1  }
0xa3: {  	[sflag:s23] =	ssyncset.done $0x0  }
0xa4: {  	s25 =	simm.s32 $0x1B8E;
	s24 =	sld [smem:$0x3FFE];
	[sflag:s23] =	ssyncadd.s32 $0xFFFFFFFF  }
0xa5: {  	s26 =	simm.s32 $execute0_lowered;
	[smem:$0x3FD2] =	sst s25  }
0xa6: {  	s5 =	sshll.u32 s26, $0x1;
	_ =	strace $0x80000046;
	[dreg:$0x1] =	wrdreg $0xFFFFFFFF  }
0xa7: {  	s28 =	simm.s32 $_size_execute0_lowered;
	s3 =	sadd.s32 s3, s5;
	[dreg:$0x0] =	wrdreg $0x0  }
0xa8: {  	s5 =	sshll.u32 s28, $0x1;
	[dreg:$0x2] =	wrdreg s3  }
0xa9: {  	[dreg:$0x3] =	wrdreg s5  }
0xaa: {  	[dreg:$0x4] =	wrdreg $0xC0  }
0xab: {  	_ =	task [dreg:s7], $0x5FFFF  }
0xac: {  	[dreg:$0x1] =	wrdreg $0xFFFFFFFF  }
0xad: {  	[dreg:$0x0] =	wrdreg $0x60  }
0xae: {  	[dreg:$0x2] =	wrdreg s2  }
0xaf: {  	[dreg:$0x3] =	wrdreg s24  }
0xb0: {  	[dreg:$0x4] =	wrdreg $0x9  }
0xb1: {  	_ =	task.clear_ibuf [dreg:s7], $0x5FFFF;
	_ =	strace $0x90000046  }
0xb2: {  	s29 =	simm.s32 $0x9;
	_ =	strace $0x80000048  }
0xb3: {  	_ =	swait.ge [sflag:s29], $0x1  }
0xb4: {  	[sflag:s29] =	ssyncadd.s32 $0xFFFFFFFF  }
0xb5: {  	_ =	strace $0x90000048  }
0xb6: {  	_ =	sfence  }
0xb7: {  	s30 =	sld [smem:$0x0];
	_ =	sdelay $0x2  }
0xb8: {  	s31 =	sshll.u32 s1, $0xD;
	s1 =	sshrl.u32 s1, $0x2  }
0xb9: {  	s3 =	sand.u32 $0x4000, s31;
	s1 =	sadd.s32 s1, s30  }
0xba: {  	s0 =	sor.u32 s3, s0;
	s1 =	sshll.u32 s1, $0x11  }
0xbb: {  	s0 =	sor.u32 s1, s0  }
0xbc: {  	s0 =	sadd.s32 $0x8F2B, s0  }
0xbd: {  	[sflag:s0] =	ssyncadd.remote.s32 $0x1  }
0xbe: {  	_ =	sfence.sel $0xFFFF  }
0xbf: {  	[dreg:$0x0] =	wrdreg $0xFFFFFFFF;
	(pc) =	sbr.abs _section_cstart, $3  }
0xc0: {  	[dreg:$0x1] =	wrdreg $0xFFFFFFFF  }
0xc1: {  	_ =	task.clear_ibuf [dreg:s7], $0x2FFFF;
	_ =	strace $0x9FFFFFFF  }
0xc2: {  	(tm) =	ssettm $0x7FFFFFFF  }
0xc3: {  	_ =	shalt  }
tec
execute0_lowered:
.L_overlay_start_1:
0x0: {  	(tag) =	ssettag $0x1  }
0x1: {  	s1 =	srdreg.scid;
	s0 =	stileid.u32  }
0x2: {  	s3 =	rddreg [dreg:$0x0];
	s4 =	sand.u32 $0x1, s1;
	s30 =	sshll.u32 s0, $0x1  }
0x3: {  	s5 =	rddreg [dreg:$0x1];
	s2 =	simm.s32 $0x0;
	s6 =	sor.u32 s4, s30  }
0x4: {  	s9 =	simm.s32 $0x2710;
	s10 =	simm.s32 $0x0;
	s7 =	smul.u32 $0x500, s6  }
0x5: {  	[smem:$0x7FF] =	sst s2;
	s4 =	ssub.s32 $0x2, s4;
	s6 =	smul.u32 $0x2710, s6  }
0x6: {  	s1 =	rddreg [dreg:$0x2];
	_ =	strace $0x80000047;
	s31 =	sshrl.u32 s4, $0x1  }
0x7: {  	s8 =	ssub.s32 s4, s31;
	s7 =	sadd.s32 s7, s5;
	s6 =	sshrl.u32 s6, $0x3  }
0x8: {  	s3 =	sadd.s32 s3, s6;
	s4 =	sadd.s32 $0x2C00, s7;
	s6 =	sadd.s32 $0xCC00, s7  }
0x9: {  	v0 =	vimm.f32 $0.0e+00;
	v1 =	vimm.f32 $1.000000000e+00;
	s7 =	smax.u32 s8, $0x1;
	s8 =	simm.s32 $0x1;
	s5 =	sadd.s32 $0x9C40, s3  }
.LBB2_1:
0xa: {  	s11 =	simm.s32 $0x40;
	s12 =	simm.s32 $0x0  }
.LBB2_2:
0xb: {  	p0 =	sne.s32 s11, $0x9FC0;
	[tilespmem:s12+$0x2710] =	vst v0;
	s12 =	smov.u32 s11;
	s11 =	sadd.s32 $0x40, s11  }
.Ltmp0:
0xc: {  	(pc) =	sbr.rel @p0 .LBB2_2-.Ltmp0, $2  }
0xd: {  	_ =	sdelay $0x2  }
0xe: {  	s12 =	sshra.s32 s12, $0x2  }
0xf: {  	[tilespmem:s12+$0x2710] =	vst v0;
	s11 =	simm.s32 $0x0  }
0x10: {  	[tilespmem:s11], [sflag:$0x1] =	stream.linear.gather [hbm4b:s3+s11], $0x2710, $0x38;
	[tilespmem:$0x4F10] =	vst v63  }
0x11: {  	_ =	swait.ge [sflag:s8], $0x2710  }
0x12: {  	[sflag:s8] =	ssyncset.done $0x0  }
0x13: {  	s12 =	simm.s32 $0x0;
	s11 =	simm.s32 $0x40;
	[sflag:s8] =	ssyncadd.s32 $0xFFFFD8F0  }
.LBB2_4:
0x14: {  	p0 =	sne.s32 s11, $0x9C00;
	v2 =	vld [tilespmem:s12+$0x0];
	_ =	sdelay $0x3  }
.Ltmp1:
0x15: {  	(pc) =	sbr.rel @p0 .LBB2_4-.Ltmp1, $2  }
0x16: {  	_ =	sdelay $0x2  }
0x17: {  	s12 =	sshra.s32 s11, $0x2;
	s11 =	sadd.s32 $0x40, s11;
	[tilespmem:v2+s9+$0x0] =	vst.idx.add.f32.msk $0xffff, v1  }
0x18: {  	v2 =	vld [tilespmem:s12+$0x0];
	_ =	sdelay $0x7  }
0x19: {  	s11 =	simm.s32 $0x0;
	[tilespmem:v2+s9+$0x0] =	vst.idx.add.f32.msk $0xffff, v1  }
0x1a: {  	[hbm4b:s4+s11] =	stream.linear.scatter [tilespmem:s9], [sflag:$0x1], $0x2800, $0x38;
	[tilespmem:$0x4F10] =	vst v63  }
0x1b: {  	_ =	swait.ge [sflag:s8], $0x2800  }
0x1c: {  	[sflag:s8] =	ssyncset.done $0x0  }
0x1d: {  	s12 =	simm.s32 $0x0;
	s11 =	simm.s32 $0x40;
	[sflag:s8] =	ssyncadd.s32 $0xFFFFD800  }
.LBB2_6:
0x1e: {  	p0 =	sne.s32 s11, $0x9FC0;
	[tilespmem:s12+$0x2710] =	vst v0;
	s12 =	smov.u32 s11;
	s11 =	sadd.s32 $0x40, s11  }
.Ltmp2:
0x1f: {  	(pc) =	sbr.rel @p0 .LBB2_6-.Ltmp2, $2  }
0x20: {  	_ =	sdelay $0x2  }
0x21: {  	s12 =	sshra.s32 s12, $0x2  }
0x22: {  	[tilespmem:s12+$0x2710] =	vst v0;
	s11 =	simm.s32 $0x0  }
0x23: {  	[tilespmem:s11], [sflag:$0x1] =	stream.linear.gather [hbm4b:s5+s11], $0x2710, $0x38;
	[tilespmem:$0x4F10] =	vst v63  }
0x24: {  	_ =	swait.ge [sflag:s8], $0x2710  }
0x25: {  	[sflag:s8] =	ssyncset.done $0x0  }
0x26: {  	s12 =	simm.s32 $0x0;
	s11 =	simm.s32 $0x40;
	[sflag:s8] =	ssyncadd.s32 $0xFFFFD8F0  }
.LBB2_8:
0x27: {  	p0 =	sne.s32 s11, $0x9C00;
	v2 =	vld [tilespmem:s12+$0x0];
	_ =	sdelay $0x3  }
.Ltmp3:
0x28: {  	(pc) =	sbr.rel @p0 .LBB2_8-.Ltmp3, $2  }
0x29: {  	_ =	sdelay $0x2  }
0x2a: {  	s12 =	sshra.s32 s11, $0x2;
	s11 =	sadd.s32 $0x40, s11;
	[tilespmem:v2+s9+$0x0] =	vst.idx.add.f32.msk $0xffff, v1  }
0x2b: {  	v2 =	vld [tilespmem:s12+$0x0];
	_ =	sdelay $0x5  }
0x2c: {  	s10 =	sadd.s32 $0x1, s10  }
0x2d: {  	p0 =	sne.s32 s10, s7  }
.Ltmp4:
0x2e: {  	[tilespmem:v2+s9+$0x0] =	vst.idx.add.f32.msk $0xffff, v1;
	(pc) =	sbr.rel @p0 .LBB2_1-.Ltmp4, $4  }
0x2f: {  	[hbm4b:s6+s2] =	stream.linear.scatter [tilespmem:s9], [sflag:$0x1], $0x2800, $0x38;
	[tilespmem:$0x4F10] =	vst v63  }
0x30: {  	_ =	swait.ge [sflag:s8], $0x2800  }
0x31: {  	[sflag:s8] =	ssyncset.done $0x0  }
0x32: {  	[sflag:s8] =	ssyncadd.s32 $0xFFFFD800  }
0x33: {  	_ =	sfence.sel $0x180000  }
0x34: {  	[bflag:$0x0] =	sbarrier.arrive $0xFFFF  }
0x35: {  	p0 =	sne.s32 s0, $0x0;
	_ =	strace $0x90000047  }
0x36: {  	s0 =	sadd.s32 @!p0 $0x100000, s1;
	[bflag:$0x2] =	sbarrier.arrive $0xFFFF  }
0x37: {  	[sflag:s0] =	ssyncadd.tile.s32 @!p0 $0x1;
	_ =	shalt  }
.Lfunc_end2:
_tile_overlayer_lowered:
.L_overlay_start_2:
0x38: {  	(tag) =	ssettag $0x2  }
0x39: {  	s0 =	rddreg [dreg:$0x0];
	s2 =	stileid.u32  }
0x3a: {  	s1 =	rddreg [dreg:$0x1];
	p0 =	sne.s32 s2, $0x0  }
0x3b: {  	s3 =	rddreg [dreg:$0x2];
	[bflag:$0x3] =	sbarrier.arrive $0xFFFF;
	s2 =	simm.s32 @!p0 $0x1C01  }
0x3c: {  	[timem:s3], [sflag:s2] =	dma.local @!p0 [hbm:s0], s1  }
0x3d: {  	s0 =	simm.s32 @!p0 $0x1  }
0x3e: {  	_ =	swait.ge @!p0 [sflag:s0], s1  }
0x3f: {  	s1 =	ssub.s32 @!p0 $0x0, s1;
	[sflag:s0] =	ssyncset.done @!p0 $0x0  }
0x40: {  	[sflag:s0] =	ssyncadd.s32 @!p0 s1  }
0x41: {  	[bflag:$0x3] =	sbarrier.arrive $0xFFFF  }
0x42: {  	_ =	shalt  }

</sc_bundles>
